<compile_context>
chip_gen: v7x
topology: tpu7x:2x2x1
jax: 0.10.2.dev20260603
libtpu: 0.0.44.dev20260713+nightly
codegen_flags: <defaults>
</compile_context>

<pallas_src>
import functools
import math

import jax
import jax.numpy as jnp
import numpy as np
from jax.experimental import pallas as pl
from jax.experimental.pallas import tpu as pltpu
from jax.experimental.pallas import tpu_sc as plsc

C_IN = 7
D_MODEL = 768
N_HEADS = 12
D_FF = 768
E_LAYERS = 2
CLASS_NUM = 10
B = 2
L = 4096
DH = 64
U = 9
G = B * N_HEADS
NW = 32
CHUNK = L // NW
RB = 512
NRB = (B * L) // RB



@functools.lru_cache(maxsize=None)
def _pos_embedding() -> np.ndarray:
    pe = np.zeros((L, D_MODEL), dtype=np.float32)
    pos32 = np.arange(L, dtype=np.float32)[:, None]
    div32 = np.exp(np.arange(0, D_MODEL, 2, dtype=np.float32)
                   * np.float32(-math.log(10000.0) / D_MODEL)).astype(np.float32)
    pe[:, 0::2] = np.sin(pos32 * div32)
    pe[:, 1::2] = np.cos(pos32 * div32)
    return pe


def _sample_indices(layer: int):
    rng = jax.random.fold_in(jax.random.key(42), layer)
    return jax.random.randint(rng, (L, U), 0, L).astype(jnp.int32)


SQ = 128


def _gather_indices(layer: int):
    idx = _sample_indices(layer).reshape(1, NW, U, SQ)
    offs = (jnp.arange(G, dtype=jnp.int32) * L).reshape(G, 1, 1, 1)
    return idx + offs


def _ln(x, g, b, eps=1e-5):
    mu = jnp.mean(x, axis=-1, keepdims=True)
    var = jnp.mean((x - mu) ** 2, axis=-1, keepdims=True)
    return (x - mu) / jnp.sqrt(var + eps) * g + b



def _embed_body(x_ref, w_ref, pe_ref, o_ref):
    o_ref[...] = jnp.dot(x_ref[...], w_ref[...],
                         preferred_element_type=jnp.float32) + pe_ref[...]


def _embed(im, wemb):
    pe = jnp.asarray(_pos_embedding())
    return pl.pallas_call(
        _embed_body,
        grid=(NRB,),
        in_specs=[
            pl.BlockSpec((RB, C_IN * 3), lambda i: (i, 0)),
            pl.BlockSpec((C_IN * 3, D_MODEL), lambda i: (0, 0)),
            pl.BlockSpec((RB, D_MODEL), lambda i: (i % (L // RB), 0)),
        ],
        out_specs=pl.BlockSpec((RB, D_MODEL), lambda i: (i, 0)),
        out_shape=jax.ShapeDtypeStruct((B * L, D_MODEL), jnp.float32),
    )(im, wemb, pe)



def _rne_bf16_bits(x):
    bits = jax.lax.bitcast_convert_type(x, jnp.int32)
    lsb = jax.lax.shift_right_logical(bits, 16) & 1
    return jax.lax.shift_right_logical(bits + 32767 + lsb, 16)


def _qkvr_body(x_ref, w_ref, b_ref, qf_ref, kf_ref, vf_ref, kb_ref):
    acc = jnp.dot(x_ref[...].astype(w_ref.dtype), w_ref[...],
                  preferred_element_type=jnp.float32) + b_ref[...]
    q = acc[:, :D_MODEL]
    k = acc[:, D_MODEL:2 * D_MODEL]
    v = acc[:, 2 * D_MODEL:]
    qf_ref[...] = q.reshape(RB, N_HEADS, DH).transpose(1, 0, 2)
    kh = k.reshape(RB, N_HEADS, DH).transpose(1, 0, 2)
    kf_ref[...] = kh
    lo = _rne_bf16_bits(kh[..., :DH // 2])
    hi = _rne_bf16_bits(kh[..., DH // 2:])
    kb_ref[...] = lo | (hi << 16)
    vf_ref[...] = v.reshape(RB, N_HEADS, DH).transpose(1, 0, 2)


def _qkv_repack(h, w, b):
    nlb = L // RB
    hm = jax.ShapeDtypeStruct((G, L, DH), jnp.float32)
    return pl.pallas_call(
        _qkvr_body,
        grid=(NRB,),
        in_specs=[
            pl.BlockSpec((RB, D_MODEL), lambda i: (i, 0)),
            pl.BlockSpec((D_MODEL, 3 * D_MODEL), lambda i: (0, 0)),
            pl.BlockSpec((1, 3 * D_MODEL), lambda i: (0, 0)),
        ],
        out_specs=[
            pl.BlockSpec((N_HEADS, RB, DH), lambda i: (i // nlb, i % nlb, 0)),
            pl.BlockSpec((N_HEADS, RB, DH), lambda i: (i // nlb, i % nlb, 0)),
            pl.BlockSpec((N_HEADS, RB, DH), lambda i: (i // nlb, i % nlb, 0)),
            pl.BlockSpec((N_HEADS, RB, DH // 2),
                         lambda i: (i // nlb, i % nlb, 0)),
        ],
        out_shape=[hm, hm, hm,
                   jax.ShapeDtypeStruct((G, L, DH // 2), jnp.int32)],
    )(h, w, b)


def _mscores(qf, kb, idxg):
    mesh = plsc.VectorSubcoreMesh(core_axis_name="c", subcore_axis_name="s")

    NR = SQ * U

    @functools.partial(
        pl.kernel,
        mesh=mesh,
        compiler_params=pltpu.CompilerParams(
            use_tc_tiling_on_sc=False, needs_layout_passes=False),
        out_type=jax.ShapeDtypeStruct((G, L), jnp.float32),
        scratch_types=[
            pltpu.VMEM((2, SQ, DH), jnp.float32),
            pltpu.VMEM((2, U, SQ), jnp.int32),
            pltpu.VMEM((2, NR, DH // 2), jnp.int32),
            pltpu.VMEM((SQ,), jnp.float32),
            pltpu.SemaphoreType.DMA,
            pltpu.SemaphoreType.DMA,
            pltpu.SemaphoreType.DMA,
            pltpu.SemaphoreType.DMA,
        ],
    )
    def mk(qf_hbm, kb_hbm, idx_hbm, m_hbm, qv2, iv2, kr2, mb,
           qsem0, qsem1, ksem0, ksem1):
        c = jax.lax.axis_index("c")
        s = jax.lax.axis_index("s")
        w = s * 2 + c
        qsems = (qsem0, qsem1)
        ksems = (ksem0, ksem1)

        def fire(it, buf):
            g = it
            pltpu.sync_copy(idx_hbm.at[g, w], iv2.at[buf])
            pltpu.async_copy(
                qf_hbm.at[g, pl.ds(w * CHUNK, SQ), :],
                qv2.at[buf], qsems[buf])

            def f(t, carry2):
                pltpu.async_copy(kb_hbm.at[iv2.at[buf, t]],
                                 kr2.at[buf, pl.ds(t * SQ, SQ)], ksems[buf])
                return carry2

            jax.lax.fori_loop(0, U, f, 0)

        def wait_and_compute(it, buf):
            g = it
            pltpu.make_async_copy(
                qf_hbm.at[0, pl.ds(0, SQ), :], qv2.at[buf], qsems[buf]).wait()

            def drain(t, carry2):
                pltpu.make_async_copy(
                    kb_hbm.at[iv2.at[buf, 0]], kr2.at[buf, pl.ds(0, SQ)],
                    ksems[buf]).wait()
                return carry2

            jax.lax.fori_loop(0, U, drain, 0)

            himask = jnp.full((16,), -65536, jnp.int32)
            lane_iota = jax.lax.iota(jnp.int32, 16)

            def q_body(i, mvec):
                q0 = qv2[buf, i, pl.ds(0, 16)]
                q1 = qv2[buf, i, pl.ds(16, 16)]
                q2 = qv2[buf, i, pl.ds(32, 16)]
                q3 = qv2[buf, i, pl.ds(48, 16)]
                dots = []
                for u in range(U):
                    j = i * U + u
                    v0 = kr2[buf, j, pl.ds(0, 16)]
                    v1 = kr2[buf, j, pl.ds(16, 16)]
                    part = (q0 * plsc.bitcast(v0 << 16, jnp.float32)
                            + q1 * plsc.bitcast(v1 << 16, jnp.float32)
                            + q2 * plsc.bitcast(v0 & himask, jnp.float32)
                            + q3 * plsc.bitcast(v1 & himask, jnp.float32))
                    dots.append(jnp.sum(part))
                mx = dots[0]
                sm = dots[0]
                for u in range(1, U):
                    mx = jnp.maximum(mx, dots[u])
                    sm = sm + dots[u]
                mi = mx - sm * (1.0 / L)
                mvec = jnp.where(lane_iota == (i % 16), mi, mvec)

                @pl.when(i % 16 == 15)
                def _():
                    mb[pl.ds((i // 16) * 16, 16)] = mvec

                return mvec

            jax.lax.fori_loop(0, SQ, q_body,
                              jnp.zeros((16,), jnp.float32))
            pltpu.sync_copy(
                mb, m_hbm.at[g, pl.ds(w * CHUNK, SQ)])

        fire(0, 0)

        def stage_body(it, carry):
            @pl.when(it + 1 < G)
            def _():
                @pl.when(it % 2 == 0)
                def _():
                    fire(it + 1, 1)

                @pl.when(it % 2 == 1)
                def _():
                    fire(it + 1, 0)

            @pl.when(it % 2 == 0)
            def _():
                wait_and_compute(it, 0)

            @pl.when(it % 2 == 1)
            def _():
                wait_and_compute(it, 1)

            return carry

        jax.lax.fori_loop(0, G, stage_body, 0)

    return mk(qf, kb, idxg)



def _attnsel_body(m_ref, qf_ref, kf_ref, vf_ref, wo_ref, bo_ref,
                  rows_ref, delta_ref, base_ref, qr):
    g = pl.program_id(0)
    m = m_ref[0]
    cols = jax.lax.broadcasted_iota(jnp.int32, (1, L), 1)
    iota16 = jax.lax.broadcasted_iota(jnp.int32, (1, 16), 1)
    rv = jnp.zeros((1, 16), jnp.int32) - 1
    boff = (g // N_HEADS) * L
    qr[...] = jnp.zeros((16, DH), jnp.float32)
    for j in range(U):
        mx = jnp.max(m)
        arg = jnp.min(jnp.where(m == mx, cols, L))
        qr[pl.ds(j, 1), :] = qf_ref[0, pl.ds(arg, 1), :]
        rv = jnp.where(iota16 == j, arg + boff, rv)
        m = jnp.where(cols == arg, -jnp.inf, m)
    rows_ref[0] = rv
    k = kf_ref[0]
    v = vf_ref[0]
    scores = jax.lax.dot_general(
        qr[...], k, (((1,), (1,)), ((), ())),
        preferred_element_type=jnp.float32) * (1.0 / math.sqrt(DH))
    smx = jnp.max(scores, axis=-1, keepdims=True)
    e = jnp.exp(scores - smx)
    attn = e / jnp.sum(e, axis=-1, keepdims=True)
    upd = jax.lax.dot_general(
        attn, v, (((1,), (0,)), ((), ())), preferred_element_type=jnp.float32)
    mv = jnp.mean(v, axis=0, keepdims=True)
    wo = wo_ref[...]
    delta_ref[0] = jax.lax.dot_general(
        upd - mv, wo, (((1,), (0,)), ((), ())),
        preferred_element_type=jnp.float32)
    contrib = jax.lax.dot_general(
        mv, wo, (((1,), (0,)), ((), ())), preferred_element_type=jnp.float32)

    @pl.when(g % N_HEADS == 0)
    def _():
        base_ref[...] = (bo_ref[...] + contrib)[None]

    @pl.when(g % N_HEADS != 0)
    def _():
        base_ref[...] += contrib[None]


def _attnsel(m3, qf, kf, vf, wo, bo):
    return pl.pallas_call(
        _attnsel_body,
        grid=(G,),
        in_specs=[
            pl.BlockSpec((1, 1, L), lambda g: (g, 0, 0)),
            pl.BlockSpec((1, L, DH), lambda g: (g, 0, 0)),
            pl.BlockSpec((1, L, DH), lambda g: (g, 0, 0)),
            pl.BlockSpec((1, L, DH), lambda g: (g, 0, 0)),
            pl.BlockSpec((DH, D_MODEL), lambda g: (g % N_HEADS, 0)),
            pl.BlockSpec((1, D_MODEL), lambda g: (0, 0)),
        ],
        out_specs=[
            pl.BlockSpec((1, 1, 16), lambda g: (g, 0, 0)),
            pl.BlockSpec((1, 16, D_MODEL), lambda g: (g, 0, 0)),
            pl.BlockSpec((1, 1, D_MODEL), lambda g: (g // N_HEADS, 0, 0)),
        ],
        out_shape=[
            jax.ShapeDtypeStruct((G, 1, 16), jnp.int32),
            jax.ShapeDtypeStruct((G, 16, D_MODEL), jnp.float32),
            jax.ShapeDtypeStruct((B, 1, D_MODEL), jnp.float32),
        ],
        scratch_shapes=[pltpu.VMEM((16, DH), jnp.float32)],
    )(m3, qf, kf, vf, wo, bo)



def _ffn_body(rows_ref, h_ref, base_ref, delta_ref, w1_ref, b1_ref,
              w2_ref, b2_ref, g1_ref, bb1_ref, g2_ref, bb2_ref, o_ref):
    i = pl.program_id(0)
    row0 = i * RB
    rloc = jax.lax.broadcasted_iota(jnp.int32, (RB, G * 16), 0) + row0
    onehot = (rloc == rows_ref[...]).astype(jnp.float32)
    scat = jnp.dot(onehot, delta_ref[...],
                   preferred_element_type=jnp.float32)
    x2 = h_ref[...] + base_ref[0] + scat
    xln = _ln(x2, g1_ref[...], bb1_ref[...])
    y = jnp.maximum(jnp.dot(xln.astype(w1_ref.dtype), w1_ref[...],
                            preferred_element_type=jnp.float32)
                    + b1_ref[...], 0.0)
    y2 = jnp.dot(y.astype(w2_ref.dtype), w2_ref[...],
                 preferred_element_type=jnp.float32) + b2_ref[...]
    o_ref[...] = _ln(xln + y2, g2_ref[...], bb2_ref[...])


def _ffn(rows, h, base, delta, w1, b1, w2, b2, g1, bb1, g2, bb2):
    row1 = lambda i: (0, 0)
    return pl.pallas_call(
        _ffn_body,
        grid=(NRB,),
        in_specs=[
            pl.BlockSpec((1, G * 16), lambda i: (0, 0)),
            pl.BlockSpec((RB, D_MODEL), lambda i: (i, 0)),
            pl.BlockSpec((1, 1, D_MODEL), lambda i: (i // (L // RB), 0, 0)),
            pl.BlockSpec((G * 16, D_MODEL), lambda i: (0, 0)),
            pl.BlockSpec((D_MODEL, D_FF), row1),
            pl.BlockSpec((1, D_FF), row1),
            pl.BlockSpec((D_FF, D_MODEL), row1),
            pl.BlockSpec((1, D_MODEL), row1),
            pl.BlockSpec((1, D_MODEL), row1),
            pl.BlockSpec((1, D_MODEL), row1),
            pl.BlockSpec((1, D_MODEL), row1),
            pl.BlockSpec((1, D_MODEL), row1),
        ],
        out_specs=pl.BlockSpec((RB, D_MODEL), lambda i: (i, 0)),
        out_shape=jax.ShapeDtypeStruct((B * L, D_MODEL), jnp.float32),
    )(rows, h, base, delta, w1, b1, w2, b2, g1, bb1, g2, bb2)



def _final_body(h_ref, mask_ref, g_ref, b_ref, pw_ref, pb_ref, o_ref, acc):
    i = pl.program_id(0)

    @pl.when(i % (L // RB) == 0)
    def _():
        acc[...] = jnp.zeros_like(acc)

    x = _ln(h_ref[...], g_ref[...], b_ref[...])
    ge = x * 0.5 * (1.0 + jax.lax.erf(x * (1.0 / math.sqrt(2.0))))
    acc[...] += jnp.sum(ge * mask_ref[...], axis=0, keepdims=True)

    @pl.when(i % (L // RB) == (L // RB) - 1)
    def _():
        o_ref[...] = (jnp.dot(acc[...] * (1.0 / L), pw_ref[...],
                              preferred_element_type=jnp.float32)
                      + pb_ref[...])[None]


def _final(h, mask2d, g, b, pw, pb):
    return pl.pallas_call(
        _final_body,
        grid=(NRB,),
        in_specs=[
            pl.BlockSpec((RB, D_MODEL), lambda i: (i, 0)),
            pl.BlockSpec((RB, 1), lambda i: (i, 0)),
            pl.BlockSpec((1, D_MODEL), lambda i: (0, 0)),
            pl.BlockSpec((1, D_MODEL), lambda i: (0, 0)),
            pl.BlockSpec((D_MODEL, CLASS_NUM), lambda i: (0, 0)),
            pl.BlockSpec((1, CLASS_NUM), lambda i: (0, 0)),
        ],
        out_specs=pl.BlockSpec((1, 1, CLASS_NUM),
                               lambda i: (i // (L // RB), 0, 0)),
        out_shape=jax.ShapeDtypeStruct((B, 1, CLASS_NUM), jnp.float32),
        scratch_shapes=[pltpu.VMEM((1, D_MODEL), jnp.float32)],
    )(h, mask2d, g, b, pw, pb)



def _layer(h, lp, li):
    wqkv = jnp.concatenate([lp['Wq'], lp['Wk'], lp['Wv']],
                           axis=1).astype(jnp.bfloat16)
    bqkv = jnp.concatenate([lp['bq'], lp['bk'], lp['bv']])[None, :]
    qf, kf, vf, kb = _qkv_repack(h, wqkv, bqkv)
    idxg = _gather_indices(li)

    m = _mscores(qf, kb.reshape(G * L, DH // 2), idxg)
    rows, delta, base = _attnsel(m.reshape(G, 1, L), qf, kf, vf,
                                 lp['Wo'], lp['bo'][None, :])
    return _ffn(rows.reshape(1, G * 16), h, base,
                delta.reshape(G * 16, D_MODEL),
                lp['conv1_w'].T.astype(jnp.bfloat16), lp['conv1_b'][None, :],
                lp['conv2_w'].T.astype(jnp.bfloat16), lp['conv2_b'][None, :],
                lp['ln1_g'][None, :], lp['ln1_b'][None, :],
                lp['ln2_g'][None, :], lp['ln2_b'][None, :])


def kernel(x, mask, params, length):
    im = jnp.stack([jnp.roll(x, 1, axis=1), x, jnp.roll(x, -1, axis=1)],
                   axis=-1).reshape(B * L, C_IN * 3)
    wemb = jnp.transpose(params['emb_conv'], (1, 2, 0)).reshape(
        C_IN * 3, D_MODEL)
    h = _embed(im, wemb)
    for li, lp in enumerate(params['layers']):
        h = _layer(h, lp, li)
    out = _final(h, mask.reshape(B * L, 1),
                 params['lnf_g'][None, :], params['lnf_b'][None, :],
                 params['proj_w'], params['proj_b'][None, :])
    return out.reshape(B, CLASS_NUM)

# --- scband reference (transcript-rebuilt; emitter-appended) ---
"""Pipeline reference for scband-model-66700842107026 (READ-ONLY COPY).

The authoritative reference and input builder live on the scoring server;
editing this copy changes nothing except your own understanding.
"""

import math
import jax, jax.numpy as jnp
import numpy as np

C_IN = 7
D_MODEL = 768
N_HEADS = 12
D_FF = 768
E_LAYERS = 2
CLASS_NUM = 10
FACTOR = 1


def setup_inputs(seed: int = 0) -> dict:
    key = jax.random.key(seed)
    ks = jax.random.split(key, 8 + E_LAYERS)
    B, L = 2, 4096
    x = jax.random.normal(ks[0], (B, L, C_IN), dtype=jnp.float32)
    mask = jnp.ones((B, L), dtype=jnp.float32)
    s = 0.02
    params = {}
    params['emb_conv'] = jax.random.normal(ks[1], (D_MODEL, C_IN, 3), dtype=jnp.float32) * s
    layers = []
    for i in range(E_LAYERS):
        kk = jax.random.split(ks[2 + i], 8)
        lp = {
            'Wq': jax.random.normal(kk[0], (D_MODEL, D_MODEL), dtype=jnp.float32) * s,
            'bq': jnp.zeros((D_MODEL,), dtype=jnp.float32),
            'Wk': jax.random.normal(kk[1], (D_MODEL, D_MODEL), dtype=jnp.float32) * s,
            'bk': jnp.zeros((D_MODEL,), dtype=jnp.float32),
            'Wv': jax.random.normal(kk[2], (D_MODEL, D_MODEL), dtype=jnp.float32) * s,
            'bv': jnp.zeros((D_MODEL,), dtype=jnp.float32),
            'Wo': jax.random.normal(kk[3], (D_MODEL, D_MODEL), dtype=jnp.float32) * s,
            'bo': jnp.zeros((D_MODEL,), dtype=jnp.float32),
            'conv1_w': jax.random.normal(kk[4], (D_FF, D_MODEL), dtype=jnp.float32) * s,
            'conv1_b': jnp.zeros((D_FF,), dtype=jnp.float32),
            'conv2_w': jax.random.normal(kk[5], (D_MODEL, D_FF), dtype=jnp.float32) * s,
            'conv2_b': jnp.zeros((D_MODEL,), dtype=jnp.float32),
            'ln1_g': jnp.ones((D_MODEL,), dtype=jnp.float32),
            'ln1_b': jnp.zeros((D_MODEL,), dtype=jnp.float32),
            'ln2_g': jnp.ones((D_MODEL,), dtype=jnp.float32),
            'ln2_b': jnp.zeros((D_MODEL,), dtype=jnp.float32),
        }
        layers.append(lp)
    params['layers'] = layers
    params['lnf_g'] = jnp.ones((D_MODEL,), dtype=jnp.float32)
    params['lnf_b'] = jnp.zeros((D_MODEL,), dtype=jnp.float32)
    params['proj_w'] = jax.random.normal(ks[6], (D_MODEL, CLASS_NUM), dtype=jnp.float32) * s
    params['proj_b'] = jnp.zeros((CLASS_NUM,), dtype=jnp.float32)
    return {'x': x, 'mask': mask, 'params': params, 'length': 4096}


def _layer_norm(x, g, b, eps=1e-5):
    mu = jnp.mean(x, axis=-1, keepdims=True)
    var = jnp.mean((x - mu) ** 2, axis=-1, keepdims=True)
    return (x - mu) / jnp.sqrt(var + eps) * g + b


def _positional_embedding(L, d):
    position = jnp.arange(L, dtype=jnp.float32)[:, None]
    div_term = jnp.exp(jnp.arange(0, d, 2, dtype=jnp.float32) * (-math.log(10000.0) / d))
    pe = jnp.zeros((L, d), dtype=jnp.float32)
    pe = pe.at[:, 0::2].set(jnp.sin(position * div_term))
    pe = pe.at[:, 1::2].set(jnp.cos(position * div_term))
    return pe


def _token_embedding(x, w):
    # Conv1d(c_in -> d_model, k=3, circular padding, no bias)
    xt = jnp.transpose(x, (0, 2, 1))
    xt = jnp.pad(xt, ((0, 0), (0, 0), (1, 1)), mode='wrap')
    out = jax.lax.conv_general_dilated(xt, w, (1,), 'VALID', dimension_numbers=('NCH', 'OIH', 'NCH'))
    return jnp.transpose(out, (0, 2, 1))


def _prob_attention(q, k, v, rng):
    # q,k,v: [B,H,L,D]; ProbSparse attention (Informer), non-causal, eval mode
    B, H, L_Q, D = q.shape
    L_K = k.shape[2]
    U_part = min(int(FACTOR * math.ceil(math.log(L_K))), L_K)
    u = min(int(FACTOR * math.ceil(math.log(L_Q))), L_Q)
    index_sample = jax.random.randint(rng, (L_Q, U_part), 0, L_K)
    K_sample = k[:, :, index_sample, :]                       # [B,H,L_Q,U,D] gather
    Q_K_sample = jnp.einsum('bhld,bhlud->bhlu', q, K_sample)
    M = jnp.max(Q_K_sample, axis=-1) - jnp.sum(Q_K_sample, axis=-1) / L_K
    _, M_top = jax.lax.top_k(M, u)                            # [B,H,u]
    b_idx = jnp.arange(B)[:, None, None]
    h_idx = jnp.arange(H)[None, :, None]
    Q_reduce = q[b_idx, h_idx, M_top]                         # [B,H,u,D]
    scores = jnp.einsum('bhud,bhkd->bhuk', Q_reduce, k) / math.sqrt(D)
    context = jnp.broadcast_to(jnp.mean(v, axis=2, keepdims=True), (B, H, L_Q, D))
    attn = jax.nn.softmax(scores, axis=-1)
    update = jnp.einsum('bhuk,bhkd->bhud', attn, v)
    context = context.at[b_idx, h_idx, M_top].set(update)     # scatter-overwrite
    return context


def _attention_layer(x, p, rng):
    B, L, _ = x.shape
    dh = D_MODEL // N_HEADS
    q = (x @ p['Wq'] + p['bq']).reshape(B, L, N_HEADS, dh).transpose(0, 2, 1, 3)
    k = (x @ p['Wk'] + p['bk']).reshape(B, L, N_HEADS, dh).transpose(0, 2, 1, 3)
    v = (x @ p['Wv'] + p['bv']).reshape(B, L, N_HEADS, dh).transpose(0, 2, 1, 3)
    ctx = _prob_attention(q, k, v, rng)
    out = ctx.transpose(0, 2, 1, 3).reshape(B, L, D_MODEL)
    return out @ p['Wo'] + p['bo']


def _encoder_layer(x, p, rng):
    new_x = _attention_layer(x, p, rng)
    x = x + new_x
    x = _layer_norm(x, p['ln1_g'], p['ln1_b'])
    y = jax.nn.relu(x @ p['conv1_w'].T + p['conv1_b'])
    y = y @ p['conv2_w'].T + p['conv2_b']
    return _layer_norm(x + y, p['ln2_g'], p['ln2_b'])


def reference(x, mask, params, length):
    B, L, _ = x.shape
    h = _token_embedding(x, params['emb_conv']) + _positional_embedding(L, D_MODEL)[None]
    rng = jax.random.key(42)
    for i, lp in enumerate(params['layers']):
        h = _encoder_layer(h, lp, jax.random.fold_in(rng, i))
    h = _layer_norm(h, params['lnf_g'], params['lnf_b'])
    out = jax.nn.gelu(h, approximate=False)
    out = jnp.transpose(out, (0, 2, 1))          # [B, D, L]
    out = out * mask[:, None, :]
    out = jnp.mean(out, axis=-1)                 # AdaptiveAvgPool1d(1)
    return out @ params['proj_w'] + params['proj_b']

if __name__ == "__main__":
    import jax
    _d = setup_inputs()
    print(jax.jit(kernel)(*tuple(_d.values())))

</pallas_src>

<mosaic_0001>
#map = affine_map<(d0, d1) -> (0, 0, 0)>
#map1 = affine_map<(d0, d1) -> (0, 0)>
#map2 = affine_map<(d0, d1) -> (0, 0, 0, 0)>
module attributes {stable_mosaic.version = 14 : i64} {
  func.func @mk(%arg0: i32, %arg1: i32, %arg2: memref<24x4096x64xf32, #tpu.memory_space<hbm>>, %arg3: memref<98304x32xi32, #tpu.memory_space<hbm>>, %arg4: memref<24x32x9x128xi32, #tpu.memory_space<hbm>>, %arg5: memref<24x4096xf32, #tpu.memory_space<hbm>>, %arg6: memref<2x128x64xf32, #tpu.memory_space<vmem>>, %arg7: memref<2x9x128xi32, #tpu.memory_space<vmem>>, %arg8: memref<2x1152x32xi32, #tpu.memory_space<vmem>>, %arg9: memref<128xf32, #tpu.memory_space<vmem>>, %arg10: memref<!tpu.dma_semaphore, #tpu.memory_space<semaphore_mem>>, %arg11: memref<!tpu.dma_semaphore, #tpu.memory_space<semaphore_mem>>, %arg12: memref<!tpu.dma_semaphore, #tpu.memory_space<semaphore_mem>>, %arg13: memref<!tpu.dma_semaphore, #tpu.memory_space<semaphore_mem>>) attributes {dimension_semantics = [#tpu.dimension_semantics<core_parallel>, #tpu.dimension_semantics<subcore_parallel>], iteration_bounds = array<i64: 2, 16>, scalar_prefetch = 0 : i64, scratch_operands = 8 : i64, tpu.core_type = #tpu.core_type<sc_vector_subcore>, window_params = [{transform_indices = #map}, {transform_indices = #map1}, {transform_indices = #map2}, {transform_indices = #map1}]} {
    %mul3A = arith.constant 2 : i32
    %mul3A_0 = arith.muli %arg1, %mul3A : i32
    %add3A = arith.addi %mul3A_0, %arg0 : i32
    %run_scoped3A = arith.constant 0 : i32
    %run_scoped3A_1 = arith.constant 0 : i32
    "tpu.region"() ({
      %run_scoped3A_30 = tpu.sem_alloc : memref<!tpu.dma_semaphore, #tpu.memory_space<semaphore_mem>>
      %dma_start3A_31 = arith.constant 0 : i32
      %dma_start3A_32 = arith.constant 0 : i32
      %dma_start3A_33 = tpu.memref_slice %arg7[%run_scoped3A_1, %dma_start3A_31, %dma_start3A_32] : memref<2x9x128xi32, #tpu.memory_space<vmem>> -> memref<1x9x128xi32, #tpu.memory_space<vmem>>
      %dma_start3A_34 = tpu.memref_squeeze %dma_start3A_33 : memref<1x9x128xi32, #tpu.memory_space<vmem>> -> memref<9x128xi32, #tpu.memory_space<vmem>>
      %dma_start3A_35 = arith.constant 0 : i32
      %dma_start3A_36 = arith.constant 0 : i32
      %dma_start3A_37 = tpu.memref_slice %arg4[%run_scoped3A, %add3A, %dma_start3A_35, %dma_start3A_36] : memref<24x32x9x128xi32, #tpu.memory_space<hbm>> -> memref<1x1x9x128xi32, #tpu.memory_space<hbm>>
      %dma_start3A_38 = tpu.memref_squeeze %dma_start3A_37 : memref<1x1x9x128xi32, #tpu.memory_space<hbm>> -> memref<9x128xi32, #tpu.memory_space<hbm>>
      %dma_start3A_39 = arith.constant 0 : i32
      %dma_start3A_40 = arith.constant 0 : i32
      %dma_start3A_41 = tpu.memref_slice %arg7[%run_scoped3A_1, %dma_start3A_39, %dma_start3A_40] : memref<2x9x128xi32, #tpu.memory_space<vmem>> -> memref<1x9x128xi32, #tpu.memory_space<vmem>>
      %dma_start3A_42 = tpu.memref_squeeze %dma_start3A_41 : memref<1x9x128xi32, #tpu.memory_space<vmem>> -> memref<9x128xi32, #tpu.memory_space<vmem>>
      %dma_start3A_43 = arith.constant 0 : i32
      %dma_start3A_44 = arith.constant 0 : i32
      %dma_start3A_45 = tpu.memref_slice %arg4[%run_scoped3A, %add3A, %dma_start3A_43, %dma_start3A_44] : memref<24x32x9x128xi32, #tpu.memory_space<hbm>> -> memref<1x1x9x128xi32, #tpu.memory_space<hbm>>
      %dma_start3A_46 = tpu.memref_squeeze %dma_start3A_45 : memref<1x1x9x128xi32, #tpu.memory_space<hbm>> -> memref<9x128xi32, #tpu.memory_space<hbm>>
      tpu.enqueue_dma source(%dma_start3A_46 : memref<9x128xi32, #tpu.memory_space<hbm>>) target(%dma_start3A_42 : memref<9x128xi32, #tpu.memory_space<vmem>>) target_semaphore(%run_scoped3A_30 : memref<!tpu.dma_semaphore, #tpu.memory_space<semaphore_mem>>)
      %dma_wait3A = arith.constant 0 : i32
      %dma_wait3A_47 = arith.constant 0 : i32
      %dma_wait3A_48 = tpu.memref_slice %arg7[%run_scoped3A_1, %dma_wait3A, %dma_wait3A_47] : memref<2x9x128xi32, #tpu.memory_space<vmem>> -> memref<1x9x128xi32, #tpu.memory_space<vmem>>
      %dma_wait3A_49 = tpu.memref_squeeze %dma_wait3A_48 : memref<1x9x128xi32, #tpu.memory_space<vmem>> -> memref<9x128xi32, #tpu.memory_space<vmem>>
      %dma_wait3A_50 = arith.constant 0 : i32
      %dma_wait3A_51 = arith.constant 0 : i32
      %dma_wait3A_52 = tpu.memref_slice %arg4[%run_scoped3A, %add3A, %dma_wait3A_50, %dma_wait3A_51] : memref<24x32x9x128xi32, #tpu.memory_space<hbm>> -> memref<1x1x9x128xi32, #tpu.memory_space<hbm>>
      %dma_wait3A_53 = tpu.memref_squeeze %dma_wait3A_52 : memref<1x1x9x128xi32, #tpu.memory_space<hbm>> -> memref<9x128xi32, #tpu.memory_space<hbm>>
      %dma_wait3A_54 = arith.constant 0 : i32
      %dma_wait3A_55 = arith.constant 0 : i32
      %dma_wait3A_56 = tpu.memref_slice %arg7[%run_scoped3A_1, %dma_wait3A_54, %dma_wait3A_55] : memref<2x9x128xi32, #tpu.memory_space<vmem>> -> memref<1x9x128xi32, #tpu.memory_space<vmem>>
      %dma_wait3A_57 = tpu.memref_squeeze %dma_wait3A_56 : memref<1x9x128xi32, #tpu.memory_space<vmem>> -> memref<9x128xi32, #tpu.memory_space<vmem>>
      %dma_wait3A_58 = arith.constant 0 : i32
      %dma_wait3A_59 = arith.constant 0 : i32
      %dma_wait3A_60 = tpu.memref_slice %arg4[%run_scoped3A, %add3A, %dma_wait3A_58, %dma_wait3A_59] : memref<24x32x9x128xi32, #tpu.memory_space<hbm>> -> memref<1x1x9x128xi32, #tpu.memory_space<hbm>>
      %dma_wait3A_61 = tpu.memref_squeeze %dma_wait3A_60 : memref<1x1x9x128xi32, #tpu.memory_space<hbm>> -> memref<9x128xi32, #tpu.memory_space<hbm>>
      tpu.wait_dma2 semaphore(%run_scoped3A_30 : memref<!tpu.dma_semaphore, #tpu.memory_space<semaphore_mem>>) src(%dma_wait3A_61 : memref<9x128xi32, #tpu.memory_space<hbm>>) dst(%dma_wait3A_57 : memref<9x128xi32, #tpu.memory_space<vmem>>)
      tpu.yield
    }) : () -> ()
    %mul3A_2 = arith.constant 128 : i32
    %mul3A_3 = arith.muli %add3A, %mul3A_2 : i32
    %dma_start3A = arith.constant 0 : i32
    %dma_start3A_4 = arith.constant 0 : i32
    %dma_start3A_5 = arith.constant 0 : i32
    %dma_start3A_6 = arith.constant 0 : i32
    %dma_start3A_7 = tpu.memref_slice %arg6[%dma_start3A_4, %dma_start3A_5, %dma_start3A_6] : memref<2x128x64xf32, #tpu.memory_space<vmem>> -> memref<1x128x64xf32, #tpu.memory_space<vmem>>
    %dma_start3A_8 = tpu.memref_squeeze %dma_start3A_7 : memref<1x128x64xf32, #tpu.memory_space<vmem>> -> memref<128x64xf32, #tpu.memory_space<vmem>>
    %dma_start3A_9 = arith.constant 0 : i32
    %dma_start3A_10 = tpu.memref_slice %arg2[%dma_start3A, %mul3A_3, %dma_start3A_9] : memref<24x4096x64xf32, #tpu.memory_space<hbm>> -> memref<1x128x64xf32, #tpu.memory_space<hbm>>
    %dma_start3A_11 = tpu.memref_squeeze %dma_start3A_10 : memref<1x128x64xf32, #tpu.memory_space<hbm>> -> memref<128x64xf32, #tpu.memory_space<hbm>>
    %dma_start3A_12 = arith.constant 0 : i32
    %dma_start3A_13 = arith.constant 0 : i32
    %dma_start3A_14 = tpu.memref_slice %arg6[%dma_start3A_4, %dma_start3A_12, %dma_start3A_13] : memref<2x128x64xf32, #tpu.memory_space<vmem>> -> memref<1x128x64xf32, #tpu.memory_space<vmem>>
    %dma_start3A_15 = tpu.memref_squeeze %dma_start3A_14 : memref<1x128x64xf32, #tpu.memory_space<vmem>> -> memref<128x64xf32, #tpu.memory_space<vmem>>
    %dma_start3A_16 = arith.constant 0 : i32
    %dma_start3A_17 = tpu.memref_slice %arg2[%dma_start3A, %mul3A_3, %dma_start3A_16] : memref<24x4096x64xf32, #tpu.memory_space<hbm>> -> memref<1x128x64xf32, #tpu.memory_space<hbm>>
    %dma_start3A_18 = tpu.memref_squeeze %dma_start3A_17 : memref<1x128x64xf32, #tpu.memory_space<hbm>> -> memref<128x64xf32, #tpu.memory_space<hbm>>
    tpu.enqueue_dma source(%dma_start3A_18 : memref<128x64xf32, #tpu.memory_space<hbm>>) target(%dma_start3A_15 : memref<128x64xf32, #tpu.memory_space<vmem>>) target_semaphore(%arg10 : memref<!tpu.dma_semaphore, #tpu.memory_space<semaphore_mem>>)
    %scan3A = arith.constant 0 : i32
    %scan3A_19 = arith.constant 0 : i32
    %scan3A_20 = arith.constant 9 : i32
    %scan3A_21 = arith.addi %scan3A_19, %scan3A_20 : i32
    %scan3A_22 = arith.constant 1 : i32
    scf.for %scan3A_30 = %scan3A_19 to %scan3A_21 step %scan3A_22  : i32 {
      %mul3A_31 = arith.constant 128 : i32
      %mul3A_32 = arith.muli %scan3A_30, %mul3A_31 : i32
      %dma_start3A_33 = arith.constant 0 : i32
      %dma_start3A_34 = arith.constant 0 : i32
      %dma_start3A_35 = arith.constant 0 : i32
      %dma_start3A_36 = tpu.memref_slice %arg8[%dma_start3A_34, %mul3A_32, %dma_start3A_35] : memref<2x1152x32xi32, #tpu.memory_space<vmem>> -> memref<1x128x32xi32, #tpu.memory_space<vmem>>
      %dma_start3A_37 = tpu.memref_squeeze %dma_start3A_36 : memref<1x128x32xi32, #tpu.memory_space<vmem>> -> memref<128x32xi32, #tpu.memory_space<vmem>>
      %dma_start3A_38 = arith.constant 0 : i32
      %dma_start3A_39 = tpu.memref_slice %arg7[%dma_start3A_33, %scan3A_30, %dma_start3A_38] : memref<2x9x128xi32, #tpu.memory_space<vmem>> -> memref<1x1x128xi32, #tpu.memory_space<vmem>>
      %dma_start3A_40 = tpu.memref_squeeze %dma_start3A_39 : memref<1x1x128xi32, #tpu.memory_space<vmem>> -> memref<128xi32, #tpu.memory_space<vmem>>
      %dma_start3A_41 = arith.constant 0 : i32
      %dma_start3A_42 = arith.constant 0 : i32
      %dma_start3A_43 = tpu.memref_slice %arg3[%dma_start3A_41, %dma_start3A_42] : memref<98304x32xi32, #tpu.memory_space<hbm>> -> memref<98304x32xi32, #tpu.memory_space<hbm>>
      tpu.enqueue_indirect_dma source(%dma_start3A_43 : memref<98304x32xi32, #tpu.memory_space<hbm>>) target(%dma_start3A_37 : memref<128x32xi32, #tpu.memory_space<vmem>>) offsets(%dma_start3A_40 : memref<128xi32, #tpu.memory_space<vmem>>) semaphore(%arg12 : memref<!tpu.dma_semaphore, #tpu.memory_space<semaphore_mem>>)
    }
    %scan3A_23 = arith.constant 9 : i32
    %scan3A_24 = arith.constant 0 : i32
    %scan3A_25 = arith.constant 0 : i32
    %scan3A_26 = arith.constant 24 : i32
    %scan3A_27 = arith.addi %scan3A_25, %scan3A_26 : i32
    %scan3A_28 = arith.constant 1 : i32
    scf.for %scan3A_30 = %scan3A_25 to %scan3A_27 step %scan3A_28  : i32 {
      %add3A_31 = arith.constant 1 : i32
      %add3A_32 = arith.addi %scan3A_30, %add3A_31 : i32
      %lt3A = arith.constant 24 : i32
      %lt3A_33 = arith.cmpi slt, %add3A_32, %lt3A : i32
      %convert_element_type3A = arith.extui %lt3A_33 : i1 to i32
      %cond3A = arith.constant 0 : i32
      %cond3A_34 = arith.cmpi ne, %convert_element_type3A, %cond3A : i32
      scf.if %cond3A_34 {
        %jit3A_71 = arith.constant 2 : i32
        %eq3A_72 = arith.constant 0 : i32
        %eq3A_73 = arith.cmpi eq, %jit3A_71, %eq3A_72 : i32
        %jit3A_74 = arith.constant 1 : i32
        %select_n3A_75 = arith.select %eq3A_73, %jit3A_74, %jit3A_71 : i32
        %rem3A_76 = arith.remsi %scan3A_30, %select_n3A_75 : i32
        %ne3A_77 = arith.constant 0 : i32
        %ne3A_78 = arith.cmpi ne, %rem3A_76, %ne3A_77 : i32
        %lt3A_79 = arith.constant 0 : i32
        %lt3A_80 = arith.cmpi slt, %rem3A_76, %lt3A_79 : i32
        %lt3A_81 = arith.constant 0 : i32
        %lt3A_82 = arith.cmpi slt, %select_n3A_75, %lt3A_81 : i32
        %ne3A_83 = arith.xori %lt3A_80, %lt3A_82 : i1
        %and3A_84 = arith.andi %ne3A_83, %ne3A_78 : i1
        %add3A_85 = arith.addi %rem3A_76, %select_n3A_75 : i32
        %select_n3A_86 = arith.select %and3A_84, %add3A_85, %rem3A_76 : i32
        %eq3A_87 = arith.constant 0 : i32
        %eq3A_88 = arith.cmpi eq, %select_n3A_86, %eq3A_87 : i32
        %convert_element_type3A_89 = arith.extui %eq3A_88 : i1 to i32
        %cond3A_90 = arith.constant 0 : i32
        %cond3A_91 = arith.cmpi ne, %convert_element_type3A_89, %cond3A_90 : i32
        scf.if %cond3A_91 {
          %add3A_113 = arith.constant 1 : i32
          %add3A_114 = arith.addi %scan3A_30, %add3A_113 : i32
          %run_scoped3A_115 = arith.constant 1 : i32
          "tpu.region"() ({
            %run_scoped3A_139 = tpu.sem_alloc : memref<!tpu.dma_semaphore, #tpu.memory_space<semaphore_mem>>
            %dma_start3A_140 = arith.constant 0 : i32
            %dma_start3A_141 = arith.constant 0 : i32
            %dma_start3A_142 = tpu.memref_slice %arg7[%run_scoped3A_115, %dma_start3A_140, %dma_start3A_141] : memref<2x9x128xi32, #tpu.memory_space<vmem>> -> memref<1x9x128xi32, #tpu.memory_space<vmem>>
            %dma_start3A_143 = tpu.memref_squeeze %dma_start3A_142 : memref<1x9x128xi32, #tpu.memory_space<vmem>> -> memref<9x128xi32, #tpu.memory_space<vmem>>
            %dma_start3A_144 = arith.constant 0 : i32
            %dma_start3A_145 = arith.constant 0 : i32
            %dma_start3A_146 = tpu.memref_slice %arg4[%add3A_114, %add3A, %dma_start3A_144, %dma_start3A_145] : memref<24x32x9x128xi32, #tpu.memory_space<hbm>> -> memref<1x1x9x128xi32, #tpu.memory_space<hbm>>
            %dma_start3A_147 = tpu.memref_squeeze %dma_start3A_146 : memref<1x1x9x128xi32, #tpu.memory_space<hbm>> -> memref<9x128xi32, #tpu.memory_space<hbm>>
            %dma_start3A_148 = arith.constant 0 : i32
            %dma_start3A_149 = arith.constant 0 : i32
            %dma_start3A_150 = tpu.memref_slice %arg7[%run_scoped3A_115, %dma_start3A_148, %dma_start3A_149] : memref<2x9x128xi32, #tpu.memory_space<vmem>> -> memref<1x9x128xi32, #tpu.memory_space<vmem>>
            %dma_start3A_151 = tpu.memref_squeeze %dma_start3A_150 : memref<1x9x128xi32, #tpu.memory_space<vmem>> -> memref<9x128xi32, #tpu.memory_space<vmem>>
            %dma_start3A_152 = arith.constant 0 : i32
            %dma_start3A_153 = arith.constant 0 : i32
            %dma_start3A_154 = tpu.memref_slice %arg4[%add3A_114, %add3A, %dma_start3A_152, %dma_start3A_153] : memref<24x32x9x128xi32, #tpu.memory_space<hbm>> -> memref<1x1x9x128xi32, #tpu.memory_space<hbm>>
            %dma_start3A_155 = tpu.memref_squeeze %dma_start3A_154 : memref<1x1x9x128xi32, #tpu.memory_space<hbm>> -> memref<9x128xi32, #tpu.memory_space<hbm>>
            tpu.enqueue_dma source(%dma_start3A_155 : memref<9x128xi32, #tpu.memory_space<hbm>>) target(%dma_start3A_151 : memref<9x128xi32, #tpu.memory_space<vmem>>) target_semaphore(%run_scoped3A_139 : memref<!tpu.dma_semaphore, #tpu.memory_space<semaphore_mem>>)
            %dma_wait3A = arith.constant 0 : i32
            %dma_wait3A_156 = arith.constant 0 : i32
            %dma_wait3A_157 = tpu.memref_slice %arg7[%run_scoped3A_115, %dma_wait3A, %dma_wait3A_156] : memref<2x9x128xi32, #tpu.memory_space<vmem>> -> memref<1x9x128xi32, #tpu.memory_space<vmem>>
            %dma_wait3A_158 = tpu.memref_squeeze %dma_wait3A_157 : memref<1x9x128xi32, #tpu.memory_space<vmem>> -> memref<9x128xi32, #tpu.memory_space<vmem>>
            %dma_wait3A_159 = arith.constant 0 : i32
            %dma_wait3A_160 = arith.constant 0 : i32
            %dma_wait3A_161 = tpu.memref_slice %arg4[%add3A_114, %add3A, %dma_wait3A_159, %dma_wait3A_160] : memref<24x32x9x128xi32, #tpu.memory_space<hbm>> -> memref<1x1x9x128xi32, #tpu.memory_space<hbm>>
            %dma_wait3A_162 = tpu.memref_squeeze %dma_wait3A_161 : memref<1x1x9x128xi32, #tpu.memory_space<hbm>> -> memref<9x128xi32, #tpu.memory_space<hbm>>
            %dma_wait3A_163 = arith.constant 0 : i32
            %dma_wait3A_164 = arith.constant 0 : i32
            %dma_wait3A_165 = tpu.memref_slice %arg7[%run_scoped3A_115, %dma_wait3A_163, %dma_wait3A_164] : memref<2x9x128xi32, #tpu.memory_space<vmem>> -> memref<1x9x128xi32, #tpu.memory_space<vmem>>
            %dma_wait3A_166 = tpu.memref_squeeze %dma_wait3A_165 : memref<1x9x128xi32, #tpu.memory_space<vmem>> -> memref<9x128xi32, #tpu.memory_space<vmem>>
            %dma_wait3A_167 = arith.constant 0 : i32
            %dma_wait3A_168 = arith.constant 0 : i32
            %dma_wait3A_169 = tpu.memref_slice %arg4[%add3A_114, %add3A, %dma_wait3A_167, %dma_wait3A_168] : memref<24x32x9x128xi32, #tpu.memory_space<hbm>> -> memref<1x1x9x128xi32, #tpu.memory_space<hbm>>
            %dma_wait3A_170 = tpu.memref_squeeze %dma_wait3A_169 : memref<1x1x9x128xi32, #tpu.memory_space<hbm>> -> memref<9x128xi32, #tpu.memory_space<hbm>>
            tpu.wait_dma2 semaphore(%run_scoped3A_139 : memref<!tpu.dma_semaphore, #tpu.memory_space<semaphore_mem>>) src(%dma_wait3A_170 : memref<9x128xi32, #tpu.memory_space<hbm>>) dst(%dma_wait3A_166 : memref<9x128xi32, #tpu.memory_space<vmem>>)
            tpu.yield
          }) : () -> ()
          %mul3A_116 = arith.constant 128 : i32
          %mul3A_117 = arith.muli %add3A, %mul3A_116 : i32
          %dma_start3A_118 = arith.constant 1 : i32
          %dma_start3A_119 = arith.constant 0 : i32
          %dma_start3A_120 = arith.constant 0 : i32
          %dma_start3A_121 = tpu.memref_slice %arg6[%dma_start3A_118, %dma_start3A_119, %dma_start3A_120] : memref<2x128x64xf32, #tpu.memory_space<vmem>> -> memref<1x128x64xf32, #tpu.memory_space<vmem>>
          %dma_start3A_122 = tpu.memref_squeeze %dma_start3A_121 : memref<1x128x64xf32, #tpu.memory_space<vmem>> -> memref<128x64xf32, #tpu.memory_space<vmem>>
          %dma_start3A_123 = arith.constant 0 : i32
          %dma_start3A_124 = tpu.memref_slice %arg2[%add3A_114, %mul3A_117, %dma_start3A_123] : memref<24x4096x64xf32, #tpu.memory_space<hbm>> -> memref<1x128x64xf32, #tpu.memory_space<hbm>>
          %dma_start3A_125 = tpu.memref_squeeze %dma_start3A_124 : memref<1x128x64xf32, #tpu.memory_space<hbm>> -> memref<128x64xf32, #tpu.memory_space<hbm>>
          %dma_start3A_126 = arith.constant 0 : i32
          %dma_start3A_127 = arith.constant 0 : i32
          %dma_start3A_128 = tpu.memref_slice %arg6[%dma_start3A_118, %dma_start3A_126, %dma_start3A_127] : memref<2x128x64xf32, #tpu.memory_space<vmem>> -> memref<1x128x64xf32, #tpu.memory_space<vmem>>
          %dma_start3A_129 = tpu.memref_squeeze %dma_start3A_128 : memref<1x128x64xf32, #tpu.memory_space<vmem>> -> memref<128x64xf32, #tpu.memory_space<vmem>>
          %dma_start3A_130 = arith.constant 0 : i32
          %dma_start3A_131 = tpu.memref_slice %arg2[%add3A_114, %mul3A_117, %dma_start3A_130] : memref<24x4096x64xf32, #tpu.memory_space<hbm>> -> memref<1x128x64xf32, #tpu.memory_space<hbm>>
          %dma_start3A_132 = tpu.memref_squeeze %dma_start3A_131 : memref<1x128x64xf32, #tpu.memory_space<hbm>> -> memref<128x64xf32, #tpu.memory_space<hbm>>
          tpu.enqueue_dma source(%dma_start3A_132 : memref<128x64xf32, #tpu.memory_space<hbm>>) target(%dma_start3A_129 : memref<128x64xf32, #tpu.memory_space<vmem>>) target_semaphore(%arg11 : memref<!tpu.dma_semaphore, #tpu.memory_space<semaphore_mem>>)
          %scan3A_133 = arith.constant 0 : i32
          %scan3A_134 = arith.constant 0 : i32
          %scan3A_135 = arith.constant 9 : i32
          %scan3A_136 = arith.addi %scan3A_134, %scan3A_135 : i32
          %scan3A_137 = arith.constant 1 : i32
          scf.for %scan3A_139 = %scan3A_134 to %scan3A_136 step %scan3A_137  : i32 {
            %mul3A_140 = arith.constant 128 : i32
            %mul3A_141 = arith.muli %scan3A_139, %mul3A_140 : i32
            %dma_start3A_142 = arith.constant 1 : i32
            %dma_start3A_143 = arith.constant 1 : i32
            %dma_start3A_144 = arith.constant 0 : i32
            %dma_start3A_145 = tpu.memref_slice %arg8[%dma_start3A_143, %mul3A_141, %dma_start3A_144] : memref<2x1152x32xi32, #tpu.memory_space<vmem>> -> memref<1x128x32xi32, #tpu.memory_space<vmem>>
            %dma_start3A_146 = tpu.memref_squeeze %dma_start3A_145 : memref<1x128x32xi32, #tpu.memory_space<vmem>> -> memref<128x32xi32, #tpu.memory_space<vmem>>
            %dma_start3A_147 = arith.constant 0 : i32
            %dma_start3A_148 = tpu.memref_slice %arg7[%dma_start3A_142, %scan3A_139, %dma_start3A_147] : memref<2x9x128xi32, #tpu.memory_space<vmem>> -> memref<1x1x128xi32, #tpu.memory_space<vmem>>
            %dma_start3A_149 = tpu.memref_squeeze %dma_start3A_148 : memref<1x1x128xi32, #tpu.memory_space<vmem>> -> memref<128xi32, #tpu.memory_space<vmem>>
            %dma_start3A_150 = arith.constant 0 : i32
            %dma_start3A_151 = arith.constant 0 : i32
            %dma_start3A_152 = tpu.memref_slice %arg3[%dma_start3A_150, %dma_start3A_151] : memref<98304x32xi32, #tpu.memory_space<hbm>> -> memref<98304x32xi32, #tpu.memory_space<hbm>>
            tpu.enqueue_indirect_dma source(%dma_start3A_152 : memref<98304x32xi32, #tpu.memory_space<hbm>>) target(%dma_start3A_146 : memref<128x32xi32, #tpu.memory_space<vmem>>) offsets(%dma_start3A_149 : memref<128xi32, #tpu.memory_space<vmem>>) semaphore(%arg13 : memref<!tpu.dma_semaphore, #tpu.memory_space<semaphore_mem>>)
          }
          %scan3A_138 = arith.constant 9 : i32
        } else {
        }
        %jit3A_92 = arith.constant 2 : i32
        %eq3A_93 = arith.constant 0 : i32
        %eq3A_94 = arith.cmpi eq, %jit3A_92, %eq3A_93 : i32
        %jit3A_95 = arith.constant 1 : i32
        %select_n3A_96 = arith.select %eq3A_94, %jit3A_95, %jit3A_92 : i32
        %rem3A_97 = arith.remsi %scan3A_30, %select_n3A_96 : i32
        %ne3A_98 = arith.constant 0 : i32
        %ne3A_99 = arith.cmpi ne, %rem3A_97, %ne3A_98 : i32
        %lt3A_100 = arith.constant 0 : i32
        %lt3A_101 = arith.cmpi slt, %rem3A_97, %lt3A_100 : i32
        %lt3A_102 = arith.constant 0 : i32
        %lt3A_103 = arith.cmpi slt, %select_n3A_96, %lt3A_102 : i32
        %ne3A_104 = arith.xori %lt3A_101, %lt3A_103 : i1
        %and3A_105 = arith.andi %ne3A_104, %ne3A_99 : i1
        %add3A_106 = arith.addi %rem3A_97, %select_n3A_96 : i32
        %select_n3A_107 = arith.select %and3A_105, %add3A_106, %rem3A_97 : i32
        %eq3A_108 = arith.constant 1 : i32
        %eq3A_109 = arith.cmpi eq, %select_n3A_107, %eq3A_108 : i32
        %convert_element_type3A_110 = arith.extui %eq3A_109 : i1 to i32
        %cond3A_111 = arith.constant 0 : i32
        %cond3A_112 = arith.cmpi ne, %convert_element_type3A_110, %cond3A_111 : i32
        scf.if %cond3A_112 {
          %add3A_113 = arith.constant 1 : i32
          %add3A_114 = arith.addi %scan3A_30, %add3A_113 : i32
          %run_scoped3A_115 = arith.constant 0 : i32
          "tpu.region"() ({
            %run_scoped3A_139 = tpu.sem_alloc : memref<!tpu.dma_semaphore, #tpu.memory_space<semaphore_mem>>
            %dma_start3A_140 = arith.constant 0 : i32
            %dma_start3A_141 = arith.constant 0 : i32
            %dma_start3A_142 = tpu.memref_slice %arg7[%run_scoped3A_115, %dma_start3A_140, %dma_start3A_141] : memref<2x9x128xi32, #tpu.memory_space<vmem>> -> memref<1x9x128xi32, #tpu.memory_space<vmem>>
            %dma_start3A_143 = tpu.memref_squeeze %dma_start3A_142 : memref<1x9x128xi32, #tpu.memory_space<vmem>> -> memref<9x128xi32, #tpu.memory_space<vmem>>
            %dma_start3A_144 = arith.constant 0 : i32
            %dma_start3A_145 = arith.constant 0 : i32
            %dma_start3A_146 = tpu.memref_slice %arg4[%add3A_114, %add3A, %dma_start3A_144, %dma_start3A_145] : memref<24x32x9x128xi32, #tpu.memory_space<hbm>> -> memref<1x1x9x128xi32, #tpu.memory_space<hbm>>
            %dma_start3A_147 = tpu.memref_squeeze %dma_start3A_146 : memref<1x1x9x128xi32, #tpu.memory_space<hbm>> -> memref<9x128xi32, #tpu.memory_space<hbm>>
            %dma_start3A_148 = arith.constant 0 : i32
            %dma_start3A_149 = arith.constant 0 : i32
            %dma_start3A_150 = tpu.memref_slice %arg7[%run_scoped3A_115, %dma_start3A_148, %dma_start3A_149] : memref<2x9x128xi32, #tpu.memory_space<vmem>> -> memref<1x9x128xi32, #tpu.memory_space<vmem>>
            %dma_start3A_151 = tpu.memref_squeeze %dma_start3A_150 : memref<1x9x128xi32, #tpu.memory_space<vmem>> -> memref<9x128xi32, #tpu.memory_space<vmem>>
            %dma_start3A_152 = arith.constant 0 : i32
            %dma_start3A_153 = arith.constant 0 : i32
            %dma_start3A_154 = tpu.memref_slice %arg4[%add3A_114, %add3A, %dma_start3A_152, %dma_start3A_153] : memref<24x32x9x128xi32, #tpu.memory_space<hbm>> -> memref<1x1x9x128xi32, #tpu.memory_space<hbm>>
            %dma_start3A_155 = tpu.memref_squeeze %dma_start3A_154 : memref<1x1x9x128xi32, #tpu.memory_space<hbm>> -> memref<9x128xi32, #tpu.memory_space<hbm>>
            tpu.enqueue_dma source(%dma_start3A_155 : memref<9x128xi32, #tpu.memory_space<hbm>>) target(%dma_start3A_151 : memref<9x128xi32, #tpu.memory_space<vmem>>) target_semaphore(%run_scoped3A_139 : memref<!tpu.dma_semaphore, #tpu.memory_space<semaphore_mem>>)
            %dma_wait3A = arith.constant 0 : i32
            %dma_wait3A_156 = arith.constant 0 : i32
            %dma_wait3A_157 = tpu.memref_slice %arg7[%run_scoped3A_115, %dma_wait3A, %dma_wait3A_156] : memref<2x9x128xi32, #tpu.memory_space<vmem>> -> memref<1x9x128xi32, #tpu.memory_space<vmem>>
            %dma_wait3A_158 = tpu.memref_squeeze %dma_wait3A_157 : memref<1x9x128xi32, #tpu.memory_space<vmem>> -> memref<9x128xi32, #tpu.memory_space<vmem>>
            %dma_wait3A_159 = arith.constant 0 : i32
            %dma_wait3A_160 = arith.constant 0 : i32
            %dma_wait3A_161 = tpu.memref_slice %arg4[%add3A_114, %add3A, %dma_wait3A_159, %dma_wait3A_160] : memref<24x32x9x128xi32, #tpu.memory_space<hbm>> -> memref<1x1x9x128xi32, #tpu.memory_space<hbm>>
            %dma_wait3A_162 = tpu.memref_squeeze %dma_wait3A_161 : memref<1x1x9x128xi32, #tpu.memory_space<hbm>> -> memref<9x128xi32, #tpu.memory_space<hbm>>
            %dma_wait3A_163 = arith.constant 0 : i32
            %dma_wait3A_164 = arith.constant 0 : i32
            %dma_wait3A_165 = tpu.memref_slice %arg7[%run_scoped3A_115, %dma_wait3A_163, %dma_wait3A_164] : memref<2x9x128xi32, #tpu.memory_space<vmem>> -> memref<1x9x128xi32, #tpu.memory_space<vmem>>
            %dma_wait3A_166 = tpu.memref_squeeze %dma_wait3A_165 : memref<1x9x128xi32, #tpu.memory_space<vmem>> -> memref<9x128xi32, #tpu.memory_space<vmem>>
            %dma_wait3A_167 = arith.constant 0 : i32
            %dma_wait3A_168 = arith.constant 0 : i32
            %dma_wait3A_169 = tpu.memref_slice %arg4[%add3A_114, %add3A, %dma_wait3A_167, %dma_wait3A_168] : memref<24x32x9x128xi32, #tpu.memory_space<hbm>> -> memref<1x1x9x128xi32, #tpu.memory_space<hbm>>
            %dma_wait3A_170 = tpu.memref_squeeze %dma_wait3A_169 : memref<1x1x9x128xi32, #tpu.memory_space<hbm>> -> memref<9x128xi32, #tpu.memory_space<hbm>>
            tpu.wait_dma2 semaphore(%run_scoped3A_139 : memref<!tpu.dma_semaphore, #tpu.memory_space<semaphore_mem>>) src(%dma_wait3A_170 : memref<9x128xi32, #tpu.memory_space<hbm>>) dst(%dma_wait3A_166 : memref<9x128xi32, #tpu.memory_space<vmem>>)
            tpu.yield
          }) : () -> ()
          %mul3A_116 = arith.constant 128 : i32
          %mul3A_117 = arith.muli %add3A, %mul3A_116 : i32
          %dma_start3A_118 = arith.constant 0 : i32
          %dma_start3A_119 = arith.constant 0 : i32
          %dma_start3A_120 = arith.constant 0 : i32
          %dma_start3A_121 = tpu.memref_slice %arg6[%dma_start3A_118, %dma_start3A_119, %dma_start3A_120] : memref<2x128x64xf32, #tpu.memory_space<vmem>> -> memref<1x128x64xf32, #tpu.memory_space<vmem>>
          %dma_start3A_122 = tpu.memref_squeeze %dma_start3A_121 : memref<1x128x64xf32, #tpu.memory_space<vmem>> -> memref<128x64xf32, #tpu.memory_space<vmem>>
          %dma_start3A_123 = arith.constant 0 : i32
          %dma_start3A_124 = tpu.memref_slice %arg2[%add3A_114, %mul3A_117, %dma_start3A_123] : memref<24x4096x64xf32, #tpu.memory_space<hbm>> -> memref<1x128x64xf32, #tpu.memory_space<hbm>>
          %dma_start3A_125 = tpu.memref_squeeze %dma_start3A_124 : memref<1x128x64xf32, #tpu.memory_space<hbm>> -> memref<128x64xf32, #tpu.memory_space<hbm>>
          %dma_start3A_126 = arith.constant 0 : i32
          %dma_start3A_127 = arith.constant 0 : i32
          %dma_start3A_128 = tpu.memref_slice %arg6[%dma_start3A_118, %dma_start3A_126, %dma_start3A_127] : memref<2x128x64xf32, #tpu.memory_space<vmem>> -> memref<1x128x64xf32, #tpu.memory_space<vmem>>
          %dma_start3A_129 = tpu.memref_squeeze %dma_start3A_128 : memref<1x128x64xf32, #tpu.memory_space<vmem>> -> memref<128x64xf32, #tpu.memory_space<vmem>>
          %dma_start3A_130 = arith.constant 0 : i32
          %dma_start3A_131 = tpu.memref_slice %arg2[%add3A_114, %mul3A_117, %dma_start3A_130] : memref<24x4096x64xf32, #tpu.memory_space<hbm>> -> memref<1x128x64xf32, #tpu.memory_space<hbm>>
          %dma_start3A_132 = tpu.memref_squeeze %dma_start3A_131 : memref<1x128x64xf32, #tpu.memory_space<hbm>> -> memref<128x64xf32, #tpu.memory_space<hbm>>
          tpu.enqueue_dma source(%dma_start3A_132 : memref<128x64xf32, #tpu.memory_space<hbm>>) target(%dma_start3A_129 : memref<128x64xf32, #tpu.memory_space<vmem>>) target_semaphore(%arg10 : memref<!tpu.dma_semaphore, #tpu.memory_space<semaphore_mem>>)
          %scan3A_133 = arith.constant 0 : i32
          %scan3A_134 = arith.constant 0 : i32
          %scan3A_135 = arith.constant 9 : i32
          %scan3A_136 = arith.addi %scan3A_134, %scan3A_135 : i32
          %scan3A_137 = arith.constant 1 : i32
          scf.for %scan3A_139 = %scan3A_134 to %scan3A_136 step %scan3A_137  : i32 {
            %mul3A_140 = arith.constant 128 : i32
            %mul3A_141 = arith.muli %scan3A_139, %mul3A_140 : i32
            %dma_start3A_142 = arith.constant 0 : i32
            %dma_start3A_143 = arith.constant 0 : i32
            %dma_start3A_144 = arith.constant 0 : i32
            %dma_start3A_145 = tpu.memref_slice %arg8[%dma_start3A_143, %mul3A_141, %dma_start3A_144] : memref<2x1152x32xi32, #tpu.memory_space<vmem>> -> memref<1x128x32xi32, #tpu.memory_space<vmem>>
            %dma_start3A_146 = tpu.memref_squeeze %dma_start3A_145 : memref<1x128x32xi32, #tpu.memory_space<vmem>> -> memref<128x32xi32, #tpu.memory_space<vmem>>
            %dma_start3A_147 = arith.constant 0 : i32
            %dma_start3A_148 = tpu.memref_slice %arg7[%dma_start3A_142, %scan3A_139, %dma_start3A_147] : memref<2x9x128xi32, #tpu.memory_space<vmem>> -> memref<1x1x128xi32, #tpu.memory_space<vmem>>
            %dma_start3A_149 = tpu.memref_squeeze %dma_start3A_148 : memref<1x1x128xi32, #tpu.memory_space<vmem>> -> memref<128xi32, #tpu.memory_space<vmem>>
            %dma_start3A_150 = arith.constant 0 : i32
            %dma_start3A_151 = arith.constant 0 : i32
            %dma_start3A_152 = tpu.memref_slice %arg3[%dma_start3A_150, %dma_start3A_151] : memref<98304x32xi32, #tpu.memory_space<hbm>> -> memref<98304x32xi32, #tpu.memory_space<hbm>>
            tpu.enqueue_indirect_dma source(%dma_start3A_152 : memref<98304x32xi32, #tpu.memory_space<hbm>>) target(%dma_start3A_146 : memref<128x32xi32, #tpu.memory_space<vmem>>) offsets(%dma_start3A_149 : memref<128xi32, #tpu.memory_space<vmem>>) semaphore(%arg12 : memref<!tpu.dma_semaphore, #tpu.memory_space<semaphore_mem>>)
          }
          %scan3A_138 = arith.constant 9 : i32
        } else {
        }
      } else {
      }
      %jit3A = arith.constant 2 : i32
      %eq3A = arith.constant 0 : i32
      %eq3A_35 = arith.cmpi eq, %jit3A, %eq3A : i32
      %jit3A_36 = arith.constant 1 : i32
      %select_n3A = arith.select %eq3A_35, %jit3A_36, %jit3A : i32
      %rem3A = arith.remsi %scan3A_30, %select_n3A : i32
      %ne3A = arith.constant 0 : i32
      %ne3A_37 = arith.cmpi ne, %rem3A, %ne3A : i32
      %lt3A_38 = arith.constant 0 : i32
      %lt3A_39 = arith.cmpi slt, %rem3A, %lt3A_38 : i32
      %lt3A_40 = arith.constant 0 : i32
      %lt3A_41 = arith.cmpi slt, %select_n3A, %lt3A_40 : i32
      %ne3A_42 = arith.xori %lt3A_39, %lt3A_41 : i1
      %and3A = arith.andi %ne3A_42, %ne3A_37 : i1
      %add3A_43 = arith.addi %rem3A, %select_n3A : i32
      %select_n3A_44 = arith.select %and3A, %add3A_43, %rem3A : i32
      %eq3A_45 = arith.constant 0 : i32
      %eq3A_46 = arith.cmpi eq, %select_n3A_44, %eq3A_45 : i32
      %convert_element_type3A_47 = arith.extui %eq3A_46 : i1 to i32
      %cond3A_48 = arith.constant 0 : i32
      %cond3A_49 = arith.cmpi ne, %convert_element_type3A_47, %cond3A_48 : i32
      scf.if %cond3A_49 {
        %dma_wait3A = arith.constant 0 : i32
        %dma_wait3A_71 = arith.constant 0 : i32
        %dma_wait3A_72 = arith.constant 0 : i32
        %dma_wait3A_73 = arith.constant 0 : i32
        %dma_wait3A_74 = tpu.memref_slice %arg6[%dma_wait3A_71, %dma_wait3A_72, %dma_wait3A_73] : memref<2x128x64xf32, #tpu.memory_space<vmem>> -> memref<1x128x64xf32, #tpu.memory_space<vmem>>
        %dma_wait3A_75 = tpu.memref_squeeze %dma_wait3A_74 : memref<1x128x64xf32, #tpu.memory_space<vmem>> -> memref<128x64xf32, #tpu.memory_space<vmem>>
        %dma_wait3A_76 = arith.constant 0 : i32
        %dma_wait3A_77 = arith.constant 0 : i32
        %dma_wait3A_78 = tpu.memref_slice %arg2[%dma_wait3A, %dma_wait3A_76, %dma_wait3A_77] : memref<24x4096x64xf32, #tpu.memory_space<hbm>> -> memref<1x128x64xf32, #tpu.memory_space<hbm>>
        %dma_wait3A_79 = tpu.memref_squeeze %dma_wait3A_78 : memref<1x128x64xf32, #tpu.memory_space<hbm>> -> memref<128x64xf32, #tpu.memory_space<hbm>>
        %dma_wait3A_80 = arith.constant 0 : i32
        %dma_wait3A_81 = arith.constant 0 : i32
        %dma_wait3A_82 = tpu.memref_slice %arg6[%dma_wait3A_71, %dma_wait3A_80, %dma_wait3A_81] : memref<2x128x64xf32, #tpu.memory_space<vmem>> -> memref<1x128x64xf32, #tpu.memory_space<vmem>>
        %dma_wait3A_83 = tpu.memref_squeeze %dma_wait3A_82 : memref<1x128x64xf32, #tpu.memory_space<vmem>> -> memref<128x64xf32, #tpu.memory_space<vmem>>
        %dma_wait3A_84 = arith.constant 0 : i32
        %dma_wait3A_85 = arith.constant 0 : i32
        %dma_wait3A_86 = tpu.memref_slice %arg2[%dma_wait3A, %dma_wait3A_84, %dma_wait3A_85] : memref<24x4096x64xf32, #tpu.memory_space<hbm>> -> memref<1x128x64xf32, #tpu.memory_space<hbm>>
        %dma_wait3A_87 = tpu.memref_squeeze %dma_wait3A_86 : memref<1x128x64xf32, #tpu.memory_space<hbm>> -> memref<128x64xf32, #tpu.memory_space<hbm>>
        tpu.wait_dma2 semaphore(%arg10 : memref<!tpu.dma_semaphore, #tpu.memory_space<semaphore_mem>>) src(%dma_wait3A_87 : memref<128x64xf32, #tpu.memory_space<hbm>>) dst(%dma_wait3A_83 : memref<128x64xf32, #tpu.memory_space<vmem>>)
        %scan3A_88 = arith.constant 0 : i32
        %scan3A_89 = arith.constant 0 : i32
        %scan3A_90 = arith.constant 9 : i32
        %scan3A_91 = arith.addi %scan3A_89, %scan3A_90 : i32
        %scan3A_92 = arith.constant 1 : i32
        scf.for %scan3A_105 = %scan3A_89 to %scan3A_91 step %scan3A_92  : i32 {
          %dma_wait3A_106 = arith.constant 0 : i32
          %dma_wait3A_107 = arith.constant 0 : i32
          %dma_wait3A_108 = arith.constant 0 : i32
          %dma_wait3A_109 = arith.constant 0 : i32
          %dma_wait3A_110 = arith.constant 0 : i32
          %dma_wait3A_111 = tpu.memref_slice %arg8[%dma_wait3A_108, %dma_wait3A_109, %dma_wait3A_110] : memref<2x1152x32xi32, #tpu.memory_space<vmem>> -> memref<1x128x32xi32, #tpu.memory_space<vmem>>
          %dma_wait3A_112 = tpu.memref_squeeze %dma_wait3A_111 : memref<1x128x32xi32, #tpu.memory_space<vmem>> -> memref<128x32xi32, #tpu.memory_space<vmem>>
          %dma_wait3A_113 = arith.constant 0 : i32
          %dma_wait3A_114 = tpu.memref_slice %arg7[%dma_wait3A_106, %dma_wait3A_107, %dma_wait3A_113] : memref<2x9x128xi32, #tpu.memory_space<vmem>> -> memref<1x1x128xi32, #tpu.memory_space<vmem>>
          %dma_wait3A_115 = tpu.memref_squeeze %dma_wait3A_114 : memref<1x1x128xi32, #tpu.memory_space<vmem>> -> memref<128xi32, #tpu.memory_space<vmem>>
          %dma_wait3A_116 = arith.constant 0 : i32
          %dma_wait3A_117 = arith.constant 0 : i32
          %dma_wait3A_118 = tpu.memref_slice %arg3[%dma_wait3A_116, %dma_wait3A_117] : memref<98304x32xi32, #tpu.memory_space<hbm>> -> memref<98304x32xi32, #tpu.memory_space<hbm>>
          tpu.wait_indirect_dma semaphore(%arg12 : memref<!tpu.dma_semaphore, #tpu.memory_space<semaphore_mem>>) src(%dma_wait3A_118 : memref<98304x32xi32, #tpu.memory_space<hbm>>) dst(%dma_wait3A_112 : memref<128x32xi32, #tpu.memory_space<vmem>>)
        }
        %scan3A_93 = arith.constant 9 : i32
        %broadcast_in_dim3A = arith.constant -65536 : i32
        %broadcast_in_dim3A_94 = vector.broadcast %broadcast_in_dim3A : i32 to vector<16xi32>
        %iota3A = tpu.iota {dimensions = array<i32: 0>} : vector<16xi32>
        %broadcast_in_dim3A_95 = arith.constant 0.000000e+00 : f32
        %broadcast_in_dim3A_96 = vector.broadcast %broadcast_in_dim3A_95 : f32 to vector<16xf32>
        %scan3A_97 = arith.constant 0 : i32
        %scan3A_98 = arith.constant 128 : i32
        %scan3A_99 = arith.addi %scan3A_97, %scan3A_98 : i32
        %scan3A_100 = arith.constant 1 : i32
        %scan3A_101 = scf.for %scan3A_105 = %scan3A_97 to %scan3A_99 step %scan3A_100 iter_args(%scan3A_106 = %broadcast_in_dim3A_96) -> (vector<16xf32>)  : i32 {
          %get3A = arith.constant 0 : i32
          %get3A_107 = arith.index_cast %get3A : i32 to index
          %get3A_108 = arith.index_cast %scan3A_105 : i32 to index
          %get3A_109 = arith.constant 0 : index
          %get3A_110 = tpu.vector_load %arg6[%get3A_107, %get3A_108, %get3A_109] {strides = array<i32>} : memref<2x128x64xf32, #tpu.memory_space<vmem>>, vector<16xf32>,
          %get3A_111 = arith.constant 0 : i32
          %get3A_112 = arith.index_cast %get3A_111 : i32 to index
          %get3A_113 = arith.index_cast %scan3A_105 : i32 to index
          %get3A_114 = arith.constant 16 : index
          %get3A_115 = tpu.vector_load %arg6[%get3A_112, %get3A_113, %get3A_114] {strides = array<i32>} : memref<2x128x64xf32, #tpu.memory_space<vmem>>, vector<16xf32>,
          %get3A_116 = arith.constant 0 : i32
          %get3A_117 = arith.index_cast %get3A_116 : i32 to index
          %get3A_118 = arith.index_cast %scan3A_105 : i32 to index
          %get3A_119 = arith.constant 32 : index
          %get3A_120 = tpu.vector_load %arg6[%get3A_117, %get3A_118, %get3A_119] {strides = array<i32>} : memref<2x128x64xf32, #tpu.memory_space<vmem>>, vector<16xf32>,
          %get3A_121 = arith.constant 0 : i32
          %get3A_122 = arith.index_cast %get3A_121 : i32 to index
          %get3A_123 = arith.index_cast %scan3A_105 : i32 to index
          %get3A_124 = arith.constant 48 : index
          %get3A_125 = tpu.vector_load %arg6[%get3A_122, %get3A_123, %get3A_124] {strides = array<i32>} : memref<2x128x64xf32, #tpu.memory_space<vmem>>, vector<16xf32>,
          %mul3A_126 = arith.constant 9 : i32
          %mul3A_127 = arith.muli %scan3A_105, %mul3A_126 : i32
          %add3A_128 = arith.constant 0 : i32
          %add3A_129 = arith.addi %mul3A_127, %add3A_128 : i32
          %get3A_130 = arith.constant 0 : i32
          %get3A_131 = arith.index_cast %get3A_130 : i32 to index
          %get3A_132 = arith.index_cast %add3A_129 : i32 to index
          %get3A_133 = arith.constant 0 : index
          %get3A_134 = tpu.vector_load %arg8[%get3A_131, %get3A_132, %get3A_133] {strides = array<i32>} : memref<2x1152x32xi32, #tpu.memory_space<vmem>>, vector<16xi32>,
          %get3A_135 = arith.constant 0 : i32
          %get3A_136 = arith.index_cast %get3A_135 : i32 to index
          %get3A_137 = arith.index_cast %add3A_129 : i32 to index
          %get3A_138 = arith.constant 16 : index
          %get3A_139 = tpu.vector_load %arg8[%get3A_136, %get3A_137, %get3A_138] {strides = array<i32>} : memref<2x1152x32xi32, #tpu.memory_space<vmem>>, vector<16xi32>,
          %shift_left3A = arith.constant 16 : i32
          %shift_left3A_140 = vector.broadcast %shift_left3A : i32 to vector<16xi32>
          %shift_left3A_141 = arith.shli %get3A_134, %shift_left3A_140 : vector<16xi32>
          %bitcast3A = vector.bitcast %shift_left3A_141 : vector<16xi32> to vector<16xf32>
          %mul3A_142 = arith.mulf %get3A_110, %bitcast3A : vector<16xf32>
          %shift_left3A_143 = arith.constant 16 : i32
          %shift_left3A_144 = vector.broadcast %shift_left3A_143 : i32 to vector<16xi32>
          %shift_left3A_145 = arith.shli %get3A_139, %shift_left3A_144 : vector<16xi32>
          %bitcast3A_146 = vector.bitcast %shift_left3A_145 : vector<16xi32> to vector<16xf32>
          %mul3A_147 = arith.mulf %get3A_115, %bitcast3A_146 : vector<16xf32>
          %add3A_148 = arith.addf %mul3A_142, %mul3A_147 : vector<16xf32>
          %and3A_149 = arith.andi %get3A_134, %broadcast_in_dim3A_94 : vector<16xi32>
          %bitcast3A_150 = vector.bitcast %and3A_149 : vector<16xi32> to vector<16xf32>
          %mul3A_151 = arith.mulf %get3A_120, %bitcast3A_150 : vector<16xf32>
          %add3A_152 = arith.addf %add3A_148, %mul3A_151 : vector<16xf32>
          %and3A_153 = arith.andi %get3A_139, %broadcast_in_dim3A_94 : vector<16xi32>
          %bitcast3A_154 = vector.bitcast %and3A_153 : vector<16xi32> to vector<16xf32>
          %mul3A_155 = arith.mulf %get3A_125, %bitcast3A_154 : vector<16xf32>
          %add3A_156 = arith.addf %add3A_152, %mul3A_155 : vector<16xf32>
          %reduce_sum3A = arith.constant true
          %reduce_sum3A_157 = vector.broadcast %reduce_sum3A : i1 to vector<16xi1>
          %reduce_sum3A_158 = tpu.scan <sum>, %add3A_156 masked %reduce_sum3A_157 : vector<16xf32>, vector<16xi1> -> vector<16xf32>
          %reduce_sum3A_159 = vector.extract %reduce_sum3A_158[15] : f32 from vector<16xf32>
          %mul3A_160 = arith.constant 9 : i32
          %mul3A_161 = arith.muli %scan3A_105, %mul3A_160 : i32
          %add3A_162 = arith.constant 1 : i32
          %add3A_163 = arith.addi %mul3A_161, %add3A_162 : i32
          %get3A_164 = arith.constant 0 : i32
          %get3A_165 = arith.index_cast %get3A_164 : i32 to index
          %get3A_166 = arith.index_cast %add3A_163 : i32 to index
          %get3A_167 = arith.constant 0 : index
          %get3A_168 = tpu.vector_load %arg8[%get3A_165, %get3A_166, %get3A_167] {strides = array<i32>} : memref<2x1152x32xi32, #tpu.memory_space<vmem>>, vector<16xi32>,
          %get3A_169 = arith.constant 0 : i32
          %get3A_170 = arith.index_cast %get3A_169 : i32 to index
          %get3A_171 = arith.index_cast %add3A_163 : i32 to index
          %get3A_172 = arith.constant 16 : index
          %get3A_173 = tpu.vector_load %arg8[%get3A_170, %get3A_171, %get3A_172] {strides = array<i32>} : memref<2x1152x32xi32, #tpu.memory_space<vmem>>, vector<16xi32>,
          %shift_left3A_174 = arith.constant 16 : i32
          %shift_left3A_175 = vector.broadcast %shift_left3A_174 : i32 to vector<16xi32>
          %shift_left3A_176 = arith.shli %get3A_168, %shift_left3A_175 : vector<16xi32>
          %bitcast3A_177 = vector.bitcast %shift_left3A_176 : vector<16xi32> to vector<16xf32>
          %mul3A_178 = arith.mulf %get3A_110, %bitcast3A_177 : vector<16xf32>
          %shift_left3A_179 = arith.constant 16 : i32
          %shift_left3A_180 = vector.broadcast %shift_left3A_179 : i32 to vector<16xi32>
          %shift_left3A_181 = arith.shli %get3A_173, %shift_left3A_180 : vector<16xi32>
          %bitcast3A_182 = vector.bitcast %shift_left3A_181 : vector<16xi32> to vector<16xf32>
          %mul3A_183 = arith.mulf %get3A_115, %bitcast3A_182 : vector<16xf32>
          %add3A_184 = arith.addf %mul3A_178, %mul3A_183 : vector<16xf32>
          %and3A_185 = arith.andi %get3A_168, %broadcast_in_dim3A_94 : vector<16xi32>
          %bitcast3A_186 = vector.bitcast %and3A_185 : vector<16xi32> to vector<16xf32>
          %mul3A_187 = arith.mulf %get3A_120, %bitcast3A_186 : vector<16xf32>
          %add3A_188 = arith.addf %add3A_184, %mul3A_187 : vector<16xf32>
          %and3A_189 = arith.andi %get3A_173, %broadcast_in_dim3A_94 : vector<16xi32>
          %bitcast3A_190 = vector.bitcast %and3A_189 : vector<16xi32> to vector<16xf32>
          %mul3A_191 = arith.mulf %get3A_125, %bitcast3A_190 : vector<16xf32>
          %add3A_192 = arith.addf %add3A_188, %mul3A_191 : vector<16xf32>
          %reduce_sum3A_193 = arith.constant true
          %reduce_sum3A_194 = vector.broadcast %reduce_sum3A_193 : i1 to vector<16xi1>
          %reduce_sum3A_195 = tpu.scan <sum>, %add3A_192 masked %reduce_sum3A_194 : vector<16xf32>, vector<16xi1> -> vector<16xf32>
          %reduce_sum3A_196 = vector.extract %reduce_sum3A_195[15] : f32 from vector<16xf32>
          %mul3A_197 = arith.constant 9 : i32
          %mul3A_198 = arith.muli %scan3A_105, %mul3A_197 : i32
          %add3A_199 = arith.constant 2 : i32
          %add3A_200 = arith.addi %mul3A_198, %add3A_199 : i32
          %get3A_201 = arith.constant 0 : i32
          %get3A_202 = arith.index_cast %get3A_201 : i32 to index
          %get3A_203 = arith.index_cast %add3A_200 : i32 to index
          %get3A_204 = arith.constant 0 : index
          %get3A_205 = tpu.vector_load %arg8[%get3A_202, %get3A_203, %get3A_204] {strides = array<i32>} : memref<2x1152x32xi32, #tpu.memory_space<vmem>>, vector<16xi32>,
          %get3A_206 = arith.constant 0 : i32
          %get3A_207 = arith.index_cast %get3A_206 : i32 to index
          %get3A_208 = arith.index_cast %add3A_200 : i32 to index
          %get3A_209 = arith.constant 16 : index
          %get3A_210 = tpu.vector_load %arg8[%get3A_207, %get3A_208, %get3A_209] {strides = array<i32>} : memref<2x1152x32xi32, #tpu.memory_space<vmem>>, vector<16xi32>,
          %shift_left3A_211 = arith.constant 16 : i32
          %shift_left3A_212 = vector.broadcast %shift_left3A_211 : i32 to vector<16xi32>
          %shift_left3A_213 = arith.shli %get3A_205, %shift_left3A_212 : vector<16xi32>
          %bitcast3A_214 = vector.bitcast %shift_left3A_213 : vector<16xi32> to vector<16xf32>
          %mul3A_215 = arith.mulf %get3A_110, %bitcast3A_214 : vector<16xf32>
          %shift_left3A_216 = arith.constant 16 : i32
          %shift_left3A_217 = vector.broadcast %shift_left3A_216 : i32 to vector<16xi32>
          %shift_left3A_218 = arith.shli %get3A_210, %shift_left3A_217 : vector<16xi32>
          %bitcast3A_219 = vector.bitcast %shift_left3A_218 : vector<16xi32> to vector<16xf32>
          %mul3A_220 = arith.mulf %get3A_115, %bitcast3A_219 : vector<16xf32>
          %add3A_221 = arith.addf %mul3A_215, %mul3A_220 : vector<16xf32>
          %and3A_222 = arith.andi %get3A_205, %broadcast_in_dim3A_94 : vector<16xi32>
          %bitcast3A_223 = vector.bitcast %and3A_222 : vector<16xi32> to vector<16xf32>
          %mul3A_224 = arith.mulf %get3A_120, %bitcast3A_223 : vector<16xf32>
          %add3A_225 = arith.addf %add3A_221, %mul3A_224 : vector<16xf32>
          %and3A_226 = arith.andi %get3A_210, %broadcast_in_dim3A_94 : vector<16xi32>
          %bitcast3A_227 = vector.bitcast %and3A_226 : vector<16xi32> to vector<16xf32>
          %mul3A_228 = arith.mulf %get3A_125, %bitcast3A_227 : vector<16xf32>
          %add3A_229 = arith.addf %add3A_225, %mul3A_228 : vector<16xf32>
          %reduce_sum3A_230 = arith.constant true
          %reduce_sum3A_231 = vector.broadcast %reduce_sum3A_230 : i1 to vector<16xi1>
          %reduce_sum3A_232 = tpu.scan <sum>, %add3A_229 masked %reduce_sum3A_231 : vector<16xf32>, vector<16xi1> -> vector<16xf32>
          %reduce_sum3A_233 = vector.extract %reduce_sum3A_232[15] : f32 from vector<16xf32>
          %mul3A_234 = arith.constant 9 : i32
          %mul3A_235 = arith.muli %scan3A_105, %mul3A_234 : i32
          %add3A_236 = arith.constant 3 : i32
          %add3A_237 = arith.addi %mul3A_235, %add3A_236 : i32
          %get3A_238 = arith.constant 0 : i32
          %get3A_239 = arith.index_cast %get3A_238 : i32 to index
          %get3A_240 = arith.index_cast %add3A_237 : i32 to index
          %get3A_241 = arith.constant 0 : index
          %get3A_242 = tpu.vector_load %arg8[%get3A_239, %get3A_240, %get3A_241] {strides = array<i32>} : memref<2x1152x32xi32, #tpu.memory_space<vmem>>, vector<16xi32>,
          %get3A_243 = arith.constant 0 : i32
          %get3A_244 = arith.index_cast %get3A_243 : i32 to index
          %get3A_245 = arith.index_cast %add3A_237 : i32 to index
          %get3A_246 = arith.constant 16 : index
          %get3A_247 = tpu.vector_load %arg8[%get3A_244, %get3A_245, %get3A_246] {strides = array<i32>} : memref<2x1152x32xi32, #tpu.memory_space<vmem>>, vector<16xi32>,
          %shift_left3A_248 = arith.constant 16 : i32
          %shift_left3A_249 = vector.broadcast %shift_left3A_248 : i32 to vector<16xi32>
          %shift_left3A_250 = arith.shli %get3A_242, %shift_left3A_249 : vector<16xi32>
          %bitcast3A_251 = vector.bitcast %shift_left3A_250 : vector<16xi32> to vector<16xf32>
          %mul3A_252 = arith.mulf %get3A_110, %bitcast3A_251 : vector<16xf32>
          %shift_left3A_253 = arith.constant 16 : i32
          %shift_left3A_254 = vector.broadcast %shift_left3A_253 : i32 to vector<16xi32>
          %shift_left3A_255 = arith.shli %get3A_247, %shift_left3A_254 : vector<16xi32>
          %bitcast3A_256 = vector.bitcast %shift_left3A_255 : vector<16xi32> to vector<16xf32>
          %mul3A_257 = arith.mulf %get3A_115, %bitcast3A_256 : vector<16xf32>
          %add3A_258 = arith.addf %mul3A_252, %mul3A_257 : vector<16xf32>
          %and3A_259 = arith.andi %get3A_242, %broadcast_in_dim3A_94 : vector<16xi32>
          %bitcast3A_260 = vector.bitcast %and3A_259 : vector<16xi32> to vector<16xf32>
          %mul3A_261 = arith.mulf %get3A_120, %bitcast3A_260 : vector<16xf32>
          %add3A_262 = arith.addf %add3A_258, %mul3A_261 : vector<16xf32>
          %and3A_263 = arith.andi %get3A_247, %broadcast_in_dim3A_94 : vector<16xi32>
          %bitcast3A_264 = vector.bitcast %and3A_263 : vector<16xi32> to vector<16xf32>
          %mul3A_265 = arith.mulf %get3A_125, %bitcast3A_264 : vector<16xf32>
          %add3A_266 = arith.addf %add3A_262, %mul3A_265 : vector<16xf32>
          %reduce_sum3A_267 = arith.constant true
          %reduce_sum3A_268 = vector.broadcast %reduce_sum3A_267 : i1 to vector<16xi1>
          %reduce_sum3A_269 = tpu.scan <sum>, %add3A_266 masked %reduce_sum3A_268 : vector<16xf32>, vector<16xi1> -> vector<16xf32>
          %reduce_sum3A_270 = vector.extract %reduce_sum3A_269[15] : f32 from vector<16xf32>
          %mul3A_271 = arith.constant 9 : i32
          %mul3A_272 = arith.muli %scan3A_105, %mul3A_271 : i32
          %add3A_273 = arith.constant 4 : i32
          %add3A_274 = arith.addi %mul3A_272, %add3A_273 : i32
          %get3A_275 = arith.constant 0 : i32
          %get3A_276 = arith.index_cast %get3A_275 : i32 to index
          %get3A_277 = arith.index_cast %add3A_274 : i32 to index
          %get3A_278 = arith.constant 0 : index
          %get3A_279 = tpu.vector_load %arg8[%get3A_276, %get3A_277, %get3A_278] {strides = array<i32>} : memref<2x1152x32xi32, #tpu.memory_space<vmem>>, vector<16xi32>,
          %get3A_280 = arith.constant 0 : i32
          %get3A_281 = arith.index_cast %get3A_280 : i32 to index
          %get3A_282 = arith.index_cast %add3A_274 : i32 to index
          %get3A_283 = arith.constant 16 : index
          %get3A_284 = tpu.vector_load %arg8[%get3A_281, %get3A_282, %get3A_283] {strides = array<i32>} : memref<2x1152x32xi32, #tpu.memory_space<vmem>>, vector<16xi32>,
          %shift_left3A_285 = arith.constant 16 : i32
          %shift_left3A_286 = vector.broadcast %shift_left3A_285 : i32 to vector<16xi32>
          %shift_left3A_287 = arith.shli %get3A_279, %shift_left3A_286 : vector<16xi32>
          %bitcast3A_288 = vector.bitcast %shift_left3A_287 : vector<16xi32> to vector<16xf32>
          %mul3A_289 = arith.mulf %get3A_110, %bitcast3A_288 : vector<16xf32>
          %shift_left3A_290 = arith.constant 16 : i32
          %shift_left3A_291 = vector.broadcast %shift_left3A_290 : i32 to vector<16xi32>
          %shift_left3A_292 = arith.shli %get3A_284, %shift_left3A_291 : vector<16xi32>
          %bitcast3A_293 = vector.bitcast %shift_left3A_292 : vector<16xi32> to vector<16xf32>
          %mul3A_294 = arith.mulf %get3A_115, %bitcast3A_293 : vector<16xf32>
          %add3A_295 = arith.addf %mul3A_289, %mul3A_294 : vector<16xf32>
          %and3A_296 = arith.andi %get3A_279, %broadcast_in_dim3A_94 : vector<16xi32>
          %bitcast3A_297 = vector.bitcast %and3A_296 : vector<16xi32> to vector<16xf32>
          %mul3A_298 = arith.mulf %get3A_120, %bitcast3A_297 : vector<16xf32>
          %add3A_299 = arith.addf %add3A_295, %mul3A_298 : vector<16xf32>
          %and3A_300 = arith.andi %get3A_284, %broadcast_in_dim3A_94 : vector<16xi32>
          %bitcast3A_301 = vector.bitcast %and3A_300 : vector<16xi32> to vector<16xf32>
          %mul3A_302 = arith.mulf %get3A_125, %bitcast3A_301 : vector<16xf32>
          %add3A_303 = arith.addf %add3A_299, %mul3A_302 : vector<16xf32>
          %reduce_sum3A_304 = arith.constant true
          %reduce_sum3A_305 = vector.broadcast %reduce_sum3A_304 : i1 to vector<16xi1>
          %reduce_sum3A_306 = tpu.scan <sum>, %add3A_303 masked %reduce_sum3A_305 : vector<16xf32>, vector<16xi1> -> vector<16xf32>
          %reduce_sum3A_307 = vector.extract %reduce_sum3A_306[15] : f32 from vector<16xf32>
          %mul3A_308 = arith.constant 9 : i32
          %mul3A_309 = arith.muli %scan3A_105, %mul3A_308 : i32
          %add3A_310 = arith.constant 5 : i32
          %add3A_311 = arith.addi %mul3A_309, %add3A_310 : i32
          %get3A_312 = arith.constant 0 : i32
          %get3A_313 = arith.index_cast %get3A_312 : i32 to index
          %get3A_314 = arith.index_cast %add3A_311 : i32 to index
          %get3A_315 = arith.constant 0 : index
          %get3A_316 = tpu.vector_load %arg8[%get3A_313, %get3A_314, %get3A_315] {strides = array<i32>} : memref<2x1152x32xi32, #tpu.memory_space<vmem>>, vector<16xi32>,
          %get3A_317 = arith.constant 0 : i32
          %get3A_318 = arith.index_cast %get3A_317 : i32 to index
          %get3A_319 = arith.index_cast %add3A_311 : i32 to index
          %get3A_320 = arith.constant 16 : index
          %get3A_321 = tpu.vector_load %arg8[%get3A_318, %get3A_319, %get3A_320] {strides = array<i32>} : memref<2x1152x32xi32, #tpu.memory_space<vmem>>, vector<16xi32>,
          %shift_left3A_322 = arith.constant 16 : i32
          %shift_left3A_323 = vector.broadcast %shift_left3A_322 : i32 to vector<16xi32>
          %shift_left3A_324 = arith.shli %get3A_316, %shift_left3A_323 : vector<16xi32>
          %bitcast3A_325 = vector.bitcast %shift_left3A_324 : vector<16xi32> to vector<16xf32>
          %mul3A_326 = arith.mulf %get3A_110, %bitcast3A_325 : vector<16xf32>
          %shift_left3A_327 = arith.constant 16 : i32
          %shift_left3A_328 = vector.broadcast %shift_left3A_327 : i32 to vector<16xi32>
          %shift_left3A_329 = arith.shli %get3A_321, %shift_left3A_328 : vector<16xi32>
          %bitcast3A_330 = vector.bitcast %shift_left3A_329 : vector<16xi32> to vector<16xf32>
          %mul3A_331 = arith.mulf %get3A_115, %bitcast3A_330 : vector<16xf32>
          %add3A_332 = arith.addf %mul3A_326, %mul3A_331 : vector<16xf32>
          %and3A_333 = arith.andi %get3A_316, %broadcast_in_dim3A_94 : vector<16xi32>
          %bitcast3A_334 = vector.bitcast %and3A_333 : vector<16xi32> to vector<16xf32>
          %mul3A_335 = arith.mulf %get3A_120, %bitcast3A_334 : vector<16xf32>
          %add3A_336 = arith.addf %add3A_332, %mul3A_335 : vector<16xf32>
          %and3A_337 = arith.andi %get3A_321, %broadcast_in_dim3A_94 : vector<16xi32>
          %bitcast3A_338 = vector.bitcast %and3A_337 : vector<16xi32> to vector<16xf32>
          %mul3A_339 = arith.mulf %get3A_125, %bitcast3A_338 : vector<16xf32>
          %add3A_340 = arith.addf %add3A_336, %mul3A_339 : vector<16xf32>
          %reduce_sum3A_341 = arith.constant true
          %reduce_sum3A_342 = vector.broadcast %reduce_sum3A_341 : i1 to vector<16xi1>
          %reduce_sum3A_343 = tpu.scan <sum>, %add3A_340 masked %reduce_sum3A_342 : vector<16xf32>, vector<16xi1> -> vector<16xf32>
          %reduce_sum3A_344 = vector.extract %reduce_sum3A_343[15] : f32 from vector<16xf32>
          %mul3A_345 = arith.constant 9 : i32
          %mul3A_346 = arith.muli %scan3A_105, %mul3A_345 : i32
          %add3A_347 = arith.constant 6 : i32
          %add3A_348 = arith.addi %mul3A_346, %add3A_347 : i32
          %get3A_349 = arith.constant 0 : i32
          %get3A_350 = arith.index_cast %get3A_349 : i32 to index
          %get3A_351 = arith.index_cast %add3A_348 : i32 to index
          %get3A_352 = arith.constant 0 : index
          %get3A_353 = tpu.vector_load %arg8[%get3A_350, %get3A_351, %get3A_352] {strides = array<i32>} : memref<2x1152x32xi32, #tpu.memory_space<vmem>>, vector<16xi32>,
          %get3A_354 = arith.constant 0 : i32
          %get3A_355 = arith.index_cast %get3A_354 : i32 to index
          %get3A_356 = arith.index_cast %add3A_348 : i32 to index
          %get3A_357 = arith.constant 16 : index
          %get3A_358 = tpu.vector_load %arg8[%get3A_355, %get3A_356, %get3A_357] {strides = array<i32>} : memref<2x1152x32xi32, #tpu.memory_space<vmem>>, vector<16xi32>,
          %shift_left3A_359 = arith.constant 16 : i32
          %shift_left3A_360 = vector.broadcast %shift_left3A_359 : i32 to vector<16xi32>
          %shift_left3A_361 = arith.shli %get3A_353, %shift_left3A_360 : vector<16xi32>
          %bitcast3A_362 = vector.bitcast %shift_left3A_361 : vector<16xi32> to vector<16xf32>
          %mul3A_363 = arith.mulf %get3A_110, %bitcast3A_362 : vector<16xf32>
          %shift_left3A_364 = arith.constant 16 : i32
          %shift_left3A_365 = vector.broadcast %shift_left3A_364 : i32 to vector<16xi32>
          %shift_left3A_366 = arith.shli %get3A_358, %shift_left3A_365 : vector<16xi32>
          %bitcast3A_367 = vector.bitcast %shift_left3A_366 : vector<16xi32> to vector<16xf32>
          %mul3A_368 = arith.mulf %get3A_115, %bitcast3A_367 : vector<16xf32>
          %add3A_369 = arith.addf %mul3A_363, %mul3A_368 : vector<16xf32>
          %and3A_370 = arith.andi %get3A_353, %broadcast_in_dim3A_94 : vector<16xi32>
          %bitcast3A_371 = vector.bitcast %and3A_370 : vector<16xi32> to vector<16xf32>
          %mul3A_372 = arith.mulf %get3A_120, %bitcast3A_371 : vector<16xf32>
          %add3A_373 = arith.addf %add3A_369, %mul3A_372 : vector<16xf32>
          %and3A_374 = arith.andi %get3A_358, %broadcast_in_dim3A_94 : vector<16xi32>
          %bitcast3A_375 = vector.bitcast %and3A_374 : vector<16xi32> to vector<16xf32>
          %mul3A_376 = arith.mulf %get3A_125, %bitcast3A_375 : vector<16xf32>
          %add3A_377 = arith.addf %add3A_373, %mul3A_376 : vector<16xf32>
          %reduce_sum3A_378 = arith.constant true
          %reduce_sum3A_379 = vector.broadcast %reduce_sum3A_378 : i1 to vector<16xi1>
          %reduce_sum3A_380 = tpu.scan <sum>, %add3A_377 masked %reduce_sum3A_379 : vector<16xf32>, vector<16xi1> -> vector<16xf32>
          %reduce_sum3A_381 = vector.extract %reduce_sum3A_380[15] : f32 from vector<16xf32>
          %mul3A_382 = arith.constant 9 : i32
          %mul3A_383 = arith.muli %scan3A_105, %mul3A_382 : i32
          %add3A_384 = arith.constant 7 : i32
          %add3A_385 = arith.addi %mul3A_383, %add3A_384 : i32
          %get3A_386 = arith.constant 0 : i32
          %get3A_387 = arith.index_cast %get3A_386 : i32 to index
          %get3A_388 = arith.index_cast %add3A_385 : i32 to index
          %get3A_389 = arith.constant 0 : index
          %get3A_390 = tpu.vector_load %arg8[%get3A_387, %get3A_388, %get3A_389] {strides = array<i32>} : memref<2x1152x32xi32, #tpu.memory_space<vmem>>, vector<16xi32>,
          %get3A_391 = arith.constant 0 : i32
          %get3A_392 = arith.index_cast %get3A_391 : i32 to index
          %get3A_393 = arith.index_cast %add3A_385 : i32 to index
          %get3A_394 = arith.constant 16 : index
          %get3A_395 = tpu.vector_load %arg8[%get3A_392, %get3A_393, %get3A_394] {strides = array<i32>} : memref<2x1152x32xi32, #tpu.memory_space<vmem>>, vector<16xi32>,
          %shift_left3A_396 = arith.constant 16 : i32
          %shift_left3A_397 = vector.broadcast %shift_left3A_396 : i32 to vector<16xi32>
          %shift_left3A_398 = arith.shli %get3A_390, %shift_left3A_397 : vector<16xi32>
          %bitcast3A_399 = vector.bitcast %shift_left3A_398 : vector<16xi32> to vector<16xf32>
          %mul3A_400 = arith.mulf %get3A_110, %bitcast3A_399 : vector<16xf32>
          %shift_left3A_401 = arith.constant 16 : i32
          %shift_left3A_402 = vector.broadcast %shift_left3A_401 : i32 to vector<16xi32>
          %shift_left3A_403 = arith.shli %get3A_395, %shift_left3A_402 : vector<16xi32>
          %bitcast3A_404 = vector.bitcast %shift_left3A_403 : vector<16xi32> to vector<16xf32>
          %mul3A_405 = arith.mulf %get3A_115, %bitcast3A_404 : vector<16xf32>
          %add3A_406 = arith.addf %mul3A_400, %mul3A_405 : vector<16xf32>
          %and3A_407 = arith.andi %get3A_390, %broadcast_in_dim3A_94 : vector<16xi32>
          %bitcast3A_408 = vector.bitcast %and3A_407 : vector<16xi32> to vector<16xf32>
          %mul3A_409 = arith.mulf %get3A_120, %bitcast3A_408 : vector<16xf32>
          %add3A_410 = arith.addf %add3A_406, %mul3A_409 : vector<16xf32>
          %and3A_411 = arith.andi %get3A_395, %broadcast_in_dim3A_94 : vector<16xi32>
          %bitcast3A_412 = vector.bitcast %and3A_411 : vector<16xi32> to vector<16xf32>
          %mul3A_413 = arith.mulf %get3A_125, %bitcast3A_412 : vector<16xf32>
          %add3A_414 = arith.addf %add3A_410, %mul3A_413 : vector<16xf32>
          %reduce_sum3A_415 = arith.constant true
          %reduce_sum3A_416 = vector.broadcast %reduce_sum3A_415 : i1 to vector<16xi1>
          %reduce_sum3A_417 = tpu.scan <sum>, %add3A_414 masked %reduce_sum3A_416 : vector<16xf32>, vector<16xi1> -> vector<16xf32>
          %reduce_sum3A_418 = vector.extract %reduce_sum3A_417[15] : f32 from vector<16xf32>
          %mul3A_419 = arith.constant 9 : i32
          %mul3A_420 = arith.muli %scan3A_105, %mul3A_419 : i32
          %add3A_421 = arith.constant 8 : i32
          %add3A_422 = arith.addi %mul3A_420, %add3A_421 : i32
          %get3A_423 = arith.constant 0 : i32
          %get3A_424 = arith.index_cast %get3A_423 : i32 to index
          %get3A_425 = arith.index_cast %add3A_422 : i32 to index
          %get3A_426 = arith.constant 0 : index
          %get3A_427 = tpu.vector_load %arg8[%get3A_424, %get3A_425, %get3A_426] {strides = array<i32>} : memref<2x1152x32xi32, #tpu.memory_space<vmem>>, vector<16xi32>,
          %get3A_428 = arith.constant 0 : i32
          %get3A_429 = arith.index_cast %get3A_428 : i32 to index
          %get3A_430 = arith.index_cast %add3A_422 : i32 to index
          %get3A_431 = arith.constant 16 : index
          %get3A_432 = tpu.vector_load %arg8[%get3A_429, %get3A_430, %get3A_431] {strides = array<i32>} : memref<2x1152x32xi32, #tpu.memory_space<vmem>>, vector<16xi32>,
          %shift_left3A_433 = arith.constant 16 : i32
          %shift_left3A_434 = vector.broadcast %shift_left3A_433 : i32 to vector<16xi32>
          %shift_left3A_435 = arith.shli %get3A_427, %shift_left3A_434 : vector<16xi32>
          %bitcast3A_436 = vector.bitcast %shift_left3A_435 : vector<16xi32> to vector<16xf32>
          %mul3A_437 = arith.mulf %get3A_110, %bitcast3A_436 : vector<16xf32>
          %shift_left3A_438 = arith.constant 16 : i32
          %shift_left3A_439 = vector.broadcast %shift_left3A_438 : i32 to vector<16xi32>
          %shift_left3A_440 = arith.shli %get3A_432, %shift_left3A_439 : vector<16xi32>
          %bitcast3A_441 = vector.bitcast %shift_left3A_440 : vector<16xi32> to vector<16xf32>
          %mul3A_442 = arith.mulf %get3A_115, %bitcast3A_441 : vector<16xf32>
          %add3A_443 = arith.addf %mul3A_437, %mul3A_442 : vector<16xf32>
          %and3A_444 = arith.andi %get3A_427, %broadcast_in_dim3A_94 : vector<16xi32>
          %bitcast3A_445 = vector.bitcast %and3A_444 : vector<16xi32> to vector<16xf32>
          %mul3A_446 = arith.mulf %get3A_120, %bitcast3A_445 : vector<16xf32>
          %add3A_447 = arith.addf %add3A_443, %mul3A_446 : vector<16xf32>
          %and3A_448 = arith.andi %get3A_432, %broadcast_in_dim3A_94 : vector<16xi32>
          %bitcast3A_449 = vector.bitcast %and3A_448 : vector<16xi32> to vector<16xf32>
          %mul3A_450 = arith.mulf %get3A_125, %bitcast3A_449 : vector<16xf32>
          %add3A_451 = arith.addf %add3A_447, %mul3A_450 : vector<16xf32>
          %reduce_sum3A_452 = arith.constant true
          %reduce_sum3A_453 = vector.broadcast %reduce_sum3A_452 : i1 to vector<16xi1>
          %reduce_sum3A_454 = tpu.scan <sum>, %add3A_451 masked %reduce_sum3A_453 : vector<16xf32>, vector<16xi1> -> vector<16xf32>
          %reduce_sum3A_455 = vector.extract %reduce_sum3A_454[15] : f32 from vector<16xf32>
          %max3A = arith.maximumf %reduce_sum3A_159, %reduce_sum3A_196 : f32
          %add3A_456 = arith.addf %reduce_sum3A_159, %reduce_sum3A_196 : f32
          %max3A_457 = arith.maximumf %max3A, %reduce_sum3A_233 : f32
          %add3A_458 = arith.addf %add3A_456, %reduce_sum3A_233 : f32
          %max3A_459 = arith.maximumf %max3A_457, %reduce_sum3A_270 : f32
          %add3A_460 = arith.addf %add3A_458, %reduce_sum3A_270 : f32
          %max3A_461 = arith.maximumf %max3A_459, %reduce_sum3A_307 : f32
          %add3A_462 = arith.addf %add3A_460, %reduce_sum3A_307 : f32
          %max3A_463 = arith.maximumf %max3A_461, %reduce_sum3A_344 : f32
          %add3A_464 = arith.addf %add3A_462, %reduce_sum3A_344 : f32
          %max3A_465 = arith.maximumf %max3A_463, %reduce_sum3A_381 : f32
          %add3A_466 = arith.addf %add3A_464, %reduce_sum3A_381 : f32
          %max3A_467 = arith.maximumf %max3A_465, %reduce_sum3A_418 : f32
          %add3A_468 = arith.addf %add3A_466, %reduce_sum3A_418 : f32
          %max3A_469 = arith.maximumf %max3A_467, %reduce_sum3A_455 : f32
          %add3A_470 = arith.addf %add3A_468, %reduce_sum3A_455 : f32
          %mul3A_471 = arith.constant 2.44140625E-4 : f32
          %mul3A_472 = arith.mulf %add3A_470, %mul3A_471 : f32
          %sub3A = arith.subf %max3A_469, %mul3A_472 : f32
          %jit3A_473 = arith.constant 16 : i32
          %eq3A_474 = arith.constant 0 : i32
          %eq3A_475 = arith.cmpi eq, %jit3A_473, %eq3A_474 : i32
          %jit3A_476 = arith.constant 1 : i32
          %select_n3A_477 = arith.select %eq3A_475, %jit3A_476, %jit3A_473 : i32
          %rem3A_478 = arith.remsi %scan3A_105, %select_n3A_477 : i32
          %ne3A_479 = arith.constant 0 : i32
          %ne3A_480 = arith.cmpi ne, %rem3A_478, %ne3A_479 : i32
          %lt3A_481 = arith.constant 0 : i32
          %lt3A_482 = arith.cmpi slt, %rem3A_478, %lt3A_481 : i32
          %lt3A_483 = arith.constant 0 : i32
          %lt3A_484 = arith.cmpi slt, %select_n3A_477, %lt3A_483 : i32
          %ne3A_485 = arith.xori %lt3A_482, %lt3A_484 : i1
          %and3A_486 = arith.andi %ne3A_485, %ne3A_480 : i1
          %add3A_487 = arith.addi %rem3A_478, %select_n3A_477 : i32
          %select_n3A_488 = arith.select %and3A_486, %add3A_487, %rem3A_478 : i32
          %eq3A_489 = vector.broadcast %select_n3A_488 : i32 to vector<16xi32>
          %eq3A_490 = arith.cmpi eq, %iota3A, %eq3A_489 : vector<16xi32>
          %broadcast_in_dim3A_491 = vector.broadcast %sub3A : f32 to vector<16xf32>
          %select_n3A_492 = arith.select %eq3A_490, %broadcast_in_dim3A_491, %scan3A_106 : vector<16xi1>, vector<16xf32>
          %jit3A_493 = arith.constant 16 : i32
          %eq3A_494 = arith.constant 0 : i32
          %eq3A_495 = arith.cmpi eq, %jit3A_493, %eq3A_494 : i32
          %jit3A_496 = arith.constant 1 : i32
          %select_n3A_497 = arith.select %eq3A_495, %jit3A_496, %jit3A_493 : i32
          %rem3A_498 = arith.remsi %scan3A_105, %select_n3A_497 : i32
          %ne3A_499 = arith.constant 0 : i32
          %ne3A_500 = arith.cmpi ne, %rem3A_498, %ne3A_499 : i32
          %lt3A_501 = arith.constant 0 : i32
          %lt3A_502 = arith.cmpi slt, %rem3A_498, %lt3A_501 : i32
          %lt3A_503 = arith.constant 0 : i32
          %lt3A_504 = arith.cmpi slt, %select_n3A_497, %lt3A_503 : i32
          %ne3A_505 = arith.xori %lt3A_502, %lt3A_504 : i1
          %and3A_506 = arith.andi %ne3A_505, %ne3A_500 : i1
          %add3A_507 = arith.addi %rem3A_498, %select_n3A_497 : i32
          %select_n3A_508 = arith.select %and3A_506, %add3A_507, %rem3A_498 : i32
          %eq3A_509 = arith.constant 15 : i32
          %eq3A_510 = arith.cmpi eq, %select_n3A_508, %eq3A_509 : i32
          %convert_element_type3A_511 = arith.extui %eq3A_510 : i1 to i32
          %cond3A_512 = arith.constant 0 : i32
          %cond3A_513 = arith.cmpi ne, %convert_element_type3A_511, %cond3A_512 : i32
          scf.if %cond3A_513 {
            %jit3A_514 = arith.constant 16 : i32
            %div3A = arith.divsi %scan3A_105, %jit3A_514 : i32
            %sign3A = arith.constant 0 : i32
            %sign3A_515 = arith.cmpi sgt, %scan3A_105, %sign3A : i32
            %sign3A_516 = arith.extui %sign3A_515 : i1 to i32
            %sign3A_517 = arith.constant 0 : i32
            %sign3A_518 = arith.cmpi slt, %scan3A_105, %sign3A_517 : i32
            %sign3A_519 = arith.extui %sign3A_518 : i1 to i32
            %sign3A_520 = arith.subi %sign3A_516, %sign3A_519 : i32
            %sign3A_521 = arith.constant 0 : i32
            %sign3A_522 = arith.cmpi sgt, %jit3A_514, %sign3A_521 : i32
            %sign3A_523 = arith.extui %sign3A_522 : i1 to i32
            %sign3A_524 = arith.constant 0 : i32
            %sign3A_525 = arith.cmpi slt, %jit3A_514, %sign3A_524 : i32
            %sign3A_526 = arith.extui %sign3A_525 : i1 to i32
            %sign3A_527 = arith.subi %sign3A_523, %sign3A_526 : i32
            %ne3A_528 = arith.cmpi ne, %sign3A_520, %sign3A_527 : i32
            %rem3A_529 = arith.remsi %scan3A_105, %jit3A_514 : i32
            %ne3A_530 = arith.constant 0 : i32
            %ne3A_531 = arith.cmpi ne, %rem3A_529, %ne3A_530 : i32
            %and3A_532 = arith.andi %ne3A_528, %ne3A_531 : i1
            %sub3A_533 = arith.constant 1 : i32
            %sub3A_534 = arith.subi %div3A, %sub3A_533 : i32
            %select_n3A_535 = arith.select %and3A_532, %sub3A_534, %div3A : i32
            %mul3A_536 = arith.constant 16 : i32
            %mul3A_537 = arith.muli %select_n3A_535, %mul3A_536 : i32
            %swap3A = arith.index_cast %mul3A_537 : i32 to index
            %swap3A_538 = tpu.vector_load %arg9[%swap3A] {strides = array<i32>} : memref<128xf32, #tpu.memory_space<vmem>>, vector<16xf32>,
            tpu.vector_store %arg9[%swap3A], %select_n3A_492 {strides = array<i32>} : memref<128xf32, #tpu.memory_space<vmem>>, vector<16xf32>,
          } else {
          }
          scf.yield %select_n3A_492 : vector<16xf32>
        }
        %scan3A_102 = arith.constant 128 : i32
        %mul3A_103 = arith.constant 128 : i32
        %mul3A_104 = arith.muli %add3A, %mul3A_103 : i32
        "tpu.region"() ({
          %run_scoped3A_105 = tpu.sem_alloc : memref<!tpu.dma_semaphore, #tpu.memory_space<semaphore_mem>>
          %dma_start3A_106 = tpu.memref_slice %arg5[%scan3A_30, %mul3A_104] : memref<24x4096xf32, #tpu.memory_space<hbm>> -> memref<1x128xf32, #tpu.memory_space<hbm>>
          %dma_start3A_107 = tpu.memref_squeeze %dma_start3A_106 : memref<1x128xf32, #tpu.memory_space<hbm>> -> memref<128xf32, #tpu.memory_space<hbm>>
          %dma_start3A_108 = tpu.memref_slice %arg5[%scan3A_30, %mul3A_104] : memref<24x4096xf32, #tpu.memory_space<hbm>> -> memref<1x128xf32, #tpu.memory_space<hbm>>
          %dma_start3A_109 = tpu.memref_squeeze %dma_start3A_108 : memref<1x128xf32, #tpu.memory_space<hbm>> -> memref<128xf32, #tpu.memory_space<hbm>>
          tpu.enqueue_dma source(%arg9 : memref<128xf32, #tpu.memory_space<vmem>>) target(%dma_start3A_109 : memref<128xf32, #tpu.memory_space<hbm>>) target_semaphore(%run_scoped3A_105 : memref<!tpu.dma_semaphore, #tpu.memory_space<semaphore_mem>>)
          %dma_wait3A_110 = tpu.memref_slice %arg5[%scan3A_30, %mul3A_104] : memref<24x4096xf32, #tpu.memory_space<hbm>> -> memref<1x128xf32, #tpu.memory_space<hbm>>
          %dma_wait3A_111 = tpu.memref_squeeze %dma_wait3A_110 : memref<1x128xf32, #tpu.memory_space<hbm>> -> memref<128xf32, #tpu.memory_space<hbm>>
          %dma_wait3A_112 = tpu.memref_slice %arg5[%scan3A_30, %mul3A_104] : memref<24x4096xf32, #tpu.memory_space<hbm>> -> memref<1x128xf32, #tpu.memory_space<hbm>>
          %dma_wait3A_113 = tpu.memref_squeeze %dma_wait3A_112 : memref<1x128xf32, #tpu.memory_space<hbm>> -> memref<128xf32, #tpu.memory_space<hbm>>
          tpu.wait_dma2 semaphore(%run_scoped3A_105 : memref<!tpu.dma_semaphore, #tpu.memory_space<semaphore_mem>>) src(%arg9 : memref<128xf32, #tpu.memory_space<vmem>>) dst(%dma_wait3A_113 : memref<128xf32, #tpu.memory_space<hbm>>)
          tpu.yield
        }) : () -> ()
      } else {
      }
      %jit3A_50 = arith.constant 2 : i32
      %eq3A_51 = arith.constant 0 : i32
      %eq3A_52 = arith.cmpi eq, %jit3A_50, %eq3A_51 : i32
      %jit3A_53 = arith.constant 1 : i32
      %select_n3A_54 = arith.select %eq3A_52, %jit3A_53, %jit3A_50 : i32
      %rem3A_55 = arith.remsi %scan3A_30, %select_n3A_54 : i32
      %ne3A_56 = arith.constant 0 : i32
      %ne3A_57 = arith.cmpi ne, %rem3A_55, %ne3A_56 : i32
      %lt3A_58 = arith.constant 0 : i32
      %lt3A_59 = arith.cmpi slt, %rem3A_55, %lt3A_58 : i32
      %lt3A_60 = arith.constant 0 : i32
      %lt3A_61 = arith.cmpi slt, %select_n3A_54, %lt3A_60 : i32
      %ne3A_62 = arith.xori %lt3A_59, %lt3A_61 : i1
      %and3A_63 = arith.andi %ne3A_62, %ne3A_57 : i1
      %add3A_64 = arith.addi %rem3A_55, %select_n3A_54 : i32
      %select_n3A_65 = arith.select %and3A_63, %add3A_64, %rem3A_55 : i32
      %eq3A_66 = arith.constant 1 : i32
      %eq3A_67 = arith.cmpi eq, %select_n3A_65, %eq3A_66 : i32
      %convert_element_type3A_68 = arith.extui %eq3A_67 : i1 to i32
      %cond3A_69 = arith.constant 0 : i32
      %cond3A_70 = arith.cmpi ne, %convert_element_type3A_68, %cond3A_69 : i32
      scf.if %cond3A_70 {
        %dma_wait3A = arith.constant 0 : i32
        %dma_wait3A_71 = arith.constant 1 : i32
        %dma_wait3A_72 = arith.constant 0 : i32
        %dma_wait3A_73 = arith.constant 0 : i32
        %dma_wait3A_74 = tpu.memref_slice %arg6[%dma_wait3A_71, %dma_wait3A_72, %dma_wait3A_73] : memref<2x128x64xf32, #tpu.memory_space<vmem>> -> memref<1x128x64xf32, #tpu.memory_space<vmem>>
        %dma_wait3A_75 = tpu.memref_squeeze %dma_wait3A_74 : memref<1x128x64xf32, #tpu.memory_space<vmem>> -> memref<128x64xf32, #tpu.memory_space<vmem>>
        %dma_wait3A_76 = arith.constant 0 : i32
        %dma_wait3A_77 = arith.constant 0 : i32
        %dma_wait3A_78 = tpu.memref_slice %arg2[%dma_wait3A, %dma_wait3A_76, %dma_wait3A_77] : memref<24x4096x64xf32, #tpu.memory_space<hbm>> -> memref<1x128x64xf32, #tpu.memory_space<hbm>>
        %dma_wait3A_79 = tpu.memref_squeeze %dma_wait3A_78 : memref<1x128x64xf32, #tpu.memory_space<hbm>> -> memref<128x64xf32, #tpu.memory_space<hbm>>
        %dma_wait3A_80 = arith.constant 0 : i32
        %dma_wait3A_81 = arith.constant 0 : i32
        %dma_wait3A_82 = tpu.memref_slice %arg6[%dma_wait3A_71, %dma_wait3A_80, %dma_wait3A_81] : memref<2x128x64xf32, #tpu.memory_space<vmem>> -> memref<1x128x64xf32, #tpu.memory_space<vmem>>
        %dma_wait3A_83 = tpu.memref_squeeze %dma_wait3A_82 : memref<1x128x64xf32, #tpu.memory_space<vmem>> -> memref<128x64xf32, #tpu.memory_space<vmem>>
        %dma_wait3A_84 = arith.constant 0 : i32
        %dma_wait3A_85 = arith.constant 0 : i32
        %dma_wait3A_86 = tpu.memref_slice %arg2[%dma_wait3A, %dma_wait3A_84, %dma_wait3A_85] : memref<24x4096x64xf32, #tpu.memory_space<hbm>> -> memref<1x128x64xf32, #tpu.memory_space<hbm>>
        %dma_wait3A_87 = tpu.memref_squeeze %dma_wait3A_86 : memref<1x128x64xf32, #tpu.memory_space<hbm>> -> memref<128x64xf32, #tpu.memory_space<hbm>>
        tpu.wait_dma2 semaphore(%arg11 : memref<!tpu.dma_semaphore, #tpu.memory_space<semaphore_mem>>) src(%dma_wait3A_87 : memref<128x64xf32, #tpu.memory_space<hbm>>) dst(%dma_wait3A_83 : memref<128x64xf32, #tpu.memory_space<vmem>>)
        %scan3A_88 = arith.constant 0 : i32
        %scan3A_89 = arith.constant 0 : i32
        %scan3A_90 = arith.constant 9 : i32
        %scan3A_91 = arith.addi %scan3A_89, %scan3A_90 : i32
        %scan3A_92 = arith.constant 1 : i32
        scf.for %scan3A_105 = %scan3A_89 to %scan3A_91 step %scan3A_92  : i32 {
          %dma_wait3A_106 = arith.constant 1 : i32
          %dma_wait3A_107 = arith.constant 0 : i32
          %dma_wait3A_108 = arith.constant 1 : i32
          %dma_wait3A_109 = arith.constant 0 : i32
          %dma_wait3A_110 = arith.constant 0 : i32
          %dma_wait3A_111 = tpu.memref_slice %arg8[%dma_wait3A_108, %dma_wait3A_109, %dma_wait3A_110] : memref<2x1152x32xi32, #tpu.memory_space<vmem>> -> memref<1x128x32xi32, #tpu.memory_space<vmem>>
          %dma_wait3A_112 = tpu.memref_squeeze %dma_wait3A_111 : memref<1x128x32xi32, #tpu.memory_space<vmem>> -> memref<128x32xi32, #tpu.memory_space<vmem>>
          %dma_wait3A_113 = arith.constant 0 : i32
          %dma_wait3A_114 = tpu.memref_slice %arg7[%dma_wait3A_106, %dma_wait3A_107, %dma_wait3A_113] : memref<2x9x128xi32, #tpu.memory_space<vmem>> -> memref<1x1x128xi32, #tpu.memory_space<vmem>>
          %dma_wait3A_115 = tpu.memref_squeeze %dma_wait3A_114 : memref<1x1x128xi32, #tpu.memory_space<vmem>> -> memref<128xi32, #tpu.memory_space<vmem>>
          %dma_wait3A_116 = arith.constant 0 : i32
          %dma_wait3A_117 = arith.constant 0 : i32
          %dma_wait3A_118 = tpu.memref_slice %arg3[%dma_wait3A_116, %dma_wait3A_117] : memref<98304x32xi32, #tpu.memory_space<hbm>> -> memref<98304x32xi32, #tpu.memory_space<hbm>>
          tpu.wait_indirect_dma semaphore(%arg13 : memref<!tpu.dma_semaphore, #tpu.memory_space<semaphore_mem>>) src(%dma_wait3A_118 : memref<98304x32xi32, #tpu.memory_space<hbm>>) dst(%dma_wait3A_112 : memref<128x32xi32, #tpu.memory_space<vmem>>)
        }
        %scan3A_93 = arith.constant 9 : i32
        %broadcast_in_dim3A = arith.constant -65536 : i32
        %broadcast_in_dim3A_94 = vector.broadcast %broadcast_in_dim3A : i32 to vector<16xi32>
        %iota3A = tpu.iota {dimensions = array<i32: 0>} : vector<16xi32>
        %broadcast_in_dim3A_95 = arith.constant 0.000000e+00 : f32
        %broadcast_in_dim3A_96 = vector.broadcast %broadcast_in_dim3A_95 : f32 to vector<16xf32>
        %scan3A_97 = arith.constant 0 : i32
        %scan3A_98 = arith.constant 128 : i32
        %scan3A_99 = arith.addi %scan3A_97, %scan3A_98 : i32
        %scan3A_100 = arith.constant 1 : i32
        %scan3A_101 = scf.for %scan3A_105 = %scan3A_97 to %scan3A_99 step %scan3A_100 iter_args(%scan3A_106 = %broadcast_in_dim3A_96) -> (vector<16xf32>)  : i32 {
          %get3A = arith.constant 1 : i32
          %get3A_107 = arith.index_cast %get3A : i32 to index
          %get3A_108 = arith.index_cast %scan3A_105 : i32 to index
          %get3A_109 = arith.constant 0 : index
          %get3A_110 = tpu.vector_load %arg6[%get3A_107, %get3A_108, %get3A_109] {strides = array<i32>} : memref<2x128x64xf32, #tpu.memory_space<vmem>>, vector<16xf32>,
          %get3A_111 = arith.constant 1 : i32
          %get3A_112 = arith.index_cast %get3A_111 : i32 to index
          %get3A_113 = arith.index_cast %scan3A_105 : i32 to index
          %get3A_114 = arith.constant 16 : index
          %get3A_115 = tpu.vector_load %arg6[%get3A_112, %get3A_113, %get3A_114] {strides = array<i32>} : memref<2x128x64xf32, #tpu.memory_space<vmem>>, vector<16xf32>,
          %get3A_116 = arith.constant 1 : i32
          %get3A_117 = arith.index_cast %get3A_116 : i32 to index
          %get3A_118 = arith.index_cast %scan3A_105 : i32 to index
          %get3A_119 = arith.constant 32 : index
          %get3A_120 = tpu.vector_load %arg6[%get3A_117, %get3A_118, %get3A_119] {strides = array<i32>} : memref<2x128x64xf32, #tpu.memory_space<vmem>>, vector<16xf32>,
          %get3A_121 = arith.constant 1 : i32
          %get3A_122 = arith.index_cast %get3A_121 : i32 to index
          %get3A_123 = arith.index_cast %scan3A_105 : i32 to index
          %get3A_124 = arith.constant 48 : index
          %get3A_125 = tpu.vector_load %arg6[%get3A_122, %get3A_123, %get3A_124] {strides = array<i32>} : memref<2x128x64xf32, #tpu.memory_space<vmem>>, vector<16xf32>,
          %mul3A_126 = arith.constant 9 : i32
          %mul3A_127 = arith.muli %scan3A_105, %mul3A_126 : i32
          %add3A_128 = arith.constant 0 : i32
          %add3A_129 = arith.addi %mul3A_127, %add3A_128 : i32
          %get3A_130 = arith.constant 1 : i32
          %get3A_131 = arith.index_cast %get3A_130 : i32 to index
          %get3A_132 = arith.index_cast %add3A_129 : i32 to index
          %get3A_133 = arith.constant 0 : index
          %get3A_134 = tpu.vector_load %arg8[%get3A_131, %get3A_132, %get3A_133] {strides = array<i32>} : memref<2x1152x32xi32, #tpu.memory_space<vmem>>, vector<16xi32>,
          %get3A_135 = arith.constant 1 : i32
          %get3A_136 = arith.index_cast %get3A_135 : i32 to index
          %get3A_137 = arith.index_cast %add3A_129 : i32 to index
          %get3A_138 = arith.constant 16 : index
          %get3A_139 = tpu.vector_load %arg8[%get3A_136, %get3A_137, %get3A_138] {strides = array<i32>} : memref<2x1152x32xi32, #tpu.memory_space<vmem>>, vector<16xi32>,
          %shift_left3A = arith.constant 16 : i32
          %shift_left3A_140 = vector.broadcast %shift_left3A : i32 to vector<16xi32>
          %shift_left3A_141 = arith.shli %get3A_134, %shift_left3A_140 : vector<16xi32>
          %bitcast3A = vector.bitcast %shift_left3A_141 : vector<16xi32> to vector<16xf32>
          %mul3A_142 = arith.mulf %get3A_110, %bitcast3A : vector<16xf32>
          %shift_left3A_143 = arith.constant 16 : i32
          %shift_left3A_144 = vector.broadcast %shift_left3A_143 : i32 to vector<16xi32>
          %shift_left3A_145 = arith.shli %get3A_139, %shift_left3A_144 : vector<16xi32>
          %bitcast3A_146 = vector.bitcast %shift_left3A_145 : vector<16xi32> to vector<16xf32>
          %mul3A_147 = arith.mulf %get3A_115, %bitcast3A_146 : vector<16xf32>
          %add3A_148 = arith.addf %mul3A_142, %mul3A_147 : vector<16xf32>
          %and3A_149 = arith.andi %get3A_134, %broadcast_in_dim3A_94 : vector<16xi32>
          %bitcast3A_150 = vector.bitcast %and3A_149 : vector<16xi32> to vector<16xf32>
          %mul3A_151 = arith.mulf %get3A_120, %bitcast3A_150 : vector<16xf32>
          %add3A_152 = arith.addf %add3A_148, %mul3A_151 : vector<16xf32>
          %and3A_153 = arith.andi %get3A_139, %broadcast_in_dim3A_94 : vector<16xi32>
          %bitcast3A_154 = vector.bitcast %and3A_153 : vector<16xi32> to vector<16xf32>
          %mul3A_155 = arith.mulf %get3A_125, %bitcast3A_154 : vector<16xf32>
          %add3A_156 = arith.addf %add3A_152, %mul3A_155 : vector<16xf32>
          %reduce_sum3A = arith.constant true
          %reduce_sum3A_157 = vector.broadcast %reduce_sum3A : i1 to vector<16xi1>
          %reduce_sum3A_158 = tpu.scan <sum>, %add3A_156 masked %reduce_sum3A_157 : vector<16xf32>, vector<16xi1> -> vector<16xf32>
          %reduce_sum3A_159 = vector.extract %reduce_sum3A_158[15] : f32 from vector<16xf32>
          %mul3A_160 = arith.constant 9 : i32
          %mul3A_161 = arith.muli %scan3A_105, %mul3A_160 : i32
          %add3A_162 = arith.constant 1 : i32
          %add3A_163 = arith.addi %mul3A_161, %add3A_162 : i32
          %get3A_164 = arith.constant 1 : i32
          %get3A_165 = arith.index_cast %get3A_164 : i32 to index
          %get3A_166 = arith.index_cast %add3A_163 : i32 to index
          %get3A_167 = arith.constant 0 : index
          %get3A_168 = tpu.vector_load %arg8[%get3A_165, %get3A_166, %get3A_167] {strides = array<i32>} : memref<2x1152x32xi32, #tpu.memory_space<vmem>>, vector<16xi32>,
          %get3A_169 = arith.constant 1 : i32
          %get3A_170 = arith.index_cast %get3A_169 : i32 to index
          %get3A_171 = arith.index_cast %add3A_163 : i32 to index
          %get3A_172 = arith.constant 16 : index
          %get3A_173 = tpu.vector_load %arg8[%get3A_170, %get3A_171, %get3A_172] {strides = array<i32>} : memref<2x1152x32xi32, #tpu.memory_space<vmem>>, vector<16xi32>,
          %shift_left3A_174 = arith.constant 16 : i32
          %shift_left3A_175 = vector.broadcast %shift_left3A_174 : i32 to vector<16xi32>
          %shift_left3A_176 = arith.shli %get3A_168, %shift_left3A_175 : vector<16xi32>
          %bitcast3A_177 = vector.bitcast %shift_left3A_176 : vector<16xi32> to vector<16xf32>
          %mul3A_178 = arith.mulf %get3A_110, %bitcast3A_177 : vector<16xf32>
          %shift_left3A_179 = arith.constant 16 : i32
          %shift_left3A_180 = vector.broadcast %shift_left3A_179 : i32 to vector<16xi32>
          %shift_left3A_181 = arith.shli %get3A_173, %shift_left3A_180 : vector<16xi32>
          %bitcast3A_182 = vector.bitcast %shift_left3A_181 : vector<16xi32> to vector<16xf32>
          %mul3A_183 = arith.mulf %get3A_115, %bitcast3A_182 : vector<16xf32>
          %add3A_184 = arith.addf %mul3A_178, %mul3A_183 : vector<16xf32>
          %and3A_185 = arith.andi %get3A_168, %broadcast_in_dim3A_94 : vector<16xi32>
          %bitcast3A_186 = vector.bitcast %and3A_185 : vector<16xi32> to vector<16xf32>
          %mul3A_187 = arith.mulf %get3A_120, %bitcast3A_186 : vector<16xf32>
          %add3A_188 = arith.addf %add3A_184, %mul3A_187 : vector<16xf32>
          %and3A_189 = arith.andi %get3A_173, %broadcast_in_dim3A_94 : vector<16xi32>
          %bitcast3A_190 = vector.bitcast %and3A_189 : vector<16xi32> to vector<16xf32>
          %mul3A_191 = arith.mulf %get3A_125, %bitcast3A_190 : vector<16xf32>
          %add3A_192 = arith.addf %add3A_188, %mul3A_191 : vector<16xf32>
          %reduce_sum3A_193 = arith.constant true
          %reduce_sum3A_194 = vector.broadcast %reduce_sum3A_193 : i1 to vector<16xi1>
          %reduce_sum3A_195 = tpu.scan <sum>, %add3A_192 masked %reduce_sum3A_194 : vector<16xf32>, vector<16xi1> -> vector<16xf32>
          %reduce_sum3A_196 = vector.extract %reduce_sum3A_195[15] : f32 from vector<16xf32>
          %mul3A_197 = arith.constant 9 : i32
          %mul3A_198 = arith.muli %scan3A_105, %mul3A_197 : i32
          %add3A_199 = arith.constant 2 : i32
          %add3A_200 = arith.addi %mul3A_198, %add3A_199 : i32
          %get3A_201 = arith.constant 1 : i32
          %get3A_202 = arith.index_cast %get3A_201 : i32 to index
          %get3A_203 = arith.index_cast %add3A_200 : i32 to index
          %get3A_204 = arith.constant 0 : index
          %get3A_205 = tpu.vector_load %arg8[%get3A_202, %get3A_203, %get3A_204] {strides = array<i32>} : memref<2x1152x32xi32, #tpu.memory_space<vmem>>, vector<16xi32>,
          %get3A_206 = arith.constant 1 : i32
          %get3A_207 = arith.index_cast %get3A_206 : i32 to index
          %get3A_208 = arith.index_cast %add3A_200 : i32 to index
          %get3A_209 = arith.constant 16 : index
          %get3A_210 = tpu.vector_load %arg8[%get3A_207, %get3A_208, %get3A_209] {strides = array<i32>} : memref<2x1152x32xi32, #tpu.memory_space<vmem>>, vector<16xi32>,
          %shift_left3A_211 = arith.constant 16 : i32
          %shift_left3A_212 = vector.broadcast %shift_left3A_211 : i32 to vector<16xi32>
          %shift_left3A_213 = arith.shli %get3A_205, %shift_left3A_212 : vector<16xi32>
          %bitcast3A_214 = vector.bitcast %shift_left3A_213 : vector<16xi32> to vector<16xf32>
          %mul3A_215 = arith.mulf %get3A_110, %bitcast3A_214 : vector<16xf32>
          %shift_left3A_216 = arith.constant 16 : i32
          %shift_left3A_217 = vector.broadcast %shift_left3A_216 : i32 to vector<16xi32>
          %shift_left3A_218 = arith.shli %get3A_210, %shift_left3A_217 : vector<16xi32>
          %bitcast3A_219 = vector.bitcast %shift_left3A_218 : vector<16xi32> to vector<16xf32>
          %mul3A_220 = arith.mulf %get3A_115, %bitcast3A_219 : vector<16xf32>
          %add3A_221 = arith.addf %mul3A_215, %mul3A_220 : vector<16xf32>
          %and3A_222 = arith.andi %get3A_205, %broadcast_in_dim3A_94 : vector<16xi32>
          %bitcast3A_223 = vector.bitcast %and3A_222 : vector<16xi32> to vector<16xf32>
          %mul3A_224 = arith.mulf %get3A_120, %bitcast3A_223 : vector<16xf32>
          %add3A_225 = arith.addf %add3A_221, %mul3A_224 : vector<16xf32>
          %and3A_226 = arith.andi %get3A_210, %broadcast_in_dim3A_94 : vector<16xi32>
          %bitcast3A_227 = vector.bitcast %and3A_226 : vector<16xi32> to vector<16xf32>
          %mul3A_228 = arith.mulf %get3A_125, %bitcast3A_227 : vector<16xf32>
          %add3A_229 = arith.addf %add3A_225, %mul3A_228 : vector<16xf32>
          %reduce_sum3A_230 = arith.constant true
          %reduce_sum3A_231 = vector.broadcast %reduce_sum3A_230 : i1 to vector<16xi1>
          %reduce_sum3A_232 = tpu.scan <sum>, %add3A_229 masked %reduce_sum3A_231 : vector<16xf32>, vector<16xi1> -> vector<16xf32>
          %reduce_sum3A_233 = vector.extract %reduce_sum3A_232[15] : f32 from vector<16xf32>
          %mul3A_234 = arith.constant 9 : i32
          %mul3A_235 = arith.muli %scan3A_105, %mul3A_234 : i32
          %add3A_236 = arith.constant 3 : i32
          %add3A_237 = arith.addi %mul3A_235, %add3A_236 : i32
          %get3A_238 = arith.constant 1 : i32
          %get3A_239 = arith.index_cast %get3A_238 : i32 to index
          %get3A_240 = arith.index_cast %add3A_237 : i32 to index
          %get3A_241 = arith.constant 0 : index
          %get3A_242 = tpu.vector_load %arg8[%get3A_239, %get3A_240, %get3A_241] {strides = array<i32>} : memref<2x1152x32xi32, #tpu.memory_space<vmem>>, vector<16xi32>,
          %get3A_243 = arith.constant 1 : i32
          %get3A_244 = arith.index_cast %get3A_243 : i32 to index
          %get3A_245 = arith.index_cast %add3A_237 : i32 to index
          %get3A_246 = arith.constant 16 : index
          %get3A_247 = tpu.vector_load %arg8[%get3A_244, %get3A_245, %get3A_246] {strides = array<i32>} : memref<2x1152x32xi32, #tpu.memory_space<vmem>>, vector<16xi32>,
          %shift_left3A_248 = arith.constant 16 : i32
          %shift_left3A_249 = vector.broadcast %shift_left3A_248 : i32 to vector<16xi32>
          %shift_left3A_250 = arith.shli %get3A_242, %shift_left3A_249 : vector<16xi32>
          %bitcast3A_251 = vector.bitcast %shift_left3A_250 : vector<16xi32> to vector<16xf32>
          %mul3A_252 = arith.mulf %get3A_110, %bitcast3A_251 : vector<16xf32>
          %shift_left3A_253 = arith.constant 16 : i32
          %shift_left3A_254 = vector.broadcast %shift_left3A_253 : i32 to vector<16xi32>
          %shift_left3A_255 = arith.shli %get3A_247, %shift_left3A_254 : vector<16xi32>
          %bitcast3A_256 = vector.bitcast %shift_left3A_255 : vector<16xi32> to vector<16xf32>
          %mul3A_257 = arith.mulf %get3A_115, %bitcast3A_256 : vector<16xf32>
          %add3A_258 = arith.addf %mul3A_252, %mul3A_257 : vector<16xf32>
          %and3A_259 = arith.andi %get3A_242, %broadcast_in_dim3A_94 : vector<16xi32>
          %bitcast3A_260 = vector.bitcast %and3A_259 : vector<16xi32> to vector<16xf32>
          %mul3A_261 = arith.mulf %get3A_120, %bitcast3A_260 : vector<16xf32>
          %add3A_262 = arith.addf %add3A_258, %mul3A_261 : vector<16xf32>
          %and3A_263 = arith.andi %get3A_247, %broadcast_in_dim3A_94 : vector<16xi32>
          %bitcast3A_264 = vector.bitcast %and3A_263 : vector<16xi32> to vector<16xf32>
          %mul3A_265 = arith.mulf %get3A_125, %bitcast3A_264 : vector<16xf32>
          %add3A_266 = arith.addf %add3A_262, %mul3A_265 : vector<16xf32>
          %reduce_sum3A_267 = arith.constant true
          %reduce_sum3A_268 = vector.broadcast %reduce_sum3A_267 : i1 to vector<16xi1>
          %reduce_sum3A_269 = tpu.scan <sum>, %add3A_266 masked %reduce_sum3A_268 : vector<16xf32>, vector<16xi1> -> vector<16xf32>
          %reduce_sum3A_270 = vector.extract %reduce_sum3A_269[15] : f32 from vector<16xf32>
          %mul3A_271 = arith.constant 9 : i32
          %mul3A_272 = arith.muli %scan3A_105, %mul3A_271 : i32
          %add3A_273 = arith.constant 4 : i32
          %add3A_274 = arith.addi %mul3A_272, %add3A_273 : i32
          %get3A_275 = arith.constant 1 : i32
          %get3A_276 = arith.index_cast %get3A_275 : i32 to index
          %get3A_277 = arith.index_cast %add3A_274 : i32 to index
          %get3A_278 = arith.constant 0 : index
          %get3A_279 = tpu.vector_load %arg8[%get3A_276, %get3A_277, %get3A_278] {strides = array<i32>} : memref<2x1152x32xi32, #tpu.memory_space<vmem>>, vector<16xi32>,
          %get3A_280 = arith.constant 1 : i32
          %get3A_281 = arith.index_cast %get3A_280 : i32 to index
          %get3A_282 = arith.index_cast %add3A_274 : i32 to index
          %get3A_283 = arith.constant 16 : index
          %get3A_284 = tpu.vector_load %arg8[%get3A_281, %get3A_282, %get3A_283] {strides = array<i32>} : memref<2x1152x32xi32, #tpu.memory_space<vmem>>, vector<16xi32>,
          %shift_left3A_285 = arith.constant 16 : i32
          %shift_left3A_286 = vector.broadcast %shift_left3A_285 : i32 to vector<16xi32>
          %shift_left3A_287 = arith.shli %get3A_279, %shift_left3A_286 : vector<16xi32>
          %bitcast3A_288 = vector.bitcast %shift_left3A_287 : vector<16xi32> to vector<16xf32>
          %mul3A_289 = arith.mulf %get3A_110, %bitcast3A_288 : vector<16xf32>
          %shift_left3A_290 = arith.constant 16 : i32
          %shift_left3A_291 = vector.broadcast %shift_left3A_290 : i32 to vector<16xi32>
          %shift_left3A_292 = arith.shli %get3A_284, %shift_left3A_291 : vector<16xi32>
          %bitcast3A_293 = vector.bitcast %shift_left3A_292 : vector<16xi32> to vector<16xf32>
          %mul3A_294 = arith.mulf %get3A_115, %bitcast3A_293 : vector<16xf32>
          %add3A_295 = arith.addf %mul3A_289, %mul3A_294 : vector<16xf32>
          %and3A_296 = arith.andi %get3A_279, %broadcast_in_dim3A_94 : vector<16xi32>
          %bitcast3A_297 = vector.bitcast %and3A_296 : vector<16xi32> to vector<16xf32>
          %mul3A_298 = arith.mulf %get3A_120, %bitcast3A_297 : vector<16xf32>
          %add3A_299 = arith.addf %add3A_295, %mul3A_298 : vector<16xf32>
          %and3A_300 = arith.andi %get3A_284, %broadcast_in_dim3A_94 : vector<16xi32>
          %bitcast3A_301 = vector.bitcast %and3A_300 : vector<16xi32> to vector<16xf32>
          %mul3A_302 = arith.mulf %get3A_125, %bitcast3A_301 : vector<16xf32>
          %add3A_303 = arith.addf %add3A_299, %mul3A_302 : vector<16xf32>
          %reduce_sum3A_304 = arith.constant true
          %reduce_sum3A_305 = vector.broadcast %reduce_sum3A_304 : i1 to vector<16xi1>
          %reduce_sum3A_306 = tpu.scan <sum>, %add3A_303 masked %reduce_sum3A_305 : vector<16xf32>, vector<16xi1> -> vector<16xf32>
          %reduce_sum3A_307 = vector.extract %reduce_sum3A_306[15] : f32 from vector<16xf32>
          %mul3A_308 = arith.constant 9 : i32
          %mul3A_309 = arith.muli %scan3A_105, %mul3A_308 : i32
          %add3A_310 = arith.constant 5 : i32
          %add3A_311 = arith.addi %mul3A_309, %add3A_310 : i32
          %get3A_312 = arith.constant 1 : i32
          %get3A_313 = arith.index_cast %get3A_312 : i32 to index
          %get3A_314 = arith.index_cast %add3A_311 : i32 to index
          %get3A_315 = arith.constant 0 : index
          %get3A_316 = tpu.vector_load %arg8[%get3A_313, %get3A_314, %get3A_315] {strides = array<i32>} : memref<2x1152x32xi32, #tpu.memory_space<vmem>>, vector<16xi32>,
          %get3A_317 = arith.constant 1 : i32
          %get3A_318 = arith.index_cast %get3A_317 : i32 to index
          %get3A_319 = arith.index_cast %add3A_311 : i32 to index
          %get3A_320 = arith.constant 16 : index
          %get3A_321 = tpu.vector_load %arg8[%get3A_318, %get3A_319, %get3A_320] {strides = array<i32>} : memref<2x1152x32xi32, #tpu.memory_space<vmem>>, vector<16xi32>,
          %shift_left3A_322 = arith.constant 16 : i32
          %shift_left3A_323 = vector.broadcast %shift_left3A_322 : i32 to vector<16xi32>
          %shift_left3A_324 = arith.shli %get3A_316, %shift_left3A_323 : vector<16xi32>
          %bitcast3A_325 = vector.bitcast %shift_left3A_324 : vector<16xi32> to vector<16xf32>
          %mul3A_326 = arith.mulf %get3A_110, %bitcast3A_325 : vector<16xf32>
          %shift_left3A_327 = arith.constant 16 : i32
          %shift_left3A_328 = vector.broadcast %shift_left3A_327 : i32 to vector<16xi32>
          %shift_left3A_329 = arith.shli %get3A_321, %shift_left3A_328 : vector<16xi32>
          %bitcast3A_330 = vector.bitcast %shift_left3A_329 : vector<16xi32> to vector<16xf32>
          %mul3A_331 = arith.mulf %get3A_115, %bitcast3A_330 : vector<16xf32>
          %add3A_332 = arith.addf %mul3A_326, %mul3A_331 : vector<16xf32>
          %and3A_333 = arith.andi %get3A_316, %broadcast_in_dim3A_94 : vector<16xi32>
          %bitcast3A_334 = vector.bitcast %and3A_333 : vector<16xi32> to vector<16xf32>
          %mul3A_335 = arith.mulf %get3A_120, %bitcast3A_334 : vector<16xf32>
          %add3A_336 = arith.addf %add3A_332, %mul3A_335 : vector<16xf32>
          %and3A_337 = arith.andi %get3A_321, %broadcast_in_dim3A_94 : vector<16xi32>
          %bitcast3A_338 = vector.bitcast %and3A_337 : vector<16xi32> to vector<16xf32>
          %mul3A_339 = arith.mulf %get3A_125, %bitcast3A_338 : vector<16xf32>
          %add3A_340 = arith.addf %add3A_336, %mul3A_339 : vector<16xf32>
          %reduce_sum3A_341 = arith.constant true
          %reduce_sum3A_342 = vector.broadcast %reduce_sum3A_341 : i1 to vector<16xi1>
          %reduce_sum3A_343 = tpu.scan <sum>, %add3A_340 masked %reduce_sum3A_342 : vector<16xf32>, vector<16xi1> -> vector<16xf32>
          %reduce_sum3A_344 = vector.extract %reduce_sum3A_343[15] : f32 from vector<16xf32>
          %mul3A_345 = arith.constant 9 : i32
          %mul3A_346 = arith.muli %scan3A_105, %mul3A_345 : i32
          %add3A_347 = arith.constant 6 : i32
          %add3A_348 = arith.addi %mul3A_346, %add3A_347 : i32
          %get3A_349 = arith.constant 1 : i32
          %get3A_350 = arith.index_cast %get3A_349 : i32 to index
          %get3A_351 = arith.index_cast %add3A_348 : i32 to index
          %get3A_352 = arith.constant 0 : index
          %get3A_353 = tpu.vector_load %arg8[%get3A_350, %get3A_351, %get3A_352] {strides = array<i32>} : memref<2x1152x32xi32, #tpu.memory_space<vmem>>, vector<16xi32>,
          %get3A_354 = arith.constant 1 : i32
          %get3A_355 = arith.index_cast %get3A_354 : i32 to index
          %get3A_356 = arith.index_cast %add3A_348 : i32 to index
          %get3A_357 = arith.constant 16 : index
          %get3A_358 = tpu.vector_load %arg8[%get3A_355, %get3A_356, %get3A_357] {strides = array<i32>} : memref<2x1152x32xi32, #tpu.memory_space<vmem>>, vector<16xi32>,
          %shift_left3A_359 = arith.constant 16 : i32
          %shift_left3A_360 = vector.broadcast %shift_left3A_359 : i32 to vector<16xi32>
          %shift_left3A_361 = arith.shli %get3A_353, %shift_left3A_360 : vector<16xi32>
          %bitcast3A_362 = vector.bitcast %shift_left3A_361 : vector<16xi32> to vector<16xf32>
          %mul3A_363 = arith.mulf %get3A_110, %bitcast3A_362 : vector<16xf32>
          %shift_left3A_364 = arith.constant 16 : i32
          %shift_left3A_365 = vector.broadcast %shift_left3A_364 : i32 to vector<16xi32>
          %shift_left3A_366 = arith.shli %get3A_358, %shift_left3A_365 : vector<16xi32>
          %bitcast3A_367 = vector.bitcast %shift_left3A_366 : vector<16xi32> to vector<16xf32>
          %mul3A_368 = arith.mulf %get3A_115, %bitcast3A_367 : vector<16xf32>
          %add3A_369 = arith.addf %mul3A_363, %mul3A_368 : vector<16xf32>
          %and3A_370 = arith.andi %get3A_353, %broadcast_in_dim3A_94 : vector<16xi32>
          %bitcast3A_371 = vector.bitcast %and3A_370 : vector<16xi32> to vector<16xf32>
          %mul3A_372 = arith.mulf %get3A_120, %bitcast3A_371 : vector<16xf32>
          %add3A_373 = arith.addf %add3A_369, %mul3A_372 : vector<16xf32>
          %and3A_374 = arith.andi %get3A_358, %broadcast_in_dim3A_94 : vector<16xi32>
          %bitcast3A_375 = vector.bitcast %and3A_374 : vector<16xi32> to vector<16xf32>
          %mul3A_376 = arith.mulf %get3A_125, %bitcast3A_375 : vector<16xf32>
          %add3A_377 = arith.addf %add3A_373, %mul3A_376 : vector<16xf32>
          %reduce_sum3A_378 = arith.constant true
          %reduce_sum3A_379 = vector.broadcast %reduce_sum3A_378 : i1 to vector<16xi1>
          %reduce_sum3A_380 = tpu.scan <sum>, %add3A_377 masked %reduce_sum3A_379 : vector<16xf32>, vector<16xi1> -> vector<16xf32>
          %reduce_sum3A_381 = vector.extract %reduce_sum3A_380[15] : f32 from vector<16xf32>
          %mul3A_382 = arith.constant 9 : i32
          %mul3A_383 = arith.muli %scan3A_105, %mul3A_382 : i32
          %add3A_384 = arith.constant 7 : i32
          %add3A_385 = arith.addi %mul3A_383, %add3A_384 : i32
          %get3A_386 = arith.constant 1 : i32
          %get3A_387 = arith.index_cast %get3A_386 : i32 to index
          %get3A_388 = arith.index_cast %add3A_385 : i32 to index
          %get3A_389 = arith.constant 0 : index
          %get3A_390 = tpu.vector_load %arg8[%get3A_387, %get3A_388, %get3A_389] {strides = array<i32>} : memref<2x1152x32xi32, #tpu.memory_space<vmem>>, vector<16xi32>,
          %get3A_391 = arith.constant 1 : i32
          %get3A_392 = arith.index_cast %get3A_391 : i32 to index
          %get3A_393 = arith.index_cast %add3A_385 : i32 to index
          %get3A_394 = arith.constant 16 : index
          %get3A_395 = tpu.vector_load %arg8[%get3A_392, %get3A_393, %get3A_394] {strides = array<i32>} : memref<2x1152x32xi32, #tpu.memory_space<vmem>>, vector<16xi32>,
          %shift_left3A_396 = arith.constant 16 : i32
          %shift_left3A_397 = vector.broadcast %shift_left3A_396 : i32 to vector<16xi32>
          %shift_left3A_398 = arith.shli %get3A_390, %shift_left3A_397 : vector<16xi32>
          %bitcast3A_399 = vector.bitcast %shift_left3A_398 : vector<16xi32> to vector<16xf32>
          %mul3A_400 = arith.mulf %get3A_110, %bitcast3A_399 : vector<16xf32>
          %shift_left3A_401 = arith.constant 16 : i32
          %shift_left3A_402 = vector.broadcast %shift_left3A_401 : i32 to vector<16xi32>
          %shift_left3A_403 = arith.shli %get3A_395, %shift_left3A_402 : vector<16xi32>
          %bitcast3A_404 = vector.bitcast %shift_left3A_403 : vector<16xi32> to vector<16xf32>
          %mul3A_405 = arith.mulf %get3A_115, %bitcast3A_404 : vector<16xf32>
          %add3A_406 = arith.addf %mul3A_400, %mul3A_405 : vector<16xf32>
          %and3A_407 = arith.andi %get3A_390, %broadcast_in_dim3A_94 : vector<16xi32>
          %bitcast3A_408 = vector.bitcast %and3A_407 : vector<16xi32> to vector<16xf32>
          %mul3A_409 = arith.mulf %get3A_120, %bitcast3A_408 : vector<16xf32>
          %add3A_410 = arith.addf %add3A_406, %mul3A_409 : vector<16xf32>
          %and3A_411 = arith.andi %get3A_395, %broadcast_in_dim3A_94 : vector<16xi32>
          %bitcast3A_412 = vector.bitcast %and3A_411 : vector<16xi32> to vector<16xf32>
          %mul3A_413 = arith.mulf %get3A_125, %bitcast3A_412 : vector<16xf32>
          %add3A_414 = arith.addf %add3A_410, %mul3A_413 : vector<16xf32>
          %reduce_sum3A_415 = arith.constant true
          %reduce_sum3A_416 = vector.broadcast %reduce_sum3A_415 : i1 to vector<16xi1>
          %reduce_sum3A_417 = tpu.scan <sum>, %add3A_414 masked %reduce_sum3A_416 : vector<16xf32>, vector<16xi1> -> vector<16xf32>
          %reduce_sum3A_418 = vector.extract %reduce_sum3A_417[15] : f32 from vector<16xf32>
          %mul3A_419 = arith.constant 9 : i32
          %mul3A_420 = arith.muli %scan3A_105, %mul3A_419 : i32
          %add3A_421 = arith.constant 8 : i32
          %add3A_422 = arith.addi %mul3A_420, %add3A_421 : i32
          %get3A_423 = arith.constant 1 : i32
          %get3A_424 = arith.index_cast %get3A_423 : i32 to index
          %get3A_425 = arith.index_cast %add3A_422 : i32 to index
          %get3A_426 = arith.constant 0 : index
          %get3A_427 = tpu.vector_load %arg8[%get3A_424, %get3A_425, %get3A_426] {strides = array<i32>} : memref<2x1152x32xi32, #tpu.memory_space<vmem>>, vector<16xi32>,
          %get3A_428 = arith.constant 1 : i32
          %get3A_429 = arith.index_cast %get3A_428 : i32 to index
          %get3A_430 = arith.index_cast %add3A_422 : i32 to index
          %get3A_431 = arith.constant 16 : index
          %get3A_432 = tpu.vector_load %arg8[%get3A_429, %get3A_430, %get3A_431] {strides = array<i32>} : memref<2x1152x32xi32, #tpu.memory_space<vmem>>, vector<16xi32>,
          %shift_left3A_433 = arith.constant 16 : i32
          %shift_left3A_434 = vector.broadcast %shift_left3A_433 : i32 to vector<16xi32>
          %shift_left3A_435 = arith.shli %get3A_427, %shift_left3A_434 : vector<16xi32>
          %bitcast3A_436 = vector.bitcast %shift_left3A_435 : vector<16xi32> to vector<16xf32>
          %mul3A_437 = arith.mulf %get3A_110, %bitcast3A_436 : vector<16xf32>
          %shift_left3A_438 = arith.constant 16 : i32
          %shift_left3A_439 = vector.broadcast %shift_left3A_438 : i32 to vector<16xi32>
          %shift_left3A_440 = arith.shli %get3A_432, %shift_left3A_439 : vector<16xi32>
          %bitcast3A_441 = vector.bitcast %shift_left3A_440 : vector<16xi32> to vector<16xf32>
          %mul3A_442 = arith.mulf %get3A_115, %bitcast3A_441 : vector<16xf32>
          %add3A_443 = arith.addf %mul3A_437, %mul3A_442 : vector<16xf32>
          %and3A_444 = arith.andi %get3A_427, %broadcast_in_dim3A_94 : vector<16xi32>
          %bitcast3A_445 = vector.bitcast %and3A_444 : vector<16xi32> to vector<16xf32>
          %mul3A_446 = arith.mulf %get3A_120, %bitcast3A_445 : vector<16xf32>
          %add3A_447 = arith.addf %add3A_443, %mul3A_446 : vector<16xf32>
          %and3A_448 = arith.andi %get3A_432, %broadcast_in_dim3A_94 : vector<16xi32>
          %bitcast3A_449 = vector.bitcast %and3A_448 : vector<16xi32> to vector<16xf32>
          %mul3A_450 = arith.mulf %get3A_125, %bitcast3A_449 : vector<16xf32>
          %add3A_451 = arith.addf %add3A_447, %mul3A_450 : vector<16xf32>
          %reduce_sum3A_452 = arith.constant true
          %reduce_sum3A_453 = vector.broadcast %reduce_sum3A_452 : i1 to vector<16xi1>
          %reduce_sum3A_454 = tpu.scan <sum>, %add3A_451 masked %reduce_sum3A_453 : vector<16xf32>, vector<16xi1> -> vector<16xf32>
          %reduce_sum3A_455 = vector.extract %reduce_sum3A_454[15] : f32 from vector<16xf32>
          %max3A = arith.maximumf %reduce_sum3A_159, %reduce_sum3A_196 : f32
          %add3A_456 = arith.addf %reduce_sum3A_159, %reduce_sum3A_196 : f32
          %max3A_457 = arith.maximumf %max3A, %reduce_sum3A_233 : f32
          %add3A_458 = arith.addf %add3A_456, %reduce_sum3A_233 : f32
          %max3A_459 = arith.maximumf %max3A_457, %reduce_sum3A_270 : f32
          %add3A_460 = arith.addf %add3A_458, %reduce_sum3A_270 : f32
          %max3A_461 = arith.maximumf %max3A_459, %reduce_sum3A_307 : f32
          %add3A_462 = arith.addf %add3A_460, %reduce_sum3A_307 : f32
          %max3A_463 = arith.maximumf %max3A_461, %reduce_sum3A_344 : f32
          %add3A_464 = arith.addf %add3A_462, %reduce_sum3A_344 : f32
          %max3A_465 = arith.maximumf %max3A_463, %reduce_sum3A_381 : f32
          %add3A_466 = arith.addf %add3A_464, %reduce_sum3A_381 : f32
          %max3A_467 = arith.maximumf %max3A_465, %reduce_sum3A_418 : f32
          %add3A_468 = arith.addf %add3A_466, %reduce_sum3A_418 : f32
          %max3A_469 = arith.maximumf %max3A_467, %reduce_sum3A_455 : f32
          %add3A_470 = arith.addf %add3A_468, %reduce_sum3A_455 : f32
          %mul3A_471 = arith.constant 2.44140625E-4 : f32
          %mul3A_472 = arith.mulf %add3A_470, %mul3A_471 : f32
          %sub3A = arith.subf %max3A_469, %mul3A_472 : f32
          %jit3A_473 = arith.constant 16 : i32
          %eq3A_474 = arith.constant 0 : i32
          %eq3A_475 = arith.cmpi eq, %jit3A_473, %eq3A_474 : i32
          %jit3A_476 = arith.constant 1 : i32
          %select_n3A_477 = arith.select %eq3A_475, %jit3A_476, %jit3A_473 : i32
          %rem3A_478 = arith.remsi %scan3A_105, %select_n3A_477 : i32
          %ne3A_479 = arith.constant 0 : i32
          %ne3A_480 = arith.cmpi ne, %rem3A_478, %ne3A_479 : i32
          %lt3A_481 = arith.constant 0 : i32
          %lt3A_482 = arith.cmpi slt, %rem3A_478, %lt3A_481 : i32
          %lt3A_483 = arith.constant 0 : i32
          %lt3A_484 = arith.cmpi slt, %select_n3A_477, %lt3A_483 : i32
          %ne3A_485 = arith.xori %lt3A_482, %lt3A_484 : i1
          %and3A_486 = arith.andi %ne3A_485, %ne3A_480 : i1
          %add3A_487 = arith.addi %rem3A_478, %select_n3A_477 : i32
          %select_n3A_488 = arith.select %and3A_486, %add3A_487, %rem3A_478 : i32
          %eq3A_489 = vector.broadcast %select_n3A_488 : i32 to vector<16xi32>
          %eq3A_490 = arith.cmpi eq, %iota3A, %eq3A_489 : vector<16xi32>
          %broadcast_in_dim3A_491 = vector.broadcast %sub3A : f32 to vector<16xf32>
          %select_n3A_492 = arith.select %eq3A_490, %broadcast_in_dim3A_491, %scan3A_106 : vector<16xi1>, vector<16xf32>
          %jit3A_493 = arith.constant 16 : i32
          %eq3A_494 = arith.constant 0 : i32
          %eq3A_495 = arith.cmpi eq, %jit3A_493, %eq3A_494 : i32
          %jit3A_496 = arith.constant 1 : i32
          %select_n3A_497 = arith.select %eq3A_495, %jit3A_496, %jit3A_493 : i32
          %rem3A_498 = arith.remsi %scan3A_105, %select_n3A_497 : i32
          %ne3A_499 = arith.constant 0 : i32
          %ne3A_500 = arith.cmpi ne, %rem3A_498, %ne3A_499 : i32
          %lt3A_501 = arith.constant 0 : i32
          %lt3A_502 = arith.cmpi slt, %rem3A_498, %lt3A_501 : i32
          %lt3A_503 = arith.constant 0 : i32
          %lt3A_504 = arith.cmpi slt, %select_n3A_497, %lt3A_503 : i32
          %ne3A_505 = arith.xori %lt3A_502, %lt3A_504 : i1
          %and3A_506 = arith.andi %ne3A_505, %ne3A_500 : i1
          %add3A_507 = arith.addi %rem3A_498, %select_n3A_497 : i32
          %select_n3A_508 = arith.select %and3A_506, %add3A_507, %rem3A_498 : i32
          %eq3A_509 = arith.constant 15 : i32
          %eq3A_510 = arith.cmpi eq, %select_n3A_508, %eq3A_509 : i32
          %convert_element_type3A_511 = arith.extui %eq3A_510 : i1 to i32
          %cond3A_512 = arith.constant 0 : i32
          %cond3A_513 = arith.cmpi ne, %convert_element_type3A_511, %cond3A_512 : i32
          scf.if %cond3A_513 {
            %jit3A_514 = arith.constant 16 : i32
            %div3A = arith.divsi %scan3A_105, %jit3A_514 : i32
            %sign3A = arith.constant 0 : i32
            %sign3A_515 = arith.cmpi sgt, %scan3A_105, %sign3A : i32
            %sign3A_516 = arith.extui %sign3A_515 : i1 to i32
            %sign3A_517 = arith.constant 0 : i32
            %sign3A_518 = arith.cmpi slt, %scan3A_105, %sign3A_517 : i32
            %sign3A_519 = arith.extui %sign3A_518 : i1 to i32
            %sign3A_520 = arith.subi %sign3A_516, %sign3A_519 : i32
            %sign3A_521 = arith.constant 0 : i32
            %sign3A_522 = arith.cmpi sgt, %jit3A_514, %sign3A_521 : i32
            %sign3A_523 = arith.extui %sign3A_522 : i1 to i32
            %sign3A_524 = arith.constant 0 : i32
            %sign3A_525 = arith.cmpi slt, %jit3A_514, %sign3A_524 : i32
            %sign3A_526 = arith.extui %sign3A_525 : i1 to i32
            %sign3A_527 = arith.subi %sign3A_523, %sign3A_526 : i32
            %ne3A_528 = arith.cmpi ne, %sign3A_520, %sign3A_527 : i32
            %rem3A_529 = arith.remsi %scan3A_105, %jit3A_514 : i32
            %ne3A_530 = arith.constant 0 : i32
            %ne3A_531 = arith.cmpi ne, %rem3A_529, %ne3A_530 : i32
            %and3A_532 = arith.andi %ne3A_528, %ne3A_531 : i1
            %sub3A_533 = arith.constant 1 : i32
            %sub3A_534 = arith.subi %div3A, %sub3A_533 : i32
            %select_n3A_535 = arith.select %and3A_532, %sub3A_534, %div3A : i32
            %mul3A_536 = arith.constant 16 : i32
            %mul3A_537 = arith.muli %select_n3A_535, %mul3A_536 : i32
            %swap3A = arith.index_cast %mul3A_537 : i32 to index
            %swap3A_538 = tpu.vector_load %arg9[%swap3A] {strides = array<i32>} : memref<128xf32, #tpu.memory_space<vmem>>, vector<16xf32>,
            tpu.vector_store %arg9[%swap3A], %select_n3A_492 {strides = array<i32>} : memref<128xf32, #tpu.memory_space<vmem>>, vector<16xf32>,
          } else {
          }
          scf.yield %select_n3A_492 : vector<16xf32>
        }
        %scan3A_102 = arith.constant 128 : i32
        %mul3A_103 = arith.constant 128 : i32
        %mul3A_104 = arith.muli %add3A, %mul3A_103 : i32
        "tpu.region"() ({
          %run_scoped3A_105 = tpu.sem_alloc : memref<!tpu.dma_semaphore, #tpu.memory_space<semaphore_mem>>
          %dma_start3A_106 = tpu.memref_slice %arg5[%scan3A_30, %mul3A_104] : memref<24x4096xf32, #tpu.memory_space<hbm>> -> memref<1x128xf32, #tpu.memory_space<hbm>>
          %dma_start3A_107 = tpu.memref_squeeze %dma_start3A_106 : memref<1x128xf32, #tpu.memory_space<hbm>> -> memref<128xf32, #tpu.memory_space<hbm>>
          %dma_start3A_108 = tpu.memref_slice %arg5[%scan3A_30, %mul3A_104] : memref<24x4096xf32, #tpu.memory_space<hbm>> -> memref<1x128xf32, #tpu.memory_space<hbm>>
          %dma_start3A_109 = tpu.memref_squeeze %dma_start3A_108 : memref<1x128xf32, #tpu.memory_space<hbm>> -> memref<128xf32, #tpu.memory_space<hbm>>
          tpu.enqueue_dma source(%arg9 : memref<128xf32, #tpu.memory_space<vmem>>) target(%dma_start3A_109 : memref<128xf32, #tpu.memory_space<hbm>>) target_semaphore(%run_scoped3A_105 : memref<!tpu.dma_semaphore, #tpu.memory_space<semaphore_mem>>)
          %dma_wait3A_110 = tpu.memref_slice %arg5[%scan3A_30, %mul3A_104] : memref<24x4096xf32, #tpu.memory_space<hbm>> -> memref<1x128xf32, #tpu.memory_space<hbm>>
          %dma_wait3A_111 = tpu.memref_squeeze %dma_wait3A_110 : memref<1x128xf32, #tpu.memory_space<hbm>> -> memref<128xf32, #tpu.memory_space<hbm>>
          %dma_wait3A_112 = tpu.memref_slice %arg5[%scan3A_30, %mul3A_104] : memref<24x4096xf32, #tpu.memory_space<hbm>> -> memref<1x128xf32, #tpu.memory_space<hbm>>
          %dma_wait3A_113 = tpu.memref_squeeze %dma_wait3A_112 : memref<1x128xf32, #tpu.memory_space<hbm>> -> memref<128xf32, #tpu.memory_space<hbm>>
          tpu.wait_dma2 semaphore(%run_scoped3A_105 : memref<!tpu.dma_semaphore, #tpu.memory_space<semaphore_mem>>) src(%arg9 : memref<128xf32, #tpu.memory_space<vmem>>) dst(%dma_wait3A_113 : memref<128xf32, #tpu.memory_space<hbm>>)
          tpu.yield
        }) : () -> ()
      } else {
      }
    }
    %scan3A_29 = arith.constant 24 : i32
    return
  }
}

#map = affine_map<(d0, d1) -> (0, 0, 0)>
#map1 = affine_map<(d0, d1) -> (0, 0)>
#map2 = affine_map<(d0, d1) -> (0, 0, 0, 0)>
module attributes {stable_mosaic.version = 14 : i64} {
  func.func @mk(%arg0: i32, %arg1: i32, %arg2: memref<24x4096x64xf32, #tpu.memory_space<hbm>>, %arg3: memref<98304x32xi32, #tpu.memory_space<hbm>>, %arg4: memref<24x32x9x128xi32, #tpu.memory_space<hbm>>, %arg5: memref<24x4096xf32, #tpu.memory_space<hbm>>, %arg6: memref<2x128x64xf32, #tpu.memory_space<vmem>>, %arg7: memref<2x9x128xi32, #tpu.memory_space<vmem>>, %arg8: memref<2x1152x32xi32, #tpu.memory_space<vmem>>, %arg9: memref<128xf32, #tpu.memory_space<vmem>>, %arg10: memref<!tpu.dma_semaphore, #tpu.memory_space<semaphore_mem>>, %arg11: memref<!tpu.dma_semaphore, #tpu.memory_space<semaphore_mem>>, %arg12: memref<!tpu.dma_semaphore, #tpu.memory_space<semaphore_mem>>, %arg13: memref<!tpu.dma_semaphore, #tpu.memory_space<semaphore_mem>>) attributes {dimension_semantics = [#tpu.dimension_semantics<core_parallel>, #tpu.dimension_semantics<subcore_parallel>], iteration_bounds = array<i64: 2, 16>, scalar_prefetch = 0 : i64, scratch_operands = 8 : i64, tpu.core_type = #tpu.core_type<sc_vector_subcore>, window_params = [{transform_indices = #map}, {transform_indices = #map1}, {transform_indices = #map2}, {transform_indices = #map1}]} {
    %mul3A = arith.constant 2 : i32
    %mul3A_0 = arith.muli %arg1, %mul3A : i32
    %add3A = arith.addi %mul3A_0, %arg0 : i32
    %run_scoped3A = arith.constant 0 : i32
    %run_scoped3A_1 = arith.constant 0 : i32
    "tpu.region"() ({
      %run_scoped3A_30 = tpu.sem_alloc : memref<!tpu.dma_semaphore, #tpu.memory_space<semaphore_mem>>
      %dma_start3A_31 = arith.constant 0 : i32
      %dma_start3A_32 = arith.constant 0 : i32
      %dma_start3A_33 = tpu.memref_slice %arg7[%run_scoped3A_1, %dma_start3A_31, %dma_start3A_32] : memref<2x9x128xi32, #tpu.memory_space<vmem>> -> memref<1x9x128xi32, #tpu.memory_space<vmem>>
      %dma_start3A_34 = tpu.memref_squeeze %dma_start3A_33 : memref<1x9x128xi32, #tpu.memory_space<vmem>> -> memref<9x128xi32, #tpu.memory_space<vmem>>
      %dma_start3A_35 = arith.constant 0 : i32
      %dma_start3A_36 = arith.constant 0 : i32
      %dma_start3A_37 = tpu.memref_slice %arg4[%run_scoped3A, %add3A, %dma_start3A_35, %dma_start3A_36] : memref<24x32x9x128xi32, #tpu.memory_space<hbm>> -> memref<1x1x9x128xi32, #tpu.memory_space<hbm>>
      %dma_start3A_38 = tpu.memref_squeeze %dma_start3A_37 : memref<1x1x9x128xi32, #tpu.memory_space<hbm>> -> memref<9x128xi32, #tpu.memory_space<hbm>>
      %dma_start3A_39 = arith.constant 0 : i32
      %dma_start3A_40 = arith.constant 0 : i32
      %dma_start3A_41 = tpu.memref_slice %arg7[%run_scoped3A_1, %dma_start3A_39, %dma_start3A_40] : memref<2x9x128xi32, #tpu.memory_space<vmem>> -> memref<1x9x128xi32, #tpu.memory_space<vmem>>
      %dma_start3A_42 = tpu.memref_squeeze %dma_start3A_41 : memref<1x9x128xi32, #tpu.memory_space<vmem>> -> memref<9x128xi32, #tpu.memory_space<vmem>>
      %dma_start3A_43 = arith.constant 0 : i32
      %dma_start3A_44 = arith.constant 0 : i32
      %dma_start3A_45 = tpu.memref_slice %arg4[%run_scoped3A, %add3A, %dma_start3A_43, %dma_start3A_44] : memref<24x32x9x128xi32, #tpu.memory_space<hbm>> -> memref<1x1x9x128xi32, #tpu.memory_space<hbm>>
      %dma_start3A_46 = tpu.memref_squeeze %dma_start3A_45 : memref<1x1x9x128xi32, #tpu.memory_space<hbm>> -> memref<9x128xi32, #tpu.memory_space<hbm>>
      tpu.enqueue_dma source(%dma_start3A_46 : memref<9x128xi32, #tpu.memory_space<hbm>>) target(%dma_start3A_42 : memref<9x128xi32, #tpu.memory_space<vmem>>) target_semaphore(%run_scoped3A_30 : memref<!tpu.dma_semaphore, #tpu.memory_space<semaphore_mem>>)
      %dma_wait3A = arith.constant 0 : i32
      %dma_wait3A_47 = arith.constant 0 : i32
      %dma_wait3A_48 = tpu.memref_slice %arg7[%run_scoped3A_1, %dma_wait3A, %dma_wait3A_47] : memref<2x9x128xi32, #tpu.memory_space<vmem>> -> memref<1x9x128xi32, #tpu.memory_space<vmem>>
      %dma_wait3A_49 = tpu.memref_squeeze %dma_wait3A_48 : memref<1x9x128xi32, #tpu.memory_space<vmem>> -> memref<9x128xi32, #tpu.memory_space<vmem>>
      %dma_wait3A_50 = arith.constant 0 : i32
      %dma_wait3A_51 = arith.constant 0 : i32
      %dma_wait3A_52 = tpu.memref_slice %arg4[%run_scoped3A, %add3A, %dma_wait3A_50, %dma_wait3A_51] : memref<24x32x9x128xi32, #tpu.memory_space<hbm>> -> memref<1x1x9x128xi32, #tpu.memory_space<hbm>>
      %dma_wait3A_53 = tpu.memref_squeeze %dma_wait3A_52 : memref<1x1x9x128xi32, #tpu.memory_space<hbm>> -> memref<9x128xi32, #tpu.memory_space<hbm>>
      %dma_wait3A_54 = arith.constant 0 : i32
      %dma_wait3A_55 = arith.constant 0 : i32
      %dma_wait3A_56 = tpu.memref_slice %arg7[%run_scoped3A_1, %dma_wait3A_54, %dma_wait3A_55] : memref<2x9x128xi32, #tpu.memory_space<vmem>> -> memref<1x9x128xi32, #tpu.memory_space<vmem>>
      %dma_wait3A_57 = tpu.memref_squeeze %dma_wait3A_56 : memref<1x9x128xi32, #tpu.memory_space<vmem>> -> memref<9x128xi32, #tpu.memory_space<vmem>>
      %dma_wait3A_58 = arith.constant 0 : i32
      %dma_wait3A_59 = arith.constant 0 : i32
      %dma_wait3A_60 = tpu.memref_slice %arg4[%run_scoped3A, %add3A, %dma_wait3A_58, %dma_wait3A_59] : memref<24x32x9x128xi32, #tpu.memory_space<hbm>> -> memref<1x1x9x128xi32, #tpu.memory_space<hbm>>
      %dma_wait3A_61 = tpu.memref_squeeze %dma_wait3A_60 : memref<1x1x9x128xi32, #tpu.memory_space<hbm>> -> memref<9x128xi32, #tpu.memory_space<hbm>>
      tpu.wait_dma2 semaphore(%run_scoped3A_30 : memref<!tpu.dma_semaphore, #tpu.memory_space<semaphore_mem>>) src(%dma_wait3A_61 : memref<9x128xi32, #tpu.memory_space<hbm>>) dst(%dma_wait3A_57 : memref<9x128xi32, #tpu.memory_space<vmem>>)
      tpu.yield
    }) : () -> ()
    %mul3A_2 = arith.constant 128 : i32
    %mul3A_3 = arith.muli %add3A, %mul3A_2 : i32
    %dma_start3A = arith.constant 0 : i32
    %dma_start3A_4 = arith.constant 0 : i32
    %dma_start3A_5 = arith.constant 0 : i32
    %dma_start3A_6 = arith.constant 0 : i32
    %dma_start3A_7 = tpu.memref_slice %arg6[%dma_start3A_4, %dma_start3A_5, %dma_start3A_6] : memref<2x128x64xf32, #tpu.memory_space<vmem>> -> memref<1x128x64xf32, #tpu.memory_space<vmem>>
    %dma_start3A_8 = tpu.memref_squeeze %dma_start3A_7 : memref<1x128x64xf32, #tpu.memory_space<vmem>> -> memref<128x64xf32, #tpu.memory_space<vmem>>
    %dma_start3A_9 = arith.constant 0 : i32
    %dma_start3A_10 = tpu.memref_slice %arg2[%dma_start3A, %mul3A_3, %dma_start3A_9] : memref<24x4096x64xf32, #tpu.memory_space<hbm>> -> memref<1x128x64xf32, #tpu.memory_space<hbm>>
    %dma_start3A_11 = tpu.memref_squeeze %dma_start3A_10 : memref<1x128x64xf32, #tpu.memory_space<hbm>> -> memref<128x64xf32, #tpu.memory_space<hbm>>
    %dma_start3A_12 = arith.constant 0 : i32
    %dma_start3A_13 = arith.constant 0 : i32
    %dma_start3A_14 = tpu.memref_slice %arg6[%dma_start3A_4, %dma_start3A_12, %dma_start3A_13] : memref<2x128x64xf32, #tpu.memory_space<vmem>> -> memref<1x128x64xf32, #tpu.memory_space<vmem>>
    %dma_start3A_15 = tpu.memref_squeeze %dma_start3A_14 : memref<1x128x64xf32, #tpu.memory_space<vmem>> -> memref<128x64xf32, #tpu.memory_space<vmem>>
    %dma_start3A_16 = arith.constant 0 : i32
    %dma_start3A_17 = tpu.memref_slice %arg2[%dma_start3A, %mul3A_3, %dma_start3A_16] : memref<24x4096x64xf32, #tpu.memory_space<hbm>> -> memref<1x128x64xf32, #tpu.memory_space<hbm>>
    %dma_start3A_18 = tpu.memref_squeeze %dma_start3A_17 : memref<1x128x64xf32, #tpu.memory_space<hbm>> -> memref<128x64xf32, #tpu.memory_space<hbm>>
    tpu.enqueue_dma source(%dma_start3A_18 : memref<128x64xf32, #tpu.memory_space<hbm>>) target(%dma_start3A_15 : memref<128x64xf32, #tpu.memory_space<vmem>>) target_semaphore(%arg10 : memref<!tpu.dma_semaphore, #tpu.memory_space<semaphore_mem>>)
    %scan3A = arith.constant 0 : i32
    %scan3A_19 = arith.constant 0 : i32
    %scan3A_20 = arith.constant 9 : i32
    %scan3A_21 = arith.addi %scan3A_19, %scan3A_20 : i32
    %scan3A_22 = arith.constant 1 : i32
    scf.for %scan3A_30 = %scan3A_19 to %scan3A_21 step %scan3A_22  : i32 {
      %mul3A_31 = arith.constant 128 : i32
      %mul3A_32 = arith.muli %scan3A_30, %mul3A_31 : i32
      %dma_start3A_33 = arith.constant 0 : i32
      %dma_start3A_34 = arith.constant 0 : i32
      %dma_start3A_35 = arith.constant 0 : i32
      %dma_start3A_36 = tpu.memref_slice %arg8[%dma_start3A_34, %mul3A_32, %dma_start3A_35] : memref<2x1152x32xi32, #tpu.memory_space<vmem>> -> memref<1x128x32xi32, #tpu.memory_space<vmem>>
      %dma_start3A_37 = tpu.memref_squeeze %dma_start3A_36 : memref<1x128x32xi32, #tpu.memory_space<vmem>> -> memref<128x32xi32, #tpu.memory_space<vmem>>
      %dma_start3A_38 = arith.constant 0 : i32
      %dma_start3A_39 = tpu.memref_slice %arg7[%dma_start3A_33, %scan3A_30, %dma_start3A_38] : memref<2x9x128xi32, #tpu.memory_space<vmem>> -> memref<1x1x128xi32, #tpu.memory_space<vmem>>
      %dma_start3A_40 = tpu.memref_squeeze %dma_start3A_39 : memref<1x1x128xi32, #tpu.memory_space<vmem>> -> memref<128xi32, #tpu.memory_space<vmem>>
      %dma_start3A_41 = arith.constant 0 : i32
      %dma_start3A_42 = arith.constant 0 : i32
      %dma_start3A_43 = tpu.memref_slice %arg3[%dma_start3A_41, %dma_start3A_42] : memref<98304x32xi32, #tpu.memory_space<hbm>> -> memref<98304x32xi32, #tpu.memory_space<hbm>>
      tpu.enqueue_indirect_dma source(%dma_start3A_43 : memref<98304x32xi32, #tpu.memory_space<hbm>>) target(%dma_start3A_37 : memref<128x32xi32, #tpu.memory_space<vmem>>) offsets(%dma_start3A_40 : memref<128xi32, #tpu.memory_space<vmem>>) semaphore(%arg12 : memref<!tpu.dma_semaphore, #tpu.memory_space<semaphore_mem>>)
    }
    %scan3A_23 = arith.constant 9 : i32
    %scan3A_24 = arith.constant 0 : i32
    %scan3A_25 = arith.constant 0 : i32
    %scan3A_26 = arith.constant 24 : i32
    %scan3A_27 = arith.addi %scan3A_25, %scan3A_26 : i32
    %scan3A_28 = arith.constant 1 : i32
    scf.for %scan3A_30 = %scan3A_25 to %scan3A_27 step %scan3A_28  : i32 {
      %add3A_31 = arith.constant 1 : i32
      %add3A_32 = arith.addi %scan3A_30, %add3A_31 : i32
      %lt3A = arith.constant 24 : i32
      %lt3A_33 = arith.cmpi slt, %add3A_32, %lt3A : i32
      %convert_element_type3A = arith.extui %lt3A_33 : i1 to i32
      %cond3A = arith.constant 0 : i32
      %cond3A_34 = arith.cmpi ne, %convert_element_type3A, %cond3A : i32
      scf.if %cond3A_34 {
        %jit3A_71 = arith.constant 2 : i32
        %eq3A_72 = arith.constant 0 : i32
        %eq3A_73 = arith.cmpi eq, %jit3A_71, %eq3A_72 : i32
        %jit3A_74 = arith.constant 1 : i32
        %select_n3A_75 = arith.select %eq3A_73, %jit3A_74, %jit3A_71 : i32
        %rem3A_76 = arith.remsi %scan3A_30, %select_n3A_75 : i32
        %ne3A_77 = arith.constant 0 : i32
        %ne3A_78 = arith.cmpi ne, %rem3A_76, %ne3A_77 : i32
        %lt3A_79 = arith.constant 0 : i32
        %lt3A_80 = arith.cmpi slt, %rem3A_76, %lt3A_79 : i32
        %lt3A_81 = arith.constant 0 : i32
        %lt3A_82 = arith.cmpi slt, %select_n3A_75, %lt3A_81 : i32
        %ne3A_83 = arith.xori %lt3A_80, %lt3A_82 : i1
        %and3A_84 = arith.andi %ne3A_83, %ne3A_78 : i1
        %add3A_85 = arith.addi %rem3A_76, %select_n3A_75 : i32
        %select_n3A_86 = arith.select %and3A_84, %add3A_85, %rem3A_76 : i32
        %eq3A_87 = arith.constant 0 : i32
        %eq3A_88 = arith.cmpi eq, %select_n3A_86, %eq3A_87 : i32
        %convert_element_type3A_89 = arith.extui %eq3A_88 : i1 to i32
        %cond3A_90 = arith.constant 0 : i32
        %cond3A_91 = arith.cmpi ne, %convert_element_type3A_89, %cond3A_90 : i32
        scf.if %cond3A_91 {
          %add3A_113 = arith.constant 1 : i32
          %add3A_114 = arith.addi %scan3A_30, %add3A_113 : i32
          %run_scoped3A_115 = arith.constant 1 : i32
          "tpu.region"() ({
            %run_scoped3A_139 = tpu.sem_alloc : memref<!tpu.dma_semaphore, #tpu.memory_space<semaphore_mem>>
            %dma_start3A_140 = arith.constant 0 : i32
            %dma_start3A_141 = arith.constant 0 : i32
            %dma_start3A_142 = tpu.memref_slice %arg7[%run_scoped3A_115, %dma_start3A_140, %dma_start3A_141] : memref<2x9x128xi32, #tpu.memory_space<vmem>> -> memref<1x9x128xi32, #tpu.memory_space<vmem>>
            %dma_start3A_143 = tpu.memref_squeeze %dma_start3A_142 : memref<1x9x128xi32, #tpu.memory_space<vmem>> -> memref<9x128xi32, #tpu.memory_space<vmem>>
            %dma_start3A_144 = arith.constant 0 : i32
            %dma_start3A_145 = arith.constant 0 : i32
            %dma_start3A_146 = tpu.memref_slice %arg4[%add3A_114, %add3A, %dma_start3A_144, %dma_start3A_145] : memref<24x32x9x128xi32, #tpu.memory_space<hbm>> -> memref<1x1x9x128xi32, #tpu.memory_space<hbm>>
            %dma_start3A_147 = tpu.memref_squeeze %dma_start3A_146 : memref<1x1x9x128xi32, #tpu.memory_space<hbm>> -> memref<9x128xi32, #tpu.memory_space<hbm>>
            %dma_start3A_148 = arith.constant 0 : i32
            %dma_start3A_149 = arith.constant 0 : i32
            %dma_start3A_150 = tpu.memref_slice %arg7[%run_scoped3A_115, %dma_start3A_148, %dma_start3A_149] : memref<2x9x128xi32, #tpu.memory_space<vmem>> -> memref<1x9x128xi32, #tpu.memory_space<vmem>>
            %dma_start3A_151 = tpu.memref_squeeze %dma_start3A_150 : memref<1x9x128xi32, #tpu.memory_space<vmem>> -> memref<9x128xi32, #tpu.memory_space<vmem>>
            %dma_start3A_152 = arith.constant 0 : i32
            %dma_start3A_153 = arith.constant 0 : i32
            %dma_start3A_154 = tpu.memref_slice %arg4[%add3A_114, %add3A, %dma_start3A_152, %dma_start3A_153] : memref<24x32x9x128xi32, #tpu.memory_space<hbm>> -> memref<1x1x9x128xi32, #tpu.memory_space<hbm>>
            %dma_start3A_155 = tpu.memref_squeeze %dma_start3A_154 : memref<1x1x9x128xi32, #tpu.memory_space<hbm>> -> memref<9x128xi32, #tpu.memory_space<hbm>>
            tpu.enqueue_dma source(%dma_start3A_155 : memref<9x128xi32, #tpu.memory_space<hbm>>) target(%dma_start3A_151 : memref<9x128xi32, #tpu.memory_space<vmem>>) target_semaphore(%run_scoped3A_139 : memref<!tpu.dma_semaphore, #tpu.memory_space<semaphore_mem>>)
            %dma_wait3A = arith.constant 0 : i32
            %dma_wait3A_156 = arith.constant 0 : i32
            %dma_wait3A_157 = tpu.memref_slice %arg7[%run_scoped3A_115, %dma_wait3A, %dma_wait3A_156] : memref<2x9x128xi32, #tpu.memory_space<vmem>> -> memref<1x9x128xi32, #tpu.memory_space<vmem>>
            %dma_wait3A_158 = tpu.memref_squeeze %dma_wait3A_157 : memref<1x9x128xi32, #tpu.memory_space<vmem>> -> memref<9x128xi32, #tpu.memory_space<vmem>>
            %dma_wait3A_159 = arith.constant 0 : i32
            %dma_wait3A_160 = arith.constant 0 : i32
            %dma_wait3A_161 = tpu.memref_slice %arg4[%add3A_114, %add3A, %dma_wait3A_159, %dma_wait3A_160] : memref<24x32x9x128xi32, #tpu.memory_space<hbm>> -> memref<1x1x9x128xi32, #tpu.memory_space<hbm>>
            %dma_wait3A_162 = tpu.memref_squeeze %dma_wait3A_161 : memref<1x1x9x128xi32, #tpu.memory_space<hbm>> -> memref<9x128xi32, #tpu.memory_space<hbm>>
            %dma_wait3A_163 = arith.constant 0 : i32
            %dma_wait3A_164 = arith.constant 0 : i32
            %dma_wait3A_165 = tpu.memref_slice %arg7[%run_scoped3A_115, %dma_wait3A_163, %dma_wait3A_164] : memref<2x9x128xi32, #tpu.memory_space<vmem>> -> memref<1x9x128xi32, #tpu.memory_space<vmem>>
            %dma_wait3A_166 = tpu.memref_squeeze %dma_wait3A_165 : memref<1x9x128xi32, #tpu.memory_space<vmem>> -> memref<9x128xi32, #tpu.memory_space<vmem>>
            %dma_wait3A_167 = arith.constant 0 : i32
            %dma_wait3A_168 = arith.constant 0 : i32
            %dma_wait3A_169 = tpu.memref_slice %arg4[%add3A_114, %add3A, %dma_wait3A_167, %dma_wait3A_168] : memref<24x32x9x128xi32, #tpu.memory_space<hbm>> -> memref<1x1x9x128xi32, #tpu.memory_space<hbm>>
            %dma_wait3A_170 = tpu.memref_squeeze %dma_wait3A_169 : memref<1x1x9x128xi32, #tpu.memory_space<hbm>> -> memref<9x128xi32, #tpu.memory_space<hbm>>
            tpu.wait_dma2 semaphore(%run_scoped3A_139 : memref<!tpu.dma_semaphore, #tpu.memory_space<semaphore_mem>>) src(%dma_wait3A_170 : memref<9x128xi32, #tpu.memory_space<hbm>>) dst(%dma_wait3A_166 : memref<9x128xi32, #tpu.memory_space<vmem>>)
            tpu.yield
          }) : () -> ()
          %mul3A_116 = arith.constant 128 : i32
          %mul3A_117 = arith.muli %add3A, %mul3A_116 : i32
          %dma_start3A_118 = arith.constant 1 : i32
          %dma_start3A_119 = arith.constant 0 : i32
          %dma_start3A_120 = arith.constant 0 : i32
          %dma_start3A_121 = tpu.memref_slice %arg6[%dma_start3A_118, %dma_start3A_119, %dma_start3A_120] : memref<2x128x64xf32, #tpu.memory_space<vmem>> -> memref<1x128x64xf32, #tpu.memory_space<vmem>>
          %dma_start3A_122 = tpu.memref_squeeze %dma_start3A_121 : memref<1x128x64xf32, #tpu.memory_space<vmem>> -> memref<128x64xf32, #tpu.memory_space<vmem>>
          %dma_start3A_123 = arith.constant 0 : i32
          %dma_start3A_124 = tpu.memref_slice %arg2[%add3A_114, %mul3A_117, %dma_start3A_123] : memref<24x4096x64xf32, #tpu.memory_space<hbm>> -> memref<1x128x64xf32, #tpu.memory_space<hbm>>
          %dma_start3A_125 = tpu.memref_squeeze %dma_start3A_124 : memref<1x128x64xf32, #tpu.memory_space<hbm>> -> memref<128x64xf32, #tpu.memory_space<hbm>>
          %dma_start3A_126 = arith.constant 0 : i32
          %dma_start3A_127 = arith.constant 0 : i32
          %dma_start3A_128 = tpu.memref_slice %arg6[%dma_start3A_118, %dma_start3A_126, %dma_start3A_127] : memref<2x128x64xf32, #tpu.memory_space<vmem>> -> memref<1x128x64xf32, #tpu.memory_space<vmem>>
          %dma_start3A_129 = tpu.memref_squeeze %dma_start3A_128 : memref<1x128x64xf32, #tpu.memory_space<vmem>> -> memref<128x64xf32, #tpu.memory_space<vmem>>
          %dma_start3A_130 = arith.constant 0 : i32
          %dma_start3A_131 = tpu.memref_slice %arg2[%add3A_114, %mul3A_117, %dma_start3A_130] : memref<24x4096x64xf32, #tpu.memory_space<hbm>> -> memref<1x128x64xf32, #tpu.memory_space<hbm>>
          %dma_start3A_132 = tpu.memref_squeeze %dma_start3A_131 : memref<1x128x64xf32, #tpu.memory_space<hbm>> -> memref<128x64xf32, #tpu.memory_space<hbm>>
          tpu.enqueue_dma source(%dma_start3A_132 : memref<128x64xf32, #tpu.memory_space<hbm>>) target(%dma_start3A_129 : memref<128x64xf32, #tpu.memory_space<vmem>>) target_semaphore(%arg11 : memref<!tpu.dma_semaphore, #tpu.memory_space<semaphore_mem>>)
          %scan3A_133 = arith.constant 0 : i32
          %scan3A_134 = arith.constant 0 : i32
          %scan3A_135 = arith.constant 9 : i32
          %scan3A_136 = arith.addi %scan3A_134, %scan3A_135 : i32
          %scan3A_137 = arith.constant 1 : i32
          scf.for %scan3A_139 = %scan3A_134 to %scan3A_136 step %scan3A_137  : i32 {
            %mul3A_140 = arith.constant 128 : i32
            %mul3A_141 = arith.muli %scan3A_139, %mul3A_140 : i32
            %dma_start3A_142 = arith.constant 1 : i32
            %dma_start3A_143 = arith.constant 1 : i32
            %dma_start3A_144 = arith.constant 0 : i32
            %dma_start3A_145 = tpu.memref_slice %arg8[%dma_start3A_143, %mul3A_141, %dma_start3A_144] : memref<2x1152x32xi32, #tpu.memory_space<vmem>> -> memref<1x128x32xi32, #tpu.memory_space<vmem>>
            %dma_start3A_146 = tpu.memref_squeeze %dma_start3A_145 : memref<1x128x32xi32, #tpu.memory_space<vmem>> -> memref<128x32xi32, #tpu.memory_space<vmem>>
            %dma_start3A_147 = arith.constant 0 : i32
            %dma_start3A_148 = tpu.memref_slice %arg7[%dma_start3A_142, %scan3A_139, %dma_start3A_147] : memref<2x9x128xi32, #tpu.memory_space<vmem>> -> memref<1x1x128xi32, #tpu.memory_space<vmem>>
            %dma_start3A_149 = tpu.memref_squeeze %dma_start3A_148 : memref<1x1x128xi32, #tpu.memory_space<vmem>> -> memref<128xi32, #tpu.memory_space<vmem>>
            %dma_start3A_150 = arith.constant 0 : i32
            %dma_start3A_151 = arith.constant 0 : i32
            %dma_start3A_152 = tpu.memref_slice %arg3[%dma_start3A_150, %dma_start3A_151] : memref<98304x32xi32, #tpu.memory_space<hbm>> -> memref<98304x32xi32, #tpu.memory_space<hbm>>
            tpu.enqueue_indirect_dma source(%dma_start3A_152 : memref<98304x32xi32, #tpu.memory_space<hbm>>) target(%dma_start3A_146 : memref<128x32xi32, #tpu.memory_space<vmem>>) offsets(%dma_start3A_149 : memref<128xi32, #tpu.memory_space<vmem>>) semaphore(%arg13 : memref<!tpu.dma_semaphore, #tpu.memory_space<semaphore_mem>>)
          }
          %scan3A_138 = arith.constant 9 : i32
        } else {
        }
        %jit3A_92 = arith.constant 2 : i32
        %eq3A_93 = arith.constant 0 : i32
        %eq3A_94 = arith.cmpi eq, %jit3A_92, %eq3A_93 : i32
        %jit3A_95 = arith.constant 1 : i32
        %select_n3A_96 = arith.select %eq3A_94, %jit3A_95, %jit3A_92 : i32
        %rem3A_97 = arith.remsi %scan3A_30, %select_n3A_96 : i32
        %ne3A_98 = arith.constant 0 : i32
        %ne3A_99 = arith.cmpi ne, %rem3A_97, %ne3A_98 : i32
        %lt3A_100 = arith.constant 0 : i32
        %lt3A_101 = arith.cmpi slt, %rem3A_97, %lt3A_100 : i32
        %lt3A_102 = arith.constant 0 : i32
        %lt3A_103 = arith.cmpi slt, %select_n3A_96, %lt3A_102 : i32
        %ne3A_104 = arith.xori %lt3A_101, %lt3A_103 : i1
        %and3A_105 = arith.andi %ne3A_104, %ne3A_99 : i1
        %add3A_106 = arith.addi %rem3A_97, %select_n3A_96 : i32
        %select_n3A_107 = arith.select %and3A_105, %add3A_106, %rem3A_97 : i32
        %eq3A_108 = arith.constant 1 : i32
        %eq3A_109 = arith.cmpi eq, %select_n3A_107, %eq3A_108 : i32
        %convert_element_type3A_110 = arith.extui %eq3A_109 : i1 to i32
        %cond3A_111 = arith.constant 0 : i32
        %cond3A_112 = arith.cmpi ne, %convert_element_type3A_110, %cond3A_111 : i32
        scf.if %cond3A_112 {
          %add3A_113 = arith.constant 1 : i32
          %add3A_114 = arith.addi %scan3A_30, %add3A_113 : i32
          %run_scoped3A_115 = arith.constant 0 : i32
          "tpu.region"() ({
            %run_scoped3A_139 = tpu.sem_alloc : memref<!tpu.dma_semaphore, #tpu.memory_space<semaphore_mem>>
            %dma_start3A_140 = arith.constant 0 : i32
            %dma_start3A_141 = arith.constant 0 : i32
            %dma_start3A_142 = tpu.memref_slice %arg7[%run_scoped3A_115, %dma_start3A_140, %dma_start3A_141] : memref<2x9x128xi32, #tpu.memory_space<vmem>> -> memref<1x9x128xi32, #tpu.memory_space<vmem>>
            %dma_start3A_143 = tpu.memref_squeeze %dma_start3A_142 : memref<1x9x128xi32, #tpu.memory_space<vmem>> -> memref<9x128xi32, #tpu.memory_space<vmem>>
            %dma_start3A_144 = arith.constant 0 : i32
            %dma_start3A_145 = arith.constant 0 : i32
            %dma_start3A_146 = tpu.memref_slice %arg4[%add3A_114, %add3A, %dma_start3A_144, %dma_start3A_145] : memref<24x32x9x128xi32, #tpu.memory_space<hbm>> -> memref<1x1x9x128xi32, #tpu.memory_space<hbm>>
            %dma_start3A_147 = tpu.memref_squeeze %dma_start3A_146 : memref<1x1x9x128xi32, #tpu.memory_space<hbm>> -> memref<9x128xi32, #tpu.memory_space<hbm>>
            %dma_start3A_148 = arith.constant 0 : i32
            %dma_start3A_149 = arith.constant 0 : i32
            %dma_start3A_150 = tpu.memref_slice %arg7[%run_scoped3A_115, %dma_start3A_148, %dma_start3A_149] : memref<2x9x128xi32, #tpu.memory_space<vmem>> -> memref<1x9x128xi32, #tpu.memory_space<vmem>>
            %dma_start3A_151 = tpu.memref_squeeze %dma_start3A_150 : memref<1x9x128xi32, #tpu.memory_space<vmem>> -> memref<9x128xi32, #tpu.memory_space<vmem>>
            %dma_start3A_152 = arith.constant 0 : i32
            %dma_start3A_153 = arith.constant 0 : i32
            %dma_start3A_154 = tpu.memref_slice %arg4[%add3A_114, %add3A, %dma_start3A_152, %dma_start3A_153] : memref<24x32x9x128xi32, #tpu.memory_space<hbm>> -> memref<1x1x9x128xi32, #tpu.memory_space<hbm>>
            %dma_start3A_155 = tpu.memref_squeeze %dma_start3A_154 : memref<1x1x9x128xi32, #tpu.memory_space<hbm>> -> memref<9x128xi32, #tpu.memory_space<hbm>>
            tpu.enqueue_dma source(%dma_start3A_155 : memref<9x128xi32, #tpu.memory_space<hbm>>) target(%dma_start3A_151 : memref<9x128xi32, #tpu.memory_space<vmem>>) target_semaphore(%run_scoped3A_139 : memref<!tpu.dma_semaphore, #tpu.memory_space<semaphore_mem>>)
            %dma_wait3A = arith.constant 0 : i32
            %dma_wait3A_156 = arith.constant 0 : i32
            %dma_wait3A_157 = tpu.memref_slice %arg7[%run_scoped3A_115, %dma_wait3A, %dma_wait3A_156] : memref<2x9x128xi32, #tpu.memory_space<vmem>> -> memref<1x9x128xi32, #tpu.memory_space<vmem>>
            %dma_wait3A_158 = tpu.memref_squeeze %dma_wait3A_157 : memref<1x9x128xi32, #tpu.memory_space<vmem>> -> memref<9x128xi32, #tpu.memory_space<vmem>>
            %dma_wait3A_159 = arith.constant 0 : i32
            %dma_wait3A_160 = arith.constant 0 : i32
            %dma_wait3A_161 = tpu.memref_slice %arg4[%add3A_114, %add3A, %dma_wait3A_159, %dma_wait3A_160] : memref<24x32x9x128xi32, #tpu.memory_space<hbm>> -> memref<1x1x9x128xi32, #tpu.memory_space<hbm>>
            %dma_wait3A_162 = tpu.memref_squeeze %dma_wait3A_161 : memref<1x1x9x128xi32, #tpu.memory_space<hbm>> -> memref<9x128xi32, #tpu.memory_space<hbm>>
            %dma_wait3A_163 = arith.constant 0 : i32
            %dma_wait3A_164 = arith.constant 0 : i32
            %dma_wait3A_165 = tpu.memref_slice %arg7[%run_scoped3A_115, %dma_wait3A_163, %dma_wait3A_164] : memref<2x9x128xi32, #tpu.memory_space<vmem>> -> memref<1x9x128xi32, #tpu.memory_space<vmem>>
            %dma_wait3A_166 = tpu.memref_squeeze %dma_wait3A_165 : memref<1x9x128xi32, #tpu.memory_space<vmem>> -> memref<9x128xi32, #tpu.memory_space<vmem>>
            %dma_wait3A_167 = arith.constant 0 : i32
            %dma_wait3A_168 = arith.constant 0 : i32
            %dma_wait3A_169 = tpu.memref_slice %arg4[%add3A_114, %add3A, %dma_wait3A_167, %dma_wait3A_168] : memref<24x32x9x128xi32, #tpu.memory_space<hbm>> -> memref<1x1x9x128xi32, #tpu.memory_space<hbm>>
            %dma_wait3A_170 = tpu.memref_squeeze %dma_wait3A_169 : memref<1x1x9x128xi32, #tpu.memory_space<hbm>> -> memref<9x128xi32, #tpu.memory_space<hbm>>
            tpu.wait_dma2 semaphore(%run_scoped3A_139 : memref<!tpu.dma_semaphore, #tpu.memory_space<semaphore_mem>>) src(%dma_wait3A_170 : memref<9x128xi32, #tpu.memory_space<hbm>>) dst(%dma_wait3A_166 : memref<9x128xi32, #tpu.memory_space<vmem>>)
            tpu.yield
          }) : () -> ()
          %mul3A_116 = arith.constant 128 : i32
          %mul3A_117 = arith.muli %add3A, %mul3A_116 : i32
          %dma_start3A_118 = arith.constant 0 : i32
          %dma_start3A_119 = arith.constant 0 : i32
          %dma_start3A_120 = arith.constant 0 : i32
          %dma_start3A_121 = tpu.memref_slice %arg6[%dma_start3A_118, %dma_start3A_119, %dma_start3A_120] : memref<2x128x64xf32, #tpu.memory_space<vmem>> -> memref<1x128x64xf32, #tpu.memory_space<vmem>>
          %dma_start3A_122 = tpu.memref_squeeze %dma_start3A_121 : memref<1x128x64xf32, #tpu.memory_space<vmem>> -> memref<128x64xf32, #tpu.memory_space<vmem>>
          %dma_start3A_123 = arith.constant 0 : i32
          %dma_start3A_124 = tpu.memref_slice %arg2[%add3A_114, %mul3A_117, %dma_start3A_123] : memref<24x4096x64xf32, #tpu.memory_space<hbm>> -> memref<1x128x64xf32, #tpu.memory_space<hbm>>
          %dma_start3A_125 = tpu.memref_squeeze %dma_start3A_124 : memref<1x128x64xf32, #tpu.memory_space<hbm>> -> memref<128x64xf32, #tpu.memory_space<hbm>>
          %dma_start3A_126 = arith.constant 0 : i32
          %dma_start3A_127 = arith.constant 0 : i32
          %dma_start3A_128 = tpu.memref_slice %arg6[%dma_start3A_118, %dma_start3A_126, %dma_start3A_127] : memref<2x128x64xf32, #tpu.memory_space<vmem>> -> memref<1x128x64xf32, #tpu.memory_space<vmem>>
          %dma_start3A_129 = tpu.memref_squeeze %dma_start3A_128 : memref<1x128x64xf32, #tpu.memory_space<vmem>> -> memref<128x64xf32, #tpu.memory_space<vmem>>
          %dma_start3A_130 = arith.constant 0 : i32
          %dma_start3A_131 = tpu.memref_slice %arg2[%add3A_114, %mul3A_117, %dma_start3A_130] : memref<24x4096x64xf32, #tpu.memory_space<hbm>> -> memref<1x128x64xf32, #tpu.memory_space<hbm>>
          %dma_start3A_132 = tpu.memref_squeeze %dma_start3A_131 : memref<1x128x64xf32, #tpu.memory_space<hbm>> -> memref<128x64xf32, #tpu.memory_space<hbm>>
          tpu.enqueue_dma source(%dma_start3A_132 : memref<128x64xf32, #tpu.memory_space<hbm>>) target(%dma_start3A_129 : memref<128x64xf32, #tpu.memory_space<vmem>>) target_semaphore(%arg10 : memref<!tpu.dma_semaphore, #tpu.memory_space<semaphore_mem>>)
          %scan3A_133 = arith.constant 0 : i32
          %scan3A_134 = arith.constant 0 : i32
          %scan3A_135 = arith.constant 9 : i32
          %scan3A_136 = arith.addi %scan3A_134, %scan3A_135 : i32
          %scan3A_137 = arith.constant 1 : i32
          scf.for %scan3A_139 = %scan3A_134 to %scan3A_136 step %scan3A_137  : i32 {
            %mul3A_140 = arith.constant 128 : i32
            %mul3A_141 = arith.muli %scan3A_139, %mul3A_140 : i32
            %dma_start3A_142 = arith.constant 0 : i32
            %dma_start3A_143 = arith.constant 0 : i32
            %dma_start3A_144 = arith.constant 0 : i32
            %dma_start3A_145 = tpu.memref_slice %arg8[%dma_start3A_143, %mul3A_141, %dma_start3A_144] : memref<2x1152x32xi32, #tpu.memory_space<vmem>> -> memref<1x128x32xi32, #tpu.memory_space<vmem>>
            %dma_start3A_146 = tpu.memref_squeeze %dma_start3A_145 : memref<1x128x32xi32, #tpu.memory_space<vmem>> -> memref<128x32xi32, #tpu.memory_space<vmem>>
            %dma_start3A_147 = arith.constant 0 : i32
            %dma_start3A_148 = tpu.memref_slice %arg7[%dma_start3A_142, %scan3A_139, %dma_start3A_147] : memref<2x9x128xi32, #tpu.memory_space<vmem>> -> memref<1x1x128xi32, #tpu.memory_space<vmem>>
            %dma_start3A_149 = tpu.memref_squeeze %dma_start3A_148 : memref<1x1x128xi32, #tpu.memory_space<vmem>> -> memref<128xi32, #tpu.memory_space<vmem>>
            %dma_start3A_150 = arith.constant 0 : i32
            %dma_start3A_151 = arith.constant 0 : i32
            %dma_start3A_152 = tpu.memref_slice %arg3[%dma_start3A_150, %dma_start3A_151] : memref<98304x32xi32, #tpu.memory_space<hbm>> -> memref<98304x32xi32, #tpu.memory_space<hbm>>
            tpu.enqueue_indirect_dma source(%dma_start3A_152 : memref<98304x32xi32, #tpu.memory_space<hbm>>) target(%dma_start3A_146 : memref<128x32xi32, #tpu.memory_space<vmem>>) offsets(%dma_start3A_149 : memref<128xi32, #tpu.memory_space<vmem>>) semaphore(%arg12 : memref<!tpu.dma_semaphore, #tpu.memory_space<semaphore_mem>>)
          }
          %scan3A_138 = arith.constant 9 : i32
        } else {
        }
      } else {
      }
      %jit3A = arith.constant 2 : i32
      %eq3A = arith.constant 0 : i32
      %eq3A_35 = arith.cmpi eq, %jit3A, %eq3A : i32
      %jit3A_36 = arith.constant 1 : i32
      %select_n3A = arith.select %eq3A_35, %jit3A_36, %jit3A : i32
      %rem3A = arith.remsi %scan3A_30, %select_n3A : i32
      %ne3A = arith.constant 0 : i32
      %ne3A_37 = arith.cmpi ne, %rem3A, %ne3A : i32
      %lt3A_38 = arith.constant 0 : i32
      %lt3A_39 = arith.cmpi slt, %rem3A, %lt3A_38 : i32
      %lt3A_40 = arith.constant 0 : i32
      %lt3A_41 = arith.cmpi slt, %select_n3A, %lt3A_40 : i32
      %ne3A_42 = arith.xori %lt3A_39, %lt3A_41 : i1
      %and3A = arith.andi %ne3A_42, %ne3A_37 : i1
      %add3A_43 = arith.addi %rem3A, %select_n3A : i32
      %select_n3A_44 = arith.select %and3A, %add3A_43, %rem3A : i32
      %eq3A_45 = arith.constant 0 : i32
      %eq3A_46 = arith.cmpi eq, %select_n3A_44, %eq3A_45 : i32
      %convert_element_type3A_47 = arith.extui %eq3A_46 : i1 to i32
      %cond3A_48 = arith.constant 0 : i32
      %cond3A_49 = arith.cmpi ne, %convert_element_type3A_47, %cond3A_48 : i32
      scf.if %cond3A_49 {
        %dma_wait3A = arith.constant 0 : i32
        %dma_wait3A_71 = arith.constant 0 : i32
        %dma_wait3A_72 = arith.constant 0 : i32
        %dma_wait3A_73 = arith.constant 0 : i32
        %dma_wait3A_74 = tpu.memref_slice %arg6[%dma_wait3A_71, %dma_wait3A_72, %dma_wait3A_73] : memref<2x128x64xf32, #tpu.memory_space<vmem>> -> memref<1x128x64xf32, #tpu.memory_space<vmem>>
        %dma_wait3A_75 = tpu.memref_squeeze %dma_wait3A_74 : memref<1x128x64xf32, #tpu.memory_space<vmem>> -> memref<128x64xf32, #tpu.memory_space<vmem>>
        %dma_wait3A_76 = arith.constant 0 : i32
        %dma_wait3A_77 = arith.constant 0 : i32
        %dma_wait3A_78 = tpu.memref_slice %arg2[%dma_wait3A, %dma_wait3A_76, %dma_wait3A_77] : memref<24x4096x64xf32, #tpu.memory_space<hbm>> -> memref<1x128x64xf32, #tpu.memory_space<hbm>>
        %dma_wait3A_79 = tpu.memref_squeeze %dma_wait3A_78 : memref<1x128x64xf32, #tpu.memory_space<hbm>> -> memref<128x64xf32, #tpu.memory_space<hbm>>
        %dma_wait3A_80 = arith.constant 0 : i32
        %dma_wait3A_81 = arith.constant 0 : i32
        %dma_wait3A_82 = tpu.memref_slice %arg6[%dma_wait3A_71, %dma_wait3A_80, %dma_wait3A_81] : memref<2x128x64xf32, #tpu.memory_space<vmem>> -> memref<1x128x64xf32, #tpu.memory_space<vmem>>
        %dma_wait3A_83 = tpu.memref_squeeze %dma_wait3A_82 : memref<1x128x64xf32, #tpu.memory_space<vmem>> -> memref<128x64xf32, #tpu.memory_space<vmem>>
        %dma_wait3A_84 = arith.constant 0 : i32
        %dma_wait3A_85 = arith.constant 0 : i32
        %dma_wait3A_86 = tpu.memref_slice %arg2[%dma_wait3A, %dma_wait3A_84, %dma_wait3A_85] : memref<24x4096x64xf32, #tpu.memory_space<hbm>> -> memref<1x128x64xf32, #tpu.memory_space<hbm>>
        %dma_wait3A_87 = tpu.memref_squeeze %dma_wait3A_86 : memref<1x128x64xf32, #tpu.memory_space<hbm>> -> memref<128x64xf32, #tpu.memory_space<hbm>>
        tpu.wait_dma2 semaphore(%arg10 : memref<!tpu.dma_semaphore, #tpu.memory_space<semaphore_mem>>) src(%dma_wait3A_87 : memref<128x64xf32, #tpu.memory_space<hbm>>) dst(%dma_wait3A_83 : memref<128x64xf32, #tpu.memory_space<vmem>>)
        %scan3A_88 = arith.constant 0 : i32
        %scan3A_89 = arith.constant 0 : i32
        %scan3A_90 = arith.constant 9 : i32
        %scan3A_91 = arith.addi %scan3A_89, %scan3A_90 : i32
        %scan3A_92 = arith.constant 1 : i32
        scf.for %scan3A_105 = %scan3A_89 to %scan3A_91 step %scan3A_92  : i32 {
          %dma_wait3A_106 = arith.constant 0 : i32
          %dma_wait3A_107 = arith.constant 0 : i32
          %dma_wait3A_108 = arith.constant 0 : i32
          %dma_wait3A_109 = arith.constant 0 : i32
          %dma_wait3A_110 = arith.constant 0 : i32
          %dma_wait3A_111 = tpu.memref_slice %arg8[%dma_wait3A_108, %dma_wait3A_109, %dma_wait3A_110] : memref<2x1152x32xi32, #tpu.memory_space<vmem>> -> memref<1x128x32xi32, #tpu.memory_space<vmem>>
          %dma_wait3A_112 = tpu.memref_squeeze %dma_wait3A_111 : memref<1x128x32xi32, #tpu.memory_space<vmem>> -> memref<128x32xi32, #tpu.memory_space<vmem>>
          %dma_wait3A_113 = arith.constant 0 : i32
          %dma_wait3A_114 = tpu.memref_slice %arg7[%dma_wait3A_106, %dma_wait3A_107, %dma_wait3A_113] : memref<2x9x128xi32, #tpu.memory_space<vmem>> -> memref<1x1x128xi32, #tpu.memory_space<vmem>>
          %dma_wait3A_115 = tpu.memref_squeeze %dma_wait3A_114 : memref<1x1x128xi32, #tpu.memory_space<vmem>> -> memref<128xi32, #tpu.memory_space<vmem>>
          %dma_wait3A_116 = arith.constant 0 : i32
          %dma_wait3A_117 = arith.constant 0 : i32
          %dma_wait3A_118 = tpu.memref_slice %arg3[%dma_wait3A_116, %dma_wait3A_117] : memref<98304x32xi32, #tpu.memory_space<hbm>> -> memref<98304x32xi32, #tpu.memory_space<hbm>>
          tpu.wait_indirect_dma semaphore(%arg12 : memref<!tpu.dma_semaphore, #tpu.memory_space<semaphore_mem>>) src(%dma_wait3A_118 : memref<98304x32xi32, #tpu.memory_space<hbm>>) dst(%dma_wait3A_112 : memref<128x32xi32, #tpu.memory_space<vmem>>)
        }
        %scan3A_93 = arith.constant 9 : i32
        %broadcast_in_dim3A = arith.constant -65536 : i32
        %broadcast_in_dim3A_94 = vector.broadcast %broadcast_in_dim3A : i32 to vector<16xi32>
        %iota3A = tpu.iota {dimensions = array<i32: 0>} : vector<16xi32>
        %broadcast_in_dim3A_95 = arith.constant 0.000000e+00 : f32
        %broadcast_in_dim3A_96 = vector.broadcast %broadcast_in_dim3A_95 : f32 to vector<16xf32>
        %scan3A_97 = arith.constant 0 : i32
        %scan3A_98 = arith.constant 128 : i32
        %scan3A_99 = arith.addi %scan3A_97, %scan3A_98 : i32
        %scan3A_100 = arith.constant 1 : i32
        %scan3A_101 = scf.for %scan3A_105 = %scan3A_97 to %scan3A_99 step %scan3A_100 iter_args(%scan3A_106 = %broadcast_in_dim3A_96) -> (vector<16xf32>)  : i32 {
          %get3A = arith.constant 0 : i32
          %get3A_107 = arith.index_cast %get3A : i32 to index
          %get3A_108 = arith.index_cast %scan3A_105 : i32 to index
          %get3A_109 = arith.constant 0 : index
          %get3A_110 = tpu.vector_load %arg6[%get3A_107, %get3A_108, %get3A_109] {strides = array<i32>} : memref<2x128x64xf32, #tpu.memory_space<vmem>>, vector<16xf32>,
          %get3A_111 = arith.constant 0 : i32
          %get3A_112 = arith.index_cast %get3A_111 : i32 to index
          %get3A_113 = arith.index_cast %scan3A_105 : i32 to index
          %get3A_114 = arith.constant 16 : index
          %get3A_115 = tpu.vector_load %arg6[%get3A_112, %get3A_113, %get3A_114] {strides = array<i32>} : memref<2x128x64xf32, #tpu.memory_space<vmem>>, vector<16xf32>,
          %get3A_116 = arith.constant 0 : i32
          %get3A_117 = arith.index_cast %get3A_116 : i32 to index
          %get3A_118 = arith.index_cast %scan3A_105 : i32 to index
          %get3A_119 = arith.constant 32 : index
          %get3A_120 = tpu.vector_load %arg6[%get3A_117, %get3A_118, %get3A_119] {strides = array<i32>} : memref<2x128x64xf32, #tpu.memory_space<vmem>>, vector<16xf32>,
          %get3A_121 = arith.constant 0 : i32
          %get3A_122 = arith.index_cast %get3A_121 : i32 to index
          %get3A_123 = arith.index_cast %scan3A_105 : i32 to index
          %get3A_124 = arith.constant 48 : index
          %get3A_125 = tpu.vector_load %arg6[%get3A_122, %get3A_123, %get3A_124] {strides = array<i32>} : memref<2x128x64xf32, #tpu.memory_space<vmem>>, vector<16xf32>,
          %mul3A_126 = arith.constant 9 : i32
          %mul3A_127 = arith.muli %scan3A_105, %mul3A_126 : i32
          %add3A_128 = arith.constant 0 : i32
          %add3A_129 = arith.addi %mul3A_127, %add3A_128 : i32
          %get3A_130 = arith.constant 0 : i32
          %get3A_131 = arith.index_cast %get3A_130 : i32 to index
          %get3A_132 = arith.index_cast %add3A_129 : i32 to index
          %get3A_133 = arith.constant 0 : index
          %get3A_134 = tpu.vector_load %arg8[%get3A_131, %get3A_132, %get3A_133] {strides = array<i32>} : memref<2x1152x32xi32, #tpu.memory_space<vmem>>, vector<16xi32>,
          %get3A_135 = arith.constant 0 : i32
          %get3A_136 = arith.index_cast %get3A_135 : i32 to index
          %get3A_137 = arith.index_cast %add3A_129 : i32 to index
          %get3A_138 = arith.constant 16 : index
          %get3A_139 = tpu.vector_load %arg8[%get3A_136, %get3A_137, %get3A_138] {strides = array<i32>} : memref<2x1152x32xi32, #tpu.memory_space<vmem>>, vector<16xi32>,
          %shift_left3A = arith.constant 16 : i32
          %shift_left3A_140 = vector.broadcast %shift_left3A : i32 to vector<16xi32>
          %shift_left3A_141 = arith.shli %get3A_134, %shift_left3A_140 : vector<16xi32>
          %bitcast3A = vector.bitcast %shift_left3A_141 : vector<16xi32> to vector<16xf32>
          %mul3A_142 = arith.mulf %get3A_110, %bitcast3A : vector<16xf32>
          %shift_left3A_143 = arith.constant 16 : i32
          %shift_left3A_144 = vector.broadcast %shift_left3A_143 : i32 to vector<16xi32>
          %shift_left3A_145 = arith.shli %get3A_139, %shift_left3A_144 : vector<16xi32>
          %bitcast3A_146 = vector.bitcast %shift_left3A_145 : vector<16xi32> to vector<16xf32>
          %mul3A_147 = arith.mulf %get3A_115, %bitcast3A_146 : vector<16xf32>
          %add3A_148 = arith.addf %mul3A_142, %mul3A_147 : vector<16xf32>
          %and3A_149 = arith.andi %get3A_134, %broadcast_in_dim3A_94 : vector<16xi32>
          %bitcast3A_150 = vector.bitcast %and3A_149 : vector<16xi32> to vector<16xf32>
          %mul3A_151 = arith.mulf %get3A_120, %bitcast3A_150 : vector<16xf32>
          %add3A_152 = arith.addf %add3A_148, %mul3A_151 : vector<16xf32>
          %and3A_153 = arith.andi %get3A_139, %broadcast_in_dim3A_94 : vector<16xi32>
          %bitcast3A_154 = vector.bitcast %and3A_153 : vector<16xi32> to vector<16xf32>
          %mul3A_155 = arith.mulf %get3A_125, %bitcast3A_154 : vector<16xf32>
          %add3A_156 = arith.addf %add3A_152, %mul3A_155 : vector<16xf32>
          %reduce_sum3A = arith.constant true
          %reduce_sum3A_157 = vector.broadcast %reduce_sum3A : i1 to vector<16xi1>
          %reduce_sum3A_158 = tpu.scan <sum>, %add3A_156 masked %reduce_sum3A_157 : vector<16xf32>, vector<16xi1> -> vector<16xf32>
          %reduce_sum3A_159 = vector.extract %reduce_sum3A_158[15] : f32 from vector<16xf32>
          %mul3A_160 = arith.constant 9 : i32
          %mul3A_161 = arith.muli %scan3A_105, %mul3A_160 : i32
          %add3A_162 = arith.constant 1 : i32
          %add3A_163 = arith.addi %mul3A_161, %add3A_162 : i32
          %get3A_164 = arith.constant 0 : i32
          %get3A_165 = arith.index_cast %get3A_164 : i32 to index
          %get3A_166 = arith.index_cast %add3A_163 : i32 to index
          %get3A_167 = arith.constant 0 : index
          %get3A_168 = tpu.vector_load %arg8[%get3A_165, %get3A_166, %get3A_167] {strides = array<i32>} : memref<2x1152x32xi32, #tpu.memory_space<vmem>>, vector<16xi32>,
          %get3A_169 = arith.constant 0 : i32
          %get3A_170 = arith.index_cast %get3A_169 : i32 to index
          %get3A_171 = arith.index_cast %add3A_163 : i32 to index
          %get3A_172 = arith.constant 16 : index
          %get3A_173 = tpu.vector_load %arg8[%get3A_170, %get3A_171, %get3A_172] {strides = array<i32>} : memref<2x1152x32xi32, #tpu.memory_space<vmem>>, vector<16xi32>,
          %shift_left3A_174 = arith.constant 16 : i32
          %shift_left3A_175 = vector.broadcast %shift_left3A_174 : i32 to vector<16xi32>
          %shift_left3A_176 = arith.shli %get3A_168, %shift_left3A_175 : vector<16xi32>
          %bitcast3A_177 = vector.bitcast %shift_left3A_176 : vector<16xi32> to vector<16xf32>
          %mul3A_178 = arith.mulf %get3A_110, %bitcast3A_177 : vector<16xf32>
          %shift_left3A_179 = arith.constant 16 : i32
          %shift_left3A_180 = vector.broadcast %shift_left3A_179 : i32 to vector<16xi32>
          %shift_left3A_181 = arith.shli %get3A_173, %shift_left3A_180 : vector<16xi32>
          %bitcast3A_182 = vector.bitcast %shift_left3A_181 : vector<16xi32> to vector<16xf32>
          %mul3A_183 = arith.mulf %get3A_115, %bitcast3A_182 : vector<16xf32>
          %add3A_184 = arith.addf %mul3A_178, %mul3A_183 : vector<16xf32>
          %and3A_185 = arith.andi %get3A_168, %broadcast_in_dim3A_94 : vector<16xi32>
          %bitcast3A_186 = vector.bitcast %and3A_185 : vector<16xi32> to vector<16xf32>
          %mul3A_187 = arith.mulf %get3A_120, %bitcast3A_186 : vector<16xf32>
          %add3A_188 = arith.addf %add3A_184, %mul3A_187 : vector<16xf32>
          %and3A_189 = arith.andi %get3A_173, %broadcast_in_dim3A_94 : vector<16xi32>
          %bitcast3A_190 = vector.bitcast %and3A_189 : vector<16xi32> to vector<16xf32>
          %mul3A_191 = arith.mulf %get3A_125, %bitcast3A_190 : vector<16xf32>
          %add3A_192 = arith.addf %add3A_188, %mul3A_191 : vector<16xf32>
          %reduce_sum3A_193 = arith.constant true
          %reduce_sum3A_194 = vector.broadcast %reduce_sum3A_193 : i1 to vector<16xi1>
          %reduce_sum3A_195 = tpu.scan <sum>, %add3A_192 masked %reduce_sum3A_194 : vector<16xf32>, vector<16xi1> -> vector<16xf32>
          %reduce_sum3A_196 = vector.extract %reduce_sum3A_195[15] : f32 from vector<16xf32>
          %mul3A_197 = arith.constant 9 : i32
          %mul3A_198 = arith.muli %scan3A_105, %mul3A_197 : i32
          %add3A_199 = arith.constant 2 : i32
          %add3A_200 = arith.addi %mul3A_198, %add3A_199 : i32
          %get3A_201 = arith.constant 0 : i32
          %get3A_202 = arith.index_cast %get3A_201 : i32 to index
          %get3A_203 = arith.index_cast %add3A_200 : i32 to index
          %get3A_204 = arith.constant 0 : index
          %get3A_205 = tpu.vector_load %arg8[%get3A_202, %get3A_203, %get3A_204] {strides = array<i32>} : memref<2x1152x32xi32, #tpu.memory_space<vmem>>, vector<16xi32>,
          %get3A_206 = arith.constant 0 : i32
          %get3A_207 = arith.index_cast %get3A_206 : i32 to index
          %get3A_208 = arith.index_cast %add3A_200 : i32 to index
          %get3A_209 = arith.constant 16 : index
          %get3A_210 = tpu.vector_load %arg8[%get3A_207, %get3A_208, %get3A_209] {strides = array<i32>} : memref<2x1152x32xi32, #tpu.memory_space<vmem>>, vector<16xi32>,
          %shift_left3A_211 = arith.constant 16 : i32
          %shift_left3A_212 = vector.broadcast %shift_left3A_211 : i32 to vector<16xi32>
          %shift_left3A_213 = arith.shli %get3A_205, %shift_left3A_212 : vector<16xi32>
          %bitcast3A_214 = vector.bitcast %shift_left3A_213 : vector<16xi32> to vector<16xf32>
          %mul3A_215 = arith.mulf %get3A_110, %bitcast3A_214 : vector<16xf32>
          %shift_left3A_216 = arith.constant 16 : i32
          %shift_left3A_217 = vector.broadcast %shift_left3A_216 : i32 to vector<16xi32>
          %shift_left3A_218 = arith.shli %get3A_210, %shift_left3A_217 : vector<16xi32>
          %bitcast3A_219 = vector.bitcast %shift_left3A_218 : vector<16xi32> to vector<16xf32>
          %mul3A_220 = arith.mulf %get3A_115, %bitcast3A_219 : vector<16xf32>
          %add3A_221 = arith.addf %mul3A_215, %mul3A_220 : vector<16xf32>
          %and3A_222 = arith.andi %get3A_205, %broadcast_in_dim3A_94 : vector<16xi32>
          %bitcast3A_223 = vector.bitcast %and3A_222 : vector<16xi32> to vector<16xf32>
          %mul3A_224 = arith.mulf %get3A_120, %bitcast3A_223 : vector<16xf32>
          %add3A_225 = arith.addf %add3A_221, %mul3A_224 : vector<16xf32>
          %and3A_226 = arith.andi %get3A_210, %broadcast_in_dim3A_94 : vector<16xi32>
          %bitcast3A_227 = vector.bitcast %and3A_226 : vector<16xi32> to vector<16xf32>
          %mul3A_228 = arith.mulf %get3A_125, %bitcast3A_227 : vector<16xf32>
          %add3A_229 = arith.addf %add3A_225, %mul3A_228 : vector<16xf32>
          %reduce_sum3A_230 = arith.constant true
          %reduce_sum3A_231 = vector.broadcast %reduce_sum3A_230 : i1 to vector<16xi1>
          %reduce_sum3A_232 = tpu.scan <sum>, %add3A_229 masked %reduce_sum3A_231 : vector<16xf32>, vector<16xi1> -> vector<16xf32>
          %reduce_sum3A_233 = vector.extract %reduce_sum3A_232[15] : f32 from vector<16xf32>
          %mul3A_234 = arith.constant 9 : i32
          %mul3A_235 = arith.muli %scan3A_105, %mul3A_234 : i32
          %add3A_236 = arith.constant 3 : i32
          %add3A_237 = arith.addi %mul3A_235, %add3A_236 : i32
          %get3A_238 = arith.constant 0 : i32
          %get3A_239 = arith.index_cast %get3A_238 : i32 to index
          %get3A_240 = arith.index_cast %add3A_237 : i32 to index
          %get3A_241 = arith.constant 0 : index
          %get3A_242 = tpu.vector_load %arg8[%get3A_239, %get3A_240, %get3A_241] {strides = array<i32>} : memref<2x1152x32xi32, #tpu.memory_space<vmem>>, vector<16xi32>,
          %get3A_243 = arith.constant 0 : i32
          %get3A_244 = arith.index_cast %get3A_243 : i32 to index
          %get3A_245 = arith.index_cast %add3A_237 : i32 to index
          %get3A_246 = arith.constant 16 : index
          %get3A_247 = tpu.vector_load %arg8[%get3A_244, %get3A_245, %get3A_246] {strides = array<i32>} : memref<2x1152x32xi32, #tpu.memory_space<vmem>>, vector<16xi32>,
          %shift_left3A_248 = arith.constant 16 : i32
          %shift_left3A_249 = vector.broadcast %shift_left3A_248 : i32 to vector<16xi32>
          %shift_left3A_250 = arith.shli %get3A_242, %shift_left3A_249 : vector<16xi32>
          %bitcast3A_251 = vector.bitcast %shift_left3A_250 : vector<16xi32> to vector<16xf32>
          %mul3A_252 = arith.mulf %get3A_110, %bitcast3A_251 : vector<16xf32>
          %shift_left3A_253 = arith.constant 16 : i32
          %shift_left3A_254 = vector.broadcast %shift_left3A_253 : i32 to vector<16xi32>
          %shift_left3A_255 = arith.shli %get3A_247, %shift_left3A_254 : vector<16xi32>
          %bitcast3A_256 = vector.bitcast %shift_left3A_255 : vector<16xi32> to vector<16xf32>
          %mul3A_257 = arith.mulf %get3A_115, %bitcast3A_256 : vector<16xf32>
          %add3A_258 = arith.addf %mul3A_252, %mul3A_257 : vector<16xf32>
          %and3A_259 = arith.andi %get3A_242, %broadcast_in_dim3A_94 : vector<16xi32>
          %bitcast3A_260 = vector.bitcast %and3A_259 : vector<16xi32> to vector<16xf32>
          %mul3A_261 = arith.mulf %get3A_120, %bitcast3A_260 : vector<16xf32>
          %add3A_262 = arith.addf %add3A_258, %mul3A_261 : vector<16xf32>
          %and3A_263 = arith.andi %get3A_247, %broadcast_in_dim3A_94 : vector<16xi32>
          %bitcast3A_264 = vector.bitcast %and3A_263 : vector<16xi32> to vector<16xf32>
          %mul3A_265 = arith.mulf %get3A_125, %bitcast3A_264 : vector<16xf32>
          %add3A_266 = arith.addf %add3A_262, %mul3A_265 : vector<16xf32>
          %reduce_sum3A_267 = arith.constant true
          %reduce_sum3A_268 = vector.broadcast %reduce_sum3A_267 : i1 to vector<16xi1>
          %reduce_sum3A_269 = tpu.scan <sum>, %add3A_266 masked %reduce_sum3A_268 : vector<16xf32>, vector<16xi1> -> vector<16xf32>
          %reduce_sum3A_270 = vector.extract %reduce_sum3A_269[15] : f32 from vector<16xf32>
          %mul3A_271 = arith.constant 9 : i32
          %mul3A_272 = arith.muli %scan3A_105, %mul3A_271 : i32
          %add3A_273 = arith.constant 4 : i32
          %add3A_274 = arith.addi %mul3A_272, %add3A_273 : i32
          %get3A_275 = arith.constant 0 : i32
          %get3A_276 = arith.index_cast %get3A_275 : i32 to index
          %get3A_277 = arith.index_cast %add3A_274 : i32 to index
          %get3A_278 = arith.constant 0 : index
          %get3A_279 = tpu.vector_load %arg8[%get3A_276, %get3A_277, %get3A_278] {strides = array<i32>} : memref<2x1152x32xi32, #tpu.memory_space<vmem>>, vector<16xi32>,
          %get3A_280 = arith.constant 0 : i32
          %get3A_281 = arith.index_cast %get3A_280 : i32 to index
          %get3A_282 = arith.index_cast %add3A_274 : i32 to index
          %get3A_283 = arith.constant 16 : index
          %get3A_284 = tpu.vector_load %arg8[%get3A_281, %get3A_282, %get3A_283] {strides = array<i32>} : memref<2x1152x32xi32, #tpu.memory_space<vmem>>, vector<16xi32>,
          %shift_left3A_285 = arith.constant 16 : i32
          %shift_left3A_286 = vector.broadcast %shift_left3A_285 : i32 to vector<16xi32>
          %shift_left3A_287 = arith.shli %get3A_279, %shift_left3A_286 : vector<16xi32>
          %bitcast3A_288 = vector.bitcast %shift_left3A_287 : vector<16xi32> to vector<16xf32>
          %mul3A_289 = arith.mulf %get3A_110, %bitcast3A_288 : vector<16xf32>
          %shift_left3A_290 = arith.constant 16 : i32
          %shift_left3A_291 = vector.broadcast %shift_left3A_290 : i32 to vector<16xi32>
          %shift_left3A_292 = arith.shli %get3A_284, %shift_left3A_291 : vector<16xi32>
          %bitcast3A_293 = vector.bitcast %shift_left3A_292 : vector<16xi32> to vector<16xf32>
          %mul3A_294 = arith.mulf %get3A_115, %bitcast3A_293 : vector<16xf32>
          %add3A_295 = arith.addf %mul3A_289, %mul3A_294 : vector<16xf32>
          %and3A_296 = arith.andi %get3A_279, %broadcast_in_dim3A_94 : vector<16xi32>
          %bitcast3A_297 = vector.bitcast %and3A_296 : vector<16xi32> to vector<16xf32>
          %mul3A_298 = arith.mulf %get3A_120, %bitcast3A_297 : vector<16xf32>
          %add3A_299 = arith.addf %add3A_295, %mul3A_298 : vector<16xf32>
          %and3A_300 = arith.andi %get3A_284, %broadcast_in_dim3A_94 : vector<16xi32>
          %bitcast3A_301 = vector.bitcast %and3A_300 : vector<16xi32> to vector<16xf32>
          %mul3A_302 = arith.mulf %get3A_125, %bitcast3A_301 : vector<16xf32>
          %add3A_303 = arith.addf %add3A_299, %mul3A_302 : vector<16xf32>
          %reduce_sum3A_304 = arith.constant true
          %reduce_sum3A_305 = vector.broadcast %reduce_sum3A_304 : i1 to vector<16xi1>
          %reduce_sum3A_306 = tpu.scan <sum>, %add3A_303 masked %reduce_sum3A_305 : vector<16xf32>, vector<16xi1> -> vector<16xf32>
          %reduce_sum3A_307 = vector.extract %reduce_sum3A_306[15] : f32 from vector<16xf32>
          %mul3A_308 = arith.constant 9 : i32
          %mul3A_309 = arith.muli %scan3A_105, %mul3A_308 : i32
          %add3A_310 = arith.constant 5 : i32
          %add3A_311 = arith.addi %mul3A_309, %add3A_310 : i32
          %get3A_312 = arith.constant 0 : i32
          %get3A_313 = arith.index_cast %get3A_312 : i32 to index
          %get3A_314 = arith.index_cast %add3A_311 : i32 to index
          %get3A_315 = arith.constant 0 : index
          %get3A_316 = tpu.vector_load %arg8[%get3A_313, %get3A_314, %get3A_315] {strides = array<i32>} : memref<2x1152x32xi32, #tpu.memory_space<vmem>>, vector<16xi32>,
          %get3A_317 = arith.constant 0 : i32
          %get3A_318 = arith.index_cast %get3A_317 : i32 to index
          %get3A_319 = arith.index_cast %add3A_311 : i32 to index
          %get3A_320 = arith.constant 16 : index
          %get3A_321 = tpu.vector_load %arg8[%get3A_318, %get3A_319, %get3A_320] {strides = array<i32>} : memref<2x1152x32xi32, #tpu.memory_space<vmem>>, vector<16xi32>,
          %shift_left3A_322 = arith.constant 16 : i32
          %shift_left3A_323 = vector.broadcast %shift_left3A_322 : i32 to vector<16xi32>
          %shift_left3A_324 = arith.shli %get3A_316, %shift_left3A_323 : vector<16xi32>
          %bitcast3A_325 = vector.bitcast %shift_left3A_324 : vector<16xi32> to vector<16xf32>
          %mul3A_326 = arith.mulf %get3A_110, %bitcast3A_325 : vector<16xf32>
          %shift_left3A_327 = arith.constant 16 : i32
          %shift_left3A_328 = vector.broadcast %shift_left3A_327 : i32 to vector<16xi32>
          %shift_left3A_329 = arith.shli %get3A_321, %shift_left3A_328 : vector<16xi32>
          %bitcast3A_330 = vector.bitcast %shift_left3A_329 : vector<16xi32> to vector<16xf32>
          %mul3A_331 = arith.mulf %get3A_115, %bitcast3A_330 : vector<16xf32>
          %add3A_332 = arith.addf %mul3A_326, %mul3A_331 : vector<16xf32>
          %and3A_333 = arith.andi %get3A_316, %broadcast_in_dim3A_94 : vector<16xi32>
          %bitcast3A_334 = vector.bitcast %and3A_333 : vector<16xi32> to vector<16xf32>
          %mul3A_335 = arith.mulf %get3A_120, %bitcast3A_334 : vector<16xf32>
          %add3A_336 = arith.addf %add3A_332, %mul3A_335 : vector<16xf32>
          %and3A_337 = arith.andi %get3A_321, %broadcast_in_dim3A_94 : vector<16xi32>
          %bitcast3A_338 = vector.bitcast %and3A_337 : vector<16xi32> to vector<16xf32>
          %mul3A_339 = arith.mulf %get3A_125, %bitcast3A_338 : vector<16xf32>
          %add3A_340 = arith.addf %add3A_336, %mul3A_339 : vector<16xf32>
          %reduce_sum3A_341 = arith.constant true
          %reduce_sum3A_342 = vector.broadcast %reduce_sum3A_341 : i1 to vector<16xi1>
          %reduce_sum3A_343 = tpu.scan <sum>, %add3A_340 masked %reduce_sum3A_342 : vector<16xf32>, vector<16xi1> -> vector<16xf32>
          %reduce_sum3A_344 = vector.extract %reduce_sum3A_343[15] : f32 from vector<16xf32>
          %mul3A_345 = arith.constant 9 : i32
          %mul3A_346 = arith.muli %scan3A_105, %mul3A_345 : i32
          %add3A_347 = arith.constant 6 : i32
          %add3A_348 = arith.addi %mul3A_346, %add3A_347 : i32
          %get3A_349 = arith.constant 0 : i32
          %get3A_350 = arith.index_cast %get3A_349 : i32 to index
          %get3A_351 = arith.index_cast %add3A_348 : i32 to index
          %get3A_352 = arith.constant 0 : index
          %get3A_353 = tpu.vector_load %arg8[%get3A_350, %get3A_351, %get3A_352] {strides = array<i32>} : memref<2x1152x32xi32, #tpu.memory_space<vmem>>, vector<16xi32>,
          %get3A_354 = arith.constant 0 : i32
          %get3A_355 = arith.index_cast %get3A_354 : i32 to index
          %get3A_356 = arith.index_cast %add3A_348 : i32 to index
          %get3A_357 = arith.constant 16 : index
          %get3A_358 = tpu.vector_load %arg8[%get3A_355, %get3A_356, %get3A_357] {strides = array<i32>} : memref<2x1152x32xi32, #tpu.memory_space<vmem>>, vector<16xi32>,
          %shift_left3A_359 = arith.constant 16 : i32
          %shift_left3A_360 = vector.broadcast %shift_left3A_359 : i32 to vector<16xi32>
          %shift_left3A_361 = arith.shli %get3A_353, %shift_left3A_360 : vector<16xi32>
          %bitcast3A_362 = vector.bitcast %shift_left3A_361 : vector<16xi32> to vector<16xf32>
          %mul3A_363 = arith.mulf %get3A_110, %bitcast3A_362 : vector<16xf32>
          %shift_left3A_364 = arith.constant 16 : i32
          %shift_left3A_365 = vector.broadcast %shift_left3A_364 : i32 to vector<16xi32>
          %shift_left3A_366 = arith.shli %get3A_358, %shift_left3A_365 : vector<16xi32>
          %bitcast3A_367 = vector.bitcast %shift_left3A_366 : vector<16xi32> to vector<16xf32>
          %mul3A_368 = arith.mulf %get3A_115, %bitcast3A_367 : vector<16xf32>
          %add3A_369 = arith.addf %mul3A_363, %mul3A_368 : vector<16xf32>
          %and3A_370 = arith.andi %get3A_353, %broadcast_in_dim3A_94 : vector<16xi32>
          %bitcast3A_371 = vector.bitcast %and3A_370 : vector<16xi32> to vector<16xf32>
          %mul3A_372 = arith.mulf %get3A_120, %bitcast3A_371 : vector<16xf32>
          %add3A_373 = arith.addf %add3A_369, %mul3A_372 : vector<16xf32>
          %and3A_374 = arith.andi %get3A_358, %broadcast_in_dim3A_94 : vector<16xi32>
          %bitcast3A_375 = vector.bitcast %and3A_374 : vector<16xi32> to vector<16xf32>
          %mul3A_376 = arith.mulf %get3A_125, %bitcast3A_375 : vector<16xf32>
          %add3A_377 = arith.addf %add3A_373, %mul3A_376 : vector<16xf32>
          %reduce_sum3A_378 = arith.constant true
          %reduce_sum3A_379 = vector.broadcast %reduce_sum3A_378 : i1 to vector<16xi1>
          %reduce_sum3A_380 = tpu.scan <sum>, %add3A_377 masked %reduce_sum3A_379 : vector<16xf32>, vector<16xi1> -> vector<16xf32>
          %reduce_sum3A_381 = vector.extract %reduce_sum3A_380[15] : f32 from vector<16xf32>
          %mul3A_382 = arith.constant 9 : i32
          %mul3A_383 = arith.muli %scan3A_105, %mul3A_382 : i32
          %add3A_384 = arith.constant 7 : i32
          %add3A_385 = arith.addi %mul3A_383, %add3A_384 : i32
          %get3A_386 = arith.constant 0 : i32
          %get3A_387 = arith.index_cast %get3A_386 : i32 to index
          %get3A_388 = arith.index_cast %add3A_385 : i32 to index
          %get3A_389 = arith.constant 0 : index
          %get3A_390 = tpu.vector_load %arg8[%get3A_387, %get3A_388, %get3A_389] {strides = array<i32>} : memref<2x1152x32xi32, #tpu.memory_space<vmem>>, vector<16xi32>,
          %get3A_391 = arith.constant 0 : i32
          %get3A_392 = arith.index_cast %get3A_391 : i32 to index
          %get3A_393 = arith.index_cast %add3A_385 : i32 to index
          %get3A_394 = arith.constant 16 : index
          %get3A_395 = tpu.vector_load %arg8[%get3A_392, %get3A_393, %get3A_394] {strides = array<i32>} : memref<2x1152x32xi32, #tpu.memory_space<vmem>>, vector<16xi32>,
          %shift_left3A_396 = arith.constant 16 : i32
          %shift_left3A_397 = vector.broadcast %shift_left3A_396 : i32 to vector<16xi32>
          %shift_left3A_398 = arith.shli %get3A_390, %shift_left3A_397 : vector<16xi32>
          %bitcast3A_399 = vector.bitcast %shift_left3A_398 : vector<16xi32> to vector<16xf32>
          %mul3A_400 = arith.mulf %get3A_110, %bitcast3A_399 : vector<16xf32>
          %shift_left3A_401 = arith.constant 16 : i32
          %shift_left3A_402 = vector.broadcast %shift_left3A_401 : i32 to vector<16xi32>
          %shift_left3A_403 = arith.shli %get3A_395, %shift_left3A_402 : vector<16xi32>
          %bitcast3A_404 = vector.bitcast %shift_left3A_403 : vector<16xi32> to vector<16xf32>
          %mul3A_405 = arith.mulf %get3A_115, %bitcast3A_404 : vector<16xf32>
          %add3A_406 = arith.addf %mul3A_400, %mul3A_405 : vector<16xf32>
          %and3A_407 = arith.andi %get3A_390, %broadcast_in_dim3A_94 : vector<16xi32>
          %bitcast3A_408 = vector.bitcast %and3A_407 : vector<16xi32> to vector<16xf32>
          %mul3A_409 = arith.mulf %get3A_120, %bitcast3A_408 : vector<16xf32>
          %add3A_410 = arith.addf %add3A_406, %mul3A_409 : vector<16xf32>
          %and3A_411 = arith.andi %get3A_395, %broadcast_in_dim3A_94 : vector<16xi32>
          %bitcast3A_412 = vector.bitcast %and3A_411 : vector<16xi32> to vector<16xf32>
          %mul3A_413 = arith.mulf %get3A_125, %bitcast3A_412 : vector<16xf32>
          %add3A_414 = arith.addf %add3A_410, %mul3A_413 : vector<16xf32>
          %reduce_sum3A_415 = arith.constant true
          %reduce_sum3A_416 = vector.broadcast %reduce_sum3A_415 : i1 to vector<16xi1>
          %reduce_sum3A_417 = tpu.scan <sum>, %add3A_414 masked %reduce_sum3A_416 : vector<16xf32>, vector<16xi1> -> vector<16xf32>
          %reduce_sum3A_418 = vector.extract %reduce_sum3A_417[15] : f32 from vector<16xf32>
          %mul3A_419 = arith.constant 9 : i32
          %mul3A_420 = arith.muli %scan3A_105, %mul3A_419 : i32
          %add3A_421 = arith.constant 8 : i32
          %add3A_422 = arith.addi %mul3A_420, %add3A_421 : i32
          %get3A_423 = arith.constant 0 : i32
          %get3A_424 = arith.index_cast %get3A_423 : i32 to index
          %get3A_425 = arith.index_cast %add3A_422 : i32 to index
          %get3A_426 = arith.constant 0 : index
          %get3A_427 = tpu.vector_load %arg8[%get3A_424, %get3A_425, %get3A_426] {strides = array<i32>} : memref<2x1152x32xi32, #tpu.memory_space<vmem>>, vector<16xi32>,
          %get3A_428 = arith.constant 0 : i32
          %get3A_429 = arith.index_cast %get3A_428 : i32 to index
          %get3A_430 = arith.index_cast %add3A_422 : i32 to index
          %get3A_431 = arith.constant 16 : index
          %get3A_432 = tpu.vector_load %arg8[%get3A_429, %get3A_430, %get3A_431] {strides = array<i32>} : memref<2x1152x32xi32, #tpu.memory_space<vmem>>, vector<16xi32>,
          %shift_left3A_433 = arith.constant 16 : i32
          %shift_left3A_434 = vector.broadcast %shift_left3A_433 : i32 to vector<16xi32>
          %shift_left3A_435 = arith.shli %get3A_427, %shift_left3A_434 : vector<16xi32>
          %bitcast3A_436 = vector.bitcast %shift_left3A_435 : vector<16xi32> to vector<16xf32>
          %mul3A_437 = arith.mulf %get3A_110, %bitcast3A_436 : vector<16xf32>
          %shift_left3A_438 = arith.constant 16 : i32
          %shift_left3A_439 = vector.broadcast %shift_left3A_438 : i32 to vector<16xi32>
          %shift_left3A_440 = arith.shli %get3A_432, %shift_left3A_439 : vector<16xi32>
          %bitcast3A_441 = vector.bitcast %shift_left3A_440 : vector<16xi32> to vector<16xf32>
          %mul3A_442 = arith.mulf %get3A_115, %bitcast3A_441 : vector<16xf32>
          %add3A_443 = arith.addf %mul3A_437, %mul3A_442 : vector<16xf32>
          %and3A_444 = arith.andi %get3A_427, %broadcast_in_dim3A_94 : vector<16xi32>
          %bitcast3A_445 = vector.bitcast %and3A_444 : vector<16xi32> to vector<16xf32>
          %mul3A_446 = arith.mulf %get3A_120, %bitcast3A_445 : vector<16xf32>
          %add3A_447 = arith.addf %add3A_443, %mul3A_446 : vector<16xf32>
          %and3A_448 = arith.andi %get3A_432, %broadcast_in_dim3A_94 : vector<16xi32>
          %bitcast3A_449 = vector.bitcast %and3A_448 : vector<16xi32> to vector<16xf32>
          %mul3A_450 = arith.mulf %get3A_125, %bitcast3A_449 : vector<16xf32>
          %add3A_451 = arith.addf %add3A_447, %mul3A_450 : vector<16xf32>
          %reduce_sum3A_452 = arith.constant true
          %reduce_sum3A_453 = vector.broadcast %reduce_sum3A_452 : i1 to vector<16xi1>
          %reduce_sum3A_454 = tpu.scan <sum>, %add3A_451 masked %reduce_sum3A_453 : vector<16xf32>, vector<16xi1> -> vector<16xf32>
          %reduce_sum3A_455 = vector.extract %reduce_sum3A_454[15] : f32 from vector<16xf32>
          %max3A = arith.maximumf %reduce_sum3A_159, %reduce_sum3A_196 : f32
          %add3A_456 = arith.addf %reduce_sum3A_159, %reduce_sum3A_196 : f32
          %max3A_457 = arith.maximumf %max3A, %reduce_sum3A_233 : f32
          %add3A_458 = arith.addf %add3A_456, %reduce_sum3A_233 : f32
          %max3A_459 = arith.maximumf %max3A_457, %reduce_sum3A_270 : f32
          %add3A_460 = arith.addf %add3A_458, %reduce_sum3A_270 : f32
          %max3A_461 = arith.maximumf %max3A_459, %reduce_sum3A_307 : f32
          %add3A_462 = arith.addf %add3A_460, %reduce_sum3A_307 : f32
          %max3A_463 = arith.maximumf %max3A_461, %reduce_sum3A_344 : f32
          %add3A_464 = arith.addf %add3A_462, %reduce_sum3A_344 : f32
          %max3A_465 = arith.maximumf %max3A_463, %reduce_sum3A_381 : f32
          %add3A_466 = arith.addf %add3A_464, %reduce_sum3A_381 : f32
          %max3A_467 = arith.maximumf %max3A_465, %reduce_sum3A_418 : f32
          %add3A_468 = arith.addf %add3A_466, %reduce_sum3A_418 : f32
          %max3A_469 = arith.maximumf %max3A_467, %reduce_sum3A_455 : f32
          %add3A_470 = arith.addf %add3A_468, %reduce_sum3A_455 : f32
          %mul3A_471 = arith.constant 2.44140625E-4 : f32
          %mul3A_472 = arith.mulf %add3A_470, %mul3A_471 : f32
          %sub3A = arith.subf %max3A_469, %mul3A_472 : f32
          %jit3A_473 = arith.constant 16 : i32
          %eq3A_474 = arith.constant 0 : i32
          %eq3A_475 = arith.cmpi eq, %jit3A_473, %eq3A_474 : i32
          %jit3A_476 = arith.constant 1 : i32
          %select_n3A_477 = arith.select %eq3A_475, %jit3A_476, %jit3A_473 : i32
          %rem3A_478 = arith.remsi %scan3A_105, %select_n3A_477 : i32
          %ne3A_479 = arith.constant 0 : i32
          %ne3A_480 = arith.cmpi ne, %rem3A_478, %ne3A_479 : i32
          %lt3A_481 = arith.constant 0 : i32
          %lt3A_482 = arith.cmpi slt, %rem3A_478, %lt3A_481 : i32
          %lt3A_483 = arith.constant 0 : i32
          %lt3A_484 = arith.cmpi slt, %select_n3A_477, %lt3A_483 : i32
          %ne3A_485 = arith.xori %lt3A_482, %lt3A_484 : i1
          %and3A_486 = arith.andi %ne3A_485, %ne3A_480 : i1
          %add3A_487 = arith.addi %rem3A_478, %select_n3A_477 : i32
          %select_n3A_488 = arith.select %and3A_486, %add3A_487, %rem3A_478 : i32
          %eq3A_489 = vector.broadcast %select_n3A_488 : i32 to vector<16xi32>
          %eq3A_490 = arith.cmpi eq, %iota3A, %eq3A_489 : vector<16xi32>
          %broadcast_in_dim3A_491 = vector.broadcast %sub3A : f32 to vector<16xf32>
          %select_n3A_492 = arith.select %eq3A_490, %broadcast_in_dim3A_491, %scan3A_106 : vector<16xi1>, vector<16xf32>
          %jit3A_493 = arith.constant 16 : i32
          %eq3A_494 = arith.constant 0 : i32
          %eq3A_495 = arith.cmpi eq, %jit3A_493, %eq3A_494 : i32
          %jit3A_496 = arith.constant 1 : i32
          %select_n3A_497 = arith.select %eq3A_495, %jit3A_496, %jit3A_493 : i32
          %rem3A_498 = arith.remsi %scan3A_105, %select_n3A_497 : i32
          %ne3A_499 = arith.constant 0 : i32
          %ne3A_500 = arith.cmpi ne, %rem3A_498, %ne3A_499 : i32
          %lt3A_501 = arith.constant 0 : i32
          %lt3A_502 = arith.cmpi slt, %rem3A_498, %lt3A_501 : i32
          %lt3A_503 = arith.constant 0 : i32
          %lt3A_504 = arith.cmpi slt, %select_n3A_497, %lt3A_503 : i32
          %ne3A_505 = arith.xori %lt3A_502, %lt3A_504 : i1
          %and3A_506 = arith.andi %ne3A_505, %ne3A_500 : i1
          %add3A_507 = arith.addi %rem3A_498, %select_n3A_497 : i32
          %select_n3A_508 = arith.select %and3A_506, %add3A_507, %rem3A_498 : i32
          %eq3A_509 = arith.constant 15 : i32
          %eq3A_510 = arith.cmpi eq, %select_n3A_508, %eq3A_509 : i32
          %convert_element_type3A_511 = arith.extui %eq3A_510 : i1 to i32
          %cond3A_512 = arith.constant 0 : i32
          %cond3A_513 = arith.cmpi ne, %convert_element_type3A_511, %cond3A_512 : i32
          scf.if %cond3A_513 {
            %jit3A_514 = arith.constant 16 : i32
            %div3A = arith.divsi %scan3A_105, %jit3A_514 : i32
            %sign3A = arith.constant 0 : i32
            %sign3A_515 = arith.cmpi sgt, %scan3A_105, %sign3A : i32
            %sign3A_516 = arith.extui %sign3A_515 : i1 to i32
            %sign3A_517 = arith.constant 0 : i32
            %sign3A_518 = arith.cmpi slt, %scan3A_105, %sign3A_517 : i32
            %sign3A_519 = arith.extui %sign3A_518 : i1 to i32
            %sign3A_520 = arith.subi %sign3A_516, %sign3A_519 : i32
            %sign3A_521 = arith.constant 0 : i32
            %sign3A_522 = arith.cmpi sgt, %jit3A_514, %sign3A_521 : i32
            %sign3A_523 = arith.extui %sign3A_522 : i1 to i32
            %sign3A_524 = arith.constant 0 : i32
            %sign3A_525 = arith.cmpi slt, %jit3A_514, %sign3A_524 : i32
            %sign3A_526 = arith.extui %sign3A_525 : i1 to i32
            %sign3A_527 = arith.subi %sign3A_523, %sign3A_526 : i32
            %ne3A_528 = arith.cmpi ne, %sign3A_520, %sign3A_527 : i32
            %rem3A_529 = arith.remsi %scan3A_105, %jit3A_514 : i32
            %ne3A_530 = arith.constant 0 : i32
            %ne3A_531 = arith.cmpi ne, %rem3A_529, %ne3A_530 : i32
            %and3A_532 = arith.andi %ne3A_528, %ne3A_531 : i1
            %sub3A_533 = arith.constant 1 : i32
            %sub3A_534 = arith.subi %div3A, %sub3A_533 : i32
            %select_n3A_535 = arith.select %and3A_532, %sub3A_534, %div3A : i32
            %mul3A_536 = arith.constant 16 : i32
            %mul3A_537 = arith.muli %select_n3A_535, %mul3A_536 : i32
            %swap3A = arith.index_cast %mul3A_537 : i32 to index
            %swap3A_538 = tpu.vector_load %arg9[%swap3A] {strides = array<i32>} : memref<128xf32, #tpu.memory_space<vmem>>, vector<16xf32>,
            tpu.vector_store %arg9[%swap3A], %select_n3A_492 {strides = array<i32>} : memref<128xf32, #tpu.memory_space<vmem>>, vector<16xf32>,
          } else {
          }
          scf.yield %select_n3A_492 : vector<16xf32>
        }
        %scan3A_102 = arith.constant 128 : i32
        %mul3A_103 = arith.constant 128 : i32
        %mul3A_104 = arith.muli %add3A, %mul3A_103 : i32
        "tpu.region"() ({
          %run_scoped3A_105 = tpu.sem_alloc : memref<!tpu.dma_semaphore, #tpu.memory_space<semaphore_mem>>
          %dma_start3A_106 = tpu.memref_slice %arg5[%scan3A_30, %mul3A_104] : memref<24x4096xf32, #tpu.memory_space<hbm>> -> memref<1x128xf32, #tpu.memory_space<hbm>>
          %dma_start3A_107 = tpu.memref_squeeze %dma_start3A_106 : memref<1x128xf32, #tpu.memory_space<hbm>> -> memref<128xf32, #tpu.memory_space<hbm>>
          %dma_start3A_108 = tpu.memref_slice %arg5[%scan3A_30, %mul3A_104] : memref<24x4096xf32, #tpu.memory_space<hbm>> -> memref<1x128xf32, #tpu.memory_space<hbm>>
          %dma_start3A_109 = tpu.memref_squeeze %dma_start3A_108 : memref<1x128xf32, #tpu.memory_space<hbm>> -> memref<128xf32, #tpu.memory_space<hbm>>
          tpu.enqueue_dma source(%arg9 : memref<128xf32, #tpu.memory_space<vmem>>) target(%dma_start3A_109 : memref<128xf32, #tpu.memory_space<hbm>>) target_semaphore(%run_scoped3A_105 : memref<!tpu.dma_semaphore, #tpu.memory_space<semaphore_mem>>)
          %dma_wait3A_110 = tpu.memref_slice %arg5[%scan3A_30, %mul3A_104] : memref<24x4096xf32, #tpu.memory_space<hbm>> -> memref<1x128xf32, #tpu.memory_space<hbm>>
          %dma_wait3A_111 = tpu.memref_squeeze %dma_wait3A_110 : memref<1x128xf32, #tpu.memory_space<hbm>> -> memref<128xf32, #tpu.memory_space<hbm>>
          %dma_wait3A_112 = tpu.memref_slice %arg5[%scan3A_30, %mul3A_104] : memref<24x4096xf32, #tpu.memory_space<hbm>> -> memref<1x128xf32, #tpu.memory_space<hbm>>
          %dma_wait3A_113 = tpu.memref_squeeze %dma_wait3A_112 : memref<1x128xf32, #tpu.memory_space<hbm>> -> memref<128xf32, #tpu.memory_space<hbm>>
          tpu.wait_dma2 semaphore(%run_scoped3A_105 : memref<!tpu.dma_semaphore, #tpu.memory_space<semaphore_mem>>) src(%arg9 : memref<128xf32, #tpu.memory_space<vmem>>) dst(%dma_wait3A_113 : memref<128xf32, #tpu.memory_space<hbm>>)
          tpu.yield
        }) : () -> ()
      } else {
      }
      %jit3A_50 = arith.constant 2 : i32
      %eq3A_51 = arith.constant 0 : i32
      %eq3A_52 = arith.cmpi eq, %jit3A_50, %eq3A_51 : i32
      %jit3A_53 = arith.constant 1 : i32
      %select_n3A_54 = arith.select %eq3A_52, %jit3A_53, %jit3A_50 : i32
      %rem3A_55 = arith.remsi %scan3A_30, %select_n3A_54 : i32
      %ne3A_56 = arith.constant 0 : i32
      %ne3A_57 = arith.cmpi ne, %rem3A_55, %ne3A_56 : i32
      %lt3A_58 = arith.constant 0 : i32
      %lt3A_59 = arith.cmpi slt, %rem3A_55, %lt3A_58 : i32
      %lt3A_60 = arith.constant 0 : i32
      %lt3A_61 = arith.cmpi slt, %select_n3A_54, %lt3A_60 : i32
      %ne3A_62 = arith.xori %lt3A_59, %lt3A_61 : i1
      %and3A_63 = arith.andi %ne3A_62, %ne3A_57 : i1
      %add3A_64 = arith.addi %rem3A_55, %select_n3A_54 : i32
      %select_n3A_65 = arith.select %and3A_63, %add3A_64, %rem3A_55 : i32
      %eq3A_66 = arith.constant 1 : i32
      %eq3A_67 = arith.cmpi eq, %select_n3A_65, %eq3A_66 : i32
      %convert_element_type3A_68 = arith.extui %eq3A_67 : i1 to i32
      %cond3A_69 = arith.constant 0 : i32
      %cond3A_70 = arith.cmpi ne, %convert_element_type3A_68, %cond3A_69 : i32
      scf.if %cond3A_70 {
        %dma_wait3A = arith.constant 0 : i32
        %dma_wait3A_71 = arith.constant 1 : i32
        %dma_wait3A_72 = arith.constant 0 : i32
        %dma_wait3A_73 = arith.constant 0 : i32
        %dma_wait3A_74 = tpu.memref_slice %arg6[%dma_wait3A_71, %dma_wait3A_72, %dma_wait3A_73] : memref<2x128x64xf32, #tpu.memory_space<vmem>> -> memref<1x128x64xf32, #tpu.memory_space<vmem>>
        %dma_wait3A_75 = tpu.memref_squeeze %dma_wait3A_74 : memref<1x128x64xf32, #tpu.memory_space<vmem>> -> memref<128x64xf32, #tpu.memory_space<vmem>>
        %dma_wait3A_76 = arith.constant 0 : i32
        %dma_wait3A_77 = arith.constant 0 : i32
        %dma_wait3A_78 = tpu.memref_slice %arg2[%dma_wait3A, %dma_wait3A_76, %dma_wait3A_77] : memref<24x4096x64xf32, #tpu.memory_space<hbm>> -> memref<1x128x64xf32, #tpu.memory_space<hbm>>
        %dma_wait3A_79 = tpu.memref_squeeze %dma_wait3A_78 : memref<1x128x64xf32, #tpu.memory_space<hbm>> -> memref<128x64xf32, #tpu.memory_space<hbm>>
        %dma_wait3A_80 = arith.constant 0 : i32
        %dma_wait3A_81 = arith.constant 0 : i32
        %dma_wait3A_82 = tpu.memref_slice %arg6[%dma_wait3A_71, %dma_wait3A_80, %dma_wait3A_81] : memref<2x128x64xf32, #tpu.memory_space<vmem>> -> memref<1x128x64xf32, #tpu.memory_space<vmem>>
        %dma_wait3A_83 = tpu.memref_squeeze %dma_wait3A_82 : memref<1x128x64xf32, #tpu.memory_space<vmem>> -> memref<128x64xf32, #tpu.memory_space<vmem>>
        %dma_wait3A_84 = arith.constant 0 : i32
        %dma_wait3A_85 = arith.constant 0 : i32
        %dma_wait3A_86 = tpu.memref_slice %arg2[%dma_wait3A, %dma_wait3A_84, %dma_wait3A_85] : memref<24x4096x64xf32, #tpu.memory_space<hbm>> -> memref<1x128x64xf32, #tpu.memory_space<hbm>>
        %dma_wait3A_87 = tpu.memref_squeeze %dma_wait3A_86 : memref<1x128x64xf32, #tpu.memory_space<hbm>> -> memref<128x64xf32, #tpu.memory_space<hbm>>
        tpu.wait_dma2 semaphore(%arg11 : memref<!tpu.dma_semaphore, #tpu.memory_space<semaphore_mem>>) src(%dma_wait3A_87 : memref<128x64xf32, #tpu.memory_space<hbm>>) dst(%dma_wait3A_83 : memref<128x64xf32, #tpu.memory_space<vmem>>)
        %scan3A_88 = arith.constant 0 : i32
        %scan3A_89 = arith.constant 0 : i32
        %scan3A_90 = arith.constant 9 : i32
        %scan3A_91 = arith.addi %scan3A_89, %scan3A_90 : i32
        %scan3A_92 = arith.constant 1 : i32
        scf.for %scan3A_105 = %scan3A_89 to %scan3A_91 step %scan3A_92  : i32 {
          %dma_wait3A_106 = arith.constant 1 : i32
          %dma_wait3A_107 = arith.constant 0 : i32
          %dma_wait3A_108 = arith.constant 1 : i32
          %dma_wait3A_109 = arith.constant 0 : i32
          %dma_wait3A_110 = arith.constant 0 : i32
          %dma_wait3A_111 = tpu.memref_slice %arg8[%dma_wait3A_108, %dma_wait3A_109, %dma_wait3A_110] : memref<2x1152x32xi32, #tpu.memory_space<vmem>> -> memref<1x128x32xi32, #tpu.memory_space<vmem>>
          %dma_wait3A_112 = tpu.memref_squeeze %dma_wait3A_111 : memref<1x128x32xi32, #tpu.memory_space<vmem>> -> memref<128x32xi32, #tpu.memory_space<vmem>>
          %dma_wait3A_113 = arith.constant 0 : i32
          %dma_wait3A_114 = tpu.memref_slice %arg7[%dma_wait3A_106, %dma_wait3A_107, %dma_wait3A_113] : memref<2x9x128xi32, #tpu.memory_space<vmem>> -> memref<1x1x128xi32, #tpu.memory_space<vmem>>
          %dma_wait3A_115 = tpu.memref_squeeze %dma_wait3A_114 : memref<1x1x128xi32, #tpu.memory_space<vmem>> -> memref<128xi32, #tpu.memory_space<vmem>>
          %dma_wait3A_116 = arith.constant 0 : i32
          %dma_wait3A_117 = arith.constant 0 : i32
          %dma_wait3A_118 = tpu.memref_slice %arg3[%dma_wait3A_116, %dma_wait3A_117] : memref<98304x32xi32, #tpu.memory_space<hbm>> -> memref<98304x32xi32, #tpu.memory_space<hbm>>
          tpu.wait_indirect_dma semaphore(%arg13 : memref<!tpu.dma_semaphore, #tpu.memory_space<semaphore_mem>>) src(%dma_wait3A_118 : memref<98304x32xi32, #tpu.memory_space<hbm>>) dst(%dma_wait3A_112 : memref<128x32xi32, #tpu.memory_space<vmem>>)
        }
        %scan3A_93 = arith.constant 9 : i32
        %broadcast_in_dim3A = arith.constant -65536 : i32
        %broadcast_in_dim3A_94 = vector.broadcast %broadcast_in_dim3A : i32 to vector<16xi32>
        %iota3A = tpu.iota {dimensions = array<i32: 0>} : vector<16xi32>
        %broadcast_in_dim3A_95 = arith.constant 0.000000e+00 : f32
        %broadcast_in_dim3A_96 = vector.broadcast %broadcast_in_dim3A_95 : f32 to vector<16xf32>
        %scan3A_97 = arith.constant 0 : i32
        %scan3A_98 = arith.constant 128 : i32
        %scan3A_99 = arith.addi %scan3A_97, %scan3A_98 : i32
        %scan3A_100 = arith.constant 1 : i32
        %scan3A_101 = scf.for %scan3A_105 = %scan3A_97 to %scan3A_99 step %scan3A_100 iter_args(%scan3A_106 = %broadcast_in_dim3A_96) -> (vector<16xf32>)  : i32 {
          %get3A = arith.constant 1 : i32
          %get3A_107 = arith.index_cast %get3A : i32 to index
          %get3A_108 = arith.index_cast %scan3A_105 : i32 to index
          %get3A_109 = arith.constant 0 : index
          %get3A_110 = tpu.vector_load %arg6[%get3A_107, %get3A_108, %get3A_109] {strides = array<i32>} : memref<2x128x64xf32, #tpu.memory_space<vmem>>, vector<16xf32>,
          %get3A_111 = arith.constant 1 : i32
          %get3A_112 = arith.index_cast %get3A_111 : i32 to index
          %get3A_113 = arith.index_cast %scan3A_105 : i32 to index
          %get3A_114 = arith.constant 16 : index
          %get3A_115 = tpu.vector_load %arg6[%get3A_112, %get3A_113, %get3A_114] {strides = array<i32>} : memref<2x128x64xf32, #tpu.memory_space<vmem>>, vector<16xf32>,
          %get3A_116 = arith.constant 1 : i32
          %get3A_117 = arith.index_cast %get3A_116 : i32 to index
          %get3A_118 = arith.index_cast %scan3A_105 : i32 to index
          %get3A_119 = arith.constant 32 : index
          %get3A_120 = tpu.vector_load %arg6[%get3A_117, %get3A_118, %get3A_119] {strides = array<i32>} : memref<2x128x64xf32, #tpu.memory_space<vmem>>, vector<16xf32>,
          %get3A_121 = arith.constant 1 : i32
          %get3A_122 = arith.index_cast %get3A_121 : i32 to index
          %get3A_123 = arith.index_cast %scan3A_105 : i32 to index
          %get3A_124 = arith.constant 48 : index
          %get3A_125 = tpu.vector_load %arg6[%get3A_122, %get3A_123, %get3A_124] {strides = array<i32>} : memref<2x128x64xf32, #tpu.memory_space<vmem>>, vector<16xf32>,
          %mul3A_126 = arith.constant 9 : i32
          %mul3A_127 = arith.muli %scan3A_105, %mul3A_126 : i32
          %add3A_128 = arith.constant 0 : i32
          %add3A_129 = arith.addi %mul3A_127, %add3A_128 : i32
          %get3A_130 = arith.constant 1 : i32
          %get3A_131 = arith.index_cast %get3A_130 : i32 to index
          %get3A_132 = arith.index_cast %add3A_129 : i32 to index
          %get3A_133 = arith.constant 0 : index
          %get3A_134 = tpu.vector_load %arg8[%get3A_131, %get3A_132, %get3A_133] {strides = array<i32>} : memref<2x1152x32xi32, #tpu.memory_space<vmem>>, vector<16xi32>,
          %get3A_135 = arith.constant 1 : i32
          %get3A_136 = arith.index_cast %get3A_135 : i32 to index
          %get3A_137 = arith.index_cast %add3A_129 : i32 to index
          %get3A_138 = arith.constant 16 : index
          %get3A_139 = tpu.vector_load %arg8[%get3A_136, %get3A_137, %get3A_138] {strides = array<i32>} : memref<2x1152x32xi32, #tpu.memory_space<vmem>>, vector<16xi32>,
          %shift_left3A = arith.constant 16 : i32
          %shift_left3A_140 = vector.broadcast %shift_left3A : i32 to vector<16xi32>
          %shift_left3A_141 = arith.shli %get3A_134, %shift_left3A_140 : vector<16xi32>
          %bitcast3A = vector.bitcast %shift_left3A_141 : vector<16xi32> to vector<16xf32>
          %mul3A_142 = arith.mulf %get3A_110, %bitcast3A : vector<16xf32>
          %shift_left3A_143 = arith.constant 16 : i32
          %shift_left3A_144 = vector.broadcast %shift_left3A_143 : i32 to vector<16xi32>
          %shift_left3A_145 = arith.shli %get3A_139, %shift_left3A_144 : vector<16xi32>
          %bitcast3A_146 = vector.bitcast %shift_left3A_145 : vector<16xi32> to vector<16xf32>
          %mul3A_147 = arith.mulf %get3A_115, %bitcast3A_146 : vector<16xf32>
          %add3A_148 = arith.addf %mul3A_142, %mul3A_147 : vector<16xf32>
          %and3A_149 = arith.andi %get3A_134, %broadcast_in_dim3A_94 : vector<16xi32>
          %bitcast3A_150 = vector.bitcast %and3A_149 : vector<16xi32> to vector<16xf32>
          %mul3A_151 = arith.mulf %get3A_120, %bitcast3A_150 : vector<16xf32>
          %add3A_152 = arith.addf %add3A_148, %mul3A_151 : vector<16xf32>
          %and3A_153 = arith.andi %get3A_139, %broadcast_in_dim3A_94 : vector<16xi32>
          %bitcast3A_154 = vector.bitcast %and3A_153 : vector<16xi32> to vector<16xf32>
          %mul3A_155 = arith.mulf %get3A_125, %bitcast3A_154 : vector<16xf32>
          %add3A_156 = arith.addf %add3A_152, %mul3A_155 : vector<16xf32>
          %reduce_sum3A = arith.constant true
          %reduce_sum3A_157 = vector.broadcast %reduce_sum3A : i1 to vector<16xi1>
          %reduce_sum3A_158 = tpu.scan <sum>, %add3A_156 masked %reduce_sum3A_157 : vector<16xf32>, vector<16xi1> -> vector<16xf32>
          %reduce_sum3A_159 = vector.extract %reduce_sum3A_158[15] : f32 from vector<16xf32>
          %mul3A_160 = arith.constant 9 : i32
          %mul3A_161 = arith.muli %scan3A_105, %mul3A_160 : i32
          %add3A_162 = arith.constant 1 : i32
          %add3A_163 = arith.addi %mul3A_161, %add3A_162 : i32
          %get3A_164 = arith.constant 1 : i32
          %get3A_165 = arith.index_cast %get3A_164 : i32 to index
          %get3A_166 = arith.index_cast %add3A_163 : i32 to index
          %get3A_167 = arith.constant 0 : index
          %get3A_168 = tpu.vector_load %arg8[%get3A_165, %get3A_166, %get3A_167] {strides = array<i32>} : memref<2x1152x32xi32, #tpu.memory_space<vmem>>, vector<16xi32>,
          %get3A_169 = arith.constant 1 : i32
          %get3A_170 = arith.index_cast %get3A_169 : i32 to index
          %get3A_171 = arith.index_cast %add3A_163 : i32 to index
          %get3A_172 = arith.constant 16 : index
          %get3A_173 = tpu.vector_load %arg8[%get3A_170, %get3A_171, %get3A_172] {strides = array<i32>} : memref<2x1152x32xi32, #tpu.memory_space<vmem>>, vector<16xi32>,
          %shift_left3A_174 = arith.constant 16 : i32
          %shift_left3A_175 = vector.broadcast %shift_left3A_174 : i32 to vector<16xi32>
          %shift_left3A_176 = arith.shli %get3A_168, %shift_left3A_175 : vector<16xi32>
          %bitcast3A_177 = vector.bitcast %shift_left3A_176 : vector<16xi32> to vector<16xf32>
          %mul3A_178 = arith.mulf %get3A_110, %bitcast3A_177 : vector<16xf32>
          %shift_left3A_179 = arith.constant 16 : i32
          %shift_left3A_180 = vector.broadcast %shift_left3A_179 : i32 to vector<16xi32>
          %shift_left3A_181 = arith.shli %get3A_173, %shift_left3A_180 : vector<16xi32>
          %bitcast3A_182 = vector.bitcast %shift_left3A_181 : vector<16xi32> to vector<16xf32>
          %mul3A_183 = arith.mulf %get3A_115, %bitcast3A_182 : vector<16xf32>
          %add3A_184 = arith.addf %mul3A_178, %mul3A_183 : vector<16xf32>
          %and3A_185 = arith.andi %get3A_168, %broadcast_in_dim3A_94 : vector<16xi32>
          %bitcast3A_186 = vector.bitcast %and3A_185 : vector<16xi32> to vector<16xf32>
          %mul3A_187 = arith.mulf %get3A_120, %bitcast3A_186 : vector<16xf32>
          %add3A_188 = arith.addf %add3A_184, %mul3A_187 : vector<16xf32>
          %and3A_189 = arith.andi %get3A_173, %broadcast_in_dim3A_94 : vector<16xi32>
          %bitcast3A_190 = vector.bitcast %and3A_189 : vector<16xi32> to vector<16xf32>
          %mul3A_191 = arith.mulf %get3A_125, %bitcast3A_190 : vector<16xf32>
          %add3A_192 = arith.addf %add3A_188, %mul3A_191 : vector<16xf32>
          %reduce_sum3A_193 = arith.constant true
          %reduce_sum3A_194 = vector.broadcast %reduce_sum3A_193 : i1 to vector<16xi1>
          %reduce_sum3A_195 = tpu.scan <sum>, %add3A_192 masked %reduce_sum3A_194 : vector<16xf32>, vector<16xi1> -> vector<16xf32>
          %reduce_sum3A_196 = vector.extract %reduce_sum3A_195[15] : f32 from vector<16xf32>
          %mul3A_197 = arith.constant 9 : i32
          %mul3A_198 = arith.muli %scan3A_105, %mul3A_197 : i32
          %add3A_199 = arith.constant 2 : i32
          %add3A_200 = arith.addi %mul3A_198, %add3A_199 : i32
          %get3A_201 = arith.constant 1 : i32
          %get3A_202 = arith.index_cast %get3A_201 : i32 to index
          %get3A_203 = arith.index_cast %add3A_200 : i32 to index
          %get3A_204 = arith.constant 0 : index
          %get3A_205 = tpu.vector_load %arg8[%get3A_202, %get3A_203, %get3A_204] {strides = array<i32>} : memref<2x1152x32xi32, #tpu.memory_space<vmem>>, vector<16xi32>,
          %get3A_206 = arith.constant 1 : i32
          %get3A_207 = arith.index_cast %get3A_206 : i32 to index
          %get3A_208 = arith.index_cast %add3A_200 : i32 to index
          %get3A_209 = arith.constant 16 : index
          %get3A_210 = tpu.vector_load %arg8[%get3A_207, %get3A_208, %get3A_209] {strides = array<i32>} : memref<2x1152x32xi32, #tpu.memory_space<vmem>>, vector<16xi32>,
          %shift_left3A_211 = arith.constant 16 : i32
          %shift_left3A_212 = vector.broadcast %shift_left3A_211 : i32 to vector<16xi32>
          %shift_left3A_213 = arith.shli %get3A_205, %shift_left3A_212 : vector<16xi32>
          %bitcast3A_214 = vector.bitcast %shift_left3A_213 : vector<16xi32> to vector<16xf32>
          %mul3A_215 = arith.mulf %get3A_110, %bitcast3A_214 : vector<16xf32>
          %shift_left3A_216 = arith.constant 16 : i32
          %shift_left3A_217 = vector.broadcast %shift_left3A_216 : i32 to vector<16xi32>
          %shift_left3A_218 = arith.shli %get3A_210, %shift_left3A_217 : vector<16xi32>
          %bitcast3A_219 = vector.bitcast %shift_left3A_218 : vector<16xi32> to vector<16xf32>
          %mul3A_220 = arith.mulf %get3A_115, %bitcast3A_219 : vector<16xf32>
          %add3A_221 = arith.addf %mul3A_215, %mul3A_220 : vector<16xf32>
          %and3A_222 = arith.andi %get3A_205, %broadcast_in_dim3A_94 : vector<16xi32>
          %bitcast3A_223 = vector.bitcast %and3A_222 : vector<16xi32> to vector<16xf32>
          %mul3A_224 = arith.mulf %get3A_120, %bitcast3A_223 : vector<16xf32>
          %add3A_225 = arith.addf %add3A_221, %mul3A_224 : vector<16xf32>
          %and3A_226 = arith.andi %get3A_210, %broadcast_in_dim3A_94 : vector<16xi32>
          %bitcast3A_227 = vector.bitcast %and3A_226 : vector<16xi32> to vector<16xf32>
          %mul3A_228 = arith.mulf %get3A_125, %bitcast3A_227 : vector<16xf32>
          %add3A_229 = arith.addf %add3A_225, %mul3A_228 : vector<16xf32>
          %reduce_sum3A_230 = arith.constant true
          %reduce_sum3A_231 = vector.broadcast %reduce_sum3A_230 : i1 to vector<16xi1>
          %reduce_sum3A_232 = tpu.scan <sum>, %add3A_229 masked %reduce_sum3A_231 : vector<16xf32>, vector<16xi1> -> vector<16xf32>
          %reduce_sum3A_233 = vector.extract %reduce_sum3A_232[15] : f32 from vector<16xf32>
          %mul3A_234 = arith.constant 9 : i32
          %mul3A_235 = arith.muli %scan3A_105, %mul3A_234 : i32
          %add3A_236 = arith.constant 3 : i32
          %add3A_237 = arith.addi %mul3A_235, %add3A_236 : i32
          %get3A_238 = arith.constant 1 : i32
          %get3A_239 = arith.index_cast %get3A_238 : i32 to index
          %get3A_240 = arith.index_cast %add3A_237 : i32 to index
          %get3A_241 = arith.constant 0 : index
          %get3A_242 = tpu.vector_load %arg8[%get3A_239, %get3A_240, %get3A_241] {strides = array<i32>} : memref<2x1152x32xi32, #tpu.memory_space<vmem>>, vector<16xi32>,
          %get3A_243 = arith.constant 1 : i32
          %get3A_244 = arith.index_cast %get3A_243 : i32 to index
          %get3A_245 = arith.index_cast %add3A_237 : i32 to index
          %get3A_246 = arith.constant 16 : index
          %get3A_247 = tpu.vector_load %arg8[%get3A_244, %get3A_245, %get3A_246] {strides = array<i32>} : memref<2x1152x32xi32, #tpu.memory_space<vmem>>, vector<16xi32>,
          %shift_left3A_248 = arith.constant 16 : i32
          %shift_left3A_249 = vector.broadcast %shift_left3A_248 : i32 to vector<16xi32>
          %shift_left3A_250 = arith.shli %get3A_242, %shift_left3A_249 : vector<16xi32>
          %bitcast3A_251 = vector.bitcast %shift_left3A_250 : vector<16xi32> to vector<16xf32>
          %mul3A_252 = arith.mulf %get3A_110, %bitcast3A_251 : vector<16xf32>
          %shift_left3A_253 = arith.constant 16 : i32
          %shift_left3A_254 = vector.broadcast %shift_left3A_253 : i32 to vector<16xi32>
          %shift_left3A_255 = arith.shli %get3A_247, %shift_left3A_254 : vector<16xi32>
          %bitcast3A_256 = vector.bitcast %shift_left3A_255 : vector<16xi32> to vector<16xf32>
          %mul3A_257 = arith.mulf %get3A_115, %bitcast3A_256 : vector<16xf32>
          %add3A_258 = arith.addf %mul3A_252, %mul3A_257 : vector<16xf32>
          %and3A_259 = arith.andi %get3A_242, %broadcast_in_dim3A_94 : vector<16xi32>
          %bitcast3A_260 = vector.bitcast %and3A_259 : vector<16xi32> to vector<16xf32>
          %mul3A_261 = arith.mulf %get3A_120, %bitcast3A_260 : vector<16xf32>
          %add3A_262 = arith.addf %add3A_258, %mul3A_261 : vector<16xf32>
          %and3A_263 = arith.andi %get3A_247, %broadcast_in_dim3A_94 : vector<16xi32>
          %bitcast3A_264 = vector.bitcast %and3A_263 : vector<16xi32> to vector<16xf32>
          %mul3A_265 = arith.mulf %get3A_125, %bitcast3A_264 : vector<16xf32>
          %add3A_266 = arith.addf %add3A_262, %mul3A_265 : vector<16xf32>
          %reduce_sum3A_267 = arith.constant true
          %reduce_sum3A_268 = vector.broadcast %reduce_sum3A_267 : i1 to vector<16xi1>
          %reduce_sum3A_269 = tpu.scan <sum>, %add3A_266 masked %reduce_sum3A_268 : vector<16xf32>, vector<16xi1> -> vector<16xf32>
          %reduce_sum3A_270 = vector.extract %reduce_sum3A_269[15] : f32 from vector<16xf32>
          %mul3A_271 = arith.constant 9 : i32
          %mul3A_272 = arith.muli %scan3A_105, %mul3A_271 : i32
          %add3A_273 = arith.constant 4 : i32
          %add3A_274 = arith.addi %mul3A_272, %add3A_273 : i32
          %get3A_275 = arith.constant 1 : i32
          %get3A_276 = arith.index_cast %get3A_275 : i32 to index
          %get3A_277 = arith.index_cast %add3A_274 : i32 to index
          %get3A_278 = arith.constant 0 : index
          %get3A_279 = tpu.vector_load %arg8[%get3A_276, %get3A_277, %get3A_278] {strides = array<i32>} : memref<2x1152x32xi32, #tpu.memory_space<vmem>>, vector<16xi32>,
          %get3A_280 = arith.constant 1 : i32
          %get3A_281 = arith.index_cast %get3A_280 : i32 to index
          %get3A_282 = arith.index_cast %add3A_274 : i32 to index
          %get3A_283 = arith.constant 16 : index
          %get3A_284 = tpu.vector_load %arg8[%get3A_281, %get3A_282, %get3A_283] {strides = array<i32>} : memref<2x1152x32xi32, #tpu.memory_space<vmem>>, vector<16xi32>,
          %shift_left3A_285 = arith.constant 16 : i32
          %shift_left3A_286 = vector.broadcast %shift_left3A_285 : i32 to vector<16xi32>
          %shift_left3A_287 = arith.shli %get3A_279, %shift_left3A_286 : vector<16xi32>
          %bitcast3A_288 = vector.bitcast %shift_left3A_287 : vector<16xi32> to vector<16xf32>
          %mul3A_289 = arith.mulf %get3A_110, %bitcast3A_288 : vector<16xf32>
          %shift_left3A_290 = arith.constant 16 : i32
          %shift_left3A_291 = vector.broadcast %shift_left3A_290 : i32 to vector<16xi32>
          %shift_left3A_292 = arith.shli %get3A_284, %shift_left3A_291 : vector<16xi32>
          %bitcast3A_293 = vector.bitcast %shift_left3A_292 : vector<16xi32> to vector<16xf32>
          %mul3A_294 = arith.mulf %get3A_115, %bitcast3A_293 : vector<16xf32>
          %add3A_295 = arith.addf %mul3A_289, %mul3A_294 : vector<16xf32>
          %and3A_296 = arith.andi %get3A_279, %broadcast_in_dim3A_94 : vector<16xi32>
          %bitcast3A_297 = vector.bitcast %and3A_296 : vector<16xi32> to vector<16xf32>
          %mul3A_298 = arith.mulf %get3A_120, %bitcast3A_297 : vector<16xf32>
          %add3A_299 = arith.addf %add3A_295, %mul3A_298 : vector<16xf32>
          %and3A_300 = arith.andi %get3A_284, %broadcast_in_dim3A_94 : vector<16xi32>
          %bitcast3A_301 = vector.bitcast %and3A_300 : vector<16xi32> to vector<16xf32>
          %mul3A_302 = arith.mulf %get3A_125, %bitcast3A_301 : vector<16xf32>
          %add3A_303 = arith.addf %add3A_299, %mul3A_302 : vector<16xf32>
          %reduce_sum3A_304 = arith.constant true
          %reduce_sum3A_305 = vector.broadcast %reduce_sum3A_304 : i1 to vector<16xi1>
          %reduce_sum3A_306 = tpu.scan <sum>, %add3A_303 masked %reduce_sum3A_305 : vector<16xf32>, vector<16xi1> -> vector<16xf32>
          %reduce_sum3A_307 = vector.extract %reduce_sum3A_306[15] : f32 from vector<16xf32>
          %mul3A_308 = arith.constant 9 : i32
          %mul3A_309 = arith.muli %scan3A_105, %mul3A_308 : i32
          %add3A_310 = arith.constant 5 : i32
          %add3A_311 = arith.addi %mul3A_309, %add3A_310 : i32
          %get3A_312 = arith.constant 1 : i32
          %get3A_313 = arith.index_cast %get3A_312 : i32 to index
          %get3A_314 = arith.index_cast %add3A_311 : i32 to index
          %get3A_315 = arith.constant 0 : index
          %get3A_316 = tpu.vector_load %arg8[%get3A_313, %get3A_314, %get3A_315] {strides = array<i32>} : memref<2x1152x32xi32, #tpu.memory_space<vmem>>, vector<16xi32>,
          %get3A_317 = arith.constant 1 : i32
          %get3A_318 = arith.index_cast %get3A_317 : i32 to index
          %get3A_319 = arith.index_cast %add3A_311 : i32 to index
          %get3A_320 = arith.constant 16 : index
          %get3A_321 = tpu.vector_load %arg8[%get3A_318, %get3A_319, %get3A_320] {strides = array<i32>} : memref<2x1152x32xi32, #tpu.memory_space<vmem>>, vector<16xi32>,
          %shift_left3A_322 = arith.constant 16 : i32
          %shift_left3A_323 = vector.broadcast %shift_left3A_322 : i32 to vector<16xi32>
          %shift_left3A_324 = arith.shli %get3A_316, %shift_left3A_323 : vector<16xi32>
          %bitcast3A_325 = vector.bitcast %shift_left3A_324 : vector<16xi32> to vector<16xf32>
          %mul3A_326 = arith.mulf %get3A_110, %bitcast3A_325 : vector<16xf32>
          %shift_left3A_327 = arith.constant 16 : i32
          %shift_left3A_328 = vector.broadcast %shift_left3A_327 : i32 to vector<16xi32>
          %shift_left3A_329 = arith.shli %get3A_321, %shift_left3A_328 : vector<16xi32>
          %bitcast3A_330 = vector.bitcast %shift_left3A_329 : vector<16xi32> to vector<16xf32>
          %mul3A_331 = arith.mulf %get3A_115, %bitcast3A_330 : vector<16xf32>
          %add3A_332 = arith.addf %mul3A_326, %mul3A_331 : vector<16xf32>
          %and3A_333 = arith.andi %get3A_316, %broadcast_in_dim3A_94 : vector<16xi32>
          %bitcast3A_334 = vector.bitcast %and3A_333 : vector<16xi32> to vector<16xf32>
          %mul3A_335 = arith.mulf %get3A_120, %bitcast3A_334 : vector<16xf32>
          %add3A_336 = arith.addf %add3A_332, %mul3A_335 : vector<16xf32>
          %and3A_337 = arith.andi %get3A_321, %broadcast_in_dim3A_94 : vector<16xi32>
          %bitcast3A_338 = vector.bitcast %and3A_337 : vector<16xi32> to vector<16xf32>
          %mul3A_339 = arith.mulf %get3A_125, %bitcast3A_338 : vector<16xf32>
          %add3A_340 = arith.addf %add3A_336, %mul3A_339 : vector<16xf32>
          %reduce_sum3A_341 = arith.constant true
          %reduce_sum3A_342 = vector.broadcast %reduce_sum3A_341 : i1 to vector<16xi1>
          %reduce_sum3A_343 = tpu.scan <sum>, %add3A_340 masked %reduce_sum3A_342 : vector<16xf32>, vector<16xi1> -> vector<16xf32>
          %reduce_sum3A_344 = vector.extract %reduce_sum3A_343[15] : f32 from vector<16xf32>
          %mul3A_345 = arith.constant 9 : i32
          %mul3A_346 = arith.muli %scan3A_105, %mul3A_345 : i32
          %add3A_347 = arith.constant 6 : i32
          %add3A_348 = arith.addi %mul3A_346, %add3A_347 : i32
          %get3A_349 = arith.constant 1 : i32
          %get3A_350 = arith.index_cast %get3A_349 : i32 to index
          %get3A_351 = arith.index_cast %add3A_348 : i32 to index
          %get3A_352 = arith.constant 0 : index
          %get3A_353 = tpu.vector_load %arg8[%get3A_350, %get3A_351, %get3A_352] {strides = array<i32>} : memref<2x1152x32xi32, #tpu.memory_space<vmem>>, vector<16xi32>,
          %get3A_354 = arith.constant 1 : i32
          %get3A_355 = arith.index_cast %get3A_354 : i32 to index
          %get3A_356 = arith.index_cast %add3A_348 : i32 to index
          %get3A_357 = arith.constant 16 : index
          %get3A_358 = tpu.vector_load %arg8[%get3A_355, %get3A_356, %get3A_357] {strides = array<i32>} : memref<2x1152x32xi32, #tpu.memory_space<vmem>>, vector<16xi32>,
          %shift_left3A_359 = arith.constant 16 : i32
          %shift_left3A_360 = vector.broadcast %shift_left3A_359 : i32 to vector<16xi32>
          %shift_left3A_361 = arith.shli %get3A_353, %shift_left3A_360 : vector<16xi32>
          %bitcast3A_362 = vector.bitcast %shift_left3A_361 : vector<16xi32> to vector<16xf32>
          %mul3A_363 = arith.mulf %get3A_110, %bitcast3A_362 : vector<16xf32>
          %shift_left3A_364 = arith.constant 16 : i32
          %shift_left3A_365 = vector.broadcast %shift_left3A_364 : i32 to vector<16xi32>
          %shift_left3A_366 = arith.shli %get3A_358, %shift_left3A_365 : vector<16xi32>
          %bitcast3A_367 = vector.bitcast %shift_left3A_366 : vector<16xi32> to vector<16xf32>
          %mul3A_368 = arith.mulf %get3A_115, %bitcast3A_367 : vector<16xf32>
          %add3A_369 = arith.addf %mul3A_363, %mul3A_368 : vector<16xf32>
          %and3A_370 = arith.andi %get3A_353, %broadcast_in_dim3A_94 : vector<16xi32>
          %bitcast3A_371 = vector.bitcast %and3A_370 : vector<16xi32> to vector<16xf32>
          %mul3A_372 = arith.mulf %get3A_120, %bitcast3A_371 : vector<16xf32>
          %add3A_373 = arith.addf %add3A_369, %mul3A_372 : vector<16xf32>
          %and3A_374 = arith.andi %get3A_358, %broadcast_in_dim3A_94 : vector<16xi32>
          %bitcast3A_375 = vector.bitcast %and3A_374 : vector<16xi32> to vector<16xf32>
          %mul3A_376 = arith.mulf %get3A_125, %bitcast3A_375 : vector<16xf32>
          %add3A_377 = arith.addf %add3A_373, %mul3A_376 : vector<16xf32>
          %reduce_sum3A_378 = arith.constant true
          %reduce_sum3A_379 = vector.broadcast %reduce_sum3A_378 : i1 to vector<16xi1>
          %reduce_sum3A_380 = tpu.scan <sum>, %add3A_377 masked %reduce_sum3A_379 : vector<16xf32>, vector<16xi1> -> vector<16xf32>
          %reduce_sum3A_381 = vector.extract %reduce_sum3A_380[15] : f32 from vector<16xf32>
          %mul3A_382 = arith.constant 9 : i32
          %mul3A_383 = arith.muli %scan3A_105, %mul3A_382 : i32
          %add3A_384 = arith.constant 7 : i32
          %add3A_385 = arith.addi %mul3A_383, %add3A_384 : i32
          %get3A_386 = arith.constant 1 : i32
          %get3A_387 = arith.index_cast %get3A_386 : i32 to index
          %get3A_388 = arith.index_cast %add3A_385 : i32 to index
          %get3A_389 = arith.constant 0 : index
          %get3A_390 = tpu.vector_load %arg8[%get3A_387, %get3A_388, %get3A_389] {strides = array<i32>} : memref<2x1152x32xi32, #tpu.memory_space<vmem>>, vector<16xi32>,
          %get3A_391 = arith.constant 1 : i32
          %get3A_392 = arith.index_cast %get3A_391 : i32 to index
          %get3A_393 = arith.index_cast %add3A_385 : i32 to index
          %get3A_394 = arith.constant 16 : index
          %get3A_395 = tpu.vector_load %arg8[%get3A_392, %get3A_393, %get3A_394] {strides = array<i32>} : memref<2x1152x32xi32, #tpu.memory_space<vmem>>, vector<16xi32>,
          %shift_left3A_396 = arith.constant 16 : i32
          %shift_left3A_397 = vector.broadcast %shift_left3A_396 : i32 to vector<16xi32>
          %shift_left3A_398 = arith.shli %get3A_390, %shift_left3A_397 : vector<16xi32>
          %bitcast3A_399 = vector.bitcast %shift_left3A_398 : vector<16xi32> to vector<16xf32>
          %mul3A_400 = arith.mulf %get3A_110, %bitcast3A_399 : vector<16xf32>
          %shift_left3A_401 = arith.constant 16 : i32
          %shift_left3A_402 = vector.broadcast %shift_left3A_401 : i32 to vector<16xi32>
          %shift_left3A_403 = arith.shli %get3A_395, %shift_left3A_402 : vector<16xi32>
          %bitcast3A_404 = vector.bitcast %shift_left3A_403 : vector<16xi32> to vector<16xf32>
          %mul3A_405 = arith.mulf %get3A_115, %bitcast3A_404 : vector<16xf32>
          %add3A_406 = arith.addf %mul3A_400, %mul3A_405 : vector<16xf32>
          %and3A_407 = arith.andi %get3A_390, %broadcast_in_dim3A_94 : vector<16xi32>
          %bitcast3A_408 = vector.bitcast %and3A_407 : vector<16xi32> to vector<16xf32>
          %mul3A_409 = arith.mulf %get3A_120, %bitcast3A_408 : vector<16xf32>
          %add3A_410 = arith.addf %add3A_406, %mul3A_409 : vector<16xf32>
          %and3A_411 = arith.andi %get3A_395, %broadcast_in_dim3A_94 : vector<16xi32>
          %bitcast3A_412 = vector.bitcast %and3A_411 : vector<16xi32> to vector<16xf32>
          %mul3A_413 = arith.mulf %get3A_125, %bitcast3A_412 : vector<16xf32>
          %add3A_414 = arith.addf %add3A_410, %mul3A_413 : vector<16xf32>
          %reduce_sum3A_415 = arith.constant true
          %reduce_sum3A_416 = vector.broadcast %reduce_sum3A_415 : i1 to vector<16xi1>
          %reduce_sum3A_417 = tpu.scan <sum>, %add3A_414 masked %reduce_sum3A_416 : vector<16xf32>, vector<16xi1> -> vector<16xf32>
          %reduce_sum3A_418 = vector.extract %reduce_sum3A_417[15] : f32 from vector<16xf32>
          %mul3A_419 = arith.constant 9 : i32
          %mul3A_420 = arith.muli %scan3A_105, %mul3A_419 : i32
          %add3A_421 = arith.constant 8 : i32
          %add3A_422 = arith.addi %mul3A_420, %add3A_421 : i32
          %get3A_423 = arith.constant 1 : i32
          %get3A_424 = arith.index_cast %get3A_423 : i32 to index
          %get3A_425 = arith.index_cast %add3A_422 : i32 to index
          %get3A_426 = arith.constant 0 : index
          %get3A_427 = tpu.vector_load %arg8[%get3A_424, %get3A_425, %get3A_426] {strides = array<i32>} : memref<2x1152x32xi32, #tpu.memory_space<vmem>>, vector<16xi32>,
          %get3A_428 = arith.constant 1 : i32
          %get3A_429 = arith.index_cast %get3A_428 : i32 to index
          %get3A_430 = arith.index_cast %add3A_422 : i32 to index
          %get3A_431 = arith.constant 16 : index
          %get3A_432 = tpu.vector_load %arg8[%get3A_429, %get3A_430, %get3A_431] {strides = array<i32>} : memref<2x1152x32xi32, #tpu.memory_space<vmem>>, vector<16xi32>,
          %shift_left3A_433 = arith.constant 16 : i32
          %shift_left3A_434 = vector.broadcast %shift_left3A_433 : i32 to vector<16xi32>
          %shift_left3A_435 = arith.shli %get3A_427, %shift_left3A_434 : vector<16xi32>
          %bitcast3A_436 = vector.bitcast %shift_left3A_435 : vector<16xi32> to vector<16xf32>
          %mul3A_437 = arith.mulf %get3A_110, %bitcast3A_436 : vector<16xf32>
          %shift_left3A_438 = arith.constant 16 : i32
          %shift_left3A_439 = vector.broadcast %shift_left3A_438 : i32 to vector<16xi32>
          %shift_left3A_440 = arith.shli %get3A_432, %shift_left3A_439 : vector<16xi32>
          %bitcast3A_441 = vector.bitcast %shift_left3A_440 : vector<16xi32> to vector<16xf32>
          %mul3A_442 = arith.mulf %get3A_115, %bitcast3A_441 : vector<16xf32>
          %add3A_443 = arith.addf %mul3A_437, %mul3A_442 : vector<16xf32>
          %and3A_444 = arith.andi %get3A_427, %broadcast_in_dim3A_94 : vector<16xi32>
          %bitcast3A_445 = vector.bitcast %and3A_444 : vector<16xi32> to vector<16xf32>
          %mul3A_446 = arith.mulf %get3A_120, %bitcast3A_445 : vector<16xf32>
          %add3A_447 = arith.addf %add3A_443, %mul3A_446 : vector<16xf32>
          %and3A_448 = arith.andi %get3A_432, %broadcast_in_dim3A_94 : vector<16xi32>
          %bitcast3A_449 = vector.bitcast %and3A_448 : vector<16xi32> to vector<16xf32>
          %mul3A_450 = arith.mulf %get3A_125, %bitcast3A_449 : vector<16xf32>
          %add3A_451 = arith.addf %add3A_447, %mul3A_450 : vector<16xf32>
          %reduce_sum3A_452 = arith.constant true
          %reduce_sum3A_453 = vector.broadcast %reduce_sum3A_452 : i1 to vector<16xi1>
          %reduce_sum3A_454 = tpu.scan <sum>, %add3A_451 masked %reduce_sum3A_453 : vector<16xf32>, vector<16xi1> -> vector<16xf32>
          %reduce_sum3A_455 = vector.extract %reduce_sum3A_454[15] : f32 from vector<16xf32>
          %max3A = arith.maximumf %reduce_sum3A_159, %reduce_sum3A_196 : f32
          %add3A_456 = arith.addf %reduce_sum3A_159, %reduce_sum3A_196 : f32
          %max3A_457 = arith.maximumf %max3A, %reduce_sum3A_233 : f32
          %add3A_458 = arith.addf %add3A_456, %reduce_sum3A_233 : f32
          %max3A_459 = arith.maximumf %max3A_457, %reduce_sum3A_270 : f32
          %add3A_460 = arith.addf %add3A_458, %reduce_sum3A_270 : f32
          %max3A_461 = arith.maximumf %max3A_459, %reduce_sum3A_307 : f32
          %add3A_462 = arith.addf %add3A_460, %reduce_sum3A_307 : f32
          %max3A_463 = arith.maximumf %max3A_461, %reduce_sum3A_344 : f32
          %add3A_464 = arith.addf %add3A_462, %reduce_sum3A_344 : f32
          %max3A_465 = arith.maximumf %max3A_463, %reduce_sum3A_381 : f32
          %add3A_466 = arith.addf %add3A_464, %reduce_sum3A_381 : f32
          %max3A_467 = arith.maximumf %max3A_465, %reduce_sum3A_418 : f32
          %add3A_468 = arith.addf %add3A_466, %reduce_sum3A_418 : f32
          %max3A_469 = arith.maximumf %max3A_467, %reduce_sum3A_455 : f32
          %add3A_470 = arith.addf %add3A_468, %reduce_sum3A_455 : f32
          %mul3A_471 = arith.constant 2.44140625E-4 : f32
          %mul3A_472 = arith.mulf %add3A_470, %mul3A_471 : f32
          %sub3A = arith.subf %max3A_469, %mul3A_472 : f32
          %jit3A_473 = arith.constant 16 : i32
          %eq3A_474 = arith.constant 0 : i32
          %eq3A_475 = arith.cmpi eq, %jit3A_473, %eq3A_474 : i32
          %jit3A_476 = arith.constant 1 : i32
          %select_n3A_477 = arith.select %eq3A_475, %jit3A_476, %jit3A_473 : i32
          %rem3A_478 = arith.remsi %scan3A_105, %select_n3A_477 : i32
          %ne3A_479 = arith.constant 0 : i32
          %ne3A_480 = arith.cmpi ne, %rem3A_478, %ne3A_479 : i32
          %lt3A_481 = arith.constant 0 : i32
          %lt3A_482 = arith.cmpi slt, %rem3A_478, %lt3A_481 : i32
          %lt3A_483 = arith.constant 0 : i32
          %lt3A_484 = arith.cmpi slt, %select_n3A_477, %lt3A_483 : i32
          %ne3A_485 = arith.xori %lt3A_482, %lt3A_484 : i1
          %and3A_486 = arith.andi %ne3A_485, %ne3A_480 : i1
          %add3A_487 = arith.addi %rem3A_478, %select_n3A_477 : i32
          %select_n3A_488 = arith.select %and3A_486, %add3A_487, %rem3A_478 : i32
          %eq3A_489 = vector.broadcast %select_n3A_488 : i32 to vector<16xi32>
          %eq3A_490 = arith.cmpi eq, %iota3A, %eq3A_489 : vector<16xi32>
          %broadcast_in_dim3A_491 = vector.broadcast %sub3A : f32 to vector<16xf32>
          %select_n3A_492 = arith.select %eq3A_490, %broadcast_in_dim3A_491, %scan3A_106 : vector<16xi1>, vector<16xf32>
          %jit3A_493 = arith.constant 16 : i32
          %eq3A_494 = arith.constant 0 : i32
          %eq3A_495 = arith.cmpi eq, %jit3A_493, %eq3A_494 : i32
          %jit3A_496 = arith.constant 1 : i32
          %select_n3A_497 = arith.select %eq3A_495, %jit3A_496, %jit3A_493 : i32
          %rem3A_498 = arith.remsi %scan3A_105, %select_n3A_497 : i32
          %ne3A_499 = arith.constant 0 : i32
          %ne3A_500 = arith.cmpi ne, %rem3A_498, %ne3A_499 : i32
          %lt3A_501 = arith.constant 0 : i32
          %lt3A_502 = arith.cmpi slt, %rem3A_498, %lt3A_501 : i32
          %lt3A_503 = arith.constant 0 : i32
          %lt3A_504 = arith.cmpi slt, %select_n3A_497, %lt3A_503 : i32
          %ne3A_505 = arith.xori %lt3A_502, %lt3A_504 : i1
          %and3A_506 = arith.andi %ne3A_505, %ne3A_500 : i1
          %add3A_507 = arith.addi %rem3A_498, %select_n3A_497 : i32
          %select_n3A_508 = arith.select %and3A_506, %add3A_507, %rem3A_498 : i32
          %eq3A_509 = arith.constant 15 : i32
          %eq3A_510 = arith.cmpi eq, %select_n3A_508, %eq3A_509 : i32
          %convert_element_type3A_511 = arith.extui %eq3A_510 : i1 to i32
          %cond3A_512 = arith.constant 0 : i32
          %cond3A_513 = arith.cmpi ne, %convert_element_type3A_511, %cond3A_512 : i32
          scf.if %cond3A_513 {
            %jit3A_514 = arith.constant 16 : i32
            %div3A = arith.divsi %scan3A_105, %jit3A_514 : i32
            %sign3A = arith.constant 0 : i32
            %sign3A_515 = arith.cmpi sgt, %scan3A_105, %sign3A : i32
            %sign3A_516 = arith.extui %sign3A_515 : i1 to i32
            %sign3A_517 = arith.constant 0 : i32
            %sign3A_518 = arith.cmpi slt, %scan3A_105, %sign3A_517 : i32
            %sign3A_519 = arith.extui %sign3A_518 : i1 to i32
            %sign3A_520 = arith.subi %sign3A_516, %sign3A_519 : i32
            %sign3A_521 = arith.constant 0 : i32
            %sign3A_522 = arith.cmpi sgt, %jit3A_514, %sign3A_521 : i32
            %sign3A_523 = arith.extui %sign3A_522 : i1 to i32
            %sign3A_524 = arith.constant 0 : i32
            %sign3A_525 = arith.cmpi slt, %jit3A_514, %sign3A_524 : i32
            %sign3A_526 = arith.extui %sign3A_525 : i1 to i32
            %sign3A_527 = arith.subi %sign3A_523, %sign3A_526 : i32
            %ne3A_528 = arith.cmpi ne, %sign3A_520, %sign3A_527 : i32
            %rem3A_529 = arith.remsi %scan3A_105, %jit3A_514 : i32
            %ne3A_530 = arith.constant 0 : i32
            %ne3A_531 = arith.cmpi ne, %rem3A_529, %ne3A_530 : i32
            %and3A_532 = arith.andi %ne3A_528, %ne3A_531 : i1
            %sub3A_533 = arith.constant 1 : i32
            %sub3A_534 = arith.subi %div3A, %sub3A_533 : i32
            %select_n3A_535 = arith.select %and3A_532, %sub3A_534, %div3A : i32
            %mul3A_536 = arith.constant 16 : i32
            %mul3A_537 = arith.muli %select_n3A_535, %mul3A_536 : i32
            %swap3A = arith.index_cast %mul3A_537 : i32 to index
            %swap3A_538 = tpu.vector_load %arg9[%swap3A] {strides = array<i32>} : memref<128xf32, #tpu.memory_space<vmem>>, vector<16xf32>,
            tpu.vector_store %arg9[%swap3A], %select_n3A_492 {strides = array<i32>} : memref<128xf32, #tpu.memory_space<vmem>>, vector<16xf32>,
          } else {
          }
          scf.yield %select_n3A_492 : vector<16xf32>
        }
        %scan3A_102 = arith.constant 128 : i32
        %mul3A_103 = arith.constant 128 : i32
        %mul3A_104 = arith.muli %add3A, %mul3A_103 : i32
        "tpu.region"() ({
          %run_scoped3A_105 = tpu.sem_alloc : memref<!tpu.dma_semaphore, #tpu.memory_space<semaphore_mem>>
          %dma_start3A_106 = tpu.memref_slice %arg5[%scan3A_30, %mul3A_104] : memref<24x4096xf32, #tpu.memory_space<hbm>> -> memref<1x128xf32, #tpu.memory_space<hbm>>
          %dma_start3A_107 = tpu.memref_squeeze %dma_start3A_106 : memref<1x128xf32, #tpu.memory_space<hbm>> -> memref<128xf32, #tpu.memory_space<hbm>>
          %dma_start3A_108 = tpu.memref_slice %arg5[%scan3A_30, %mul3A_104] : memref<24x4096xf32, #tpu.memory_space<hbm>> -> memref<1x128xf32, #tpu.memory_space<hbm>>
          %dma_start3A_109 = tpu.memref_squeeze %dma_start3A_108 : memref<1x128xf32, #tpu.memory_space<hbm>> -> memref<128xf32, #tpu.memory_space<hbm>>
          tpu.enqueue_dma source(%arg9 : memref<128xf32, #tpu.memory_space<vmem>>) target(%dma_start3A_109 : memref<128xf32, #tpu.memory_space<hbm>>) target_semaphore(%run_scoped3A_105 : memref<!tpu.dma_semaphore, #tpu.memory_space<semaphore_mem>>)
          %dma_wait3A_110 = tpu.memref_slice %arg5[%scan3A_30, %mul3A_104] : memref<24x4096xf32, #tpu.memory_space<hbm>> -> memref<1x128xf32, #tpu.memory_space<hbm>>
          %dma_wait3A_111 = tpu.memref_squeeze %dma_wait3A_110 : memref<1x128xf32, #tpu.memory_space<hbm>> -> memref<128xf32, #tpu.memory_space<hbm>>
          %dma_wait3A_112 = tpu.memref_slice %arg5[%scan3A_30, %mul3A_104] : memref<24x4096xf32, #tpu.memory_space<hbm>> -> memref<1x128xf32, #tpu.memory_space<hbm>>
          %dma_wait3A_113 = tpu.memref_squeeze %dma_wait3A_112 : memref<1x128xf32, #tpu.memory_space<hbm>> -> memref<128xf32, #tpu.memory_space<hbm>>
          tpu.wait_dma2 semaphore(%run_scoped3A_105 : memref<!tpu.dma_semaphore, #tpu.memory_space<semaphore_mem>>) src(%arg9 : memref<128xf32, #tpu.memory_space<vmem>>) dst(%dma_wait3A_113 : memref<128xf32, #tpu.memory_space<hbm>>)
          tpu.yield
        }) : () -> ()
      } else {
      }
    }
    %scan3A_29 = arith.constant 24 : i32
    return
  }
}

module attributes {stable_mosaic.version = 14 : i64} {
  func.func @_embed_body(%arg0: i32, %arg1: memref<512x21xf32, #tpu.memory_space<vmem>>, %arg2: memref<21x768xf32, #tpu.memory_space<vmem>>, %arg3: memref<512x768xf32, #tpu.memory_space<vmem>>, %arg4: memref<512x768xf32, #tpu.memory_space<vmem>>) attributes {dimension_semantics = [#tpu.dimension_semantics<arbitrary>], iteration_bounds = array<i64: 16>, scalar_prefetch = 0 : i64, scratch_operands = 0 : i64, tpu.core_type = #tpu.core_type<tc>, window_params = [{transform_indices = @transform_0, window_bounds = array<i64: 512, 21>}, {pipeline_mode = #tpu.pipeline_mode<synchronous>, transform_indices = @transform_1, window_bounds = array<i64: 21, 768>}, {transform_indices = @transform_2, window_bounds = array<i64: 512, 768>}, {transform_indices = @transform_3, window_bounds = array<i64: 512, 768>}]} {
    %get3A = arith.constant 0 : index
    %get3A_0 = arith.constant 0 : index
    %get3A_1 = vector.load %arg1[%get3A, %get3A_0] : memref<512x21xf32, #tpu.memory_space<vmem>>, vector<512x21xf32>
    %get3A_2 = arith.constant 0 : index
    %get3A_3 = arith.constant 0 : index
    %get3A_4 = vector.load %arg2[%get3A_2, %get3A_3] : memref<21x768xf32, #tpu.memory_space<vmem>>, vector<21x768xf32>
    %dot_general3A = arith.constant dense<0.000000e+00> : vector<512x768xf32>
    %dot_general3A_5 = tpu.matmul %get3A_1, %get3A_4, %dot_general3A {dimension_numbers = #tpu.dot_dimension_numbers<[1], [0], [0], [1], [0, 0, 1, 1], [], []>, transpose_lhs_hint = false} : vector<512x21xf32>, vector<21x768xf32>, vector<512x768xf32> -> vector<512x768xf32>
    %get3A_6 = arith.constant 0 : index
    %get3A_7 = arith.constant 0 : index
    %get3A_8 = vector.load %arg3[%get3A_6, %get3A_7] : memref<512x768xf32, #tpu.memory_space<vmem>>, vector<512x768xf32>
    %add3A = arith.addf %dot_general3A_5, %get3A_8 : vector<512x768xf32>
    %swap3A = arith.constant 0 : index
    %swap3A_9 = arith.constant 0 : index
    %swap3A_10 = vector.load %arg4[%swap3A, %swap3A_9] : memref<512x768xf32, #tpu.memory_space<vmem>>, vector<512x768xf32>
    tpu.vector_store %arg4[%swap3A, %swap3A_9], %add3A {strides = array<i32>} : memref<512x768xf32, #tpu.memory_space<vmem>>, vector<512x768xf32>,
    return
  }
  func.func @transform_0(%arg0: i32) -> (i32, i32) {
    %c0_i32 = arith.constant 0 : i32
    %c0_i32_0 = arith.constant 0 : i32
    return %arg0, %c0_i32 : i32, i32
  }
  func.func @transform_1(%arg0: i32) -> (i32, i32) {
    %c0_i32 = arith.constant 0 : i32
    %c0_i32_0 = arith.constant 0 : i32
    %c0_i32_1 = arith.constant 0 : i32
    return %c0_i32, %c0_i32_0 : i32, i32
  }
  func.func @transform_2(%arg0: i32) -> (i32, i32) {
    %jit3A = arith.constant 8 : i32
    %eq3A = arith.constant 0 : i32
    %eq3A_0 = arith.cmpi eq, %jit3A, %eq3A : i32
    %jit3A_1 = arith.constant 1 : i32
    %select_n3A = arith.select %eq3A_0, %jit3A_1, %jit3A : i32
    %rem3A = arith.remsi %arg0, %select_n3A : i32
    %ne3A = arith.constant 0 : i32
    %ne3A_2 = arith.cmpi ne, %rem3A, %ne3A : i32
    %lt3A = arith.constant 0 : i32
    %lt3A_3 = arith.cmpi slt, %rem3A, %lt3A : i32
    %lt3A_4 = arith.constant 0 : i32
    %lt3A_5 = arith.cmpi slt, %select_n3A, %lt3A_4 : i32
    %ne3A_6 = arith.xori %lt3A_3, %lt3A_5 : i1
    %and3A = arith.andi %ne3A_6, %ne3A_2 : i1
    %add3A = arith.addi %rem3A, %select_n3A : i32
    %select_n3A_7 = arith.select %and3A, %add3A, %rem3A : i32
    %c0_i32 = arith.constant 0 : i32
    %c0_i32_8 = arith.constant 0 : i32
    return %select_n3A_7, %c0_i32 : i32, i32
  }
  func.func @transform_3(%arg0: i32) -> (i32, i32) {
    %c0_i32 = arith.constant 0 : i32
    %c0_i32_0 = arith.constant 0 : i32
    return %arg0, %c0_i32 : i32, i32
  }
}

module attributes {stable_mosaic.version = 14 : i64} {
  func.func @_qkvr_body(%arg0: i32, %arg1: memref<512x768xf32, #tpu.memory_space<vmem>>, %arg2: memref<768x2304xbf16, #tpu.memory_space<vmem>>, %arg3: memref<1x2304xf32, #tpu.memory_space<vmem>>, %arg4: memref<12x512x64xf32, #tpu.memory_space<vmem>>, %arg5: memref<12x512x64xf32, #tpu.memory_space<vmem>>, %arg6: memref<12x512x64xf32, #tpu.memory_space<vmem>>, %arg7: memref<12x512x32xi32, #tpu.memory_space<vmem>>) attributes {dimension_semantics = [#tpu.dimension_semantics<arbitrary>], iteration_bounds = array<i64: 16>, scalar_prefetch = 0 : i64, scratch_operands = 0 : i64, tpu.core_type = #tpu.core_type<tc>, window_params = [{transform_indices = @transform_0, window_bounds = array<i64: 512, 768>}, {pipeline_mode = #tpu.pipeline_mode<synchronous>, transform_indices = @transform_1, window_bounds = array<i64: 768, 2304>}, {pipeline_mode = #tpu.pipeline_mode<synchronous>, transform_indices = @transform_2, window_bounds = array<i64: 1, 2304>}, {transform_indices = @transform_3, window_bounds = array<i64: 12, 512, 64>}, {transform_indices = @transform_4, window_bounds = array<i64: 12, 512, 64>}, {transform_indices = @transform_5, window_bounds = array<i64: 12, 512, 64>}, {transform_indices = @transform_6, window_bounds = array<i64: 12, 512, 32>}]} {
    %get3A = arith.constant 0 : index
    %get3A_0 = arith.constant 0 : index
    %get3A_1 = vector.load %arg1[%get3A, %get3A_0] : memref<512x768xf32, #tpu.memory_space<vmem>>, vector<512x768xf32>
    %convert_element_type3A = arith.truncf %get3A_1 : vector<512x768xf32> to vector<512x768xbf16>
    %get3A_2 = arith.constant 0 : index
    %get3A_3 = arith.constant 0 : index
    %get3A_4 = vector.load %arg2[%get3A_2, %get3A_3] : memref<768x2304xbf16, #tpu.memory_space<vmem>>, vector<768x2304xbf16>
    %dot_general3A = arith.constant dense<0.000000e+00> : vector<512x2304xf32>
    %dot_general3A_5 = tpu.matmul %convert_element_type3A, %get3A_4, %dot_general3A {dimension_numbers = #tpu.dot_dimension_numbers<[1], [0], [0], [1], [0, 0, 1, 1], [], []>, transpose_lhs_hint = false} : vector<512x768xbf16>, vector<768x2304xbf16>, vector<512x2304xf32> -> vector<512x2304xf32>
    %get3A_6 = arith.constant 0 : index
    %get3A_7 = arith.constant 0 : index
    %get3A_8 = vector.load %arg3[%get3A_6, %get3A_7] : memref<1x2304xf32, #tpu.memory_space<vmem>>, vector<1x2304xf32>
    %add3A = vector.broadcast %get3A_8 : vector<1x2304xf32> to vector<512x2304xf32>
    %add3A_9 = arith.addf %dot_general3A_5, %add3A : vector<512x2304xf32>
    %slice3A = vector.extract_strided_slice %add3A_9 {offsets = [0, 0], sizes = [512, 768], strides = [1, 1]} : vector<512x2304xf32> to vector<512x768xf32>
    %slice3A_10 = vector.extract_strided_slice %add3A_9 {offsets = [0, 768], sizes = [512, 768], strides = [1, 1]} : vector<512x2304xf32> to vector<512x768xf32>
    %slice3A_11 = vector.extract_strided_slice %add3A_9 {offsets = [0, 1536], sizes = [512, 768], strides = [1, 1]} : vector<512x2304xf32> to vector<512x768xf32>
    %reshape3A = vector.shape_cast %slice3A : vector<512x768xf32> to vector<512x12x64xf32>
    %transpose3A = tpu.transpose %reshape3A, [1, 0, 2] : vector<512x12x64xf32> -> vector<12x512x64xf32>
    %swap3A = arith.constant 0 : index
    %swap3A_12 = arith.constant 0 : index
    %swap3A_13 = arith.constant 0 : index
    %swap3A_14 = vector.load %arg4[%swap3A, %swap3A_12, %swap3A_13] : memref<12x512x64xf32, #tpu.memory_space<vmem>>, vector<12x512x64xf32>
    tpu.vector_store %arg4[%swap3A, %swap3A_12, %swap3A_13], %transpose3A {strides = array<i32>} : memref<12x512x64xf32, #tpu.memory_space<vmem>>, vector<12x512x64xf32>,
    %reshape3A_15 = vector.shape_cast %slice3A_10 : vector<512x768xf32> to vector<512x12x64xf32>
    %transpose3A_16 = tpu.transpose %reshape3A_15, [1, 0, 2] : vector<512x12x64xf32> -> vector<12x512x64xf32>
    %swap3A_17 = arith.constant 0 : index
    %swap3A_18 = arith.constant 0 : index
    %swap3A_19 = arith.constant 0 : index
    %swap3A_20 = vector.load %arg5[%swap3A_17, %swap3A_18, %swap3A_19] : memref<12x512x64xf32, #tpu.memory_space<vmem>>, vector<12x512x64xf32>
    tpu.vector_store %arg5[%swap3A_17, %swap3A_18, %swap3A_19], %transpose3A_16 {strides = array<i32>} : memref<12x512x64xf32, #tpu.memory_space<vmem>>, vector<12x512x64xf32>,
    %slice3A_21 = vector.extract_strided_slice %transpose3A_16 {offsets = [0, 0, 0], sizes = [12, 512, 32], strides = [1, 1, 1]} : vector<12x512x64xf32> to vector<12x512x32xf32>
    %bitcast_convert_type3A = tpu.bitcast %slice3A_21 : vector<12x512x32xf32> -> vector<12x512x32xi32>
    %shift_right_logical3A = arith.constant 16 : i32
    %shift_right_logical3A_22 = vector.broadcast %shift_right_logical3A : i32 to vector<12x512x32xi32>
    %shift_right_logical3A_23 = arith.shrui %bitcast_convert_type3A, %shift_right_logical3A_22 : vector<12x512x32xi32>
    %and3A = arith.constant 1 : i32
    %and3A_24 = vector.broadcast %and3A : i32 to vector<12x512x32xi32>
    %and3A_25 = arith.andi %shift_right_logical3A_23, %and3A_24 : vector<12x512x32xi32>
    %add3A_26 = arith.constant 32767 : i32
    %add3A_27 = vector.broadcast %add3A_26 : i32 to vector<12x512x32xi32>
    %add3A_28 = arith.addi %bitcast_convert_type3A, %add3A_27 : vector<12x512x32xi32>
    %add3A_29 = arith.addi %add3A_28, %and3A_25 : vector<12x512x32xi32>
    %shift_right_logical3A_30 = arith.constant 16 : i32
    %shift_right_logical3A_31 = vector.broadcast %shift_right_logical3A_30 : i32 to vector<12x512x32xi32>
    %shift_right_logical3A_32 = arith.shrui %add3A_29, %shift_right_logical3A_31 : vector<12x512x32xi32>
    %slice3A_33 = vector.extract_strided_slice %transpose3A_16 {offsets = [0, 0, 32], sizes = [12, 512, 32], strides = [1, 1, 1]} : vector<12x512x64xf32> to vector<12x512x32xf32>
    %bitcast_convert_type3A_34 = tpu.bitcast %slice3A_33 : vector<12x512x32xf32> -> vector<12x512x32xi32>
    %shift_right_logical3A_35 = arith.constant 16 : i32
    %shift_right_logical3A_36 = vector.broadcast %shift_right_logical3A_35 : i32 to vector<12x512x32xi32>
    %shift_right_logical3A_37 = arith.shrui %bitcast_convert_type3A_34, %shift_right_logical3A_36 : vector<12x512x32xi32>
    %and3A_38 = arith.constant 1 : i32
    %and3A_39 = vector.broadcast %and3A_38 : i32 to vector<12x512x32xi32>
    %and3A_40 = arith.andi %shift_right_logical3A_37, %and3A_39 : vector<12x512x32xi32>
    %add3A_41 = arith.constant 32767 : i32
    %add3A_42 = vector.broadcast %add3A_41 : i32 to vector<12x512x32xi32>
    %add3A_43 = arith.addi %bitcast_convert_type3A_34, %add3A_42 : vector<12x512x32xi32>
    %add3A_44 = arith.addi %add3A_43, %and3A_40 : vector<12x512x32xi32>
    %shift_right_logical3A_45 = arith.constant 16 : i32
    %shift_right_logical3A_46 = vector.broadcast %shift_right_logical3A_45 : i32 to vector<12x512x32xi32>
    %shift_right_logical3A_47 = arith.shrui %add3A_44, %shift_right_logical3A_46 : vector<12x512x32xi32>
    %shift_left3A = arith.constant 16 : i32
    %shift_left3A_48 = vector.broadcast %shift_left3A : i32 to vector<12x512x32xi32>
    %shift_left3A_49 = arith.shli %shift_right_logical3A_47, %shift_left3A_48 : vector<12x512x32xi32>
    %or3A = arith.ori %shift_right_logical3A_32, %shift_left3A_49 : vector<12x512x32xi32>
    %swap3A_50 = arith.constant 0 : index
    %swap3A_51 = arith.constant 0 : index
    %swap3A_52 = arith.constant 0 : index
    %swap3A_53 = vector.load %arg7[%swap3A_50, %swap3A_51, %swap3A_52] : memref<12x512x32xi32, #tpu.memory_space<vmem>>, vector<12x512x32xi32>
    tpu.vector_store %arg7[%swap3A_50, %swap3A_51, %swap3A_52], %or3A {strides = array<i32>} : memref<12x512x32xi32, #tpu.memory_space<vmem>>, vector<12x512x32xi32>,
    %reshape3A_54 = vector.shape_cast %slice3A_11 : vector<512x768xf32> to vector<512x12x64xf32>
    %transpose3A_55 = tpu.transpose %reshape3A_54, [1, 0, 2] : vector<512x12x64xf32> -> vector<12x512x64xf32>
    %swap3A_56 = arith.constant 0 : index
    %swap3A_57 = arith.constant 0 : index
    %swap3A_58 = arith.constant 0 : index
    %swap3A_59 = vector.load %arg6[%swap3A_56, %swap3A_57, %swap3A_58] : memref<12x512x64xf32, #tpu.memory_space<vmem>>, vector<12x512x64xf32>
    tpu.vector_store %arg6[%swap3A_56, %swap3A_57, %swap3A_58], %transpose3A_55 {strides = array<i32>} : memref<12x512x64xf32, #tpu.memory_space<vmem>>, vector<12x512x64xf32>,
    return
  }
  func.func @transform_0(%arg0: i32) -> (i32, i32) {
    %c0_i32 = arith.constant 0 : i32
    %c0_i32_0 = arith.constant 0 : i32
    return %arg0, %c0_i32 : i32, i32
  }
  func.func @transform_1(%arg0: i32) -> (i32, i32) {
    %c0_i32 = arith.constant 0 : i32
    %c0_i32_0 = arith.constant 0 : i32
    %c0_i32_1 = arith.constant 0 : i32
    return %c0_i32, %c0_i32_0 : i32, i32
  }
  func.func @transform_2(%arg0: i32) -> (i32, i32) {
    %c0_i32 = arith.constant 0 : i32
    %c0_i32_0 = arith.constant 0 : i32
    %c0_i32_1 = arith.constant 0 : i32
    return %c0_i32, %c0_i32_0 : i32, i32
  }
  func.func @transform_3(%arg0: i32) -> (i32, i32, i32) {
    %jit3A = arith.constant 8 : i32
    %div3A = arith.divsi %arg0, %jit3A : i32
    %sign3A = arith.constant 0 : i32
    %sign3A_0 = arith.cmpi sgt, %arg0, %sign3A : i32
    %sign3A_1 = arith.extui %sign3A_0 : i1 to i32
    %sign3A_2 = arith.constant 0 : i32
    %sign3A_3 = arith.cmpi slt, %arg0, %sign3A_2 : i32
    %sign3A_4 = arith.extui %sign3A_3 : i1 to i32
    %sign3A_5 = arith.subi %sign3A_1, %sign3A_4 : i32
    %sign3A_6 = arith.constant 0 : i32
    %sign3A_7 = arith.cmpi sgt, %jit3A, %sign3A_6 : i32
    %sign3A_8 = arith.extui %sign3A_7 : i1 to i32
    %sign3A_9 = arith.constant 0 : i32
    %sign3A_10 = arith.cmpi slt, %jit3A, %sign3A_9 : i32
    %sign3A_11 = arith.extui %sign3A_10 : i1 to i32
    %sign3A_12 = arith.subi %sign3A_8, %sign3A_11 : i32
    %ne3A = arith.cmpi ne, %sign3A_5, %sign3A_12 : i32
    %rem3A = arith.remsi %arg0, %jit3A : i32
    %ne3A_13 = arith.constant 0 : i32
    %ne3A_14 = arith.cmpi ne, %rem3A, %ne3A_13 : i32
    %and3A = arith.andi %ne3A, %ne3A_14 : i1
    %sub3A = arith.constant 1 : i32
    %sub3A_15 = arith.subi %div3A, %sub3A : i32
    %select_n3A = arith.select %and3A, %sub3A_15, %div3A : i32
    %jit3A_16 = arith.constant 8 : i32
    %eq3A = arith.constant 0 : i32
    %eq3A_17 = arith.cmpi eq, %jit3A_16, %eq3A : i32
    %jit3A_18 = arith.constant 1 : i32
    %select_n3A_19 = arith.select %eq3A_17, %jit3A_18, %jit3A_16 : i32
    %rem3A_20 = arith.remsi %arg0, %select_n3A_19 : i32
    %ne3A_21 = arith.constant 0 : i32
    %ne3A_22 = arith.cmpi ne, %rem3A_20, %ne3A_21 : i32
    %lt3A = arith.constant 0 : i32
    %lt3A_23 = arith.cmpi slt, %rem3A_20, %lt3A : i32
    %lt3A_24 = arith.constant 0 : i32
    %lt3A_25 = arith.cmpi slt, %select_n3A_19, %lt3A_24 : i32
    %ne3A_26 = arith.xori %lt3A_23, %lt3A_25 : i1
    %and3A_27 = arith.andi %ne3A_26, %ne3A_22 : i1
    %add3A = arith.addi %rem3A_20, %select_n3A_19 : i32
    %select_n3A_28 = arith.select %and3A_27, %add3A, %rem3A_20 : i32
    %c0_i32 = arith.constant 0 : i32
    %c0_i32_29 = arith.constant 0 : i32
    return %select_n3A, %select_n3A_28, %c0_i32 : i32, i32, i32
  }
  func.func @transform_4(%arg0: i32) -> (i32, i32, i32) {
    %jit3A = arith.constant 8 : i32
    %div3A = arith.divsi %arg0, %jit3A : i32
    %sign3A = arith.constant 0 : i32
    %sign3A_0 = arith.cmpi sgt, %arg0, %sign3A : i32
    %sign3A_1 = arith.extui %sign3A_0 : i1 to i32
    %sign3A_2 = arith.constant 0 : i32
    %sign3A_3 = arith.cmpi slt, %arg0, %sign3A_2 : i32
    %sign3A_4 = arith.extui %sign3A_3 : i1 to i32
    %sign3A_5 = arith.subi %sign3A_1, %sign3A_4 : i32
    %sign3A_6 = arith.constant 0 : i32
    %sign3A_7 = arith.cmpi sgt, %jit3A, %sign3A_6 : i32
    %sign3A_8 = arith.extui %sign3A_7 : i1 to i32
    %sign3A_9 = arith.constant 0 : i32
    %sign3A_10 = arith.cmpi slt, %jit3A, %sign3A_9 : i32
    %sign3A_11 = arith.extui %sign3A_10 : i1 to i32
    %sign3A_12 = arith.subi %sign3A_8, %sign3A_11 : i32
    %ne3A = arith.cmpi ne, %sign3A_5, %sign3A_12 : i32
    %rem3A = arith.remsi %arg0, %jit3A : i32
    %ne3A_13 = arith.constant 0 : i32
    %ne3A_14 = arith.cmpi ne, %rem3A, %ne3A_13 : i32
    %and3A = arith.andi %ne3A, %ne3A_14 : i1
    %sub3A = arith.constant 1 : i32
    %sub3A_15 = arith.subi %div3A, %sub3A : i32
    %select_n3A = arith.select %and3A, %sub3A_15, %div3A : i32
    %jit3A_16 = arith.constant 8 : i32
    %eq3A = arith.constant 0 : i32
    %eq3A_17 = arith.cmpi eq, %jit3A_16, %eq3A : i32
    %jit3A_18 = arith.constant 1 : i32
    %select_n3A_19 = arith.select %eq3A_17, %jit3A_18, %jit3A_16 : i32
    %rem3A_20 = arith.remsi %arg0, %select_n3A_19 : i32
    %ne3A_21 = arith.constant 0 : i32
    %ne3A_22 = arith.cmpi ne, %rem3A_20, %ne3A_21 : i32
    %lt3A = arith.constant 0 : i32
    %lt3A_23 = arith.cmpi slt, %rem3A_20, %lt3A : i32
    %lt3A_24 = arith.constant 0 : i32
    %lt3A_25 = arith.cmpi slt, %select_n3A_19, %lt3A_24 : i32
    %ne3A_26 = arith.xori %lt3A_23, %lt3A_25 : i1
    %and3A_27 = arith.andi %ne3A_26, %ne3A_22 : i1
    %add3A = arith.addi %rem3A_20, %select_n3A_19 : i32
    %select_n3A_28 = arith.select %and3A_27, %add3A, %rem3A_20 : i32
    %c0_i32 = arith.constant 0 : i32
    %c0_i32_29 = arith.constant 0 : i32
    return %select_n3A, %select_n3A_28, %c0_i32 : i32, i32, i32
  }
  func.func @transform_5(%arg0: i32) -> (i32, i32, i32) {
    %jit3A = arith.constant 8 : i32
    %div3A = arith.divsi %arg0, %jit3A : i32
    %sign3A = arith.constant 0 : i32
    %sign3A_0 = arith.cmpi sgt, %arg0, %sign3A : i32
    %sign3A_1 = arith.extui %sign3A_0 : i1 to i32
    %sign3A_2 = arith.constant 0 : i32
    %sign3A_3 = arith.cmpi slt, %arg0, %sign3A_2 : i32
    %sign3A_4 = arith.extui %sign3A_3 : i1 to i32
    %sign3A_5 = arith.subi %sign3A_1, %sign3A_4 : i32
    %sign3A_6 = arith.constant 0 : i32
    %sign3A_7 = arith.cmpi sgt, %jit3A, %sign3A_6 : i32
    %sign3A_8 = arith.extui %sign3A_7 : i1 to i32
    %sign3A_9 = arith.constant 0 : i32
    %sign3A_10 = arith.cmpi slt, %jit3A, %sign3A_9 : i32
    %sign3A_11 = arith.extui %sign3A_10 : i1 to i32
    %sign3A_12 = arith.subi %sign3A_8, %sign3A_11 : i32
    %ne3A = arith.cmpi ne, %sign3A_5, %sign3A_12 : i32
    %rem3A = arith.remsi %arg0, %jit3A : i32
    %ne3A_13 = arith.constant 0 : i32
    %ne3A_14 = arith.cmpi ne, %rem3A, %ne3A_13 : i32
    %and3A = arith.andi %ne3A, %ne3A_14 : i1
    %sub3A = arith.constant 1 : i32
    %sub3A_15 = arith.subi %div3A, %sub3A : i32
    %select_n3A = arith.select %and3A, %sub3A_15, %div3A : i32
    %jit3A_16 = arith.constant 8 : i32
    %eq3A = arith.constant 0 : i32
    %eq3A_17 = arith.cmpi eq, %jit3A_16, %eq3A : i32
    %jit3A_18 = arith.constant 1 : i32
    %select_n3A_19 = arith.select %eq3A_17, %jit3A_18, %jit3A_16 : i32
    %rem3A_20 = arith.remsi %arg0, %select_n3A_19 : i32
    %ne3A_21 = arith.constant 0 : i32
    %ne3A_22 = arith.cmpi ne, %rem3A_20, %ne3A_21 : i32
    %lt3A = arith.constant 0 : i32
    %lt3A_23 = arith.cmpi slt, %rem3A_20, %lt3A : i32
    %lt3A_24 = arith.constant 0 : i32
    %lt3A_25 = arith.cmpi slt, %select_n3A_19, %lt3A_24 : i32
    %ne3A_26 = arith.xori %lt3A_23, %lt3A_25 : i1
    %and3A_27 = arith.andi %ne3A_26, %ne3A_22 : i1
    %add3A = arith.addi %rem3A_20, %select_n3A_19 : i32
    %select_n3A_28 = arith.select %and3A_27, %add3A, %rem3A_20 : i32
    %c0_i32 = arith.constant 0 : i32
    %c0_i32_29 = arith.constant 0 : i32
    return %select_n3A, %select_n3A_28, %c0_i32 : i32, i32, i32
  }
  func.func @transform_6(%arg0: i32) -> (i32, i32, i32) {
    %jit3A = arith.constant 8 : i32
    %div3A = arith.divsi %arg0, %jit3A : i32
    %sign3A = arith.constant 0 : i32
    %sign3A_0 = arith.cmpi sgt, %arg0, %sign3A : i32
    %sign3A_1 = arith.extui %sign3A_0 : i1 to i32
    %sign3A_2 = arith.constant 0 : i32
    %sign3A_3 = arith.cmpi slt, %arg0, %sign3A_2 : i32
    %sign3A_4 = arith.extui %sign3A_3 : i1 to i32
    %sign3A_5 = arith.subi %sign3A_1, %sign3A_4 : i32
    %sign3A_6 = arith.constant 0 : i32
    %sign3A_7 = arith.cmpi sgt, %jit3A, %sign3A_6 : i32
    %sign3A_8 = arith.extui %sign3A_7 : i1 to i32
    %sign3A_9 = arith.constant 0 : i32
    %sign3A_10 = arith.cmpi slt, %jit3A, %sign3A_9 : i32
    %sign3A_11 = arith.extui %sign3A_10 : i1 to i32
    %sign3A_12 = arith.subi %sign3A_8, %sign3A_11 : i32
    %ne3A = arith.cmpi ne, %sign3A_5, %sign3A_12 : i32
    %rem3A = arith.remsi %arg0, %jit3A : i32
    %ne3A_13 = arith.constant 0 : i32
    %ne3A_14 = arith.cmpi ne, %rem3A, %ne3A_13 : i32
    %and3A = arith.andi %ne3A, %ne3A_14 : i1
    %sub3A = arith.constant 1 : i32
    %sub3A_15 = arith.subi %div3A, %sub3A : i32
    %select_n3A = arith.select %and3A, %sub3A_15, %div3A : i32
    %jit3A_16 = arith.constant 8 : i32
    %eq3A = arith.constant 0 : i32
    %eq3A_17 = arith.cmpi eq, %jit3A_16, %eq3A : i32
    %jit3A_18 = arith.constant 1 : i32
    %select_n3A_19 = arith.select %eq3A_17, %jit3A_18, %jit3A_16 : i32
    %rem3A_20 = arith.remsi %arg0, %select_n3A_19 : i32
    %ne3A_21 = arith.constant 0 : i32
    %ne3A_22 = arith.cmpi ne, %rem3A_20, %ne3A_21 : i32
    %lt3A = arith.constant 0 : i32
    %lt3A_23 = arith.cmpi slt, %rem3A_20, %lt3A : i32
    %lt3A_24 = arith.constant 0 : i32
    %lt3A_25 = arith.cmpi slt, %select_n3A_19, %lt3A_24 : i32
    %ne3A_26 = arith.xori %lt3A_23, %lt3A_25 : i1
    %and3A_27 = arith.andi %ne3A_26, %ne3A_22 : i1
    %add3A = arith.addi %rem3A_20, %select_n3A_19 : i32
    %select_n3A_28 = arith.select %and3A_27, %add3A, %rem3A_20 : i32
    %c0_i32 = arith.constant 0 : i32
    %c0_i32_29 = arith.constant 0 : i32
    return %select_n3A, %select_n3A_28, %c0_i32 : i32, i32, i32
  }
}

module attributes {stable_mosaic.version = 14 : i64} {
  func.func @_attnsel_body(%arg0: i32, %arg1: memref<1x1x4096xf32, #tpu.memory_space<vmem>>, %arg2: memref<1x4096x64xf32, #tpu.memory_space<vmem>>, %arg3: memref<1x4096x64xf32, #tpu.memory_space<vmem>>, %arg4: memref<1x4096x64xf32, #tpu.memory_space<vmem>>, %arg5: memref<64x768xf32, #tpu.memory_space<vmem>>, %arg6: memref<1x768xf32, #tpu.memory_space<vmem>>, %arg7: memref<1x1x16xi32, #tpu.memory_space<vmem>>, %arg8: memref<1x16x768xf32, #tpu.memory_space<vmem>>, %arg9: memref<1x1x768xf32, #tpu.memory_space<vmem>>, %arg10: memref<16x64xf32, #tpu.memory_space<vmem>>) attributes {dimension_semantics = [#tpu.dimension_semantics<arbitrary>], iteration_bounds = array<i64: 24>, scalar_prefetch = 0 : i64, scratch_operands = 1 : i64, tpu.core_type = #tpu.core_type<tc>, window_params = [{transform_indices = @transform_0, window_bounds = array<i64: 1, 1, 4096>}, {transform_indices = @transform_1, window_bounds = array<i64: 1, 4096, 64>}, {transform_indices = @transform_2, window_bounds = array<i64: 1, 4096, 64>}, {transform_indices = @transform_3, window_bounds = array<i64: 1, 4096, 64>}, {transform_indices = @transform_4, window_bounds = array<i64: 64, 768>}, {pipeline_mode = #tpu.pipeline_mode<synchronous>, transform_indices = @transform_5, window_bounds = array<i64: 1, 768>}, {transform_indices = @transform_6, window_bounds = array<i64: 1, 1, 16>}, {transform_indices = @transform_7, window_bounds = array<i64: 1, 16, 768>}, {transform_indices = @transform_8, window_bounds = array<i64: 1, 1, 768>}]} {
    %get3A = arith.constant 0 : index
    %get3A_0 = arith.constant 0 : index
    %get3A_1 = arith.constant 0 : index
    %get3A_2 = vector.load %arg1[%get3A, %get3A_0, %get3A_1] : memref<1x1x4096xf32, #tpu.memory_space<vmem>>, vector<1x1x4096xf32>
    %get3A_3 = vector.shape_cast %get3A_2 : vector<1x1x4096xf32> to vector<1x4096xf32>
    %iota3A = tpu.iota {dimensions = array<i32: 1>} : vector<1x4096xi32>
    %iota3A_4 = tpu.iota {dimensions = array<i32: 1>} : vector<1x16xi32>
    %broadcast_in_dim3A = arith.constant 0 : i32
    %broadcast_in_dim3A_5 = vector.broadcast %broadcast_in_dim3A : i32 to vector<1x16xi32>
    %sub3A = arith.constant 1 : i32
    %sub3A_6 = vector.broadcast %sub3A : i32 to vector<1x16xi32>
    %sub3A_7 = arith.subi %broadcast_in_dim3A_5, %sub3A_6 : vector<1x16xi32>
    %jit3A = arith.constant 12 : i32
    %div3A = arith.divsi %arg0, %jit3A : i32
    %sign3A = arith.constant 0 : i32
    %sign3A_8 = arith.cmpi sgt, %arg0, %sign3A : i32
    %sign3A_9 = arith.extui %sign3A_8 : i1 to i32
    %sign3A_10 = arith.constant 0 : i32
    %sign3A_11 = arith.cmpi slt, %arg0, %sign3A_10 : i32
    %sign3A_12 = arith.extui %sign3A_11 : i1 to i32
    %sign3A_13 = arith.subi %sign3A_9, %sign3A_12 : i32
    %sign3A_14 = arith.constant 0 : i32
    %sign3A_15 = arith.cmpi sgt, %jit3A, %sign3A_14 : i32
    %sign3A_16 = arith.extui %sign3A_15 : i1 to i32
    %sign3A_17 = arith.constant 0 : i32
    %sign3A_18 = arith.cmpi slt, %jit3A, %sign3A_17 : i32
    %sign3A_19 = arith.extui %sign3A_18 : i1 to i32
    %sign3A_20 = arith.subi %sign3A_16, %sign3A_19 : i32
    %ne3A = arith.cmpi ne, %sign3A_13, %sign3A_20 : i32
    %rem3A = arith.remsi %arg0, %jit3A : i32
    %ne3A_21 = arith.constant 0 : i32
    %ne3A_22 = arith.cmpi ne, %rem3A, %ne3A_21 : i32
    %and3A = arith.andi %ne3A, %ne3A_22 : i1
    %sub3A_23 = arith.constant 1 : i32
    %sub3A_24 = arith.subi %div3A, %sub3A_23 : i32
    %select_n3A = arith.select %and3A, %sub3A_24, %div3A : i32
    %mul3A = arith.constant 4096 : i32
    %mul3A_25 = arith.muli %select_n3A, %mul3A : i32
    %broadcast_in_dim3A_26 = arith.constant 0.000000e+00 : f32
    %broadcast_in_dim3A_27 = vector.broadcast %broadcast_in_dim3A_26 : f32 to vector<16x64xf32>
    %swap3A = arith.constant 0 : index
    %swap3A_28 = arith.constant 0 : index
    %swap3A_29 = vector.load %arg10[%swap3A, %swap3A_28] : memref<16x64xf32, #tpu.memory_space<vmem>>, vector<16x64xf32>
    tpu.vector_store %arg10[%swap3A, %swap3A_28], %broadcast_in_dim3A_27 {strides = array<i32>} : memref<16x64xf32, #tpu.memory_space<vmem>>, vector<16x64xf32>,
    %reduce_max3A = vector.shape_cast %get3A_3 : vector<1x4096xf32> to vector<1x1x4096xf32>
    %reduce_max3A_30 = arith.constant dense<0xFF800000> : vector<1xf32>
    %reduce_max3A_31 = vector.multi_reduction <maximumf>, %reduce_max3A, %reduce_max3A_30 [1, 2] : vector<1x1x4096xf32> to vector<1xf32>
    %reduce_max3A_32 = vector.shape_cast %reduce_max3A_31 : vector<1xf32> to vector<1x1x1xf32>
    %reduce_max3A_33 = vector.extract %reduce_max3A_32[0, 0, 0] : f32 from vector<1x1x1xf32>
    %eq3A = vector.broadcast %reduce_max3A_33 : f32 to vector<1x4096xf32>
    %eq3A_34 = arith.cmpf oeq, %get3A_3, %eq3A : vector<1x4096xf32>
    %jit3A_35 = arith.constant 4096 : i32
    %broadcast_in_dim3A_36 = vector.broadcast %jit3A_35 : i32 to vector<1x4096xi32>
    %select_n3A_37 = arith.select %eq3A_34, %iota3A, %broadcast_in_dim3A_36 : vector<1x4096xi1>, vector<1x4096xi32>
    %reduce_min3A = vector.shape_cast %select_n3A_37 : vector<1x4096xi32> to vector<1x1x4096xi32>
    %reduce_min3A_38 = arith.constant dense<2147483647> : vector<1xi32>
    %reduce_min3A_39 = vector.multi_reduction <minsi>, %reduce_min3A, %reduce_min3A_38 [1, 2] : vector<1x1x4096xi32> to vector<1xi32>
    %reduce_min3A_40 = vector.shape_cast %reduce_min3A_39 : vector<1xi32> to vector<1x1x1xi32>
    %reduce_min3A_41 = vector.extract %reduce_min3A_40[0, 0, 0] : i32 from vector<1x1x1xi32>
    %get3A_42 = arith.constant 0 : index
    %get3A_43 = arith.index_cast %reduce_min3A_41 : i32 to index
    %get3A_44 = arith.constant 0 : index
    %get3A_45 = vector.load %arg2[%get3A_42, %get3A_43, %get3A_44] : memref<1x4096x64xf32, #tpu.memory_space<vmem>>, vector<1x1x64xf32>
    %get3A_46 = vector.shape_cast %get3A_45 : vector<1x1x64xf32> to vector<1x64xf32>
    %swap3A_47 = arith.constant 0 : index
    %swap3A_48 = arith.constant 0 : index
    %swap3A_49 = vector.load %arg10[%swap3A_47, %swap3A_48] : memref<16x64xf32, #tpu.memory_space<vmem>>, vector<1x64xf32>
    tpu.vector_store %arg10[%swap3A_47, %swap3A_48], %get3A_46 {strides = array<i32>} : memref<16x64xf32, #tpu.memory_space<vmem>>, vector<1x64xf32>,
    %eq3A_50 = arith.constant 0 : i32
    %eq3A_51 = vector.broadcast %eq3A_50 : i32 to vector<1x16xi32>
    %eq3A_52 = arith.cmpi eq, %iota3A_4, %eq3A_51 : vector<1x16xi32>
    %add3A = arith.addi %reduce_min3A_41, %mul3A_25 : i32
    %broadcast_in_dim3A_53 = vector.broadcast %add3A : i32 to vector<1x16xi32>
    %select_n3A_54 = arith.select %eq3A_52, %broadcast_in_dim3A_53, %sub3A_7 : vector<1x16xi1>, vector<1x16xi32>
    %eq3A_55 = vector.broadcast %reduce_min3A_41 : i32 to vector<1x4096xi32>
    %eq3A_56 = arith.cmpi eq, %iota3A, %eq3A_55 : vector<1x4096xi32>
    %jit3A_57 = arith.constant 0xFF800000 : f32
    %broadcast_in_dim3A_58 = vector.broadcast %jit3A_57 : f32 to vector<1x4096xf32>
    %select_n3A_59 = arith.select %eq3A_56, %broadcast_in_dim3A_58, %get3A_3 : vector<1x4096xi1>, vector<1x4096xf32>
    %reduce_max3A_60 = vector.shape_cast %select_n3A_59 : vector<1x4096xf32> to vector<1x1x4096xf32>
    %reduce_max3A_61 = arith.constant dense<0xFF800000> : vector<1xf32>
    %reduce_max3A_62 = vector.multi_reduction <maximumf>, %reduce_max3A_60, %reduce_max3A_61 [1, 2] : vector<1x1x4096xf32> to vector<1xf32>
    %reduce_max3A_63 = vector.shape_cast %reduce_max3A_62 : vector<1xf32> to vector<1x1x1xf32>
    %reduce_max3A_64 = vector.extract %reduce_max3A_63[0, 0, 0] : f32 from vector<1x1x1xf32>
    %eq3A_65 = vector.broadcast %reduce_max3A_64 : f32 to vector<1x4096xf32>
    %eq3A_66 = arith.cmpf oeq, %select_n3A_59, %eq3A_65 : vector<1x4096xf32>
    %jit3A_67 = arith.constant 4096 : i32
    %broadcast_in_dim3A_68 = vector.broadcast %jit3A_67 : i32 to vector<1x4096xi32>
    %select_n3A_69 = arith.select %eq3A_66, %iota3A, %broadcast_in_dim3A_68 : vector<1x4096xi1>, vector<1x4096xi32>
    %reduce_min3A_70 = vector.shape_cast %select_n3A_69 : vector<1x4096xi32> to vector<1x1x4096xi32>
    %reduce_min3A_71 = arith.constant dense<2147483647> : vector<1xi32>
    %reduce_min3A_72 = vector.multi_reduction <minsi>, %reduce_min3A_70, %reduce_min3A_71 [1, 2] : vector<1x1x4096xi32> to vector<1xi32>
    %reduce_min3A_73 = vector.shape_cast %reduce_min3A_72 : vector<1xi32> to vector<1x1x1xi32>
    %reduce_min3A_74 = vector.extract %reduce_min3A_73[0, 0, 0] : i32 from vector<1x1x1xi32>
    %get3A_75 = arith.constant 0 : index
    %get3A_76 = arith.index_cast %reduce_min3A_74 : i32 to index
    %get3A_77 = arith.constant 0 : index
    %get3A_78 = vector.load %arg2[%get3A_75, %get3A_76, %get3A_77] : memref<1x4096x64xf32, #tpu.memory_space<vmem>>, vector<1x1x64xf32>
    %get3A_79 = vector.shape_cast %get3A_78 : vector<1x1x64xf32> to vector<1x64xf32>
    %swap3A_80 = arith.constant 1 : index
    %swap3A_81 = arith.constant 0 : index
    %swap3A_82 = vector.load %arg10[%swap3A_80, %swap3A_81] : memref<16x64xf32, #tpu.memory_space<vmem>>, vector<1x64xf32>
    tpu.vector_store %arg10[%swap3A_80, %swap3A_81], %get3A_79 {strides = array<i32>} : memref<16x64xf32, #tpu.memory_space<vmem>>, vector<1x64xf32>,
    %eq3A_83 = arith.constant 1 : i32
    %eq3A_84 = vector.broadcast %eq3A_83 : i32 to vector<1x16xi32>
    %eq3A_85 = arith.cmpi eq, %iota3A_4, %eq3A_84 : vector<1x16xi32>
    %add3A_86 = arith.addi %reduce_min3A_74, %mul3A_25 : i32
    %broadcast_in_dim3A_87 = vector.broadcast %add3A_86 : i32 to vector<1x16xi32>
    %select_n3A_88 = arith.select %eq3A_85, %broadcast_in_dim3A_87, %select_n3A_54 : vector<1x16xi1>, vector<1x16xi32>
    %eq3A_89 = vector.broadcast %reduce_min3A_74 : i32 to vector<1x4096xi32>
    %eq3A_90 = arith.cmpi eq, %iota3A, %eq3A_89 : vector<1x4096xi32>
    %jit3A_91 = arith.constant 0xFF800000 : f32
    %broadcast_in_dim3A_92 = vector.broadcast %jit3A_91 : f32 to vector<1x4096xf32>
    %select_n3A_93 = arith.select %eq3A_90, %broadcast_in_dim3A_92, %select_n3A_59 : vector<1x4096xi1>, vector<1x4096xf32>
    %reduce_max3A_94 = vector.shape_cast %select_n3A_93 : vector<1x4096xf32> to vector<1x1x4096xf32>
    %reduce_max3A_95 = arith.constant dense<0xFF800000> : vector<1xf32>
    %reduce_max3A_96 = vector.multi_reduction <maximumf>, %reduce_max3A_94, %reduce_max3A_95 [1, 2] : vector<1x1x4096xf32> to vector<1xf32>
    %reduce_max3A_97 = vector.shape_cast %reduce_max3A_96 : vector<1xf32> to vector<1x1x1xf32>
    %reduce_max3A_98 = vector.extract %reduce_max3A_97[0, 0, 0] : f32 from vector<1x1x1xf32>
    %eq3A_99 = vector.broadcast %reduce_max3A_98 : f32 to vector<1x4096xf32>
    %eq3A_100 = arith.cmpf oeq, %select_n3A_93, %eq3A_99 : vector<1x4096xf32>
    %jit3A_101 = arith.constant 4096 : i32
    %broadcast_in_dim3A_102 = vector.broadcast %jit3A_101 : i32 to vector<1x4096xi32>
    %select_n3A_103 = arith.select %eq3A_100, %iota3A, %broadcast_in_dim3A_102 : vector<1x4096xi1>, vector<1x4096xi32>
    %reduce_min3A_104 = vector.shape_cast %select_n3A_103 : vector<1x4096xi32> to vector<1x1x4096xi32>
    %reduce_min3A_105 = arith.constant dense<2147483647> : vector<1xi32>
    %reduce_min3A_106 = vector.multi_reduction <minsi>, %reduce_min3A_104, %reduce_min3A_105 [1, 2] : vector<1x1x4096xi32> to vector<1xi32>
    %reduce_min3A_107 = vector.shape_cast %reduce_min3A_106 : vector<1xi32> to vector<1x1x1xi32>
    %reduce_min3A_108 = vector.extract %reduce_min3A_107[0, 0, 0] : i32 from vector<1x1x1xi32>
    %get3A_109 = arith.constant 0 : index
    %get3A_110 = arith.index_cast %reduce_min3A_108 : i32 to index
    %get3A_111 = arith.constant 0 : index
    %get3A_112 = vector.load %arg2[%get3A_109, %get3A_110, %get3A_111] : memref<1x4096x64xf32, #tpu.memory_space<vmem>>, vector<1x1x64xf32>
    %get3A_113 = vector.shape_cast %get3A_112 : vector<1x1x64xf32> to vector<1x64xf32>
    %swap3A_114 = arith.constant 2 : index
    %swap3A_115 = arith.constant 0 : index
    %swap3A_116 = vector.load %arg10[%swap3A_114, %swap3A_115] : memref<16x64xf32, #tpu.memory_space<vmem>>, vector<1x64xf32>
    tpu.vector_store %arg10[%swap3A_114, %swap3A_115], %get3A_113 {strides = array<i32>} : memref<16x64xf32, #tpu.memory_space<vmem>>, vector<1x64xf32>,
    %eq3A_117 = arith.constant 2 : i32
    %eq3A_118 = vector.broadcast %eq3A_117 : i32 to vector<1x16xi32>
    %eq3A_119 = arith.cmpi eq, %iota3A_4, %eq3A_118 : vector<1x16xi32>
    %add3A_120 = arith.addi %reduce_min3A_108, %mul3A_25 : i32
    %broadcast_in_dim3A_121 = vector.broadcast %add3A_120 : i32 to vector<1x16xi32>
    %select_n3A_122 = arith.select %eq3A_119, %broadcast_in_dim3A_121, %select_n3A_88 : vector<1x16xi1>, vector<1x16xi32>
    %eq3A_123 = vector.broadcast %reduce_min3A_108 : i32 to vector<1x4096xi32>
    %eq3A_124 = arith.cmpi eq, %iota3A, %eq3A_123 : vector<1x4096xi32>
    %jit3A_125 = arith.constant 0xFF800000 : f32
    %broadcast_in_dim3A_126 = vector.broadcast %jit3A_125 : f32 to vector<1x4096xf32>
    %select_n3A_127 = arith.select %eq3A_124, %broadcast_in_dim3A_126, %select_n3A_93 : vector<1x4096xi1>, vector<1x4096xf32>
    %reduce_max3A_128 = vector.shape_cast %select_n3A_127 : vector<1x4096xf32> to vector<1x1x4096xf32>
    %reduce_max3A_129 = arith.constant dense<0xFF800000> : vector<1xf32>
    %reduce_max3A_130 = vector.multi_reduction <maximumf>, %reduce_max3A_128, %reduce_max3A_129 [1, 2] : vector<1x1x4096xf32> to vector<1xf32>
    %reduce_max3A_131 = vector.shape_cast %reduce_max3A_130 : vector<1xf32> to vector<1x1x1xf32>
    %reduce_max3A_132 = vector.extract %reduce_max3A_131[0, 0, 0] : f32 from vector<1x1x1xf32>
    %eq3A_133 = vector.broadcast %reduce_max3A_132 : f32 to vector<1x4096xf32>
    %eq3A_134 = arith.cmpf oeq, %select_n3A_127, %eq3A_133 : vector<1x4096xf32>
    %jit3A_135 = arith.constant 4096 : i32
    %broadcast_in_dim3A_136 = vector.broadcast %jit3A_135 : i32 to vector<1x4096xi32>
    %select_n3A_137 = arith.select %eq3A_134, %iota3A, %broadcast_in_dim3A_136 : vector<1x4096xi1>, vector<1x4096xi32>
    %reduce_min3A_138 = vector.shape_cast %select_n3A_137 : vector<1x4096xi32> to vector<1x1x4096xi32>
    %reduce_min3A_139 = arith.constant dense<2147483647> : vector<1xi32>
    %reduce_min3A_140 = vector.multi_reduction <minsi>, %reduce_min3A_138, %reduce_min3A_139 [1, 2] : vector<1x1x4096xi32> to vector<1xi32>
    %reduce_min3A_141 = vector.shape_cast %reduce_min3A_140 : vector<1xi32> to vector<1x1x1xi32>
    %reduce_min3A_142 = vector.extract %reduce_min3A_141[0, 0, 0] : i32 from vector<1x1x1xi32>
    %get3A_143 = arith.constant 0 : index
    %get3A_144 = arith.index_cast %reduce_min3A_142 : i32 to index
    %get3A_145 = arith.constant 0 : index
    %get3A_146 = vector.load %arg2[%get3A_143, %get3A_144, %get3A_145] : memref<1x4096x64xf32, #tpu.memory_space<vmem>>, vector<1x1x64xf32>
    %get3A_147 = vector.shape_cast %get3A_146 : vector<1x1x64xf32> to vector<1x64xf32>
    %swap3A_148 = arith.constant 3 : index
    %swap3A_149 = arith.constant 0 : index
    %swap3A_150 = vector.load %arg10[%swap3A_148, %swap3A_149] : memref<16x64xf32, #tpu.memory_space<vmem>>, vector<1x64xf32>
    tpu.vector_store %arg10[%swap3A_148, %swap3A_149], %get3A_147 {strides = array<i32>} : memref<16x64xf32, #tpu.memory_space<vmem>>, vector<1x64xf32>,
    %eq3A_151 = arith.constant 3 : i32
    %eq3A_152 = vector.broadcast %eq3A_151 : i32 to vector<1x16xi32>
    %eq3A_153 = arith.cmpi eq, %iota3A_4, %eq3A_152 : vector<1x16xi32>
    %add3A_154 = arith.addi %reduce_min3A_142, %mul3A_25 : i32
    %broadcast_in_dim3A_155 = vector.broadcast %add3A_154 : i32 to vector<1x16xi32>
    %select_n3A_156 = arith.select %eq3A_153, %broadcast_in_dim3A_155, %select_n3A_122 : vector<1x16xi1>, vector<1x16xi32>
    %eq3A_157 = vector.broadcast %reduce_min3A_142 : i32 to vector<1x4096xi32>
    %eq3A_158 = arith.cmpi eq, %iota3A, %eq3A_157 : vector<1x4096xi32>
    %jit3A_159 = arith.constant 0xFF800000 : f32
    %broadcast_in_dim3A_160 = vector.broadcast %jit3A_159 : f32 to vector<1x4096xf32>
    %select_n3A_161 = arith.select %eq3A_158, %broadcast_in_dim3A_160, %select_n3A_127 : vector<1x4096xi1>, vector<1x4096xf32>
    %reduce_max3A_162 = vector.shape_cast %select_n3A_161 : vector<1x4096xf32> to vector<1x1x4096xf32>
    %reduce_max3A_163 = arith.constant dense<0xFF800000> : vector<1xf32>
    %reduce_max3A_164 = vector.multi_reduction <maximumf>, %reduce_max3A_162, %reduce_max3A_163 [1, 2] : vector<1x1x4096xf32> to vector<1xf32>
    %reduce_max3A_165 = vector.shape_cast %reduce_max3A_164 : vector<1xf32> to vector<1x1x1xf32>
    %reduce_max3A_166 = vector.extract %reduce_max3A_165[0, 0, 0] : f32 from vector<1x1x1xf32>
    %eq3A_167 = vector.broadcast %reduce_max3A_166 : f32 to vector<1x4096xf32>
    %eq3A_168 = arith.cmpf oeq, %select_n3A_161, %eq3A_167 : vector<1x4096xf32>
    %jit3A_169 = arith.constant 4096 : i32
    %broadcast_in_dim3A_170 = vector.broadcast %jit3A_169 : i32 to vector<1x4096xi32>
    %select_n3A_171 = arith.select %eq3A_168, %iota3A, %broadcast_in_dim3A_170 : vector<1x4096xi1>, vector<1x4096xi32>
    %reduce_min3A_172 = vector.shape_cast %select_n3A_171 : vector<1x4096xi32> to vector<1x1x4096xi32>
    %reduce_min3A_173 = arith.constant dense<2147483647> : vector<1xi32>
    %reduce_min3A_174 = vector.multi_reduction <minsi>, %reduce_min3A_172, %reduce_min3A_173 [1, 2] : vector<1x1x4096xi32> to vector<1xi32>
    %reduce_min3A_175 = vector.shape_cast %reduce_min3A_174 : vector<1xi32> to vector<1x1x1xi32>
    %reduce_min3A_176 = vector.extract %reduce_min3A_175[0, 0, 0] : i32 from vector<1x1x1xi32>
    %get3A_177 = arith.constant 0 : index
    %get3A_178 = arith.index_cast %reduce_min3A_176 : i32 to index
    %get3A_179 = arith.constant 0 : index
    %get3A_180 = vector.load %arg2[%get3A_177, %get3A_178, %get3A_179] : memref<1x4096x64xf32, #tpu.memory_space<vmem>>, vector<1x1x64xf32>
    %get3A_181 = vector.shape_cast %get3A_180 : vector<1x1x64xf32> to vector<1x64xf32>
    %swap3A_182 = arith.constant 4 : index
    %swap3A_183 = arith.constant 0 : index
    %swap3A_184 = vector.load %arg10[%swap3A_182, %swap3A_183] : memref<16x64xf32, #tpu.memory_space<vmem>>, vector<1x64xf32>
    tpu.vector_store %arg10[%swap3A_182, %swap3A_183], %get3A_181 {strides = array<i32>} : memref<16x64xf32, #tpu.memory_space<vmem>>, vector<1x64xf32>,
    %eq3A_185 = arith.constant 4 : i32
    %eq3A_186 = vector.broadcast %eq3A_185 : i32 to vector<1x16xi32>
    %eq3A_187 = arith.cmpi eq, %iota3A_4, %eq3A_186 : vector<1x16xi32>
    %add3A_188 = arith.addi %reduce_min3A_176, %mul3A_25 : i32
    %broadcast_in_dim3A_189 = vector.broadcast %add3A_188 : i32 to vector<1x16xi32>
    %select_n3A_190 = arith.select %eq3A_187, %broadcast_in_dim3A_189, %select_n3A_156 : vector<1x16xi1>, vector<1x16xi32>
    %eq3A_191 = vector.broadcast %reduce_min3A_176 : i32 to vector<1x4096xi32>
    %eq3A_192 = arith.cmpi eq, %iota3A, %eq3A_191 : vector<1x4096xi32>
    %jit3A_193 = arith.constant 0xFF800000 : f32
    %broadcast_in_dim3A_194 = vector.broadcast %jit3A_193 : f32 to vector<1x4096xf32>
    %select_n3A_195 = arith.select %eq3A_192, %broadcast_in_dim3A_194, %select_n3A_161 : vector<1x4096xi1>, vector<1x4096xf32>
    %reduce_max3A_196 = vector.shape_cast %select_n3A_195 : vector<1x4096xf32> to vector<1x1x4096xf32>
    %reduce_max3A_197 = arith.constant dense<0xFF800000> : vector<1xf32>
    %reduce_max3A_198 = vector.multi_reduction <maximumf>, %reduce_max3A_196, %reduce_max3A_197 [1, 2] : vector<1x1x4096xf32> to vector<1xf32>
    %reduce_max3A_199 = vector.shape_cast %reduce_max3A_198 : vector<1xf32> to vector<1x1x1xf32>
    %reduce_max3A_200 = vector.extract %reduce_max3A_199[0, 0, 0] : f32 from vector<1x1x1xf32>
    %eq3A_201 = vector.broadcast %reduce_max3A_200 : f32 to vector<1x4096xf32>
    %eq3A_202 = arith.cmpf oeq, %select_n3A_195, %eq3A_201 : vector<1x4096xf32>
    %jit3A_203 = arith.constant 4096 : i32
    %broadcast_in_dim3A_204 = vector.broadcast %jit3A_203 : i32 to vector<1x4096xi32>
    %select_n3A_205 = arith.select %eq3A_202, %iota3A, %broadcast_in_dim3A_204 : vector<1x4096xi1>, vector<1x4096xi32>
    %reduce_min3A_206 = vector.shape_cast %select_n3A_205 : vector<1x4096xi32> to vector<1x1x4096xi32>
    %reduce_min3A_207 = arith.constant dense<2147483647> : vector<1xi32>
    %reduce_min3A_208 = vector.multi_reduction <minsi>, %reduce_min3A_206, %reduce_min3A_207 [1, 2] : vector<1x1x4096xi32> to vector<1xi32>
    %reduce_min3A_209 = vector.shape_cast %reduce_min3A_208 : vector<1xi32> to vector<1x1x1xi32>
    %reduce_min3A_210 = vector.extract %reduce_min3A_209[0, 0, 0] : i32 from vector<1x1x1xi32>
    %get3A_211 = arith.constant 0 : index
    %get3A_212 = arith.index_cast %reduce_min3A_210 : i32 to index
    %get3A_213 = arith.constant 0 : index
    %get3A_214 = vector.load %arg2[%get3A_211, %get3A_212, %get3A_213] : memref<1x4096x64xf32, #tpu.memory_space<vmem>>, vector<1x1x64xf32>
    %get3A_215 = vector.shape_cast %get3A_214 : vector<1x1x64xf32> to vector<1x64xf32>
    %swap3A_216 = arith.constant 5 : index
    %swap3A_217 = arith.constant 0 : index
    %swap3A_218 = vector.load %arg10[%swap3A_216, %swap3A_217] : memref<16x64xf32, #tpu.memory_space<vmem>>, vector<1x64xf32>
    tpu.vector_store %arg10[%swap3A_216, %swap3A_217], %get3A_215 {strides = array<i32>} : memref<16x64xf32, #tpu.memory_space<vmem>>, vector<1x64xf32>,
    %eq3A_219 = arith.constant 5 : i32
    %eq3A_220 = vector.broadcast %eq3A_219 : i32 to vector<1x16xi32>
    %eq3A_221 = arith.cmpi eq, %iota3A_4, %eq3A_220 : vector<1x16xi32>
    %add3A_222 = arith.addi %reduce_min3A_210, %mul3A_25 : i32
    %broadcast_in_dim3A_223 = vector.broadcast %add3A_222 : i32 to vector<1x16xi32>
    %select_n3A_224 = arith.select %eq3A_221, %broadcast_in_dim3A_223, %select_n3A_190 : vector<1x16xi1>, vector<1x16xi32>
    %eq3A_225 = vector.broadcast %reduce_min3A_210 : i32 to vector<1x4096xi32>
    %eq3A_226 = arith.cmpi eq, %iota3A, %eq3A_225 : vector<1x4096xi32>
    %jit3A_227 = arith.constant 0xFF800000 : f32
    %broadcast_in_dim3A_228 = vector.broadcast %jit3A_227 : f32 to vector<1x4096xf32>
    %select_n3A_229 = arith.select %eq3A_226, %broadcast_in_dim3A_228, %select_n3A_195 : vector<1x4096xi1>, vector<1x4096xf32>
    %reduce_max3A_230 = vector.shape_cast %select_n3A_229 : vector<1x4096xf32> to vector<1x1x4096xf32>
    %reduce_max3A_231 = arith.constant dense<0xFF800000> : vector<1xf32>
    %reduce_max3A_232 = vector.multi_reduction <maximumf>, %reduce_max3A_230, %reduce_max3A_231 [1, 2] : vector<1x1x4096xf32> to vector<1xf32>
    %reduce_max3A_233 = vector.shape_cast %reduce_max3A_232 : vector<1xf32> to vector<1x1x1xf32>
    %reduce_max3A_234 = vector.extract %reduce_max3A_233[0, 0, 0] : f32 from vector<1x1x1xf32>
    %eq3A_235 = vector.broadcast %reduce_max3A_234 : f32 to vector<1x4096xf32>
    %eq3A_236 = arith.cmpf oeq, %select_n3A_229, %eq3A_235 : vector<1x4096xf32>
    %jit3A_237 = arith.constant 4096 : i32
    %broadcast_in_dim3A_238 = vector.broadcast %jit3A_237 : i32 to vector<1x4096xi32>
    %select_n3A_239 = arith.select %eq3A_236, %iota3A, %broadcast_in_dim3A_238 : vector<1x4096xi1>, vector<1x4096xi32>
    %reduce_min3A_240 = vector.shape_cast %select_n3A_239 : vector<1x4096xi32> to vector<1x1x4096xi32>
    %reduce_min3A_241 = arith.constant dense<2147483647> : vector<1xi32>
    %reduce_min3A_242 = vector.multi_reduction <minsi>, %reduce_min3A_240, %reduce_min3A_241 [1, 2] : vector<1x1x4096xi32> to vector<1xi32>
    %reduce_min3A_243 = vector.shape_cast %reduce_min3A_242 : vector<1xi32> to vector<1x1x1xi32>
    %reduce_min3A_244 = vector.extract %reduce_min3A_243[0, 0, 0] : i32 from vector<1x1x1xi32>
    %get3A_245 = arith.constant 0 : index
    %get3A_246 = arith.index_cast %reduce_min3A_244 : i32 to index
    %get3A_247 = arith.constant 0 : index
    %get3A_248 = vector.load %arg2[%get3A_245, %get3A_246, %get3A_247] : memref<1x4096x64xf32, #tpu.memory_space<vmem>>, vector<1x1x64xf32>
    %get3A_249 = vector.shape_cast %get3A_248 : vector<1x1x64xf32> to vector<1x64xf32>
    %swap3A_250 = arith.constant 6 : index
    %swap3A_251 = arith.constant 0 : index
    %swap3A_252 = vector.load %arg10[%swap3A_250, %swap3A_251] : memref<16x64xf32, #tpu.memory_space<vmem>>, vector<1x64xf32>
    tpu.vector_store %arg10[%swap3A_250, %swap3A_251], %get3A_249 {strides = array<i32>} : memref<16x64xf32, #tpu.memory_space<vmem>>, vector<1x64xf32>,
    %eq3A_253 = arith.constant 6 : i32
    %eq3A_254 = vector.broadcast %eq3A_253 : i32 to vector<1x16xi32>
    %eq3A_255 = arith.cmpi eq, %iota3A_4, %eq3A_254 : vector<1x16xi32>
    %add3A_256 = arith.addi %reduce_min3A_244, %mul3A_25 : i32
    %broadcast_in_dim3A_257 = vector.broadcast %add3A_256 : i32 to vector<1x16xi32>
    %select_n3A_258 = arith.select %eq3A_255, %broadcast_in_dim3A_257, %select_n3A_224 : vector<1x16xi1>, vector<1x16xi32>
    %eq3A_259 = vector.broadcast %reduce_min3A_244 : i32 to vector<1x4096xi32>
    %eq3A_260 = arith.cmpi eq, %iota3A, %eq3A_259 : vector<1x4096xi32>
    %jit3A_261 = arith.constant 0xFF800000 : f32
    %broadcast_in_dim3A_262 = vector.broadcast %jit3A_261 : f32 to vector<1x4096xf32>
    %select_n3A_263 = arith.select %eq3A_260, %broadcast_in_dim3A_262, %select_n3A_229 : vector<1x4096xi1>, vector<1x4096xf32>
    %reduce_max3A_264 = vector.shape_cast %select_n3A_263 : vector<1x4096xf32> to vector<1x1x4096xf32>
    %reduce_max3A_265 = arith.constant dense<0xFF800000> : vector<1xf32>
    %reduce_max3A_266 = vector.multi_reduction <maximumf>, %reduce_max3A_264, %reduce_max3A_265 [1, 2] : vector<1x1x4096xf32> to vector<1xf32>
    %reduce_max3A_267 = vector.shape_cast %reduce_max3A_266 : vector<1xf32> to vector<1x1x1xf32>
    %reduce_max3A_268 = vector.extract %reduce_max3A_267[0, 0, 0] : f32 from vector<1x1x1xf32>
    %eq3A_269 = vector.broadcast %reduce_max3A_268 : f32 to vector<1x4096xf32>
    %eq3A_270 = arith.cmpf oeq, %select_n3A_263, %eq3A_269 : vector<1x4096xf32>
    %jit3A_271 = arith.constant 4096 : i32
    %broadcast_in_dim3A_272 = vector.broadcast %jit3A_271 : i32 to vector<1x4096xi32>
    %select_n3A_273 = arith.select %eq3A_270, %iota3A, %broadcast_in_dim3A_272 : vector<1x4096xi1>, vector<1x4096xi32>
    %reduce_min3A_274 = vector.shape_cast %select_n3A_273 : vector<1x4096xi32> to vector<1x1x4096xi32>
    %reduce_min3A_275 = arith.constant dense<2147483647> : vector<1xi32>
    %reduce_min3A_276 = vector.multi_reduction <minsi>, %reduce_min3A_274, %reduce_min3A_275 [1, 2] : vector<1x1x4096xi32> to vector<1xi32>
    %reduce_min3A_277 = vector.shape_cast %reduce_min3A_276 : vector<1xi32> to vector<1x1x1xi32>
    %reduce_min3A_278 = vector.extract %reduce_min3A_277[0, 0, 0] : i32 from vector<1x1x1xi32>
    %get3A_279 = arith.constant 0 : index
    %get3A_280 = arith.index_cast %reduce_min3A_278 : i32 to index
    %get3A_281 = arith.constant 0 : index
    %get3A_282 = vector.load %arg2[%get3A_279, %get3A_280, %get3A_281] : memref<1x4096x64xf32, #tpu.memory_space<vmem>>, vector<1x1x64xf32>
    %get3A_283 = vector.shape_cast %get3A_282 : vector<1x1x64xf32> to vector<1x64xf32>
    %swap3A_284 = arith.constant 7 : index
    %swap3A_285 = arith.constant 0 : index
    %swap3A_286 = vector.load %arg10[%swap3A_284, %swap3A_285] : memref<16x64xf32, #tpu.memory_space<vmem>>, vector<1x64xf32>
    tpu.vector_store %arg10[%swap3A_284, %swap3A_285], %get3A_283 {strides = array<i32>} : memref<16x64xf32, #tpu.memory_space<vmem>>, vector<1x64xf32>,
    %eq3A_287 = arith.constant 7 : i32
    %eq3A_288 = vector.broadcast %eq3A_287 : i32 to vector<1x16xi32>
    %eq3A_289 = arith.cmpi eq, %iota3A_4, %eq3A_288 : vector<1x16xi32>
    %add3A_290 = arith.addi %reduce_min3A_278, %mul3A_25 : i32
    %broadcast_in_dim3A_291 = vector.broadcast %add3A_290 : i32 to vector<1x16xi32>
    %select_n3A_292 = arith.select %eq3A_289, %broadcast_in_dim3A_291, %select_n3A_258 : vector<1x16xi1>, vector<1x16xi32>
    %eq3A_293 = vector.broadcast %reduce_min3A_278 : i32 to vector<1x4096xi32>
    %eq3A_294 = arith.cmpi eq, %iota3A, %eq3A_293 : vector<1x4096xi32>
    %jit3A_295 = arith.constant 0xFF800000 : f32
    %broadcast_in_dim3A_296 = vector.broadcast %jit3A_295 : f32 to vector<1x4096xf32>
    %select_n3A_297 = arith.select %eq3A_294, %broadcast_in_dim3A_296, %select_n3A_263 : vector<1x4096xi1>, vector<1x4096xf32>
    %reduce_max3A_298 = vector.shape_cast %select_n3A_297 : vector<1x4096xf32> to vector<1x1x4096xf32>
    %reduce_max3A_299 = arith.constant dense<0xFF800000> : vector<1xf32>
    %reduce_max3A_300 = vector.multi_reduction <maximumf>, %reduce_max3A_298, %reduce_max3A_299 [1, 2] : vector<1x1x4096xf32> to vector<1xf32>
    %reduce_max3A_301 = vector.shape_cast %reduce_max3A_300 : vector<1xf32> to vector<1x1x1xf32>
    %reduce_max3A_302 = vector.extract %reduce_max3A_301[0, 0, 0] : f32 from vector<1x1x1xf32>
    %eq3A_303 = vector.broadcast %reduce_max3A_302 : f32 to vector<1x4096xf32>
    %eq3A_304 = arith.cmpf oeq, %select_n3A_297, %eq3A_303 : vector<1x4096xf32>
    %jit3A_305 = arith.constant 4096 : i32
    %broadcast_in_dim3A_306 = vector.broadcast %jit3A_305 : i32 to vector<1x4096xi32>
    %select_n3A_307 = arith.select %eq3A_304, %iota3A, %broadcast_in_dim3A_306 : vector<1x4096xi1>, vector<1x4096xi32>
    %reduce_min3A_308 = vector.shape_cast %select_n3A_307 : vector<1x4096xi32> to vector<1x1x4096xi32>
    %reduce_min3A_309 = arith.constant dense<2147483647> : vector<1xi32>
    %reduce_min3A_310 = vector.multi_reduction <minsi>, %reduce_min3A_308, %reduce_min3A_309 [1, 2] : vector<1x1x4096xi32> to vector<1xi32>
    %reduce_min3A_311 = vector.shape_cast %reduce_min3A_310 : vector<1xi32> to vector<1x1x1xi32>
    %reduce_min3A_312 = vector.extract %reduce_min3A_311[0, 0, 0] : i32 from vector<1x1x1xi32>
    %get3A_313 = arith.constant 0 : index
    %get3A_314 = arith.index_cast %reduce_min3A_312 : i32 to index
    %get3A_315 = arith.constant 0 : index
    %get3A_316 = vector.load %arg2[%get3A_313, %get3A_314, %get3A_315] : memref<1x4096x64xf32, #tpu.memory_space<vmem>>, vector<1x1x64xf32>
    %get3A_317 = vector.shape_cast %get3A_316 : vector<1x1x64xf32> to vector<1x64xf32>
    %swap3A_318 = arith.constant 8 : index
    %swap3A_319 = arith.constant 0 : index
    %swap3A_320 = vector.load %arg10[%swap3A_318, %swap3A_319] : memref<16x64xf32, #tpu.memory_space<vmem>>, vector<1x64xf32>
    tpu.vector_store %arg10[%swap3A_318, %swap3A_319], %get3A_317 {strides = array<i32>} : memref<16x64xf32, #tpu.memory_space<vmem>>, vector<1x64xf32>,
    %eq3A_321 = arith.constant 8 : i32
    %eq3A_322 = vector.broadcast %eq3A_321 : i32 to vector<1x16xi32>
    %eq3A_323 = arith.cmpi eq, %iota3A_4, %eq3A_322 : vector<1x16xi32>
    %add3A_324 = arith.addi %reduce_min3A_312, %mul3A_25 : i32
    %broadcast_in_dim3A_325 = vector.broadcast %add3A_324 : i32 to vector<1x16xi32>
    %select_n3A_326 = arith.select %eq3A_323, %broadcast_in_dim3A_325, %select_n3A_292 : vector<1x16xi1>, vector<1x16xi32>
    %swap3A_327 = arith.constant 0 : index
    %swap3A_328 = arith.constant 0 : index
    %swap3A_329 = arith.constant 0 : index
    %swap3A_330 = vector.load %arg7[%swap3A_327, %swap3A_328, %swap3A_329] : memref<1x1x16xi32, #tpu.memory_space<vmem>>, vector<1x1x16xi32>
    %swap3A_331 = vector.shape_cast %swap3A_330 : vector<1x1x16xi32> to vector<1x16xi32>
    %swap3A_332 = vector.shape_cast %select_n3A_326 : vector<1x16xi32> to vector<1x1x16xi32>
    tpu.vector_store %arg7[%swap3A_327, %swap3A_328, %swap3A_329], %swap3A_332 {strides = array<i32>} : memref<1x1x16xi32, #tpu.memory_space<vmem>>, vector<1x1x16xi32>,
    %get3A_333 = arith.constant 0 : index
    %get3A_334 = arith.constant 0 : index
    %get3A_335 = arith.constant 0 : index
    %get3A_336 = vector.load %arg3[%get3A_333, %get3A_334, %get3A_335] : memref<1x4096x64xf32, #tpu.memory_space<vmem>>, vector<1x4096x64xf32>
    %get3A_337 = vector.shape_cast %get3A_336 : vector<1x4096x64xf32> to vector<4096x64xf32>
    %get3A_338 = arith.constant 0 : index
    %get3A_339 = arith.constant 0 : index
    %get3A_340 = arith.constant 0 : index
    %get3A_341 = vector.load %arg4[%get3A_338, %get3A_339, %get3A_340] : memref<1x4096x64xf32, #tpu.memory_space<vmem>>, vector<1x4096x64xf32>
    %get3A_342 = vector.shape_cast %get3A_341 : vector<1x4096x64xf32> to vector<4096x64xf32>
    %get3A_343 = arith.constant 0 : index
    %get3A_344 = arith.constant 0 : index
    %get3A_345 = vector.load %arg10[%get3A_343, %get3A_344] : memref<16x64xf32, #tpu.memory_space<vmem>>, vector<16x64xf32>
    %dot_general3A = arith.constant dense<0.000000e+00> : vector<16x4096xf32>
    %dot_general3A_346 = tpu.matmul %get3A_345, %get3A_337, %dot_general3A {dimension_numbers = #tpu.dot_dimension_numbers<[1], [1], [0], [0], [0, 0, 1, 0], [], []>, transpose_lhs_hint = false} : vector<16x64xf32>, vector<4096x64xf32>, vector<16x4096xf32> -> vector<16x4096xf32>
    %mul3A_347 = arith.constant 1.250000e-01 : f32
    %mul3A_348 = vector.broadcast %mul3A_347 : f32 to vector<16x4096xf32>
    %mul3A_349 = arith.mulf %dot_general3A_346, %mul3A_348 : vector<16x4096xf32>
    %reduce_max3A_350 = arith.constant dense<0xFF800000> : vector<16xf32>
    %reduce_max3A_351 = vector.multi_reduction <maximumf>, %mul3A_349, %reduce_max3A_350 [1] : vector<16x4096xf32> to vector<16xf32>
    %broadcast_in_dim3A_352 = vector.shape_cast %reduce_max3A_351 : vector<16xf32> to vector<16x1xf32>
    %sub3A_353 = vector.broadcast %broadcast_in_dim3A_352 : vector<16x1xf32> to vector<16x4096xf32>
    %sub3A_354 = arith.subf %mul3A_349, %sub3A_353 : vector<16x4096xf32>
    %exp3A = math.exp %sub3A_354 : vector<16x4096xf32>
    %reduce_sum3A = arith.constant dense<0.000000e+00> : vector<16xf32>
    %reduce_sum3A_355 = vector.multi_reduction <add>, %exp3A, %reduce_sum3A [1] : vector<16x4096xf32> to vector<16xf32>
    %broadcast_in_dim3A_356 = vector.shape_cast %reduce_sum3A_355 : vector<16xf32> to vector<16x1xf32>
    %div3A_357 = vector.broadcast %broadcast_in_dim3A_356 : vector<16x1xf32> to vector<16x4096xf32>
    %div3A_358 = arith.divf %exp3A, %div3A_357 : vector<16x4096xf32>
    %dot_general3A_359 = arith.constant dense<0.000000e+00> : vector<16x64xf32>
    %dot_general3A_360 = tpu.matmul %div3A_358, %get3A_342, %dot_general3A_359 {dimension_numbers = #tpu.dot_dimension_numbers<[1], [0], [0], [1], [0, 0, 1, 1], [], []>, transpose_lhs_hint = false} : vector<16x4096xf32>, vector<4096x64xf32>, vector<16x64xf32> -> vector<16x64xf32>
    %reduce_sum3A_361 = arith.constant dense<0.000000e+00> : vector<64xf32>
    %reduce_sum3A_362 = vector.multi_reduction <add>, %get3A_342, %reduce_sum3A_361 [0] : vector<4096x64xf32> to vector<64xf32>
    %broadcast_in_dim3A_363 = vector.shape_cast %reduce_sum3A_362 : vector<64xf32> to vector<1x64xf32>
    %div3A_364 = arith.constant 4.096000e+03 : f32
    %div3A_365 = vector.broadcast %div3A_364 : f32 to vector<1x64xf32>
    %div3A_366 = arith.divf %broadcast_in_dim3A_363, %div3A_365 : vector<1x64xf32>
    %get3A_367 = arith.constant 0 : index
    %get3A_368 = arith.constant 0 : index
    %get3A_369 = vector.load %arg5[%get3A_367, %get3A_368] : memref<64x768xf32, #tpu.memory_space<vmem>>, vector<64x768xf32>
    %sub3A_370 = vector.broadcast %div3A_366 : vector<1x64xf32> to vector<16x64xf32>
    %sub3A_371 = arith.subf %dot_general3A_360, %sub3A_370 : vector<16x64xf32>
    %dot_general3A_372 = arith.constant dense<0.000000e+00> : vector<16x768xf32>
    %dot_general3A_373 = tpu.matmul %sub3A_371, %get3A_369, %dot_general3A_372 {dimension_numbers = #tpu.dot_dimension_numbers<[1], [0], [0], [1], [0, 0, 1, 1], [], []>, transpose_lhs_hint = false} : vector<16x64xf32>, vector<64x768xf32>, vector<16x768xf32> -> vector<16x768xf32>
    %swap3A_374 = arith.constant 0 : index
    %swap3A_375 = arith.constant 0 : index
    %swap3A_376 = arith.constant 0 : index
    %swap3A_377 = vector.load %arg8[%swap3A_374, %swap3A_375, %swap3A_376] : memref<1x16x768xf32, #tpu.memory_space<vmem>>, vector<1x16x768xf32>
    %swap3A_378 = vector.shape_cast %swap3A_377 : vector<1x16x768xf32> to vector<16x768xf32>
    %swap3A_379 = vector.shape_cast %dot_general3A_373 : vector<16x768xf32> to vector<1x16x768xf32>
    tpu.vector_store %arg8[%swap3A_374, %swap3A_375, %swap3A_376], %swap3A_379 {strides = array<i32>} : memref<1x16x768xf32, #tpu.memory_space<vmem>>, vector<1x16x768xf32>,
    %dot_general3A_380 = arith.constant dense<0.000000e+00> : vector<1x768xf32>
    %dot_general3A_381 = tpu.matmul %div3A_366, %get3A_369, %dot_general3A_380 {dimension_numbers = #tpu.dot_dimension_numbers<[1], [0], [0], [1], [0, 0, 1, 1], [], []>, transpose_lhs_hint = false} : vector<1x64xf32>, vector<64x768xf32>, vector<1x768xf32> -> vector<1x768xf32>
    %jit3A_382 = arith.constant 12 : i32
    %eq3A_383 = arith.constant 0 : i32
    %eq3A_384 = arith.cmpi eq, %jit3A_382, %eq3A_383 : i32
    %jit3A_385 = arith.constant 1 : i32
    %select_n3A_386 = arith.select %eq3A_384, %jit3A_385, %jit3A_382 : i32
    %rem3A_387 = arith.remsi %arg0, %select_n3A_386 : i32
    %ne3A_388 = arith.constant 0 : i32
    %ne3A_389 = arith.cmpi ne, %rem3A_387, %ne3A_388 : i32
    %lt3A = arith.constant 0 : i32
    %lt3A_390 = arith.cmpi slt, %rem3A_387, %lt3A : i32
    %lt3A_391 = arith.constant 0 : i32
    %lt3A_392 = arith.cmpi slt, %select_n3A_386, %lt3A_391 : i32
    %ne3A_393 = arith.xori %lt3A_390, %lt3A_392 : i1
    %and3A_394 = arith.andi %ne3A_393, %ne3A_389 : i1
    %add3A_395 = arith.addi %rem3A_387, %select_n3A_386 : i32
    %select_n3A_396 = arith.select %and3A_394, %add3A_395, %rem3A_387 : i32
    %eq3A_397 = arith.constant 0 : i32
    %eq3A_398 = arith.cmpi eq, %select_n3A_396, %eq3A_397 : i32
    %convert_element_type3A = arith.extui %eq3A_398 : i1 to i32
    %cond3A = arith.constant 0 : i32
    %cond3A_399 = arith.cmpi ne, %convert_element_type3A, %cond3A : i32
    scf.if %cond3A_399 {
      %get3A_421 = arith.constant 0 : index
      %get3A_422 = arith.constant 0 : index
      %get3A_423 = vector.load %arg6[%get3A_421, %get3A_422] : memref<1x768xf32, #tpu.memory_space<vmem>>, vector<1x768xf32>
      %add3A_424 = arith.addf %get3A_423, %dot_general3A_381 : vector<1x768xf32>
      %broadcast_in_dim3A_425 = vector.shape_cast %add3A_424 : vector<1x768xf32> to vector<1x1x768xf32>
      %swap3A_426 = arith.constant 0 : index
      %swap3A_427 = arith.constant 0 : index
      %swap3A_428 = arith.constant 0 : index
      %swap3A_429 = vector.load %arg9[%swap3A_426, %swap3A_427, %swap3A_428] : memref<1x1x768xf32, #tpu.memory_space<vmem>>, vector<1x1x768xf32>
      tpu.vector_store %arg9[%swap3A_426, %swap3A_427, %swap3A_428], %broadcast_in_dim3A_425 {strides = array<i32>} : memref<1x1x768xf32, #tpu.memory_space<vmem>>, vector<1x1x768xf32>,
    } else {
    }
    %jit3A_400 = arith.constant 12 : i32
    %eq3A_401 = arith.constant 0 : i32
    %eq3A_402 = arith.cmpi eq, %jit3A_400, %eq3A_401 : i32
    %jit3A_403 = arith.constant 1 : i32
    %select_n3A_404 = arith.select %eq3A_402, %jit3A_403, %jit3A_400 : i32
    %rem3A_405 = arith.remsi %arg0, %select_n3A_404 : i32
    %ne3A_406 = arith.constant 0 : i32
    %ne3A_407 = arith.cmpi ne, %rem3A_405, %ne3A_406 : i32
    %lt3A_408 = arith.constant 0 : i32
    %lt3A_409 = arith.cmpi slt, %rem3A_405, %lt3A_408 : i32
    %lt3A_410 = arith.constant 0 : i32
    %lt3A_411 = arith.cmpi slt, %select_n3A_404, %lt3A_410 : i32
    %ne3A_412 = arith.xori %lt3A_409, %lt3A_411 : i1
    %and3A_413 = arith.andi %ne3A_412, %ne3A_407 : i1
    %add3A_414 = arith.addi %rem3A_405, %select_n3A_404 : i32
    %select_n3A_415 = arith.select %and3A_413, %add3A_414, %rem3A_405 : i32
    %ne3A_416 = arith.constant 0 : i32
    %ne3A_417 = arith.cmpi ne, %select_n3A_415, %ne3A_416 : i32
    %convert_element_type3A_418 = arith.extui %ne3A_417 : i1 to i32
    %cond3A_419 = arith.constant 0 : i32
    %cond3A_420 = arith.cmpi ne, %convert_element_type3A_418, %cond3A_419 : i32
    scf.if %cond3A_420 {
      %get3A_421 = arith.constant 0 : index
      %get3A_422 = arith.constant 0 : index
      %get3A_423 = arith.constant 0 : index
      %get3A_424 = vector.load %arg9[%get3A_421, %get3A_422, %get3A_423] : memref<1x1x768xf32, #tpu.memory_space<vmem>>, vector<1x1x768xf32>
      %broadcast_in_dim3A_425 = vector.shape_cast %dot_general3A_381 : vector<1x768xf32> to vector<1x1x768xf32>
      %add3A_426 = arith.addf %get3A_424, %broadcast_in_dim3A_425 : vector<1x1x768xf32>
      %swap3A_427 = arith.constant 0 : index
      %swap3A_428 = arith.constant 0 : index
      %swap3A_429 = arith.constant 0 : index
      %swap3A_430 = vector.load %arg9[%swap3A_427, %swap3A_428, %swap3A_429] : memref<1x1x768xf32, #tpu.memory_space<vmem>>, vector<1x1x768xf32>
      tpu.vector_store %arg9[%swap3A_427, %swap3A_428, %swap3A_429], %add3A_426 {strides = array<i32>} : memref<1x1x768xf32, #tpu.memory_space<vmem>>, vector<1x1x768xf32>,
    } else {
    }
    return
  }
  func.func @transform_0(%arg0: i32) -> (i32, i32, i32) {
    %c0_i32 = arith.constant 0 : i32
    %c0_i32_0 = arith.constant 0 : i32
    %c0_i32_1 = arith.constant 0 : i32
    return %arg0, %c0_i32, %c0_i32_0 : i32, i32, i32
  }
  func.func @transform_1(%arg0: i32) -> (i32, i32, i32) {
    %c0_i32 = arith.constant 0 : i32
    %c0_i32_0 = arith.constant 0 : i32
    %c0_i32_1 = arith.constant 0 : i32
    return %arg0, %c0_i32, %c0_i32_0 : i32, i32, i32
  }
  func.func @transform_2(%arg0: i32) -> (i32, i32, i32) {
    %c0_i32 = arith.constant 0 : i32
    %c0_i32_0 = arith.constant 0 : i32
    %c0_i32_1 = arith.constant 0 : i32
    return %arg0, %c0_i32, %c0_i32_0 : i32, i32, i32
  }
  func.func @transform_3(%arg0: i32) -> (i32, i32, i32) {
    %c0_i32 = arith.constant 0 : i32
    %c0_i32_0 = arith.constant 0 : i32
    %c0_i32_1 = arith.constant 0 : i32
    return %arg0, %c0_i32, %c0_i32_0 : i32, i32, i32
  }
  func.func @transform_4(%arg0: i32) -> (i32, i32) {
    %jit3A = arith.constant 12 : i32
    %eq3A = arith.constant 0 : i32
    %eq3A_0 = arith.cmpi eq, %jit3A, %eq3A : i32
    %jit3A_1 = arith.constant 1 : i32
    %select_n3A = arith.select %eq3A_0, %jit3A_1, %jit3A : i32
    %rem3A = arith.remsi %arg0, %select_n3A : i32
    %ne3A = arith.constant 0 : i32
    %ne3A_2 = arith.cmpi ne, %rem3A, %ne3A : i32
    %lt3A = arith.constant 0 : i32
    %lt3A_3 = arith.cmpi slt, %rem3A, %lt3A : i32
    %lt3A_4 = arith.constant 0 : i32
    %lt3A_5 = arith.cmpi slt, %select_n3A, %lt3A_4 : i32
    %ne3A_6 = arith.xori %lt3A_3, %lt3A_5 : i1
    %and3A = arith.andi %ne3A_6, %ne3A_2 : i1
    %add3A = arith.addi %rem3A, %select_n3A : i32
    %select_n3A_7 = arith.select %and3A, %add3A, %rem3A : i32
    %c0_i32 = arith.constant 0 : i32
    %c0_i32_8 = arith.constant 0 : i32
    return %select_n3A_7, %c0_i32 : i32, i32
  }
  func.func @transform_5(%arg0: i32) -> (i32, i32) {
    %c0_i32 = arith.constant 0 : i32
    %c0_i32_0 = arith.constant 0 : i32
    %c0_i32_1 = arith.constant 0 : i32
    return %c0_i32, %c0_i32_0 : i32, i32
  }
  func.func @transform_6(%arg0: i32) -> (i32, i32, i32) {
    %c0_i32 = arith.constant 0 : i32
    %c0_i32_0 = arith.constant 0 : i32
    %c0_i32_1 = arith.constant 0 : i32
    return %arg0, %c0_i32, %c0_i32_0 : i32, i32, i32
  }
  func.func @transform_7(%arg0: i32) -> (i32, i32, i32) {
    %c0_i32 = arith.constant 0 : i32
    %c0_i32_0 = arith.constant 0 : i32
    %c0_i32_1 = arith.constant 0 : i32
    return %arg0, %c0_i32, %c0_i32_0 : i32, i32, i32
  }
  func.func @transform_8(%arg0: i32) -> (i32, i32, i32) {
    %jit3A = arith.constant 12 : i32
    %div3A = arith.divsi %arg0, %jit3A : i32
    %sign3A = arith.constant 0 : i32
    %sign3A_0 = arith.cmpi sgt, %arg0, %sign3A : i32
    %sign3A_1 = arith.extui %sign3A_0 : i1 to i32
    %sign3A_2 = arith.constant 0 : i32
    %sign3A_3 = arith.cmpi slt, %arg0, %sign3A_2 : i32
    %sign3A_4 = arith.extui %sign3A_3 : i1 to i32
    %sign3A_5 = arith.subi %sign3A_1, %sign3A_4 : i32
    %sign3A_6 = arith.constant 0 : i32
    %sign3A_7 = arith.cmpi sgt, %jit3A, %sign3A_6 : i32
    %sign3A_8 = arith.extui %sign3A_7 : i1 to i32
    %sign3A_9 = arith.constant 0 : i32
    %sign3A_10 = arith.cmpi slt, %jit3A, %sign3A_9 : i32
    %sign3A_11 = arith.extui %sign3A_10 : i1 to i32
    %sign3A_12 = arith.subi %sign3A_8, %sign3A_11 : i32
    %ne3A = arith.cmpi ne, %sign3A_5, %sign3A_12 : i32
    %rem3A = arith.remsi %arg0, %jit3A : i32
    %ne3A_13 = arith.constant 0 : i32
    %ne3A_14 = arith.cmpi ne, %rem3A, %ne3A_13 : i32
    %and3A = arith.andi %ne3A, %ne3A_14 : i1
    %sub3A = arith.constant 1 : i32
    %sub3A_15 = arith.subi %div3A, %sub3A : i32
    %select_n3A = arith.select %and3A, %sub3A_15, %div3A : i32
    %c0_i32 = arith.constant 0 : i32
    %c0_i32_16 = arith.constant 0 : i32
    %c0_i32_17 = arith.constant 0 : i32
    return %select_n3A, %c0_i32, %c0_i32_16 : i32, i32, i32
  }
}

module attributes {stable_mosaic.version = 14 : i64} {
  func.func @_ffn_body(%arg0: i32, %arg1: memref<1x384xi32, #tpu.memory_space<vmem>>, %arg2: memref<512x768xf32, #tpu.memory_space<vmem>>, %arg3: memref<1x1x768xf32, #tpu.memory_space<vmem>>, %arg4: memref<384x768xf32, #tpu.memory_space<vmem>>, %arg5: memref<768x768xbf16, #tpu.memory_space<vmem>>, %arg6: memref<1x768xf32, #tpu.memory_space<vmem>>, %arg7: memref<768x768xbf16, #tpu.memory_space<vmem>>, %arg8: memref<1x768xf32, #tpu.memory_space<vmem>>, %arg9: memref<1x768xf32, #tpu.memory_space<vmem>>, %arg10: memref<1x768xf32, #tpu.memory_space<vmem>>, %arg11: memref<1x768xf32, #tpu.memory_space<vmem>>, %arg12: memref<1x768xf32, #tpu.memory_space<vmem>>, %arg13: memref<512x768xf32, #tpu.memory_space<vmem>>) attributes {dimension_semantics = [#tpu.dimension_semantics<arbitrary>], iteration_bounds = array<i64: 16>, scalar_prefetch = 0 : i64, scratch_operands = 0 : i64, tpu.core_type = #tpu.core_type<tc>, window_params = [{pipeline_mode = #tpu.pipeline_mode<synchronous>, transform_indices = @transform_0, window_bounds = array<i64: 1, 384>}, {transform_indices = @transform_1, window_bounds = array<i64: 512, 768>}, {transform_indices = @transform_2, window_bounds = array<i64: 1, 1, 768>}, {pipeline_mode = #tpu.pipeline_mode<synchronous>, transform_indices = @transform_3, window_bounds = array<i64: 384, 768>}, {pipeline_mode = #tpu.pipeline_mode<synchronous>, transform_indices = @transform_4, window_bounds = array<i64: 768, 768>}, {pipeline_mode = #tpu.pipeline_mode<synchronous>, transform_indices = @transform_5, window_bounds = array<i64: 1, 768>}, {pipeline_mode = #tpu.pipeline_mode<synchronous>, transform_indices = @transform_6, window_bounds = array<i64: 768, 768>}, {pipeline_mode = #tpu.pipeline_mode<synchronous>, transform_indices = @transform_7, window_bounds = array<i64: 1, 768>}, {pipeline_mode = #tpu.pipeline_mode<synchronous>, transform_indices = @transform_8, window_bounds = array<i64: 1, 768>}, {pipeline_mode = #tpu.pipeline_mode<synchronous>, transform_indices = @transform_9, window_bounds = array<i64: 1, 768>}, {pipeline_mode = #tpu.pipeline_mode<synchronous>, transform_indices = @transform_10, window_bounds = array<i64: 1, 768>}, {pipeline_mode = #tpu.pipeline_mode<synchronous>, transform_indices = @transform_11, window_bounds = array<i64: 1, 768>}, {transform_indices = @transform_12, window_bounds = array<i64: 512, 768>}]} {
    %mul3A = arith.constant 512 : i32
    %mul3A_0 = arith.muli %arg0, %mul3A : i32
    %iota3A = tpu.iota {dimensions = array<i32: 0>} : vector<512x384xi32>
    %add3A = vector.broadcast %mul3A_0 : i32 to vector<512x384xi32>
    %add3A_1 = arith.addi %iota3A, %add3A : vector<512x384xi32>
    %get3A = arith.constant 0 : index
    %get3A_2 = arith.constant 0 : index
    %get3A_3 = vector.load %arg1[%get3A, %get3A_2] : memref<1x384xi32, #tpu.memory_space<vmem>>, vector<1x384xi32>
    %eq3A = vector.broadcast %get3A_3 : vector<1x384xi32> to vector<512x384xi32>
    %eq3A_4 = arith.cmpi eq, %add3A_1, %eq3A : vector<512x384xi32>
    %convert_element_type3A = arith.extui %eq3A_4 : vector<512x384xi1> to vector<512x384xi32>
    %convert_element_type3A_5 = arith.sitofp %convert_element_type3A : vector<512x384xi32> to vector<512x384xf32>
    %get3A_6 = arith.constant 0 : index
    %get3A_7 = arith.constant 0 : index
    %get3A_8 = vector.load %arg4[%get3A_6, %get3A_7] : memref<384x768xf32, #tpu.memory_space<vmem>>, vector<384x768xf32>
    %dot_general3A = arith.constant dense<0.000000e+00> : vector<512x768xf32>
    %dot_general3A_9 = tpu.matmul %convert_element_type3A_5, %get3A_8, %dot_general3A {dimension_numbers = #tpu.dot_dimension_numbers<[1], [0], [0], [1], [0, 0, 1, 1], [], []>, transpose_lhs_hint = false} : vector<512x384xf32>, vector<384x768xf32>, vector<512x768xf32> -> vector<512x768xf32>
    %get3A_10 = arith.constant 0 : index
    %get3A_11 = arith.constant 0 : index
    %get3A_12 = vector.load %arg2[%get3A_10, %get3A_11] : memref<512x768xf32, #tpu.memory_space<vmem>>, vector<512x768xf32>
    %get3A_13 = arith.constant 0 : index
    %get3A_14 = arith.constant 0 : index
    %get3A_15 = arith.constant 0 : index
    %get3A_16 = vector.load %arg3[%get3A_13, %get3A_14, %get3A_15] : memref<1x1x768xf32, #tpu.memory_space<vmem>>, vector<1x1x768xf32>
    %get3A_17 = vector.shape_cast %get3A_16 : vector<1x1x768xf32> to vector<1x768xf32>
    %add3A_18 = vector.broadcast %get3A_17 : vector<1x768xf32> to vector<512x768xf32>
    %add3A_19 = arith.addf %get3A_12, %add3A_18 : vector<512x768xf32>
    %add3A_20 = arith.addf %add3A_19, %dot_general3A_9 : vector<512x768xf32>
    %get3A_21 = arith.constant 0 : index
    %get3A_22 = arith.constant 0 : index
    %get3A_23 = vector.load %arg9[%get3A_21, %get3A_22] : memref<1x768xf32, #tpu.memory_space<vmem>>, vector<1x768xf32>
    %get3A_24 = arith.constant 0 : index
    %get3A_25 = arith.constant 0 : index
    %get3A_26 = vector.load %arg10[%get3A_24, %get3A_25] : memref<1x768xf32, #tpu.memory_space<vmem>>, vector<1x768xf32>
    %reduce_sum3A = arith.constant dense<0.000000e+00> : vector<512xf32>
    %reduce_sum3A_27 = vector.multi_reduction <add>, %add3A_20, %reduce_sum3A [1] : vector<512x768xf32> to vector<512xf32>
    %broadcast_in_dim3A = vector.shape_cast %reduce_sum3A_27 : vector<512xf32> to vector<512x1xf32>
    %div3A = arith.constant 7.680000e+02 : f32
    %div3A_28 = vector.broadcast %div3A : f32 to vector<512x1xf32>
    %div3A_29 = arith.divf %broadcast_in_dim3A, %div3A_28 : vector<512x1xf32>
    %sub3A = vector.broadcast %div3A_29 : vector<512x1xf32> to vector<512x768xf32>
    %sub3A_30 = arith.subf %add3A_20, %sub3A : vector<512x768xf32>
    %integer_pow3A = arith.mulf %sub3A_30, %sub3A_30 : vector<512x768xf32>
    %reduce_sum3A_31 = arith.constant dense<0.000000e+00> : vector<512xf32>
    %reduce_sum3A_32 = vector.multi_reduction <add>, %integer_pow3A, %reduce_sum3A_31 [1] : vector<512x768xf32> to vector<512xf32>
    %broadcast_in_dim3A_33 = vector.shape_cast %reduce_sum3A_32 : vector<512xf32> to vector<512x1xf32>
    %div3A_34 = arith.constant 7.680000e+02 : f32
    %div3A_35 = vector.broadcast %div3A_34 : f32 to vector<512x1xf32>
    %div3A_36 = arith.divf %broadcast_in_dim3A_33, %div3A_35 : vector<512x1xf32>
    %sub3A_37 = vector.broadcast %div3A_29 : vector<512x1xf32> to vector<512x768xf32>
    %sub3A_38 = arith.subf %add3A_20, %sub3A_37 : vector<512x768xf32>
    %add3A_39 = arith.constant 9.99999974E-6 : f32
    %add3A_40 = vector.broadcast %add3A_39 : f32 to vector<512x1xf32>
    %add3A_41 = arith.addf %div3A_36, %add3A_40 : vector<512x1xf32>
    %sqrt3A = math.sqrt %add3A_41 : vector<512x1xf32>
    %div3A_42 = vector.broadcast %sqrt3A : vector<512x1xf32> to vector<512x768xf32>
    %div3A_43 = arith.divf %sub3A_38, %div3A_42 : vector<512x768xf32>
    %mul3A_44 = vector.broadcast %get3A_23 : vector<1x768xf32> to vector<512x768xf32>
    %mul3A_45 = arith.mulf %div3A_43, %mul3A_44 : vector<512x768xf32>
    %add3A_46 = vector.broadcast %get3A_26 : vector<1x768xf32> to vector<512x768xf32>
    %add3A_47 = arith.addf %mul3A_45, %add3A_46 : vector<512x768xf32>
    %convert_element_type3A_48 = arith.truncf %add3A_47 : vector<512x768xf32> to vector<512x768xbf16>
    %get3A_49 = arith.constant 0 : index
    %get3A_50 = arith.constant 0 : index
    %get3A_51 = vector.load %arg5[%get3A_49, %get3A_50] : memref<768x768xbf16, #tpu.memory_space<vmem>>, vector<768x768xbf16>
    %dot_general3A_52 = arith.constant dense<0.000000e+00> : vector<512x768xf32>
    %dot_general3A_53 = tpu.matmul %convert_element_type3A_48, %get3A_51, %dot_general3A_52 {dimension_numbers = #tpu.dot_dimension_numbers<[1], [0], [0], [1], [0, 0, 1, 1], [], []>, transpose_lhs_hint = false} : vector<512x768xbf16>, vector<768x768xbf16>, vector<512x768xf32> -> vector<512x768xf32>
    %get3A_54 = arith.constant 0 : index
    %get3A_55 = arith.constant 0 : index
    %get3A_56 = vector.load %arg6[%get3A_54, %get3A_55] : memref<1x768xf32, #tpu.memory_space<vmem>>, vector<1x768xf32>
    %add3A_57 = vector.broadcast %get3A_56 : vector<1x768xf32> to vector<512x768xf32>
    %add3A_58 = arith.addf %dot_general3A_53, %add3A_57 : vector<512x768xf32>
    %max3A = arith.constant 0.000000e+00 : f32
    %max3A_59 = vector.broadcast %max3A : f32 to vector<512x768xf32>
    %max3A_60 = arith.maximumf %add3A_58, %max3A_59 : vector<512x768xf32>
    %convert_element_type3A_61 = arith.truncf %max3A_60 : vector<512x768xf32> to vector<512x768xbf16>
    %get3A_62 = arith.constant 0 : index
    %get3A_63 = arith.constant 0 : index
    %get3A_64 = vector.load %arg7[%get3A_62, %get3A_63] : memref<768x768xbf16, #tpu.memory_space<vmem>>, vector<768x768xbf16>
    %dot_general3A_65 = arith.constant dense<0.000000e+00> : vector<512x768xf32>
    %dot_general3A_66 = tpu.matmul %convert_element_type3A_61, %get3A_64, %dot_general3A_65 {dimension_numbers = #tpu.dot_dimension_numbers<[1], [0], [0], [1], [0, 0, 1, 1], [], []>, transpose_lhs_hint = false} : vector<512x768xbf16>, vector<768x768xbf16>, vector<512x768xf32> -> vector<512x768xf32>
    %get3A_67 = arith.constant 0 : index
    %get3A_68 = arith.constant 0 : index
    %get3A_69 = vector.load %arg8[%get3A_67, %get3A_68] : memref<1x768xf32, #tpu.memory_space<vmem>>, vector<1x768xf32>
    %add3A_70 = vector.broadcast %get3A_69 : vector<1x768xf32> to vector<512x768xf32>
    %add3A_71 = arith.addf %dot_general3A_66, %add3A_70 : vector<512x768xf32>
    %add3A_72 = arith.addf %add3A_47, %add3A_71 : vector<512x768xf32>
    %get3A_73 = arith.constant 0 : index
    %get3A_74 = arith.constant 0 : index
    %get3A_75 = vector.load %arg11[%get3A_73, %get3A_74] : memref<1x768xf32, #tpu.memory_space<vmem>>, vector<1x768xf32>
    %get3A_76 = arith.constant 0 : index
    %get3A_77 = arith.constant 0 : index
    %get3A_78 = vector.load %arg12[%get3A_76, %get3A_77] : memref<1x768xf32, #tpu.memory_space<vmem>>, vector<1x768xf32>
    %reduce_sum3A_79 = arith.constant dense<0.000000e+00> : vector<512xf32>
    %reduce_sum3A_80 = vector.multi_reduction <add>, %add3A_72, %reduce_sum3A_79 [1] : vector<512x768xf32> to vector<512xf32>
    %broadcast_in_dim3A_81 = vector.shape_cast %reduce_sum3A_80 : vector<512xf32> to vector<512x1xf32>
    %div3A_82 = arith.constant 7.680000e+02 : f32
    %div3A_83 = vector.broadcast %div3A_82 : f32 to vector<512x1xf32>
    %div3A_84 = arith.divf %broadcast_in_dim3A_81, %div3A_83 : vector<512x1xf32>
    %sub3A_85 = vector.broadcast %div3A_84 : vector<512x1xf32> to vector<512x768xf32>
    %sub3A_86 = arith.subf %add3A_72, %sub3A_85 : vector<512x768xf32>
    %integer_pow3A_87 = arith.mulf %sub3A_86, %sub3A_86 : vector<512x768xf32>
    %reduce_sum3A_88 = arith.constant dense<0.000000e+00> : vector<512xf32>
    %reduce_sum3A_89 = vector.multi_reduction <add>, %integer_pow3A_87, %reduce_sum3A_88 [1] : vector<512x768xf32> to vector<512xf32>
    %broadcast_in_dim3A_90 = vector.shape_cast %reduce_sum3A_89 : vector<512xf32> to vector<512x1xf32>
    %div3A_91 = arith.constant 7.680000e+02 : f32
    %div3A_92 = vector.broadcast %div3A_91 : f32 to vector<512x1xf32>
    %div3A_93 = arith.divf %broadcast_in_dim3A_90, %div3A_92 : vector<512x1xf32>
    %sub3A_94 = vector.broadcast %div3A_84 : vector<512x1xf32> to vector<512x768xf32>
    %sub3A_95 = arith.subf %add3A_72, %sub3A_94 : vector<512x768xf32>
    %add3A_96 = arith.constant 9.99999974E-6 : f32
    %add3A_97 = vector.broadcast %add3A_96 : f32 to vector<512x1xf32>
    %add3A_98 = arith.addf %div3A_93, %add3A_97 : vector<512x1xf32>
    %sqrt3A_99 = math.sqrt %add3A_98 : vector<512x1xf32>
    %div3A_100 = vector.broadcast %sqrt3A_99 : vector<512x1xf32> to vector<512x768xf32>
    %div3A_101 = arith.divf %sub3A_95, %div3A_100 : vector<512x768xf32>
    %mul3A_102 = vector.broadcast %get3A_75 : vector<1x768xf32> to vector<512x768xf32>
    %mul3A_103 = arith.mulf %div3A_101, %mul3A_102 : vector<512x768xf32>
    %add3A_104 = vector.broadcast %get3A_78 : vector<1x768xf32> to vector<512x768xf32>
    %add3A_105 = arith.addf %mul3A_103, %add3A_104 : vector<512x768xf32>
    %swap3A = arith.constant 0 : index
    %swap3A_106 = arith.constant 0 : index
    %swap3A_107 = vector.load %arg13[%swap3A, %swap3A_106] : memref<512x768xf32, #tpu.memory_space<vmem>>, vector<512x768xf32>
    tpu.vector_store %arg13[%swap3A, %swap3A_106], %add3A_105 {strides = array<i32>} : memref<512x768xf32, #tpu.memory_space<vmem>>, vector<512x768xf32>,
    return
  }
  func.func @transform_0(%arg0: i32) -> (i32, i32) {
    %c0_i32 = arith.constant 0 : i32
    %c0_i32_0 = arith.constant 0 : i32
    %c0_i32_1 = arith.constant 0 : i32
    return %c0_i32, %c0_i32_0 : i32, i32
  }
  func.func @transform_1(%arg0: i32) -> (i32, i32) {
    %c0_i32 = arith.constant 0 : i32
    %c0_i32_0 = arith.constant 0 : i32
    return %arg0, %c0_i32 : i32, i32
  }
  func.func @transform_2(%arg0: i32) -> (i32, i32, i32) {
    %jit3A = arith.constant 8 : i32
    %div3A = arith.divsi %arg0, %jit3A : i32
    %sign3A = arith.constant 0 : i32
    %sign3A_0 = arith.cmpi sgt, %arg0, %sign3A : i32
    %sign3A_1 = arith.extui %sign3A_0 : i1 to i32
    %sign3A_2 = arith.constant 0 : i32
    %sign3A_3 = arith.cmpi slt, %arg0, %sign3A_2 : i32
    %sign3A_4 = arith.extui %sign3A_3 : i1 to i32
    %sign3A_5 = arith.subi %sign3A_1, %sign3A_4 : i32
    %sign3A_6 = arith.constant 0 : i32
    %sign3A_7 = arith.cmpi sgt, %jit3A, %sign3A_6 : i32
    %sign3A_8 = arith.extui %sign3A_7 : i1 to i32
    %sign3A_9 = arith.constant 0 : i32
    %sign3A_10 = arith.cmpi slt, %jit3A, %sign3A_9 : i32
    %sign3A_11 = arith.extui %sign3A_10 : i1 to i32
    %sign3A_12 = arith.subi %sign3A_8, %sign3A_11 : i32
    %ne3A = arith.cmpi ne, %sign3A_5, %sign3A_12 : i32
    %rem3A = arith.remsi %arg0, %jit3A : i32
    %ne3A_13 = arith.constant 0 : i32
    %ne3A_14 = arith.cmpi ne, %rem3A, %ne3A_13 : i32
    %and3A = arith.andi %ne3A, %ne3A_14 : i1
    %sub3A = arith.constant 1 : i32
    %sub3A_15 = arith.subi %div3A, %sub3A : i32
    %select_n3A = arith.select %and3A, %sub3A_15, %div3A : i32
    %c0_i32 = arith.constant 0 : i32
    %c0_i32_16 = arith.constant 0 : i32
    %c0_i32_17 = arith.constant 0 : i32
    return %select_n3A, %c0_i32, %c0_i32_16 : i32, i32, i32
  }
  func.func @transform_3(%arg0: i32) -> (i32, i32) {
    %c0_i32 = arith.constant 0 : i32
    %c0_i32_0 = arith.constant 0 : i32
    %c0_i32_1 = arith.constant 0 : i32
    return %c0_i32, %c0_i32_0 : i32, i32
  }
  func.func @transform_4(%arg0: i32) -> (i32, i32) {
    %c0_i32 = arith.constant 0 : i32
    %c0_i32_0 = arith.constant 0 : i32
    %c0_i32_1 = arith.constant 0 : i32
    return %c0_i32, %c0_i32_0 : i32, i32
  }
  func.func @transform_5(%arg0: i32) -> (i32, i32) {
    %c0_i32 = arith.constant 0 : i32
    %c0_i32_0 = arith.constant 0 : i32
    %c0_i32_1 = arith.constant 0 : i32
    return %c0_i32, %c0_i32_0 : i32, i32
  }
  func.func @transform_6(%arg0: i32) -> (i32, i32) {
    %c0_i32 = arith.constant 0 : i32
    %c0_i32_0 = arith.constant 0 : i32
    %c0_i32_1 = arith.constant 0 : i32
    return %c0_i32, %c0_i32_0 : i32, i32
  }
  func.func @transform_7(%arg0: i32) -> (i32, i32) {
    %c0_i32 = arith.constant 0 : i32
    %c0_i32_0 = arith.constant 0 : i32
    %c0_i32_1 = arith.constant 0 : i32
    return %c0_i32, %c0_i32_0 : i32, i32
  }
  func.func @transform_8(%arg0: i32) -> (i32, i32) {
    %c0_i32 = arith.constant 0 : i32
    %c0_i32_0 = arith.constant 0 : i32
    %c0_i32_1 = arith.constant 0 : i32
    return %c0_i32, %c0_i32_0 : i32, i32
  }
  func.func @transform_9(%arg0: i32) -> (i32, i32) {
    %c0_i32 = arith.constant 0 : i32
    %c0_i32_0 = arith.constant 0 : i32
    %c0_i32_1 = arith.constant 0 : i32
    return %c0_i32, %c0_i32_0 : i32, i32
  }
  func.func @transform_10(%arg0: i32) -> (i32, i32) {
    %c0_i32 = arith.constant 0 : i32
    %c0_i32_0 = arith.constant 0 : i32
    %c0_i32_1 = arith.constant 0 : i32
    return %c0_i32, %c0_i32_0 : i32, i32
  }
  func.func @transform_11(%arg0: i32) -> (i32, i32) {
    %c0_i32 = arith.constant 0 : i32
    %c0_i32_0 = arith.constant 0 : i32
    %c0_i32_1 = arith.constant 0 : i32
    return %c0_i32, %c0_i32_0 : i32, i32
  }
  func.func @transform_12(%arg0: i32) -> (i32, i32) {
    %c0_i32 = arith.constant 0 : i32
    %c0_i32_0 = arith.constant 0 : i32
    return %arg0, %c0_i32 : i32, i32
  }
}

module attributes {stable_mosaic.version = 14 : i64} {
  func.func @_final_body(%arg0: i32, %arg1: memref<512x768xf32, #tpu.memory_space<vmem>>, %arg2: memref<512x1xf32, #tpu.memory_space<vmem>>, %arg3: memref<1x768xf32, #tpu.memory_space<vmem>>, %arg4: memref<1x768xf32, #tpu.memory_space<vmem>>, %arg5: memref<768x10xf32, #tpu.memory_space<vmem>>, %arg6: memref<1x10xf32, #tpu.memory_space<vmem>>, %arg7: memref<1x1x10xf32, #tpu.memory_space<vmem>>, %arg8: memref<1x768xf32, #tpu.memory_space<vmem>>) attributes {dimension_semantics = [#tpu.dimension_semantics<arbitrary>], iteration_bounds = array<i64: 16>, scalar_prefetch = 0 : i64, scratch_operands = 1 : i64, tpu.core_type = #tpu.core_type<tc>, window_params = [{transform_indices = @transform_0, window_bounds = array<i64: 512, 768>}, {transform_indices = @transform_1, window_bounds = array<i64: 512, 1>}, {pipeline_mode = #tpu.pipeline_mode<synchronous>, transform_indices = @transform_2, window_bounds = array<i64: 1, 768>}, {pipeline_mode = #tpu.pipeline_mode<synchronous>, transform_indices = @transform_3, window_bounds = array<i64: 1, 768>}, {pipeline_mode = #tpu.pipeline_mode<synchronous>, transform_indices = @transform_4, window_bounds = array<i64: 768, 10>}, {pipeline_mode = #tpu.pipeline_mode<synchronous>, transform_indices = @transform_5, window_bounds = array<i64: 1, 10>}, {transform_indices = @transform_6, window_bounds = array<i64: 1, 1, 10>}]} {
    %jit3A = arith.constant 8 : i32
    %eq3A = arith.constant 0 : i32
    %eq3A_0 = arith.cmpi eq, %jit3A, %eq3A : i32
    %jit3A_1 = arith.constant 1 : i32
    %select_n3A = arith.select %eq3A_0, %jit3A_1, %jit3A : i32
    %rem3A = arith.remsi %arg0, %select_n3A : i32
    %ne3A = arith.constant 0 : i32
    %ne3A_2 = arith.cmpi ne, %rem3A, %ne3A : i32
    %lt3A = arith.constant 0 : i32
    %lt3A_3 = arith.cmpi slt, %rem3A, %lt3A : i32
    %lt3A_4 = arith.constant 0 : i32
    %lt3A_5 = arith.cmpi slt, %select_n3A, %lt3A_4 : i32
    %ne3A_6 = arith.xori %lt3A_3, %lt3A_5 : i1
    %and3A = arith.andi %ne3A_6, %ne3A_2 : i1
    %add3A = arith.addi %rem3A, %select_n3A : i32
    %select_n3A_7 = arith.select %and3A, %add3A, %rem3A : i32
    %eq3A_8 = arith.constant 0 : i32
    %eq3A_9 = arith.cmpi eq, %select_n3A_7, %eq3A_8 : i32
    %convert_element_type3A = arith.extui %eq3A_9 : i1 to i32
    %cond3A = arith.constant 0 : i32
    %cond3A_10 = arith.cmpi ne, %convert_element_type3A, %cond3A : i32
    scf.if %cond3A_10 {
      %broadcast_in_dim3A_84 = arith.constant 0.000000e+00 : f32
      %broadcast_in_dim3A_85 = vector.broadcast %broadcast_in_dim3A_84 : f32 to vector<1x768xf32>
      %swap3A_86 = arith.constant 0 : index
      %swap3A_87 = arith.constant 0 : index
      %swap3A_88 = vector.load %arg8[%swap3A_86, %swap3A_87] : memref<1x768xf32, #tpu.memory_space<vmem>>, vector<1x768xf32>
      tpu.vector_store %arg8[%swap3A_86, %swap3A_87], %broadcast_in_dim3A_85 {strides = array<i32>} : memref<1x768xf32, #tpu.memory_space<vmem>>, vector<1x768xf32>,
    } else {
    }
    %get3A = arith.constant 0 : index
    %get3A_11 = arith.constant 0 : index
    %get3A_12 = vector.load %arg1[%get3A, %get3A_11] : memref<512x768xf32, #tpu.memory_space<vmem>>, vector<512x768xf32>
    %get3A_13 = arith.constant 0 : index
    %get3A_14 = arith.constant 0 : index
    %get3A_15 = vector.load %arg3[%get3A_13, %get3A_14] : memref<1x768xf32, #tpu.memory_space<vmem>>, vector<1x768xf32>
    %get3A_16 = arith.constant 0 : index
    %get3A_17 = arith.constant 0 : index
    %get3A_18 = vector.load %arg4[%get3A_16, %get3A_17] : memref<1x768xf32, #tpu.memory_space<vmem>>, vector<1x768xf32>
    %reduce_sum3A = arith.constant dense<0.000000e+00> : vector<512xf32>
    %reduce_sum3A_19 = vector.multi_reduction <add>, %get3A_12, %reduce_sum3A [1] : vector<512x768xf32> to vector<512xf32>
    %broadcast_in_dim3A = vector.shape_cast %reduce_sum3A_19 : vector<512xf32> to vector<512x1xf32>
    %div3A = arith.constant 7.680000e+02 : f32
    %div3A_20 = vector.broadcast %div3A : f32 to vector<512x1xf32>
    %div3A_21 = arith.divf %broadcast_in_dim3A, %div3A_20 : vector<512x1xf32>
    %sub3A = vector.broadcast %div3A_21 : vector<512x1xf32> to vector<512x768xf32>
    %sub3A_22 = arith.subf %get3A_12, %sub3A : vector<512x768xf32>
    %integer_pow3A = arith.mulf %sub3A_22, %sub3A_22 : vector<512x768xf32>
    %reduce_sum3A_23 = arith.constant dense<0.000000e+00> : vector<512xf32>
    %reduce_sum3A_24 = vector.multi_reduction <add>, %integer_pow3A, %reduce_sum3A_23 [1] : vector<512x768xf32> to vector<512xf32>
    %broadcast_in_dim3A_25 = vector.shape_cast %reduce_sum3A_24 : vector<512xf32> to vector<512x1xf32>
    %div3A_26 = arith.constant 7.680000e+02 : f32
    %div3A_27 = vector.broadcast %div3A_26 : f32 to vector<512x1xf32>
    %div3A_28 = arith.divf %broadcast_in_dim3A_25, %div3A_27 : vector<512x1xf32>
    %sub3A_29 = vector.broadcast %div3A_21 : vector<512x1xf32> to vector<512x768xf32>
    %sub3A_30 = arith.subf %get3A_12, %sub3A_29 : vector<512x768xf32>
    %add3A_31 = arith.constant 9.99999974E-6 : f32
    %add3A_32 = vector.broadcast %add3A_31 : f32 to vector<512x1xf32>
    %add3A_33 = arith.addf %div3A_28, %add3A_32 : vector<512x1xf32>
    %sqrt3A = math.sqrt %add3A_33 : vector<512x1xf32>
    %div3A_34 = vector.broadcast %sqrt3A : vector<512x1xf32> to vector<512x768xf32>
    %div3A_35 = arith.divf %sub3A_30, %div3A_34 : vector<512x768xf32>
    %mul3A = vector.broadcast %get3A_15 : vector<1x768xf32> to vector<512x768xf32>
    %mul3A_36 = arith.mulf %div3A_35, %mul3A : vector<512x768xf32>
    %add3A_37 = vector.broadcast %get3A_18 : vector<1x768xf32> to vector<512x768xf32>
    %add3A_38 = arith.addf %mul3A_36, %add3A_37 : vector<512x768xf32>
    %mul3A_39 = arith.constant 5.000000e-01 : f32
    %mul3A_40 = vector.broadcast %mul3A_39 : f32 to vector<512x768xf32>
    %mul3A_41 = arith.mulf %add3A_38, %mul3A_40 : vector<512x768xf32>
    %mul3A_42 = arith.constant 0.707106769 : f32
    %mul3A_43 = vector.broadcast %mul3A_42 : f32 to vector<512x768xf32>
    %mul3A_44 = arith.mulf %add3A_38, %mul3A_43 : vector<512x768xf32>
    %erf3A = math.erf %mul3A_44 : vector<512x768xf32>
    %add3A_45 = arith.constant 1.000000e+00 : f32
    %add3A_46 = vector.broadcast %add3A_45 : f32 to vector<512x768xf32>
    %add3A_47 = arith.addf %add3A_46, %erf3A : vector<512x768xf32>
    %mul3A_48 = arith.mulf %mul3A_41, %add3A_47 : vector<512x768xf32>
    %get3A_49 = arith.constant 0 : index
    %get3A_50 = arith.constant 0 : index
    %get3A_51 = vector.load %arg8[%get3A_49, %get3A_50] : memref<1x768xf32, #tpu.memory_space<vmem>>, vector<1x768xf32>
    %get3A_52 = arith.constant 0 : index
    %get3A_53 = arith.constant 0 : index
    %get3A_54 = vector.load %arg2[%get3A_52, %get3A_53] : memref<512x1xf32, #tpu.memory_space<vmem>>, vector<512x1xf32>
    %mul3A_55 = vector.broadcast %get3A_54 : vector<512x1xf32> to vector<512x768xf32>
    %mul3A_56 = arith.mulf %mul3A_48, %mul3A_55 : vector<512x768xf32>
    %reduce_sum3A_57 = arith.constant dense<0.000000e+00> : vector<768xf32>
    %reduce_sum3A_58 = vector.multi_reduction <add>, %mul3A_56, %reduce_sum3A_57 [0] : vector<512x768xf32> to vector<768xf32>
    %broadcast_in_dim3A_59 = vector.shape_cast %reduce_sum3A_58 : vector<768xf32> to vector<1x768xf32>
    %add3A_60 = arith.addf %get3A_51, %broadcast_in_dim3A_59 : vector<1x768xf32>
    %swap3A = arith.constant 0 : index
    %swap3A_61 = arith.constant 0 : index
    %swap3A_62 = vector.load %arg8[%swap3A, %swap3A_61] : memref<1x768xf32, #tpu.memory_space<vmem>>, vector<1x768xf32>
    tpu.vector_store %arg8[%swap3A, %swap3A_61], %add3A_60 {strides = array<i32>} : memref<1x768xf32, #tpu.memory_space<vmem>>, vector<1x768xf32>,
    %jit3A_63 = arith.constant 8 : i32
    %eq3A_64 = arith.constant 0 : i32
    %eq3A_65 = arith.cmpi eq, %jit3A_63, %eq3A_64 : i32
    %jit3A_66 = arith.constant 1 : i32
    %select_n3A_67 = arith.select %eq3A_65, %jit3A_66, %jit3A_63 : i32
    %rem3A_68 = arith.remsi %arg0, %select_n3A_67 : i32
    %ne3A_69 = arith.constant 0 : i32
    %ne3A_70 = arith.cmpi ne, %rem3A_68, %ne3A_69 : i32
    %lt3A_71 = arith.constant 0 : i32
    %lt3A_72 = arith.cmpi slt, %rem3A_68, %lt3A_71 : i32
    %lt3A_73 = arith.constant 0 : i32
    %lt3A_74 = arith.cmpi slt, %select_n3A_67, %lt3A_73 : i32
    %ne3A_75 = arith.xori %lt3A_72, %lt3A_74 : i1
    %and3A_76 = arith.andi %ne3A_75, %ne3A_70 : i1
    %add3A_77 = arith.addi %rem3A_68, %select_n3A_67 : i32
    %select_n3A_78 = arith.select %and3A_76, %add3A_77, %rem3A_68 : i32
    %eq3A_79 = arith.constant 7 : i32
    %eq3A_80 = arith.cmpi eq, %select_n3A_78, %eq3A_79 : i32
    %convert_element_type3A_81 = arith.extui %eq3A_80 : i1 to i32
    %cond3A_82 = arith.constant 0 : i32
    %cond3A_83 = arith.cmpi ne, %convert_element_type3A_81, %cond3A_82 : i32
    scf.if %cond3A_83 {
      %get3A_84 = arith.constant 0 : index
      %get3A_85 = arith.constant 0 : index
      %get3A_86 = vector.load %arg8[%get3A_84, %get3A_85] : memref<1x768xf32, #tpu.memory_space<vmem>>, vector<1x768xf32>
      %mul3A_87 = arith.constant 2.44140625E-4 : f32
      %mul3A_88 = vector.broadcast %mul3A_87 : f32 to vector<1x768xf32>
      %mul3A_89 = arith.mulf %get3A_86, %mul3A_88 : vector<1x768xf32>
      %get3A_90 = arith.constant 0 : index
      %get3A_91 = arith.constant 0 : index
      %get3A_92 = vector.load %arg5[%get3A_90, %get3A_91] : memref<768x10xf32, #tpu.memory_space<vmem>>, vector<768x10xf32>
      %dot_general3A = arith.constant dense<0.000000e+00> : vector<1x10xf32>
      %dot_general3A_93 = tpu.matmul %mul3A_89, %get3A_92, %dot_general3A {dimension_numbers = #tpu.dot_dimension_numbers<[1], [0], [0], [1], [0, 0, 1, 1], [], []>, transpose_lhs_hint = false} : vector<1x768xf32>, vector<768x10xf32>, vector<1x10xf32> -> vector<1x10xf32>
      %get3A_94 = arith.constant 0 : index
      %get3A_95 = arith.constant 0 : index
      %get3A_96 = vector.load %arg6[%get3A_94, %get3A_95] : memref<1x10xf32, #tpu.memory_space<vmem>>, vector<1x10xf32>
      %add3A_97 = arith.addf %dot_general3A_93, %get3A_96 : vector<1x10xf32>
      %broadcast_in_dim3A_98 = vector.shape_cast %add3A_97 : vector<1x10xf32> to vector<1x1x10xf32>
      %swap3A_99 = arith.constant 0 : index
      %swap3A_100 = arith.constant 0 : index
      %swap3A_101 = arith.constant 0 : index
      %swap3A_102 = vector.load %arg7[%swap3A_99, %swap3A_100, %swap3A_101] : memref<1x1x10xf32, #tpu.memory_space<vmem>>, vector<1x1x10xf32>
      tpu.vector_store %arg7[%swap3A_99, %swap3A_100, %swap3A_101], %broadcast_in_dim3A_98 {strides = array<i32>} : memref<1x1x10xf32, #tpu.memory_space<vmem>>, vector<1x1x10xf32>,
    } else {
    }
    return
  }
  func.func @transform_0(%arg0: i32) -> (i32, i32) {
    %c0_i32 = arith.constant 0 : i32
    %c0_i32_0 = arith.constant 0 : i32
    return %arg0, %c0_i32 : i32, i32
  }
  func.func @transform_1(%arg0: i32) -> (i32, i32) {
    %c0_i32 = arith.constant 0 : i32
    %c0_i32_0 = arith.constant 0 : i32
    return %arg0, %c0_i32 : i32, i32
  }
  func.func @transform_2(%arg0: i32) -> (i32, i32) {
    %c0_i32 = arith.constant 0 : i32
    %c0_i32_0 = arith.constant 0 : i32
    %c0_i32_1 = arith.constant 0 : i32
    return %c0_i32, %c0_i32_0 : i32, i32
  }
  func.func @transform_3(%arg0: i32) -> (i32, i32) {
    %c0_i32 = arith.constant 0 : i32
    %c0_i32_0 = arith.constant 0 : i32
    %c0_i32_1 = arith.constant 0 : i32
    return %c0_i32, %c0_i32_0 : i32, i32
  }
  func.func @transform_4(%arg0: i32) -> (i32, i32) {
    %c0_i32 = arith.constant 0 : i32
    %c0_i32_0 = arith.constant 0 : i32
    %c0_i32_1 = arith.constant 0 : i32
    return %c0_i32, %c0_i32_0 : i32, i32
  }
  func.func @transform_5(%arg0: i32) -> (i32, i32) {
    %c0_i32 = arith.constant 0 : i32
    %c0_i32_0 = arith.constant 0 : i32
    %c0_i32_1 = arith.constant 0 : i32
    return %c0_i32, %c0_i32_0 : i32, i32
  }
  func.func @transform_6(%arg0: i32) -> (i32, i32, i32) {
    %jit3A = arith.constant 8 : i32
    %div3A = arith.divsi %arg0, %jit3A : i32
    %sign3A = arith.constant 0 : i32
    %sign3A_0 = arith.cmpi sgt, %arg0, %sign3A : i32
    %sign3A_1 = arith.extui %sign3A_0 : i1 to i32
    %sign3A_2 = arith.constant 0 : i32
    %sign3A_3 = arith.cmpi slt, %arg0, %sign3A_2 : i32
    %sign3A_4 = arith.extui %sign3A_3 : i1 to i32
    %sign3A_5 = arith.subi %sign3A_1, %sign3A_4 : i32
    %sign3A_6 = arith.constant 0 : i32
    %sign3A_7 = arith.cmpi sgt, %jit3A, %sign3A_6 : i32
    %sign3A_8 = arith.extui %sign3A_7 : i1 to i32
    %sign3A_9 = arith.constant 0 : i32
    %sign3A_10 = arith.cmpi slt, %jit3A, %sign3A_9 : i32
    %sign3A_11 = arith.extui %sign3A_10 : i1 to i32
    %sign3A_12 = arith.subi %sign3A_8, %sign3A_11 : i32
    %ne3A = arith.cmpi ne, %sign3A_5, %sign3A_12 : i32
    %rem3A = arith.remsi %arg0, %jit3A : i32
    %ne3A_13 = arith.constant 0 : i32
    %ne3A_14 = arith.cmpi ne, %rem3A, %ne3A_13 : i32
    %and3A = arith.andi %ne3A, %ne3A_14 : i1
    %sub3A = arith.constant 1 : i32
    %sub3A_15 = arith.subi %div3A, %sub3A : i32
    %select_n3A = arith.select %and3A, %sub3A_15, %div3A : i32
    %c0_i32 = arith.constant 0 : i32
    %c0_i32_16 = arith.constant 0 : i32
    %c0_i32_17 = arith.constant 0 : i32
    return %select_n3A, %c0_i32, %c0_i32_16 : i32, i32, i32
  }
}

</mosaic_0001>

<sc_bundles>
// kernel: kernel.12.cloned.1.call-start
scs
__scs_entry_jumppad:
0x0: {  	(pc) =	sbr.rel $0x88, $3  }
0x1: {  	(tag) =	ssettag $0x0;
	lr =	simm.s32 $0x1  }
0x2: {  	[smem:$0x3F7A] =	sst lr;
	_ =	strace $0xD0000000  }
0x3: {  	_ = 	snop  }
0x4: {  	_ = 	snop  }
0x5: {  	_ = 	snop  }
0x6: {  	_ = 	snop  }
0x7: {  	_ = 	snop  }
__scs_overlays_trampoline_lowered:
0x8: {  	[smem:$0x3F89] =	sst s0  }
0x9: {  	[smem:$0x3F8A] =	sst s1  }
0xa: {  	[smem:$0x3F8B] =	sst s2  }
0xb: {  	[smem:$0x3F8C] =	sst s3  }
0xc: {  	[smem:$0x3F8D] =	sst s4  }
0xd: {  	[smem:$0x3F8E] =	sst s5  }
0xe: {  	[smem:$0x3F8F] =	sst s6  }
0xf: {  	[smem:$0x3F90] =	sst s7  }
0x10: {  	[smem:$0x3F91] =	sst s8  }
0x11: {  	[smem:$0x3F92] =	sst s9;
	s0 =	simm.s32 @!p0 $0x0  }
0x12: {  	s1 =	sld [smem:$0x3F78];
	s0 =	simm.s32 @p0 $0x1  }
0x13: {  	[smem:$0x3F93] =	sst s0;
	s0 =	simm.s32 @!p1 $0x0  }
0x14: {  	s2 =	sld [smem:$0x3F77];
	s0 =	simm.s32 @p1 $0x1  }
0x15: {  	[smem:$0x3F94] =	sst s0;
	s0 =	simm.s32 @!p2 $0x0  }
0x16: {  	s3 =	sld [smem:$0x3FDB];
	s0 =	simm.s32 @p2 $0x1  }
0x17: {  	s4 =	simm.s32 $0x1BF5;
	[smem:$0x3F96] =	sst s0  }
0x18: {  	s0 =	sld [smem:$0x3F79];
	_ =	swait.ge [sflag:s4], $0x0  }
0x19: {  	s7 =	sld [smem:$0x3F7A]  }
0x1a: {  	s8 =	sadd.s32 $0xFFFFE003, lr  }
0x1b: {  	s9 =	sadd.s32 $0xFFFFFEF7, lr;
	s5 =	simm.s32 $0xFFFFFFFF;
	p2 =	slt.u32 s8, $0xFFFFF086  }
0x1c: {  	p1 =	slt.u32 s9, $0xF7A;
	s5 =	simm.s32 @!p2 $0x0  }
0x1d: {  	s5 =	simm.s32 @p1 $0x1;
	p0 =	seq.s32 s7, s2  }
0x1e: {  	s7 =	smul.u32 @!p0 $0xF7A, s2;
	p2 =	seq.s32 @!p0 s5, $0x0  }
0x1f: {  	s9 =	smul.u32 $0xF7A, s1;
	s8 =	simm.s32 @!p0 $0x1BF5;
	p2 =	por !p2, p0  }
0x20: {  	[sflag:s8] =	ssyncset.s32 @!p0 $0xFFFFF086;
	s6 =	sadd.s32 @!p0 s3, s7;
	s7 =	simm.s32 @!p0 $0x108  }
0x21: {  	s3 =	sadd.s32 s3, s9;
	s6 =	sadd.s32 @!p0 $0x88, s6;
	s7 =	simm.s32 @p2 $0x1082  }
0x22: {  	[simem:s7], [sflag:s8] =	dma.local @!p0 [hbm:s6], $0xF7A  }
0x23: {  	s9 =	sor.u32 $0xD0000000, s2;
	s6 =	simm.s32 $0x108;
	_ =	swait.ge @!p0 [sflag:s8], $0x0  }
0x24: {  	s3 =	sadd.s32 $0x88, s3;
	s6 =	simm.s32 @!p1 $0x1082;
	[sflag:s4] =	ssyncset.s32 $0xFFFFF086  }
0x25: {  	[simem:s6], [sflag:s4] =	dma.local [hbm:s3], $0xF7A  }
0x26: {  	[smem:$0x3F7A] =	sst s1;
	(tag) =	ssettag s2;
	_ =	strace s9  }
0x27: {  	s1 =	sld [smem:$0x3F8A]  }
0x28: {  	s2 =	sld [smem:$0x3F8B]  }
0x29: {  	s4 =	sld [smem:$0x3F8D]  }
0x2a: {  	p0 =	seq.s32 s5, $0x0;
	s5 =	sld [smem:$0x3F8E]  }
0x2b: {  	s6 =	sld [smem:$0x3F8F]  }
0x2c: {  	s7 =	sld [smem:$0x3F90]  }
0x2d: {  	s3 =	simm.s32 $0x108;
	s8 =	sld [smem:$0x3F91]  }
0x2e: {  	s3 =	simm.s32 @!p0 $0x1082;
	s9 =	sld [smem:$0x3F92]  }
0x2f: {  	lr =	sadd.s32 s0, s3;
	s0 =	sld [smem:$0x3F89]  }
0x30: {  	s3 =	sld [smem:$0x3F8C]  }
0x31: {  	[smem:$0x3F95] =	sst s10  }
0x32: {  	s10 =	sld [smem:$0x3F93];
	_ =	sdelay $0x3  }
0x33: {  	p0 =	seq.s32 s10, $0x1;
	s10 =	sld [smem:$0x3F95];
	_ =	sdelay $0x3  }
0x34: {  	[smem:$0x3F95] =	sst s10  }
0x35: {  	s10 =	sld [smem:$0x3F94];
	_ =	sdelay $0x3  }
0x36: {  	p1 =	seq.s32 s10, $0x1;
	s10 =	sld [smem:$0x3F95];
	_ =	sdelay $0x3  }
0x37: {  	[smem:$0x3F95] =	sst s10  }
0x38: {  	s10 =	sld [smem:$0x3F96]  }
0x39: {  	_ = 	snop;
	(pc) =	sbr.ind lr, $3  }
0x3a: {  	_ = 	snop  }
0x3b: {  	_ = 	snop  }
0x3c: {  	p2 =	seq.s32 s10, $0x1;
	s10 =	sld [smem:$0x3F95]  }
0x3d: {  	_ =	shalt  }
0x3e: {  	_ =	shalt  }
0x3f: {  	_ =	shalt  }
0x40: {  	_ =	shalt  }
0x41: {  	_ =	shalt  }
0x42: {  	_ =	shalt  }
0x43: {  	_ =	shalt  }
0x44: {  	_ =	shalt  }
0x45: {  	_ =	shalt  }
0x46: {  	_ =	shalt  }
0x47: {  	_ =	shalt  }
0x48: {  	_ =	shalt  }
0x49: {  	_ =	shalt  }
0x4a: {  	_ =	shalt  }
0x4b: {  	_ =	shalt  }
0x4c: {  	_ =	shalt  }
0x4d: {  	_ =	shalt  }
0x4e: {  	_ =	shalt  }
0x4f: {  	_ =	shalt  }
0x50: {  	_ =	shalt  }
0x51: {  	_ =	shalt  }
0x52: {  	_ =	shalt  }
0x53: {  	_ =	shalt  }
0x54: {  	_ =	shalt  }
0x55: {  	_ =	shalt  }
0x56: {  	_ =	shalt  }
0x57: {  	_ =	shalt  }
0x58: {  	_ =	shalt  }
0x59: {  	_ =	shalt  }
0x5a: {  	_ =	shalt  }
0x5b: {  	_ =	shalt  }
0x5c: {  	_ =	shalt  }
0x5d: {  	_ =	shalt  }
0x5e: {  	_ =	shalt  }
0x5f: {  	_ =	shalt  }
0x60: {  	_ =	shalt  }
0x61: {  	_ =	shalt  }
0x62: {  	_ =	shalt  }
0x63: {  	_ =	shalt  }
0x64: {  	_ =	shalt  }
0x65: {  	_ =	shalt  }
0x66: {  	_ =	shalt  }
0x67: {  	_ =	shalt  }
0x68: {  	_ =	shalt  }
0x69: {  	_ =	shalt  }
0x6a: {  	_ =	shalt  }
0x6b: {  	_ =	shalt  }
0x6c: {  	_ =	shalt  }
0x6d: {  	_ =	shalt  }
0x6e: {  	_ =	shalt  }
0x6f: {  	_ =	shalt  }
0x70: {  	_ =	shalt  }
0x71: {  	_ =	shalt  }
0x72: {  	_ =	shalt  }
0x73: {  	_ =	shalt  }
0x74: {  	_ =	shalt  }
0x75: {  	_ =	shalt  }
0x76: {  	_ =	shalt  }
0x77: {  	_ =	shalt  }
0x78: {  	_ =	shalt  }
0x79: {  	_ =	shalt  }
0x7a: {  	_ =	shalt  }
0x7b: {  	_ =	shalt  }
0x7c: {  	_ =	shalt  }
0x7d: {  	_ =	shalt  }
0x7e: {  	_ =	shalt  }
0x7f: {  	_ =	shalt  }
0x80: {  	_ =	shalt  }
0x81: {  	_ =	shalt  }
0x82: {  	_ =	shalt  }
0x83: {  	_ =	shalt  }
0x84: {  	_ =	shalt  }
0x85: {  	_ =	shalt  }
0x86: {  	_ =	shalt  }
0x87: {  	_ =	shalt  }
.Lfunc_end0:
.L_simem_size_0:
called_computation_lowered:
.L_overlay_start_0:
0x88: {  	s2 =	sld [smem:$0x3FD9]  }
0x89: {  	s3 =	sld [smem:$0x3FFE];
	_ =	sdelay $0x1  }
0x8a: {  	s1 =	srdreg.scid  }
0x8b: {  	s0 =	sand.u32 $0x1, s1  }
0x8c: {  	s16 =	sshll.u32 s0, $0xA;
	s2 =	sadd.s32 s3, s2  }
0x8d: {  	s2 =	sadd.s32 s2, s16  }
0x8e: {  	[smem:$0x3FA1] =	sst s2  }
0x8f: {  	_ = 	snop  }
0x90: {  	(tm) =	ssettm $0x1  }
0x91: {  	s17 =	sld [smem:$0x3FFB];
	_ =	sdelay $0x3  }
0x92: {  	_ =	strace s17  }
0x93: {  	s2 =	sld [smem:$0x3FFC];
	_ =	sdelay $0x3  }
0x94: {  	_ =	strace s2  }
0x95: {  	s2 =	sld [smem:$0x3FFD];
	_ =	sdelay $0x3  }
0x96: {  	_ =	strace s2  }
0x97: {  	_ =	strace $0x8FFFFFFF  }
0x98: {  	s18 =	sld [smem:$0x3FDB];
	_ =	sdelay $0x1  }
0x99: {  	s19 =	simm.s32 $_scs_section_size  }
0x9a: {  	s4 =	simm.s32 $_size__tile_overlayer_lowered;
	s5 =	simm.s32 $_tile_overlayer_lowered  }
0x9b: {  	s22 =	simm.s32 $0x1BFF;
	s21 =	sshll.u32 s5, $0x1;
	s2 =	sadd.s32 s19, s18  }
0x9c: {  	s6 =	simm.s32 $0x0;
	s20 =	sshll.u32 s4, $0x1;
	s4 =	sadd.s32 s21, s2  }
0x9d: {  	[timem:s6], [sflag:s22] =	dma.local [hbm:s4], s20  }
0x9e: {  	_ =	swait.ge [sflag:s22], s20  }
0x9f: {  	s3 =	ssub.s32 $0x0, s20;
	[sflag:s22] =	ssyncset.done $0x0  }
0xa0: {  	[sflag:s22] =	ssyncadd.s32 s3;
	_ =	sdelay $0x1  }
0xa1: {  	s23 =	simm.s32 $0x1B8B  }
0xa2: {  	_ =	swait.ge [sflag:s23], $0x1  }
0xa3: {  	[sflag:s23] =	ssyncset.done $0x0  }
0xa4: {  	s25 =	simm.s32 $0x1B8E;
	s24 =	sld [smem:$0x3FFE];
	[sflag:s23] =	ssyncadd.s32 $0xFFFFFFFF  }
0xa5: {  	s26 =	simm.s32 $execute0_lowered;
	[smem:$0x3FD2] =	sst s25  }
0xa6: {  	s4 =	sshll.u32 s26, $0x1;
	_ =	strace $0x80000046;
	[dreg:$0x1] =	wrdreg $0xFFFFFFFF  }
0xa7: {  	s28 =	simm.s32 $_size_execute0_lowered;
	s2 =	sadd.s32 s2, s4;
	[dreg:$0x0] =	wrdreg $0x0  }
0xa8: {  	s4 =	sshll.u32 s28, $0x1;
	[dreg:$0x2] =	wrdreg s2  }
0xa9: {  	[dreg:$0x3] =	wrdreg s4  }
0xaa: {  	[dreg:$0x4] =	wrdreg $0xC0  }
0xab: {  	_ =	task [dreg:s6], $0x5FFFF  }
0xac: {  	[dreg:$0x1] =	wrdreg $0xFFFFFFFF  }
0xad: {  	[dreg:$0x0] =	wrdreg $0x60  }
0xae: {  	[dreg:$0x2] =	wrdreg s24  }
0xaf: {  	[dreg:$0x3] =	wrdreg $0x9  }
0xb0: {  	_ =	task.clear_ibuf [dreg:s6], $0x4FFFF;
	_ =	strace $0x90000046  }
0xb1: {  	s29 =	simm.s32 $0x9;
	_ =	strace $0x80000048  }
0xb2: {  	_ =	swait.ge [sflag:s29], $0x1  }
0xb3: {  	[sflag:s29] =	ssyncadd.s32 $0xFFFFFFFF  }
0xb4: {  	_ =	strace $0x90000048  }
0xb5: {  	_ =	sfence  }
0xb6: {  	s30 =	sld [smem:$0x0];
	_ =	sdelay $0x2  }
0xb7: {  	s31 =	sshll.u32 s1, $0xD;
	s1 =	sshrl.u32 s1, $0x2  }
0xb8: {  	s3 =	sand.u32 $0x4000, s31;
	s1 =	sadd.s32 s1, s30  }
0xb9: {  	s0 =	sor.u32 s3, s0;
	s1 =	sshll.u32 s1, $0x11  }
0xba: {  	s0 =	sor.u32 s1, s0  }
0xbb: {  	s0 =	sadd.s32 $0x8F2B, s0  }
0xbc: {  	[sflag:s0] =	ssyncadd.remote.s32 $0x1  }
0xbd: {  	_ =	sfence.sel $0xFFFF  }
0xbe: {  	[dreg:$0x0] =	wrdreg $0xFFFFFFFF;
	(pc) =	sbr.abs _section_cstart, $3  }
0xbf: {  	[dreg:$0x1] =	wrdreg $0xFFFFFFFF  }
0xc0: {  	_ =	task.clear_ibuf [dreg:s6], $0x2FFFF;
	_ =	strace $0x9FFFFFFF  }
0xc1: {  	(tm) =	ssettm $0x7FFFFFFF  }
tec
execute0_lowered:
.L_overlay_start_1:
0x0: {  	(tag) =	ssettag $0x1  }
0x1: {  	s0 =	rddreg [dreg:$0x0]  }
0x2: {  	s1 =	srdreg.scid;
	s3 =	stileid.u32;
	s2 =	simm.s32 $0x0  }
0x3: {  	s13 =	simm.s32 $0x4000;
	s15 =	simm.s32 $0x80;
	s11 =	simm.s32 $0x4  }
0x4: {  	s12 =	simm.s32 $0x16900;
	s14 =	simm.s32 $0x6;
	s16 =	simm.s32 $0x1  }
0x5: {  	s17 =	simm.s32 $0x3;
	s1 =	sand.u32 $0x1, s1;
	s3 =	sshll.u32 s3, $0x1  }
0x6: {  	[smem:$0x7FF] =	sst s2;
	s4 =	sadd.s32 $0xFD400, s0;
	s5 =	sadd.s32 $0x6FD400, s0  }
0x7: {  	s6 =	sadd.s32 $0x22400, s0;
	s7 =	sadd.s32 $0x6E00, s0;
	s8 =	sor.u32 s1, s3  }
0x8: {  	_ =	strace $0x80000047;
	s1 =	ssub.s32 $0x2, s1;
	s3 =	smul.u32 $0x480, s8  }
.Ltmp0:
0x9: {  	s9 =	sshrl.u32 s1, $0x1;
	s31 =	sshll.u32 s8, $0xA;
	(pc) =	sbr.rel .LBB2_1-.Ltmp0, $4  }
0xa: {  	s29 =	ssub.s32 s1, s9;
	s9 =	sshll.u32 s8, $0x7;
	s1 =	sadd.s32 s4, s31  }
0xb: {  	s10 =	sshrl.u32 s3, $0x3;
	[dreg:$0x3] =	wrdreg s1;
	s0 =	smax.u32 s29, $0x1  }
0xc: {  	s1 =	simm.s32 $0x0;
	s30 =	sadd.s32 s6, s10;
	[dreg:$0x4] =	wrdreg s0  }
0xd: {  	v0 =	vlaneseq.u32;
	s10 =	sshll.u32 s8, $0xD;
	s8 =	simm.s32 $0x2;
	[dreg:$0x2] =	wrdreg s30  }
.LBB2_14:
0xe: {  	s1 =	rddreg [dreg:$0x5]  }
0xf: {  	s0 =	rddreg [dreg:$0x4];
	s1 =	sadd.s32 $0x1, s1  }
0x10: {  	p0 =	sne.s32 s1, s0  }
.Ltmp1:
0x11: {  	_ = 	snop;
	(pc) =	sbr.rel @!p0 .LBB2_15-.Ltmp1, $1  }
0x12: {  	_ =	sdelay $0x3  }
.LBB2_1:
0x13: {  	[dreg:$0x5] =	wrdreg s1  }
0x14: {  	s0 =	rddreg [dreg:$0x2];
	s26 =	simm.s32 $0x5  }
0x15: {  	[tilespmem:s13], [sflag:$0x5] =	stream.linear.gather [hbm4b:s0+s2], $0x480, $0x38;
	[tilespmem:$0x16980] =	vst v63  }
0x16: {  	_ =	swait.ge [sflag:s26], $0x480  }
0x17: {  	[sflag:s26] =	ssyncset.done $0x0  }
0x18: {  	s28 =	rddreg [dreg:$0x3];
	[sflag:s26] =	ssyncadd.s32 $0xFFFFFB80  }
0x19: {  	[tilespmem:s2], [sflag:$0x1] =	stream.linear.gather [hbm4b:s28+s2], $0x2000, $0x38;
	[tilespmem:$0x16980] =	vst v63  }
0x1a: {  	s29 =	simm.s32 $0x4900  }
0x1b: {  	[tilespmem:s29], [sflag:$0x3] =	stream.indirect.gather [hbm4b:s5+s15], $0x20, s13, s15, $0xb8;
	[tilespmem:$0x16980] =	vst v63  }
0x1c: {  	s30 =	simm.s32 $0x4080;
	s31 =	simm.s32 $0x5900  }
0x1d: {  	[tilespmem:s31], [sflag:$0x3] =	stream.indirect.gather [hbm4b:s5+s15], $0x20, s30, s15, $0xb8;
	[tilespmem:$0x16980] =	vst v63  }
0x1e: {  	s1 =	simm.s32 $0x4100;
	s18 =	simm.s32 $0x6900  }
0x1f: {  	[tilespmem:s18], [sflag:$0x3] =	stream.indirect.gather [hbm4b:s5+s15], $0x20, s1, s15, $0xb8;
	[tilespmem:$0x16980] =	vst v63  }
0x20: {  	s19 =	simm.s32 $0x4180;
	s20 =	simm.s32 $0x7900  }
0x21: {  	[tilespmem:s20], [sflag:$0x3] =	stream.indirect.gather [hbm4b:s5+s15], $0x20, s19, s15, $0xb8;
	[tilespmem:$0x16980] =	vst v63  }
0x22: {  	s21 =	simm.s32 $0x4200;
	s22 =	simm.s32 $0x8900  }
0x23: {  	[tilespmem:s22], [sflag:$0x3] =	stream.indirect.gather [hbm4b:s5+s15], $0x20, s21, s15, $0xb8;
	[tilespmem:$0x16980] =	vst v63  }
0x24: {  	s23 =	simm.s32 $0x4280;
	s24 =	simm.s32 $0x9900  }
0x25: {  	[tilespmem:s24], [sflag:$0x3] =	stream.indirect.gather [hbm4b:s5+s15], $0x20, s23, s15, $0xb8;
	[tilespmem:$0x16980] =	vst v63  }
0x26: {  	s25 =	simm.s32 $0x4300;
	s26 =	simm.s32 $0xA900  }
0x27: {  	[tilespmem:s26], [sflag:$0x3] =	stream.indirect.gather [hbm4b:s5+s15], $0x20, s25, s15, $0xb8;
	[tilespmem:$0x16980] =	vst v63  }
.Ltmp2:
0x28: {  	_ = 	snop;
	(pc) =	sbr.rel .LBB2_2-.Ltmp2, $4  }
0x29: {  	s28 =	simm.s32 $0x4380;
	s29 =	simm.s32 $0xB900  }
0x2a: {  	[tilespmem:s29], [sflag:$0x3] =	stream.indirect.gather [hbm4b:s5+s15], $0x20, s28, s15, $0xb8;
	[tilespmem:$0x16980] =	vst v63  }
0x2b: {  	s30 =	simm.s32 $0x4400;
	s31 =	simm.s32 $0xC900;
	s20 =	simm.s32 $0x0  }
0x2c: {  	[tilespmem:s31], [sflag:$0x3] =	stream.indirect.gather [hbm4b:s5+s15], $0x20, s30, s15, $0xb8;
	[tilespmem:$0x16980] =	vst v63  }
.LBB2_13:
0x2d: {  	s0 =	sshll.u32 s20, $0xC  }
0x2e: {  	s0 =	sor.u32 s9, s0  }
0x2f: {  	p0 =	sne.s32 s21, $0x18;
	s0 =	sshrl.u32 s0, $0x3  }
.Ltmp3:
0x30: {  	s0 =	sadd.s32 s7, s0;
	(pc) =	sbr.rel @!p0 .LBB2_14-.Ltmp3, $4  }
0x31: {  	[hbm4b:s0+s2] =	stream.linear.scatter [tilespmem:s12], [sflag:s22], $0x80, $0x38;
	[tilespmem:$0x16980] =	vst v63  }
0x32: {  	_ =	swait.ge [sflag:s22], $0x80  }
0x33: {  	[sflag:s22] =	ssyncset.done $0x0  }
0x34: {  	s20 =	smov.u32 s21;
	[sflag:s22] =	ssyncadd.s32 $0xFFFFFF80  }
.LBB2_2:
0x35: {  	p0 =	seq.s32 s20, $0x17  }
.Ltmp4:
0x36: {  	_ = 	snop;
	(pc) =	sbr.rel @p0 .LBB2_10-.Ltmp4, $2  }
0x37: {  	_ =	sdelay $0x2  }
0x38: {  	s21 =	sadd.s32 $0x1, s20  }
0x39: {  	s22 =	sand.u32 $0x1, s20  }
0x3a: {  	p0 =	seq.s32 s22, $0x0  }
.Ltmp5:
0x3b: {  	_ = 	snop;
	(pc) =	sbr.rel @p0 .LBB2_5-.Ltmp5, $3  }
0x3c: {  	_ = 	snop  }
0x3d: {  	s23 =	smul.u32 $0x9000, s21;
	_ =	sdelay $0x1  }
0x3e: {  	s24 =	sshll.u32 s21, $0x12;
	s23 =	sadd.s32 s3, s23  }
.Ltmp6:
0x3f: {  	(pc) =	sbr.rel .LBB2_6-.Ltmp6, $4  }
0x40: {  	_ = 	snop  }
0x41: {  	s24 =	sor.u32 s10, s24  }
0x42: {  	s23 =	sshrl.u32 s23, $0x3;
	s24 =	sshrl.u32 s24, $0x3  }
0x43: {  	s23 =	sadd.s32 s6, s23;
	s24 =	sadd.s32 s4, s24  }
.LBB2_5:
0x44: {  	s23 =	sshrl.u32 s23, $0x3  }
0x45: {  	s0 =	simm.s32 $0x4480;
	s23 =	sadd.s32 s6, s23  }
0x46: {  	[tilespmem:s0], [sflag:$0x6] =	stream.linear.gather [hbm4b:s23+s2], $0x480, $0x38;
	[tilespmem:$0x16980] =	vst v63  }
0x47: {  	s24 =	sor.u32 s10, s24;
	_ =	swait.ge [sflag:s14], $0x480  }
0x48: {  	s24 =	sshrl.u32 s24, $0x3;
	[sflag:s14] =	ssyncset.done $0x0  }
0x49: {  	s1 =	simm.s32 $0x2000;
	s24 =	sadd.s32 s4, s24;
	[sflag:s14] =	ssyncadd.s32 $0xFFFFFB80  }
0x4a: {  	[tilespmem:s1], [sflag:$0x2] =	stream.linear.gather [hbm4b:s24+s2], $0x2000, $0x38;
	[tilespmem:$0x16980] =	vst v63  }
0x4b: {  	s31 =	simm.s32 $0xD900  }
0x4c: {  	[tilespmem:s31], [sflag:$0x4] =	stream.indirect.gather [hbm4b:s5+s15], $0x20, s0, s15, $0xb8;
	[tilespmem:$0x16980] =	vst v63  }
0x4d: {  	s18 =	simm.s32 $0x4500;
	s19 =	simm.s32 $0xE900  }
0x4e: {  	[tilespmem:s19], [sflag:$0x4] =	stream.indirect.gather [hbm4b:s5+s15], $0x20, s18, s15, $0xb8;
	[tilespmem:$0x16980] =	vst v63  }
0x4f: {  	s25 =	simm.s32 $0x4580;
	s26 =	simm.s32 $0xF900  }
0x50: {  	[tilespmem:s26], [sflag:$0x4] =	stream.indirect.gather [hbm4b:s5+s15], $0x20, s25, s15, $0xb8;
	[tilespmem:$0x16980] =	vst v63  }
0x51: {  	s28 =	simm.s32 $0x4600;
	s29 =	simm.s32 $0x10900  }
0x52: {  	[tilespmem:s29], [sflag:$0x4] =	stream.indirect.gather [hbm4b:s5+s15], $0x20, s28, s15, $0xb8;
	[tilespmem:$0x16980] =	vst v63  }
0x53: {  	s30 =	simm.s32 $0x4680;
	s31 =	simm.s32 $0x11900  }
0x54: {  	[tilespmem:s31], [sflag:$0x4] =	stream.indirect.gather [hbm4b:s5+s15], $0x20, s30, s15, $0xb8;
	[tilespmem:$0x16980] =	vst v63  }
0x55: {  	s18 =	simm.s32 $0x4700;
	s19 =	simm.s32 $0x12900  }
0x56: {  	[tilespmem:s19], [sflag:$0x4] =	stream.indirect.gather [hbm4b:s5+s15], $0x20, s18, s15, $0xb8;
	[tilespmem:$0x16980] =	vst v63  }
0x57: {  	s25 =	simm.s32 $0x4780;
	s26 =	simm.s32 $0x13900  }
0x58: {  	[tilespmem:s26], [sflag:$0x4] =	stream.indirect.gather [hbm4b:s5+s15], $0x20, s25, s15, $0xb8;
	[tilespmem:$0x16980] =	vst v63  }
.Ltmp7:
0x59: {  	_ = 	snop;
	(pc) =	sbr.rel @p0 .LBB2_7-.Ltmp7, $4  }
0x5a: {  	s28 =	simm.s32 $0x4800;
	s29 =	simm.s32 $0x14900  }
0x5b: {  	[tilespmem:s29], [sflag:$0x4] =	stream.indirect.gather [hbm4b:s5+s15], $0x20, s28, s15, $0xb8;
	[tilespmem:$0x16980] =	vst v63  }
0x5c: {  	s30 =	simm.s32 $0x4880;
	s31 =	simm.s32 $0x15900  }
0x5d: {  	[tilespmem:s31], [sflag:$0x4] =	stream.indirect.gather [hbm4b:s5+s15], $0x20, s30, s15, $0xb8;
	[tilespmem:$0x16980] =	vst v63  }
.LBB2_6:
0x5e: {  	[tilespmem:s13], [sflag:$0x6] =	stream.linear.gather [hbm4b:s23+s2], $0x480, $0x38;
	[tilespmem:$0x16980] =	vst v63  }
0x5f: {  	_ =	swait.ge [sflag:s14], $0x480  }
0x60: {  	[sflag:s14] =	ssyncset.done $0x0  }
0x61: {  	[sflag:s14] =	ssyncadd.s32 $0xFFFFFB80  }
0x62: {  	[tilespmem:s2], [sflag:$0x1] =	stream.linear.gather [hbm4b:s24+s2], $0x2000, $0x38;
	[tilespmem:$0x16980] =	vst v63  }
0x63: {  	s0 =	simm.s32 $0x4900  }
0x64: {  	[tilespmem:s0], [sflag:$0x3] =	stream.indirect.gather [hbm4b:s5+s15], $0x20, s13, s15, $0xb8;
	[tilespmem:$0x16980] =	vst v63  }
0x65: {  	s26 =	simm.s32 $0x4080;
	s1 =	simm.s32 $0x5900  }
0x66: {  	[tilespmem:s1], [sflag:$0x3] =	stream.indirect.gather [hbm4b:s5+s15], $0x20, s26, s15, $0xb8;
	[tilespmem:$0x16980] =	vst v63  }
0x67: {  	s28 =	simm.s32 $0x4100;
	s29 =	simm.s32 $0x6900  }
0x68: {  	[tilespmem:s29], [sflag:$0x3] =	stream.indirect.gather [hbm4b:s5+s15], $0x20, s28, s15, $0xb8;
	[tilespmem:$0x16980] =	vst v63  }
0x69: {  	s30 =	simm.s32 $0x4180;
	s31 =	simm.s32 $0x7900  }
0x6a: {  	[tilespmem:s31], [sflag:$0x3] =	stream.indirect.gather [hbm4b:s5+s15], $0x20, s30, s15, $0xb8;
	[tilespmem:$0x16980] =	vst v63  }
0x6b: {  	s18 =	simm.s32 $0x4200;
	s19 =	simm.s32 $0x8900  }
0x6c: {  	[tilespmem:s19], [sflag:$0x3] =	stream.indirect.gather [hbm4b:s5+s15], $0x20, s18, s15, $0xb8;
	[tilespmem:$0x16980] =	vst v63  }
0x6d: {  	s23 =	simm.s32 $0x4280;
	s24 =	simm.s32 $0x9900  }
0x6e: {  	[tilespmem:s24], [sflag:$0x3] =	stream.indirect.gather [hbm4b:s5+s15], $0x20, s23, s15, $0xb8;
	[tilespmem:$0x16980] =	vst v63  }
0x6f: {  	s25 =	simm.s32 $0x4300;
	p0 =	sne.s32 s22, $0x0;
	s26 =	simm.s32 $0xA900  }
0x70: {  	[tilespmem:s26], [sflag:$0x3] =	stream.indirect.gather [hbm4b:s5+s15], $0x20, s25, s15, $0xb8;
	[tilespmem:$0x16980] =	vst v63  }
.Ltmp8:
0x71: {  	_ = 	snop;
	(pc) =	sbr.rel @p0 .LBB2_10-.Ltmp8, $4  }
0x72: {  	s28 =	simm.s32 $0x4380;
	s29 =	simm.s32 $0xB900  }
0x73: {  	[tilespmem:s29], [sflag:$0x3] =	stream.indirect.gather [hbm4b:s5+s15], $0x20, s28, s15, $0xb8;
	[tilespmem:$0x16980] =	vst v63  }
0x74: {  	s30 =	simm.s32 $0x4400;
	s31 =	simm.s32 $0xC900  }
0x75: {  	[tilespmem:s31], [sflag:$0x3] =	stream.indirect.gather [hbm4b:s5+s15], $0x20, s30, s15, $0xb8;
	[tilespmem:$0x16980] =	vst v63  }
.LBB2_7:
0x76: {  	_ =	swait.ge [sflag:s16], $0x2000  }
0x77: {  	[sflag:s16] =	ssyncset.done $0x0  }
0x78: {  	[sflag:s16] =	ssyncadd.s32 $0xFFFFE000  }
0x79: {  	_ =	swait.ge [sflag:s17], $0x1000  }
0x7a: {  	[sflag:s17] =	ssyncset.done $0x0  }
0x7b: {  	[sflag:s17] =	ssyncadd.s32 $0xFFFFF000  }
0x7c: {  	_ =	swait.ge [sflag:s17], $0x1000  }
0x7d: {  	[sflag:s17] =	ssyncset.done $0x0  }
0x7e: {  	[sflag:s17] =	ssyncadd.s32 $0xFFFFF000  }
0x7f: {  	_ =	swait.ge [sflag:s17], $0x1000  }
0x80: {  	[sflag:s17] =	ssyncset.done $0x0  }
0x81: {  	[sflag:s17] =	ssyncadd.s32 $0xFFFFF000  }
0x82: {  	_ =	swait.ge [sflag:s17], $0x1000  }
0x83: {  	[sflag:s17] =	ssyncset.done $0x0  }
0x84: {  	[sflag:s17] =	ssyncadd.s32 $0xFFFFF000  }
0x85: {  	_ =	swait.ge [sflag:s17], $0x1000  }
0x86: {  	[sflag:s17] =	ssyncset.done $0x0  }
0x87: {  	[sflag:s17] =	ssyncadd.s32 $0xFFFFF000  }
0x88: {  	_ =	swait.ge [sflag:s17], $0x1000  }
0x89: {  	[sflag:s17] =	ssyncset.done $0x0  }
0x8a: {  	[sflag:s17] =	ssyncadd.s32 $0xFFFFF000  }
0x8b: {  	_ =	swait.ge [sflag:s17], $0x1000  }
0x8c: {  	[sflag:s17] =	ssyncset.done $0x0  }
0x8d: {  	[sflag:s17] =	ssyncadd.s32 $0xFFFFF000  }
0x8e: {  	_ =	swait.ge [sflag:s17], $0x1000  }
0x8f: {  	[sflag:s17] =	ssyncset.done $0x0  }
0x90: {  	[sflag:s17] =	ssyncadd.s32 $0xFFFFF000  }
0x91: {  	_ =	swait.ge [sflag:s17], $0x1000  }
0x92: {  	[sflag:s17] =	ssyncset.done $0x0  }
0x93: {  	s23 =	simm.s32 $0x4990;
	[sflag:s17] =	ssyncadd.s32 $0xFFFFF000  }
0x94: {  	v1 =	vld [tilespmem:s23+$0x80]  }
0x95: {  	v2 =	vld [tilespmem:s23+$0x70]  }
0x96: {  	v3 =	vld [tilespmem:s23+$0x40]  }
0x97: {  	v4 =	vld [tilespmem:s23+$0x30]  }
0x98: {  	v5 =	vld [tilespmem:s23+$0x0]  }
0x99: {  	s22 =	simm.s32 $0x20;
	v6 =	vld [tilespmem:s23+$0xFFFFFFF0]  }
0x9a: {  	v7 =	vld [tilespmem:s22+$0xFFFFFFF0]  }
0x9b: {  	v8 =	vld [tilespmem:s22+$0xFFFFFFE0]  }
0x9c: {  	v9 =	vld [tilespmem:s23+$0xFFFFFFE0]  }
0x9d: {  	v13 =	vld [tilespmem:s23+$0xFFFFFFC0]  }
0x9e: {  	v15 =	vld [tilespmem:s23+$0xFFFFFFB0]  }
0x9f: {  	v22 =	vld [tilespmem:s23+$0xFFFFFF90]  }
0xa0: {  	v27 =	vld [tilespmem:s23+$0xFFFFFF80];
	v11 =	vshll.u32 v1, $0x10;
	v12 =	vand.u32 $0xFFFF0000, v2  }
0xa1: {  	v28 =	vld [tilespmem:s23+$0xFFFFFF70];
	v1 =	vand.u32 $0xFFFF0000, v1;
	v14 =	vshll.u32 v3, $0x10;
	v3 =	vand.u32 $0xFFFF0000, v3  }
0xa2: {  	v10 =	vld [tilespmem:s22+$0x0];
	v2 =	vshll.u32 v2, $0x10;
	v16 =	vand.u32 $0xFFFF0000, v5;
	v17 =	vshll.u32 v4, $0x10  }
0xa3: {  	v18 =	vld [tilespmem:s22+$0x10];
	v4 =	vand.u32 $0xFFFF0000, v4;
	v5 =	vshll.u32 v5, $0x10;
	v19 =	vshll.u32 v9, $0x10  }
0xa4: {  	v21 =	vld [tilespmem:s23+$0xFFFFFFA0];
	v20 =	vshll.u32 v6, $0x10;
	v6 =	vand.u32 $0xFFFF0000, v6;
	v26 =	vand.u32 $0xFFFF0000, v13  }
0xa5: {  	v37 =	vld [tilespmem:s23+$0xFFFFFFD0];
	v13 =	vshll.u32 v13, $0x10;
	v23 =	vand.u32 $0xFFFF0000, v15;
	v15 =	vshll.u32 v15, $0x10  }
0xa6: {  	v29 =	vshll.u32 v22, $0x10;
	v30 =	vshll.u32 v27, $0x10;
	v32 =	vshll.u32 v28, $0x10  }
0xa7: {  	v36 =	vand.u32 $0xFFFF0000, v28;
	v2 =	vmul.f32 v2, v8;
	v11 =	vmul.f32 v11, v7  }
0xa8: {  	v41 =	vld [tilespmem:s23+$0x10];
	v38 =	vand.u32 $0xFFFF0000, v22;
	v25 =	vmul.f32 v12, v10;
	v17 =	vmul.f32 v17, v8  }
0xa9: {  	v40 =	vand.u32 $0xFFFF0000, v21;
	v14 =	vmul.f32 v14, v7;
	v1 =	vmul.f32 v1, v18  }
0xaa: {  	v43 =	vshll.u32 v37, $0x10;
	v4 =	vmul.f32 v4, v10;
	v20 =	vmul.f32 v20, v8  }
0xab: {  	v45 =	vand.u32 $0xFFFF0000, v37;
	v5 =	vmul.f32 v5, v7;
	v3 =	vmul.f32 v3, v18  }
0xac: {  	v46 =	vand.u32 $0xFFFF0000, v9;
	v6 =	vmul.f32 v6, v10;
	v15 =	vmul.f32 v15, v8  }
0xad: {  	v49 =	vshll.u32 v41, $0x10;
	v13 =	vmul.f32 v13, v7;
	v31 =	vmul.f32 v16, v18  }
0xae: {  	v33 =	vmul.f32 v23, v10;
	v34 =	vmul.f32 v32, v8;
	v2 =	vadd.f32 v11, v2  }
0xaf: {  	v35 =	vmul.f32 v30, v7;
	v14 =	vadd.f32 v14, v17;
	v5 =	vadd.f32 v5, v20  }
0xb0: {  	v12 =	vmul.f32 v26, v18;
	v13 =	vadd.f32 v13, v15;
	v2 =	vadd.f32 v2, v25  }
0xb1: {  	v4 =	vadd.f32 v14, v4;
	v5 =	vadd.f32 v5, v6;
	v6 =	vmul.f32 v36, v10  }
0xb2: {  	v14 =	vmul.f32 v29, v8;
	v1 =	vadd.f32 v2, v1;
	v2 =	vshll.u32 v21, $0x10  }
0xb3: {  	v3 =	vadd.f32 v4, v3;
	v4 =	vadd.f32 v35, v34;
	v2 =	vmul.f32 v2, v7  }
0xb4: {  	v39 =	vld [tilespmem:s23+$0x20];
	v44 =	vmul.f32 v19, v7;
	v11 =	vand.u32 $0xFFFF0000, v27;
	v13 =	vadd.f32 v13, v33  }
0xb5: {  	v4 =	vadd.f32 v4, v6;
	v6 =	vmul.f32 v38, v10;
	(xrf2) =	vadd.scan.msk.f32 $0xffff, v1;
	v2 =	vadd.f32 v2, v14  }
0xb6: {  	v5 =	vadd.f32 v5, v31;
	v1 =	vmul.f32 v11, v18;
	(xrf2) =	vadd.scan.msk.f32 $0xffff, v3;
	v3 =	vmul.f32 v43, v8  }
0xb7: {  	v42 =	vmul.f32 v40, v18;
	v12 =	vadd.f32 v13, v12;
	v2 =	vadd.f32 v2, v6  }
0xb8: {  	v48 =	vld [tilespmem:s23+$0x50];
	(xrf2) =	vadd.scan.msk.f32 $0xffff, v5;
	v1 =	vadd.f32 v4, v1;
	v4 =	vmul.f32 v45, v10;
	v3 =	vadd.f32 v44, v3  }
0xb9: {  	v47 =	vld [tilespmem:s23+$0x60];
	v50 =	vshll.u32 v39, $0x10;
	v51 =	vmul.f32 v49, v8;
	(xrf2) =	vadd.scan.msk.f32 $0xffff, v12;
	v2 =	vadd.f32 v2, v42  }
0xba: {  	v52 =	vmul.f32 v50, v7;
	(xrf2) =	vadd.scan.msk.f32 $0xffff, v1;
	v1 =	vmul.f32 v46, v18;
	v3 =	vadd.f32 v3, v4  }
0xbb: {  	(xrf2) =	vadd.scan.msk.f32 $0xffff, v2;
	v2 =	vand.u32 $0xFFFF0000, v41  }
0xbc: {  	v1 =	vadd.f32 v3, v1;
	v3 =	vadd.f32 v52, v51;
	v2 =	vmul.f32 v2, v10  }
0xbd: {  	v53 =	vand.u32 $0xFFFF0000, v39;
	v55 =	vshll.u32 v48, $0x10  }
0xbe: {  	v56 =	vshll.u32 v47, $0x10;
	v54 =	vmul.f32 v53, v18;
	v2 =	vadd.f32 v3, v2  }
0xbf: {  	v57 =	vmul.f32 v56, v7;
	(xrf2) =	vadd.scan.msk.f32 $0xffff, v1;
	v3 =	vmul.f32 v55, v8  }
0xc0: {  	v6 =	vand.u32 $0xFFFF0000, v48;
	v1, _, _ =	vpop (xrf2);
	v2 =	vadd.f32 v2, v54  }
0xc1: {  	v59 =	vmul.f32 v6, v10;
	v58, _, _ =	vpop (xrf2);
	v3 =	vadd.f32 v57, v3  }
0xc2: {  	v61 =	vand.u32 $0xFFFF0000, v47;
	v60, _, _ =	vpop (xrf2)  }
0xc3: {  	v63 =	vmul.f32 v61, v18;
	v62, _, _ =	vpop (xrf2);
	v3 =	vadd.f32 v3, v59;
	(xrf2) =	vadd.scan.msk.f32 $0xffff, v2  }
0xc4: {  	v2, _, _ =	vpop (xrf2)  }
0xc5: {  	v3 =	vadd.f32 v3, v63;
	(v2sf) =	vpush v2, $0xF;
	v2, _, _ =	vpop (xrf2)  }
0xc6: {  	(v2sf) =	vpush v2, $0xF  }
0xc7: {  	(xrf2) =	vadd.scan.msk.f32 $0xffff, v3  }
0xc8: {  	(v2sf) =	vpush v62, $0xF  }
0xc9: {  	v2, _, _ =	vpop (xrf2)  }
0xca: {  	(v2sf) =	vpush v2, $0xF;
	_ =	sdelay $0x1  }
0xcb: {  	(v2sf) =	vpush v60, $0xF  }
0xcc: {  	v2, _, _ =	vpop (xrf2)  }
0xcd: {  	(v2sf) =	vpush v2, $0xF;
	_ =	sdelay $0x1  }
0xce: {  	(v2sf) =	vpush v58, $0xF  }
0xcf: {  	v2, _, _ =	vpop (xrf2)  }
0xd0: {  	(v2sf) =	vpush v2, $0xF;
	_ =	sdelay $0x1  }
0xd1: {  	s19 =	spop (v2sf);
	(v2sf) =	vpush v1, $0xF  }
0xd2: {  	s24 =	spop (v2sf)  }
0xd3: {  	s25 =	sadd.f32 s24, s19  }
0xd4: {  	s26 =	spop (v2sf)  }
0xd5: {  	s25 =	sadd.f32 s26, s25  }
0xd6: {  	s28 =	spop (v2sf)  }
0xd7: {  	s25 =	sadd.f32 s28, s25  }
0xd8: {  	s29 =	spop (v2sf)  }
0xd9: {  	s25 =	sadd.f32 s29, s25  }
0xda: {  	s30 =	spop (v2sf)  }
0xdb: {  	s25 =	sadd.f32 s30, s25  }
0xdc: {  	s31 =	spop (v2sf)  }
0xdd: {  	s23 =	smax.f32 s19, s24;
	s25 =	sadd.f32 s31, s25  }
0xde: {  	s23 =	smax.f32 s23, s26;
	s26 =	spop (v2sf)  }
0xdf: {  	s23 =	smax.f32 s23, s28;
	s24 =	sadd.f32 s26, s25  }
0xe0: {  	s23 =	smax.f32 s23, s29;
	s29 =	spop (v2sf)  }
0xe1: {  	s23 =	smax.f32 s23, s30;
	s24 =	sadd.f32 s29, s24  }
0xe2: {  	s30 =	smax.f32 s23, s31  }
0xe3: {  	s23 =	simm.s32 $0x0;
	s25 =	smax.f32 s30, s26;
	s24 =	smul.f32 $-2.441406250e-04, s24  }
0xe4: {  	s31 =	sand.u32 $0xF, s23;
	s25 =	smax.f32 s25, s29  }
0xe5: {  	v1 =	vmov s31;
	p0 =	sne.s32 s31, $0xF;
	s24 =	sadd.f32 s24, s25  }
0xe6: {  	v2 =	vimm.f32 $0.0e+00;
	vm0 =	veq.s32 v1, v0;
	s25 =	sand.u32 @!p0 $0x1C0, s23  }
0xe7: {  	s25 =	sshrl.u32 @!p0 s25, $0x2;
	v1 =	vsel vm0, s24, v2  }
0xe8: {  	s24 =	simm.s32 $0x1;
	[tilespmem:s25+$0x16900] =	vst @!p0 v1;
	s25 =	simm.s32 $0x4AB0  }
.LBB2_8:
0xe9: {  	v4 =	vld [tilespmem:s25+$0x80];
	s26 =	smov.u32 s24  }
0xea: {  	v6 =	vld [tilespmem:s25+$0x70]  }
0xeb: {  	v7 =	vld [tilespmem:s25+$0x40]  }
0xec: {  	v8 =	vld [tilespmem:s25+$0x30]  }
0xed: {  	v9 =	vld [tilespmem:s25+$0x0]  }
0xee: {  	v10 =	vld [tilespmem:s25+$0xFFFFFFF0]  }
0xef: {  	s22 =	sadd.s32 $0x40, s22;
	v11 =	vld [tilespmem:s25+$0xFFFFFFE0]  }
0xf0: {  	v3 =	vld [tilespmem:s22+$0xFFFFFFF0]  }
0xf1: {  	v5 =	vld [tilespmem:s22+$0xFFFFFFE0]  }
0xf2: {  	v12 =	vld [tilespmem:s25+$0xFFFFFFC0]  }
0xf3: {  	v13 =	vshll.u32 v4, $0x10;
	v15 =	vand.u32 $0xFFFF0000, v4;
	v14 =	vand.u32 $0xFFFF0000, v6;
	v2 =	vld [tilespmem:s22+$0x0]  }
0xf4: {  	v6 =	vshll.u32 v6, $0x10;
	v17 =	vshll.u32 v7, $0x10;
	v7 =	vand.u32 $0xFFFF0000, v7;
	v16 =	vld [tilespmem:s25+$0xFFFFFFB0]  }
0xf5: {  	v19 =	vshll.u32 v8, $0x10;
	v8 =	vand.u32 $0xFFFF0000, v8;
	v18 =	vand.u32 $0xFFFF0000, v9;
	v4 =	vld [tilespmem:s22+$0x10]  }
0xf6: {  	v9 =	vshll.u32 v9, $0x10;
	v13 =	vmul.f32 v13, v3;
	v6 =	vmul.f32 v6, v5  }
0xf7: {  	v21 =	vshll.u32 v10, $0x10;
	v10 =	vand.u32 $0xFFFF0000, v10;
	v20 =	vshll.u32 v11, $0x10  }
0xf8: {  	v23 =	vand.u32 $0xFFFF0000, v12;
	v22 =	vld [tilespmem:s25+$0xFFFFFFA0];
	v6 =	vadd.f32 v13, v6;
	v13 =	vmul.f32 v14, v2  }
0xf9: {  	v17 =	vmul.f32 v17, v3;
	v19 =	vmul.f32 v19, v5;
	v12 =	vshll.u32 v12, $0x10;
	v14 =	vld [tilespmem:s25+$0xFFFFFF90]  }
0xfa: {  	v24 =	vand.u32 $0xFFFF0000, v16;
	v6 =	vadd.f32 v6, v13;
	v13 =	vmul.f32 v15, v4  }
0xfb: {  	v17 =	vadd.f32 v17, v19;
	v8 =	vmul.f32 v8, v2;
	v16 =	vshll.u32 v16, $0x10;
	v15 =	vld [tilespmem:s25+$0xFFFFFF80]  }
0xfc: {  	v9 =	vmul.f32 v9, v3;
	v21 =	vmul.f32 v21, v5;
	v19 =	vld [tilespmem:s25+$0xFFFFFF70];
	v6 =	vadd.f32 v6, v13  }
0xfd: {  	v8 =	vadd.f32 v17, v8;
	v7 =	vmul.f32 v7, v4;
	v13 =	vshll.u32 v22, $0x10  }
0xfe: {  	v9 =	vadd.f32 v9, v21;
	v10 =	vmul.f32 v10, v2;
	v17 =	vshll.u32 v14, $0x10;
	(xrf2) =	vadd.scan.msk.f32 $0xffff, v6  }
0xff: {  	s24 =	sadd.s32 $0x1, s24;
	v12 =	vmul.f32 v12, v3;
	v7 =	vadd.f32 v8, v7;
	v6 =	vmul.f32 v16, v5  }
0x100: {  	p0 =	sne.s32 s24, $0x80;
	v9 =	vadd.f32 v9, v10;
	v10 =	vmul.f32 v18, v4;
	v8 =	vshll.u32 v15, $0x10  }
0x101: {  	v6 =	vadd.f32 v12, v6;
	v12 =	vmul.f32 v24, v2;
	v16 =	vshll.u32 v19, $0x10;
	(xrf2) =	vadd.scan.msk.f32 $0xffff, v7  }
0x102: {  	v9 =	vadd.f32 v9, v10;
	v8 =	vmul.f32 v8, v3;
	v7 =	vmul.f32 v16, v5  }
0x103: {  	v10 =	vand.u32 $0xFFFF0000, v19;
	v6 =	vadd.f32 v6, v12;
	v12 =	vmul.f32 v23, v4;
	v16 =	vld [tilespmem:s25+$0xFFFFFFD0]  }
0x104: {  	v7 =	vadd.f32 v8, v7;
	v8 =	vmul.f32 v10, v2;
	v10 =	vand.u32 $0xFFFF0000, v15;
	(xrf2) =	vadd.scan.msk.f32 $0xffff, v9  }
0x105: {  	v9 =	vmul.f32 v17, v5;
	v17 =	vmul.f32 v13, v3;
	v6 =	vadd.f32 v6, v12  }
0x106: {  	v7 =	vadd.f32 v7, v8;
	v8 =	vmul.f32 v10, v4;
	v10 =	vand.u32 $0xFFFF0000, v14;
	v12 =	vld [tilespmem:s25+$0x20]  }
0x107: {  	v15 =	vand.u32 $0xFFFF0000, v22;
	v9 =	vadd.f32 v17, v9;
	v10 =	vmul.f32 v10, v2;
	v14 =	vld [tilespmem:s25+$0x10];
	(xrf2) =	vadd.scan.msk.f32 $0xffff, v6  }
0x108: {  	v6 =	vadd.f32 v7, v8;
	v7 =	vmul.f32 v15, v4;
	v8 =	vshll.u32 v16, $0x10;
	v13, _, _ =	vpop (xrf2)  }
0x109: {  	v17 =	vmul.f32 v20, v3;
	v9 =	vadd.f32 v9, v10;
	v8 =	vmul.f32 v8, v5  }
0x10a: {  	v11 =	vand.u32 $0xFFFF0000, v11;
	v15 =	vand.u32 $0xFFFF0000, v16;
	v16 =	vld [tilespmem:s25+$0x60];
	(xrf2) =	vadd.scan.msk.f32 $0xffff, v6  }
0x10b: {  	v6 =	vadd.f32 v9, v7;
	v7 =	vadd.f32 v17, v8;
	v8 =	vmul.f32 v15, v2;
	v9 =	vld [tilespmem:s25+$0x50];
	v10, _, _ =	vpop (xrf2)  }
0x10c: {  	v11 =	vmul.f32 v11, v4;
	v17 =	vshll.u32 v12, $0x10;
	v15 =	vshll.u32 v14, $0x10  }
0x10d: {  	v7 =	vadd.f32 v7, v8;
	v8 =	vmul.f32 v15, v5;
	v15 =	vmul.f32 v17, v3;
	(xrf2) =	vadd.scan.msk.f32 $0xffff, v6  }
0x10e: {  	v12 =	vand.u32 $0xFFFF0000, v12;
	v6 =	vand.u32 $0xFFFF0000, v14;
	v14, _, _ =	vpop (xrf2)  }
0x10f: {  	v6 =	vmul.f32 v6, v2;
	v7 =	vadd.f32 v7, v11;
	v17 =	vadd.f32 v15, v8  }
0x110: {  	v11 =	vmul.f32 v12, v4;
	v15 =	vshll.u32 v16, $0x10;
	v12 =	vshll.u32 v9, $0x10  }
0x111: {  	v3 =	vmul.f32 v15, v3;
	v6 =	vadd.f32 v17, v6;
	v5 =	vmul.f32 v12, v5;
	v8, _, _ =	vpop (xrf2);
	(xrf2) =	vadd.scan.msk.f32 $0xffff, v7  }
0x112: {  	v9 =	vand.u32 $0xFFFF0000, v9  }
0x113: {  	v2 =	vmul.f32 v9, v2;
	v6 =	vadd.f32 v6, v11;
	v3 =	vadd.f32 v3, v5  }
0x114: {  	v5 =	vand.u32 $0xFFFF0000, v16;
	v7, _, _ =	vpop (xrf2)  }
0x115: {  	v4 =	vmul.f32 v5, v4;
	v2 =	vadd.f32 v3, v2;
	(xrf2) =	vadd.scan.msk.f32 $0xffff, v6;
	_ =	sdelay $0x1  }
0x116: {  	v2 =	vadd.f32 v2, v4;
	(v2sf) =	vpush v7, $0xF;
	v3, _, _ =	vpop (xrf2)  }
0x117: {  	(v2sf) =	vpush v3, $0xF  }
0x118: {  	(xrf2) =	vadd.scan.msk.f32 $0xffff, v2  }
0x119: {  	(v2sf) =	vpush v8, $0xF  }
0x11a: {  	v2, _, _ =	vpop (xrf2)  }
0x11b: {  	(v2sf) =	vpush v2, $0xF;
	_ =	sdelay $0x1  }
0x11c: {  	(v2sf) =	vpush v14, $0xF  }
0x11d: {  	v2, _, _ =	vpop (xrf2)  }
0x11e: {  	(v2sf) =	vpush v2, $0xF;
	_ =	sdelay $0x1  }
0x11f: {  	(v2sf) =	vpush v10, $0xF  }
0x120: {  	v2, _, _ =	vpop (xrf2)  }
0x121: {  	(v2sf) =	vpush v2, $0xF;
	_ =	sdelay $0x1  }
0x122: {  	s28 =	spop (v2sf);
	(v2sf) =	vpush v13, $0xF  }
0x123: {  	s29 =	spop (v2sf)  }
0x124: {  	s30 =	sadd.f32 s29, s28  }
0x125: {  	s31 =	spop (v2sf)  }
0x126: {  	s30 =	sadd.f32 s31, s30  }
0x127: {  	s0 =	spop (v2sf)  }
0x128: {  	s30 =	sadd.f32 s0, s30  }
0x129: {  	s1 =	spop (v2sf)  }
0x12a: {  	s30 =	sadd.f32 s1, s30  }
0x12b: {  	s19 =	spop (v2sf)  }
0x12c: {  	s30 =	sadd.f32 s19, s30  }
0x12d: {  	s18 =	spop (v2sf)  }
0x12e: {  	s28 =	smax.f32 s28, s29;
	s29 =	sadd.f32 s18, s30  }
0x12f: {  	s28 =	smax.f32 s28, s31;
	s30 =	spop (v2sf)  }
0x130: {  	s0 =	smax.f32 s28, s0;
	s28 =	sadd.f32 s30, s29  }
0x131: {  	s0 =	smax.f32 s0, s1;
	s1 =	spop (v2sf)  }
0x132: {  	s0 =	smax.f32 s0, s19;
	s19 =	sadd.f32 s1, s28  }
0x133: {  	s0 =	smax.f32 s0, s18  }
0x134: {  	s0 =	smax.f32 s0, s30;
	s18 =	smul.f32 $-2.441406250e-04, s19  }
.Ltmp9:
0x135: {  	s0 =	smax.f32 s0, s1;
	s1 =	sand.u32 $0xF, s26;
	(pc) =	sbr.rel @p0 .LBB2_8-.Ltmp9, $4  }
0x136: {  	s23 =	sadd.s32 $0x4, s23;
	v2 =	vmov s1;
	p1 =	sne.s32 s1, $0xF;
	s0 =	sadd.f32 s18, s0  }
0x137: {  	vm0 =	veq.s32 v2, v0;
	s1 =	sand.u32 @!p1 $0x1C0, s23  }
0x138: {  	v1 =	vsel vm0, s0, v1;
	s0 =	sshrl.u32 @!p1 s1, $0x2  }
0x139: {  	s25 =	sadd.s32 $0x120, s25;
	[tilespmem:s0+$0x16900] =	vst @!p1 v1  }
.Ltmp10:
0x13a: {  	(pc) =	sbr.rel .LBB2_13-.Ltmp10, $2  }
0x13b: {  	_ =	sdelay $0x2  }
0x13c: {  	s22 =	simm.s32 $0x6  }
.LBB2_10:
0x13d: {  	_ =	swait.ge [sflag:s8], $0x2000  }
0x13e: {  	[sflag:s8] =	ssyncset.done $0x0  }
0x13f: {  	[sflag:s8] =	ssyncadd.s32 $0xFFFFE000  }
0x140: {  	_ =	swait.ge [sflag:s11], $0x1000  }
0x141: {  	[sflag:s11] =	ssyncset.done $0x0  }
0x142: {  	[sflag:s11] =	ssyncadd.s32 $0xFFFFF000  }
0x143: {  	_ =	swait.ge [sflag:s11], $0x1000  }
0x144: {  	[sflag:s11] =	ssyncset.done $0x0  }
0x145: {  	[sflag:s11] =	ssyncadd.s32 $0xFFFFF000  }
0x146: {  	_ =	swait.ge [sflag:s11], $0x1000  }
0x147: {  	[sflag:s11] =	ssyncset.done $0x0  }
0x148: {  	[sflag:s11] =	ssyncadd.s32 $0xFFFFF000  }
0x149: {  	_ =	swait.ge [sflag:s11], $0x1000  }
0x14a: {  	[sflag:s11] =	ssyncset.done $0x0  }
0x14b: {  	[sflag:s11] =	ssyncadd.s32 $0xFFFFF000  }
0x14c: {  	_ =	swait.ge [sflag:s11], $0x1000  }
0x14d: {  	[sflag:s11] =	ssyncset.done $0x0  }
0x14e: {  	[sflag:s11] =	ssyncadd.s32 $0xFFFFF000  }
0x14f: {  	_ =	swait.ge [sflag:s11], $0x1000  }
0x150: {  	[sflag:s11] =	ssyncset.done $0x0  }
0x151: {  	[sflag:s11] =	ssyncadd.s32 $0xFFFFF000  }
0x152: {  	_ =	swait.ge [sflag:s11], $0x1000  }
0x153: {  	[sflag:s11] =	ssyncset.done $0x0  }
0x154: {  	[sflag:s11] =	ssyncadd.s32 $0xFFFFF000  }
0x155: {  	_ =	swait.ge [sflag:s11], $0x1000  }
0x156: {  	[sflag:s11] =	ssyncset.done $0x0  }
0x157: {  	[sflag:s11] =	ssyncadd.s32 $0xFFFFF000  }
0x158: {  	_ =	swait.ge [sflag:s11], $0x1000  }
0x159: {  	[sflag:s11] =	ssyncset.done $0x0  }
0x15a: {  	s23 =	simm.s32 $0x0;
	[sflag:s11] =	ssyncadd.s32 $0xFFFFF000  }
0x15b: {  	v1 =	vld [tilespmem:s23+$0xDA10]  }
0x15c: {  	v2 =	vld [tilespmem:s23+$0xDA00]  }
0x15d: {  	v3 =	vld [tilespmem:s23+$0xD9D0]  }
0x15e: {  	v4 =	vld [tilespmem:s23+$0xD9C0]  }
0x15f: {  	v5 =	vld [tilespmem:s23+$0xD990]  }
0x160: {  	s22 =	simm.s32 $0x2030;
	v6 =	vld [tilespmem:s23+$0xD980]  }
0x161: {  	v7 =	vld [tilespmem:s22+$0xFFFFFFE0]  }
0x162: {  	v8 =	vld [tilespmem:s22+$0xFFFFFFD0]  }
0x163: {  	v9 =	vld [tilespmem:s23+$0xD970]  }
0x164: {  	v13 =	vld [tilespmem:s23+$0xD950]  }
0x165: {  	v15 =	vld [tilespmem:s23+$0xD940]  }
0x166: {  	v22 =	vld [tilespmem:s23+$0xD920]  }
0x167: {  	v27 =	vld [tilespmem:s23+$0xD910];
	v11 =	vshll.u32 v1, $0x10;
	v12 =	vand.u32 $0xFFFF0000, v2  }
0x168: {  	v28 =	vld [tilespmem:s23+$0xD900];
	v1 =	vand.u32 $0xFFFF0000, v1;
	v14 =	vshll.u32 v3, $0x10;
	v3 =	vand.u32 $0xFFFF0000, v3  }
0x169: {  	v10 =	vld [tilespmem:s22+$0xFFFFFFF0];
	v2 =	vshll.u32 v2, $0x10;
	v16 =	vand.u32 $0xFFFF0000, v5;
	v17 =	vshll.u32 v4, $0x10  }
0x16a: {  	v18 =	vld [tilespmem:s22+$0x0];
	v4 =	vand.u32 $0xFFFF0000, v4;
	v5 =	vshll.u32 v5, $0x10;
	v19 =	vshll.u32 v9, $0x10  }
0x16b: {  	v21 =	vld [tilespmem:s23+$0xD930];
	v20 =	vshll.u32 v6, $0x10;
	v6 =	vand.u32 $0xFFFF0000, v6;
	v26 =	vand.u32 $0xFFFF0000, v13  }
0x16c: {  	v37 =	vld [tilespmem:s23+$0xD960];
	v13 =	vshll.u32 v13, $0x10;
	v23 =	vand.u32 $0xFFFF0000, v15;
	v15 =	vshll.u32 v15, $0x10  }
0x16d: {  	v29 =	vshll.u32 v22, $0x10;
	v30 =	vshll.u32 v27, $0x10;
	v32 =	vshll.u32 v28, $0x10  }
0x16e: {  	v36 =	vand.u32 $0xFFFF0000, v28;
	v2 =	vmul.f32 v2, v8;
	v11 =	vmul.f32 v11, v7  }
0x16f: {  	v41 =	vld [tilespmem:s23+$0xD9A0];
	v38 =	vand.u32 $0xFFFF0000, v22;
	v25 =	vmul.f32 v12, v10;
	v17 =	vmul.f32 v17, v8  }
0x170: {  	v40 =	vand.u32 $0xFFFF0000, v21;
	v14 =	vmul.f32 v14, v7;
	v1 =	vmul.f32 v1, v18  }
0x171: {  	v43 =	vshll.u32 v37, $0x10;
	v4 =	vmul.f32 v4, v10;
	v20 =	vmul.f32 v20, v8  }
0x172: {  	v45 =	vand.u32 $0xFFFF0000, v37;
	v5 =	vmul.f32 v5, v7;
	v3 =	vmul.f32 v3, v18  }
0x173: {  	v46 =	vand.u32 $0xFFFF0000, v9;
	v6 =	vmul.f32 v6, v10;
	v15 =	vmul.f32 v15, v8  }
0x174: {  	v49 =	vshll.u32 v41, $0x10;
	v13 =	vmul.f32 v13, v7;
	v31 =	vmul.f32 v16, v18  }
0x175: {  	v33 =	vmul.f32 v23, v10;
	v34 =	vmul.f32 v32, v8;
	v2 =	vadd.f32 v11, v2  }
0x176: {  	v35 =	vmul.f32 v30, v7;
	v14 =	vadd.f32 v14, v17;
	v5 =	vadd.f32 v5, v20  }
0x177: {  	v12 =	vmul.f32 v26, v18;
	v13 =	vadd.f32 v13, v15;
	v2 =	vadd.f32 v2, v25  }
0x178: {  	v4 =	vadd.f32 v14, v4;
	v5 =	vadd.f32 v5, v6;
	v6 =	vmul.f32 v36, v10  }
0x179: {  	v14 =	vmul.f32 v29, v8;
	v1 =	vadd.f32 v2, v1;
	v2 =	vshll.u32 v21, $0x10  }
0x17a: {  	v3 =	vadd.f32 v4, v3;
	v4 =	vadd.f32 v35, v34;
	v2 =	vmul.f32 v2, v7  }
0x17b: {  	v39 =	vld [tilespmem:s23+$0xD9B0];
	v44 =	vmul.f32 v19, v7;
	v11 =	vand.u32 $0xFFFF0000, v27;
	v13 =	vadd.f32 v13, v33  }
0x17c: {  	v4 =	vadd.f32 v4, v6;
	v6 =	vmul.f32 v38, v10;
	(xrf2) =	vadd.scan.msk.f32 $0xffff, v1;
	v2 =	vadd.f32 v2, v14  }
0x17d: {  	v5 =	vadd.f32 v5, v31;
	v1 =	vmul.f32 v11, v18;
	(xrf2) =	vadd.scan.msk.f32 $0xffff, v3;
	v3 =	vmul.f32 v43, v8  }
0x17e: {  	v42 =	vmul.f32 v40, v18;
	v12 =	vadd.f32 v13, v12;
	v2 =	vadd.f32 v2, v6  }
0x17f: {  	v48 =	vld [tilespmem:s23+$0xD9E0];
	(xrf2) =	vadd.scan.msk.f32 $0xffff, v5;
	v1 =	vadd.f32 v4, v1;
	v4 =	vmul.f32 v45, v10;
	v3 =	vadd.f32 v44, v3  }
0x180: {  	v47 =	vld [tilespmem:s23+$0xD9F0];
	v50 =	vshll.u32 v39, $0x10;
	v51 =	vmul.f32 v49, v8;
	(xrf2) =	vadd.scan.msk.f32 $0xffff, v12;
	v2 =	vadd.f32 v2, v42  }
0x181: {  	v52 =	vmul.f32 v50, v7;
	(xrf2) =	vadd.scan.msk.f32 $0xffff, v1;
	v1 =	vmul.f32 v46, v18;
	v3 =	vadd.f32 v3, v4  }
0x182: {  	(xrf2) =	vadd.scan.msk.f32 $0xffff, v2;
	v2 =	vand.u32 $0xFFFF0000, v41  }
0x183: {  	v1 =	vadd.f32 v3, v1;
	v3 =	vadd.f32 v52, v51;
	v2 =	vmul.f32 v2, v10  }
0x184: {  	v53 =	vand.u32 $0xFFFF0000, v39;
	v55 =	vshll.u32 v48, $0x10  }
0x185: {  	v56 =	vshll.u32 v47, $0x10;
	v54 =	vmul.f32 v53, v18;
	v2 =	vadd.f32 v3, v2  }
0x186: {  	v57 =	vmul.f32 v56, v7;
	(xrf2) =	vadd.scan.msk.f32 $0xffff, v1;
	v3 =	vmul.f32 v55, v8  }
0x187: {  	v6 =	vand.u32 $0xFFFF0000, v48;
	v1, _, _ =	vpop (xrf2);
	v2 =	vadd.f32 v2, v54  }
0x188: {  	v59 =	vmul.f32 v6, v10;
	v58, _, _ =	vpop (xrf2);
	v3 =	vadd.f32 v57, v3  }
0x189: {  	v61 =	vand.u32 $0xFFFF0000, v47;
	v60, _, _ =	vpop (xrf2)  }
0x18a: {  	v63 =	vmul.f32 v61, v18;
	v62, _, _ =	vpop (xrf2);
	v3 =	vadd.f32 v3, v59;
	(xrf2) =	vadd.scan.msk.f32 $0xffff, v2  }
0x18b: {  	v2, _, _ =	vpop (xrf2)  }
0x18c: {  	v3 =	vadd.f32 v3, v63;
	(v2sf) =	vpush v2, $0xF;
	v2, _, _ =	vpop (xrf2)  }
0x18d: {  	(v2sf) =	vpush v2, $0xF  }
0x18e: {  	(xrf2) =	vadd.scan.msk.f32 $0xffff, v3  }
0x18f: {  	(v2sf) =	vpush v62, $0xF  }
0x190: {  	v2, _, _ =	vpop (xrf2)  }
0x191: {  	(v2sf) =	vpush v2, $0xF;
	_ =	sdelay $0x1  }
0x192: {  	(v2sf) =	vpush v60, $0xF  }
0x193: {  	v2, _, _ =	vpop (xrf2)  }
0x194: {  	(v2sf) =	vpush v2, $0xF;
	_ =	sdelay $0x1  }
0x195: {  	(v2sf) =	vpush v58, $0xF  }
0x196: {  	v2, _, _ =	vpop (xrf2)  }
0x197: {  	(v2sf) =	vpush v2, $0xF;
	_ =	sdelay $0x1  }
0x198: {  	s0 =	spop (v2sf);
	(v2sf) =	vpush v1, $0xF  }
0x199: {  	s1 =	spop (v2sf)  }
0x19a: {  	s18 =	sadd.f32 s1, s0  }
0x19b: {  	s19 =	spop (v2sf)  }
0x19c: {  	s18 =	sadd.f32 s19, s18  }
0x19d: {  	s31 =	spop (v2sf)  }
0x19e: {  	s18 =	sadd.f32 s31, s18  }
0x19f: {  	s24 =	spop (v2sf)  }
0x1a0: {  	s18 =	sadd.f32 s24, s18  }
0x1a1: {  	s25 =	spop (v2sf)  }
0x1a2: {  	s18 =	sadd.f32 s25, s18  }
0x1a3: {  	s26 =	spop (v2sf)  }
0x1a4: {  	s0 =	smax.f32 s0, s1;
	s18 =	sadd.f32 s26, s18  }
0x1a5: {  	s0 =	smax.f32 s0, s19;
	s29 =	spop (v2sf)  }
0x1a6: {  	s0 =	smax.f32 s0, s31;
	s1 =	sadd.f32 s29, s18  }
0x1a7: {  	s0 =	smax.f32 s0, s24;
	s30 =	spop (v2sf)  }
0x1a8: {  	s0 =	smax.f32 s0, s25;
	s1 =	sadd.f32 s30, s1  }
0x1a9: {  	s0 =	smax.f32 s0, s26  }
0x1aa: {  	s23 =	simm.s32 $0x0;
	s0 =	smax.f32 s0, s29;
	s1 =	smul.f32 $-2.441406250e-04, s1  }
0x1ab: {  	s31 =	sand.u32 $0xF, s23;
	s0 =	smax.f32 s0, s30  }
0x1ac: {  	v1 =	vmov s31;
	p1 =	sne.s32 s31, $0xF;
	s0 =	sadd.f32 s1, s0  }
0x1ad: {  	v2 =	vimm.f32 $0.0e+00;
	vm0 =	veq.s32 v1, v0;
	s1 =	sand.u32 @!p1 $0x1C0, s23  }
0x1ae: {  	s24 =	simm.s32 $0x480;
	s25 =	simm.s32 $0x0;
	s28 =	sshrl.u32 @!p1 s1, $0x2;
	v1 =	vsel vm0, s0, v2  }
.LBB2_11:
0x1af: {  	s26 =	sshra.s32 s24, $0x2;
	[tilespmem:s28+$0x16900] =	vst @!p1 v1  }
0x1b0: {  	v4 =	vld [tilespmem:s26+$0xDA10]  }
0x1b1: {  	v6 =	vld [tilespmem:s26+$0xDA00]  }
0x1b2: {  	v7 =	vld [tilespmem:s26+$0xD9D0]  }
0x1b3: {  	v8 =	vld [tilespmem:s26+$0xD9C0]  }
0x1b4: {  	v9 =	vld [tilespmem:s26+$0xD990]  }
0x1b5: {  	v10 =	vld [tilespmem:s26+$0xD980]  }
0x1b6: {  	s22 =	sadd.s32 $0x40, s22;
	v11 =	vld [tilespmem:s26+$0xD970]  }
0x1b7: {  	v3 =	vld [tilespmem:s22+$0xFFFFFFE0]  }
0x1b8: {  	v5 =	vld [tilespmem:s22+$0xFFFFFFD0]  }
0x1b9: {  	v12 =	vld [tilespmem:s26+$0xD950]  }
0x1ba: {  	v13 =	vshll.u32 v4, $0x10;
	v15 =	vand.u32 $0xFFFF0000, v4;
	v14 =	vand.u32 $0xFFFF0000, v6;
	v2 =	vld [tilespmem:s22+$0xFFFFFFF0]  }
0x1bb: {  	v6 =	vshll.u32 v6, $0x10;
	v17 =	vshll.u32 v7, $0x10;
	v7 =	vand.u32 $0xFFFF0000, v7;
	v16 =	vld [tilespmem:s26+$0xD940]  }
0x1bc: {  	v19 =	vshll.u32 v8, $0x10;
	v8 =	vand.u32 $0xFFFF0000, v8;
	v18 =	vand.u32 $0xFFFF0000, v9;
	v4 =	vld [tilespmem:s22+$0x0]  }
0x1bd: {  	v9 =	vshll.u32 v9, $0x10;
	v13 =	vmul.f32 v13, v3;
	v6 =	vmul.f32 v6, v5  }
0x1be: {  	v21 =	vshll.u32 v10, $0x10;
	v10 =	vand.u32 $0xFFFF0000, v10;
	v20 =	vshll.u32 v11, $0x10  }
0x1bf: {  	v23 =	vand.u32 $0xFFFF0000, v12;
	v22 =	vld [tilespmem:s26+$0xD930];
	v6 =	vadd.f32 v13, v6;
	v13 =	vmul.f32 v14, v2  }
0x1c0: {  	v17 =	vmul.f32 v17, v3;
	v19 =	vmul.f32 v19, v5;
	v12 =	vshll.u32 v12, $0x10;
	v14 =	vld [tilespmem:s26+$0xD920]  }
0x1c1: {  	v24 =	vand.u32 $0xFFFF0000, v16;
	v6 =	vadd.f32 v6, v13;
	v13 =	vmul.f32 v15, v4  }
0x1c2: {  	v17 =	vadd.f32 v17, v19;
	v8 =	vmul.f32 v8, v2;
	v16 =	vshll.u32 v16, $0x10;
	v15 =	vld [tilespmem:s26+$0xD910]  }
0x1c3: {  	v9 =	vmul.f32 v9, v3;
	v21 =	vmul.f32 v21, v5;
	v19 =	vld [tilespmem:s26+$0xD900];
	v6 =	vadd.f32 v6, v13  }
0x1c4: {  	v8 =	vadd.f32 v17, v8;
	v7 =	vmul.f32 v7, v4;
	v13 =	vshll.u32 v22, $0x10  }
0x1c5: {  	s24 =	sadd.s32 $0x480, s24;
	v9 =	vadd.f32 v9, v21;
	v10 =	vmul.f32 v10, v2;
	v17 =	vshll.u32 v14, $0x10;
	(xrf2) =	vadd.scan.msk.f32 $0xffff, v6  }
0x1c6: {  	p0 =	sne.s32 s24, $0x24000;
	v12 =	vmul.f32 v12, v3;
	v7 =	vadd.f32 v8, v7;
	v6 =	vmul.f32 v16, v5  }
0x1c7: {  	v9 =	vadd.f32 v9, v10;
	v10 =	vmul.f32 v18, v4;
	v8 =	vshll.u32 v15, $0x10  }
0x1c8: {  	v6 =	vadd.f32 v12, v6;
	v12 =	vmul.f32 v24, v2;
	v16 =	vshll.u32 v19, $0x10;
	(xrf2) =	vadd.scan.msk.f32 $0xffff, v7  }
0x1c9: {  	v9 =	vadd.f32 v9, v10;
	v8 =	vmul.f32 v8, v3;
	v7 =	vmul.f32 v16, v5  }
0x1ca: {  	v10 =	vand.u32 $0xFFFF0000, v19;
	v6 =	vadd.f32 v6, v12;
	v12 =	vmul.f32 v23, v4;
	v16 =	vld [tilespmem:s26+$0xD960]  }
0x1cb: {  	v7 =	vadd.f32 v8, v7;
	v8 =	vmul.f32 v10, v2;
	v10 =	vand.u32 $0xFFFF0000, v15;
	(xrf2) =	vadd.scan.msk.f32 $0xffff, v9  }
0x1cc: {  	v9 =	vmul.f32 v17, v5;
	v17 =	vmul.f32 v13, v3;
	v6 =	vadd.f32 v6, v12  }
0x1cd: {  	v7 =	vadd.f32 v7, v8;
	v8 =	vmul.f32 v10, v4;
	v10 =	vand.u32 $0xFFFF0000, v14;
	v12 =	vld [tilespmem:s26+$0xD9B0]  }
0x1ce: {  	v15 =	vand.u32 $0xFFFF0000, v22;
	v9 =	vadd.f32 v17, v9;
	v10 =	vmul.f32 v10, v2;
	v14 =	vld [tilespmem:s26+$0xD9A0];
	(xrf2) =	vadd.scan.msk.f32 $0xffff, v6  }
0x1cf: {  	v6 =	vadd.f32 v7, v8;
	v7 =	vmul.f32 v15, v4;
	v8 =	vshll.u32 v16, $0x10;
	v13, _, _ =	vpop (xrf2)  }
0x1d0: {  	v17 =	vmul.f32 v20, v3;
	v9 =	vadd.f32 v9, v10;
	v8 =	vmul.f32 v8, v5  }
0x1d1: {  	v11 =	vand.u32 $0xFFFF0000, v11;
	v15 =	vand.u32 $0xFFFF0000, v16;
	v16 =	vld [tilespmem:s26+$0xD9F0];
	(xrf2) =	vadd.scan.msk.f32 $0xffff, v6  }
0x1d2: {  	v6 =	vadd.f32 v9, v7;
	v7 =	vadd.f32 v17, v8;
	v8 =	vmul.f32 v15, v2;
	v9 =	vld [tilespmem:s26+$0xD9E0];
	v10, _, _ =	vpop (xrf2)  }
0x1d3: {  	v11 =	vmul.f32 v11, v4;
	v17 =	vshll.u32 v12, $0x10;
	v15 =	vshll.u32 v14, $0x10  }
0x1d4: {  	v7 =	vadd.f32 v7, v8;
	v8 =	vmul.f32 v15, v5;
	v15 =	vmul.f32 v17, v3;
	(xrf2) =	vadd.scan.msk.f32 $0xffff, v6  }
0x1d5: {  	v12 =	vand.u32 $0xFFFF0000, v12;
	v6 =	vand.u32 $0xFFFF0000, v14;
	v14, _, _ =	vpop (xrf2)  }
0x1d6: {  	v6 =	vmul.f32 v6, v2;
	v7 =	vadd.f32 v7, v11;
	v17 =	vadd.f32 v15, v8  }
0x1d7: {  	v11 =	vmul.f32 v12, v4;
	v15 =	vshll.u32 v16, $0x10;
	v12 =	vshll.u32 v9, $0x10  }
0x1d8: {  	v3 =	vmul.f32 v15, v3;
	v6 =	vadd.f32 v17, v6;
	v5 =	vmul.f32 v12, v5;
	v8, _, _ =	vpop (xrf2);
	(xrf2) =	vadd.scan.msk.f32 $0xffff, v7  }
0x1d9: {  	v9 =	vand.u32 $0xFFFF0000, v9  }
0x1da: {  	v2 =	vmul.f32 v9, v2;
	v6 =	vadd.f32 v6, v11;
	v3 =	vadd.f32 v3, v5  }
0x1db: {  	v5 =	vand.u32 $0xFFFF0000, v16;
	v7, _, _ =	vpop (xrf2)  }
0x1dc: {  	v4 =	vmul.f32 v5, v4;
	v2 =	vadd.f32 v3, v2;
	(xrf2) =	vadd.scan.msk.f32 $0xffff, v6;
	_ =	sdelay $0x1  }
0x1dd: {  	v2 =	vadd.f32 v2, v4;
	(v2sf) =	vpush v7, $0xF;
	v3, _, _ =	vpop (xrf2)  }
0x1de: {  	(v2sf) =	vpush v3, $0xF  }
0x1df: {  	(xrf2) =	vadd.scan.msk.f32 $0xffff, v2  }
0x1e0: {  	(v2sf) =	vpush v8, $0xF  }
0x1e1: {  	v2, _, _ =	vpop (xrf2)  }
0x1e2: {  	(v2sf) =	vpush v2, $0xF;
	_ =	sdelay $0x1  }
0x1e3: {  	(v2sf) =	vpush v14, $0xF  }
0x1e4: {  	v2, _, _ =	vpop (xrf2)  }
0x1e5: {  	(v2sf) =	vpush v2, $0xF;
	_ =	sdelay $0x1  }
0x1e6: {  	(v2sf) =	vpush v10, $0xF  }
0x1e7: {  	v2, _, _ =	vpop (xrf2)  }
0x1e8: {  	(v2sf) =	vpush v2, $0xF;
	_ =	sdelay $0x1  }
0x1e9: {  	s0 =	spop (v2sf);
	(v2sf) =	vpush v13, $0xF  }
0x1ea: {  	s1 =	spop (v2sf)  }
0x1eb: {  	s18 =	sadd.f32 s1, s0  }
0x1ec: {  	s19 =	spop (v2sf)  }
0x1ed: {  	s18 =	sadd.f32 s19, s18  }
0x1ee: {  	s26 =	spop (v2sf)  }
0x1ef: {  	s18 =	sadd.f32 s26, s18  }
0x1f0: {  	s28 =	spop (v2sf)  }
0x1f1: {  	s18 =	sadd.f32 s28, s18  }
0x1f2: {  	s29 =	spop (v2sf)  }
0x1f3: {  	s18 =	sadd.f32 s29, s18  }
0x1f4: {  	s30 =	spop (v2sf)  }
0x1f5: {  	s0 =	smax.f32 s0, s1;
	s1 =	sadd.f32 s30, s18  }
0x1f6: {  	s0 =	smax.f32 s0, s19;
	s18 =	spop (v2sf)  }
0x1f7: {  	s0 =	smax.f32 s0, s26;
	s1 =	sadd.f32 s18, s1  }
0x1f8: {  	s19 =	spop (v2sf)  }
0x1f9: {  	s0 =	smax.f32 s0, s28;
	s1 =	sadd.f32 s19, s1  }
0x1fa: {  	s0 =	smax.f32 s0, s29  }
0x1fb: {  	s0 =	smax.f32 s0, s30;
	s1 =	smul.f32 $-2.441406250e-04, s1  }
.Ltmp11:
0x1fc: {  	s23 =	sadd.s32 $0x1, s23;
	s0 =	smax.f32 s0, s18;
	(pc) =	sbr.rel @p0 .LBB2_11-.Ltmp11, $4  }
0x1fd: {  	s18 =	sand.u32 $0xF, s23;
	s0 =	smax.f32 s0, s19  }
0x1fe: {  	s25 =	sadd.s32 $0x4, s25;
	v2 =	vmov s18;
	p1 =	sne.s32 s18, $0xF;
	s0 =	sadd.f32 s1, s0  }
0x1ff: {  	vm0 =	veq.s32 v2, v0;
	s1 =	sand.u32 @!p1 $0x1C0, s25  }
0x200: {  	s28 =	sshrl.u32 @!p1 s1, $0x2;
	v1 =	vsel vm0, s0, v1  }
.Ltmp12:
0x201: {  	(pc) =	sbr.rel .LBB2_13-.Ltmp12, $2  }
0x202: {  	_ =	sdelay $0x2  }
0x203: {  	[tilespmem:s28+$0x16900] =	vst @!p1 v1;
	s22 =	simm.s32 $0x5  }
.LBB2_15:
0x204: {  	_ =	sfence.sel $0x180000  }
0x205: {  	[bflag:$0x0] =	sbarrier.arrive $0xFFFF  }
0x206: {  	_ =	strace $0x90000047  }
0x207: {  	s0 =	stileid.u32;
	[bflag:$0x2] =	sbarrier.arrive $0xFFFF  }
0x208: {  	p0 =	sne.s32 s0, $0x0;
	s0 =	rddreg [dreg:$0x1]  }
0x209: {  	s0 =	sadd.s32 @!p0 $0x100000, s0  }
0x20a: {  	[sflag:s0] =	ssyncadd.tile.s32 @!p0 $0x1;
	_ =	shalt  }
.Lfunc_end2:
_tile_overlayer_lowered:
.L_overlay_start_2:
0x20b: {  	(tag) =	ssettag $0x2  }
0x20c: {  	s0 =	rddreg [dreg:$0x0];
	s2 =	stileid.u32  }
0x20d: {  	s1 =	rddreg [dreg:$0x1];
	p0 =	sne.s32 s2, $0x0  }
0x20e: {  	s3 =	rddreg [dreg:$0x2];
	[bflag:$0x3] =	sbarrier.arrive $0xFFFF;
	s2 =	simm.s32 @!p0 $0x1C05  }
0x20f: {  	[timem:s3], [sflag:s2] =	dma.local @!p0 [hbm:s0], s1  }
0x210: {  	s0 =	simm.s32 @!p0 $0x5  }
0x211: {  	_ =	swait.ge @!p0 [sflag:s0], s1  }
0x212: {  	s1 =	ssub.s32 @!p0 $0x0, s1;
	[sflag:s0] =	ssyncset.done @!p0 $0x0  }
0x213: {  	[sflag:s0] =	ssyncadd.s32 @!p0 s1  }
0x214: {  	[bflag:$0x3] =	sbarrier.arrive $0xFFFF  }
0x215: {  	_ =	shalt  }

// kernel: kernel.15.cloned.1.call-start
scs
__scs_entry_jumppad:
0x0: {  	(pc) =	sbr.rel $0x88, $3  }
0x1: {  	(tag) =	ssettag $0x0;
	lr =	simm.s32 $0x1  }
0x2: {  	[smem:$0x3F7A] =	sst lr;
	_ =	strace $0xD0000000  }
0x3: {  	_ = 	snop  }
0x4: {  	_ = 	snop  }
0x5: {  	_ = 	snop  }
0x6: {  	_ = 	snop  }
0x7: {  	_ = 	snop  }
__scs_overlays_trampoline_lowered:
0x8: {  	[smem:$0x3F89] =	sst s0  }
0x9: {  	[smem:$0x3F8A] =	sst s1  }
0xa: {  	[smem:$0x3F8B] =	sst s2  }
0xb: {  	[smem:$0x3F8C] =	sst s3  }
0xc: {  	[smem:$0x3F8D] =	sst s4  }
0xd: {  	[smem:$0x3F8E] =	sst s5  }
0xe: {  	[smem:$0x3F8F] =	sst s6  }
0xf: {  	[smem:$0x3F90] =	sst s7  }
0x10: {  	[smem:$0x3F91] =	sst s8  }
0x11: {  	[smem:$0x3F92] =	sst s9;
	s0 =	simm.s32 @!p0 $0x0  }
0x12: {  	s1 =	sld [smem:$0x3F78];
	s0 =	simm.s32 @p0 $0x1  }
0x13: {  	[smem:$0x3F93] =	sst s0;
	s0 =	simm.s32 @!p1 $0x0  }
0x14: {  	s2 =	sld [smem:$0x3F77];
	s0 =	simm.s32 @p1 $0x1  }
0x15: {  	[smem:$0x3F94] =	sst s0;
	s0 =	simm.s32 @!p2 $0x0  }
0x16: {  	s3 =	sld [smem:$0x3FDB];
	s0 =	simm.s32 @p2 $0x1  }
0x17: {  	s4 =	simm.s32 $0x1BF5;
	[smem:$0x3F96] =	sst s0  }
0x18: {  	s0 =	sld [smem:$0x3F79];
	_ =	swait.ge [sflag:s4], $0x0  }
0x19: {  	s7 =	sld [smem:$0x3F7A]  }
0x1a: {  	s8 =	sadd.s32 $0xFFFFE003, lr  }
0x1b: {  	s9 =	sadd.s32 $0xFFFFFEF7, lr;
	s5 =	simm.s32 $0xFFFFFFFF;
	p2 =	slt.u32 s8, $0xFFFFF086  }
0x1c: {  	p1 =	slt.u32 s9, $0xF7A;
	s5 =	simm.s32 @!p2 $0x0  }
0x1d: {  	s5 =	simm.s32 @p1 $0x1;
	p0 =	seq.s32 s7, s2  }
0x1e: {  	s7 =	smul.u32 @!p0 $0xF7A, s2;
	p2 =	seq.s32 @!p0 s5, $0x0  }
0x1f: {  	s9 =	smul.u32 $0xF7A, s1;
	s8 =	simm.s32 @!p0 $0x1BF5;
	p2 =	por !p2, p0  }
0x20: {  	[sflag:s8] =	ssyncset.s32 @!p0 $0xFFFFF086;
	s6 =	sadd.s32 @!p0 s3, s7;
	s7 =	simm.s32 @!p0 $0x108  }
0x21: {  	s3 =	sadd.s32 s3, s9;
	s6 =	sadd.s32 @!p0 $0x88, s6;
	s7 =	simm.s32 @p2 $0x1082  }
0x22: {  	[simem:s7], [sflag:s8] =	dma.local @!p0 [hbm:s6], $0xF7A  }
0x23: {  	s9 =	sor.u32 $0xD0000000, s2;
	s6 =	simm.s32 $0x108;
	_ =	swait.ge @!p0 [sflag:s8], $0x0  }
0x24: {  	s3 =	sadd.s32 $0x88, s3;
	s6 =	simm.s32 @!p1 $0x1082;
	[sflag:s4] =	ssyncset.s32 $0xFFFFF086  }
0x25: {  	[simem:s6], [sflag:s4] =	dma.local [hbm:s3], $0xF7A  }
0x26: {  	[smem:$0x3F7A] =	sst s1;
	(tag) =	ssettag s2;
	_ =	strace s9  }
0x27: {  	s1 =	sld [smem:$0x3F8A]  }
0x28: {  	s2 =	sld [smem:$0x3F8B]  }
0x29: {  	s4 =	sld [smem:$0x3F8D]  }
0x2a: {  	p0 =	seq.s32 s5, $0x0;
	s5 =	sld [smem:$0x3F8E]  }
0x2b: {  	s6 =	sld [smem:$0x3F8F]  }
0x2c: {  	s7 =	sld [smem:$0x3F90]  }
0x2d: {  	s3 =	simm.s32 $0x108;
	s8 =	sld [smem:$0x3F91]  }
0x2e: {  	s3 =	simm.s32 @!p0 $0x1082;
	s9 =	sld [smem:$0x3F92]  }
0x2f: {  	lr =	sadd.s32 s0, s3;
	s0 =	sld [smem:$0x3F89]  }
0x30: {  	s3 =	sld [smem:$0x3F8C]  }
0x31: {  	[smem:$0x3F95] =	sst s10  }
0x32: {  	s10 =	sld [smem:$0x3F93];
	_ =	sdelay $0x3  }
0x33: {  	p0 =	seq.s32 s10, $0x1;
	s10 =	sld [smem:$0x3F95];
	_ =	sdelay $0x3  }
0x34: {  	[smem:$0x3F95] =	sst s10  }
0x35: {  	s10 =	sld [smem:$0x3F94];
	_ =	sdelay $0x3  }
0x36: {  	p1 =	seq.s32 s10, $0x1;
	s10 =	sld [smem:$0x3F95];
	_ =	sdelay $0x3  }
0x37: {  	[smem:$0x3F95] =	sst s10  }
0x38: {  	s10 =	sld [smem:$0x3F96]  }
0x39: {  	_ = 	snop;
	(pc) =	sbr.ind lr, $3  }
0x3a: {  	_ = 	snop  }
0x3b: {  	_ = 	snop  }
0x3c: {  	p2 =	seq.s32 s10, $0x1;
	s10 =	sld [smem:$0x3F95]  }
0x3d: {  	_ =	shalt  }
0x3e: {  	_ =	shalt  }
0x3f: {  	_ =	shalt  }
0x40: {  	_ =	shalt  }
0x41: {  	_ =	shalt  }
0x42: {  	_ =	shalt  }
0x43: {  	_ =	shalt  }
0x44: {  	_ =	shalt  }
0x45: {  	_ =	shalt  }
0x46: {  	_ =	shalt  }
0x47: {  	_ =	shalt  }
0x48: {  	_ =	shalt  }
0x49: {  	_ =	shalt  }
0x4a: {  	_ =	shalt  }
0x4b: {  	_ =	shalt  }
0x4c: {  	_ =	shalt  }
0x4d: {  	_ =	shalt  }
0x4e: {  	_ =	shalt  }
0x4f: {  	_ =	shalt  }
0x50: {  	_ =	shalt  }
0x51: {  	_ =	shalt  }
0x52: {  	_ =	shalt  }
0x53: {  	_ =	shalt  }
0x54: {  	_ =	shalt  }
0x55: {  	_ =	shalt  }
0x56: {  	_ =	shalt  }
0x57: {  	_ =	shalt  }
0x58: {  	_ =	shalt  }
0x59: {  	_ =	shalt  }
0x5a: {  	_ =	shalt  }
0x5b: {  	_ =	shalt  }
0x5c: {  	_ =	shalt  }
0x5d: {  	_ =	shalt  }
0x5e: {  	_ =	shalt  }
0x5f: {  	_ =	shalt  }
0x60: {  	_ =	shalt  }
0x61: {  	_ =	shalt  }
0x62: {  	_ =	shalt  }
0x63: {  	_ =	shalt  }
0x64: {  	_ =	shalt  }
0x65: {  	_ =	shalt  }
0x66: {  	_ =	shalt  }
0x67: {  	_ =	shalt  }
0x68: {  	_ =	shalt  }
0x69: {  	_ =	shalt  }
0x6a: {  	_ =	shalt  }
0x6b: {  	_ =	shalt  }
0x6c: {  	_ =	shalt  }
0x6d: {  	_ =	shalt  }
0x6e: {  	_ =	shalt  }
0x6f: {  	_ =	shalt  }
0x70: {  	_ =	shalt  }
0x71: {  	_ =	shalt  }
0x72: {  	_ =	shalt  }
0x73: {  	_ =	shalt  }
0x74: {  	_ =	shalt  }
0x75: {  	_ =	shalt  }
0x76: {  	_ =	shalt  }
0x77: {  	_ =	shalt  }
0x78: {  	_ =	shalt  }
0x79: {  	_ =	shalt  }
0x7a: {  	_ =	shalt  }
0x7b: {  	_ =	shalt  }
0x7c: {  	_ =	shalt  }
0x7d: {  	_ =	shalt  }
0x7e: {  	_ =	shalt  }
0x7f: {  	_ =	shalt  }
0x80: {  	_ =	shalt  }
0x81: {  	_ =	shalt  }
0x82: {  	_ =	shalt  }
0x83: {  	_ =	shalt  }
0x84: {  	_ =	shalt  }
0x85: {  	_ =	shalt  }
0x86: {  	_ =	shalt  }
0x87: {  	_ =	shalt  }
.Lfunc_end0:
.L_simem_size_0:
called_computation.1_lowered:
.L_overlay_start_0:
0x88: {  	s2 =	sld [smem:$0x3FD9]  }
0x89: {  	s3 =	sld [smem:$0x3FFE];
	_ =	sdelay $0x1  }
0x8a: {  	s1 =	srdreg.scid  }
0x8b: {  	s0 =	sand.u32 $0x1, s1  }
0x8c: {  	s16 =	sshll.u32 s0, $0xA;
	s2 =	sadd.s32 s3, s2  }
0x8d: {  	s2 =	sadd.s32 s2, s16  }
0x8e: {  	[smem:$0x3FA1] =	sst s2  }
0x8f: {  	_ = 	snop  }
0x90: {  	(tm) =	ssettm $0x1  }
0x91: {  	s17 =	sld [smem:$0x3FFB];
	_ =	sdelay $0x3  }
0x92: {  	_ =	strace s17  }
0x93: {  	s2 =	sld [smem:$0x3FFC];
	_ =	sdelay $0x3  }
0x94: {  	_ =	strace s2  }
0x95: {  	s2 =	sld [smem:$0x3FFD];
	_ =	sdelay $0x3  }
0x96: {  	_ =	strace s2  }
0x97: {  	_ =	strace $0x8FFFFFFF  }
0x98: {  	s18 =	sld [smem:$0x3FDB];
	_ =	sdelay $0x1  }
0x99: {  	s19 =	simm.s32 $_scs_section_size  }
0x9a: {  	s4 =	simm.s32 $_size__tile_overlayer_lowered;
	s5 =	simm.s32 $_tile_overlayer_lowered  }
0x9b: {  	s22 =	simm.s32 $0x1BFF;
	s21 =	sshll.u32 s5, $0x1;
	s2 =	sadd.s32 s19, s18  }
0x9c: {  	s6 =	simm.s32 $0x0;
	s20 =	sshll.u32 s4, $0x1;
	s4 =	sadd.s32 s21, s2  }
0x9d: {  	[timem:s6], [sflag:s22] =	dma.local [hbm:s4], s20  }
0x9e: {  	_ =	swait.ge [sflag:s22], s20  }
0x9f: {  	s3 =	ssub.s32 $0x0, s20;
	[sflag:s22] =	ssyncset.done $0x0  }
0xa0: {  	[sflag:s22] =	ssyncadd.s32 s3;
	_ =	sdelay $0x1  }
0xa1: {  	s23 =	simm.s32 $0x1B8B  }
0xa2: {  	_ =	swait.ge [sflag:s23], $0x1  }
0xa3: {  	[sflag:s23] =	ssyncset.done $0x0  }
0xa4: {  	s25 =	simm.s32 $0x1B8E;
	s24 =	sld [smem:$0x3FFE];
	[sflag:s23] =	ssyncadd.s32 $0xFFFFFFFF  }
0xa5: {  	s26 =	simm.s32 $execute0_lowered;
	[smem:$0x3FD2] =	sst s25  }
0xa6: {  	s4 =	sshll.u32 s26, $0x1;
	_ =	strace $0x80000049;
	[dreg:$0x1] =	wrdreg $0xFFFFFFFF  }
0xa7: {  	s28 =	simm.s32 $_size_execute0_lowered;
	s2 =	sadd.s32 s2, s4;
	[dreg:$0x0] =	wrdreg $0x0  }
0xa8: {  	s4 =	sshll.u32 s28, $0x1;
	[dreg:$0x2] =	wrdreg s2  }
0xa9: {  	[dreg:$0x3] =	wrdreg s4  }
0xaa: {  	[dreg:$0x4] =	wrdreg $0xC0  }
0xab: {  	_ =	task [dreg:s6], $0x5FFFF  }
0xac: {  	[dreg:$0x1] =	wrdreg $0xFFFFFFFF  }
0xad: {  	[dreg:$0x0] =	wrdreg $0x60  }
0xae: {  	[dreg:$0x2] =	wrdreg s24  }
0xaf: {  	[dreg:$0x3] =	wrdreg $0x9  }
0xb0: {  	_ =	task.clear_ibuf [dreg:s6], $0x4FFFF;
	_ =	strace $0x90000049  }
0xb1: {  	s29 =	simm.s32 $0x9;
	_ =	strace $0x8000004B  }
0xb2: {  	_ =	swait.ge [sflag:s29], $0x1  }
0xb3: {  	[sflag:s29] =	ssyncadd.s32 $0xFFFFFFFF  }
0xb4: {  	_ =	strace $0x9000004B  }
0xb5: {  	_ =	sfence  }
0xb6: {  	s30 =	sld [smem:$0x0];
	_ =	sdelay $0x2  }
0xb7: {  	s31 =	sshll.u32 s1, $0xD;
	s1 =	sshrl.u32 s1, $0x2  }
0xb8: {  	s3 =	sand.u32 $0x4000, s31;
	s1 =	sadd.s32 s1, s30  }
0xb9: {  	s0 =	sor.u32 s3, s0;
	s1 =	sshll.u32 s1, $0x11  }
0xba: {  	s0 =	sor.u32 s1, s0  }
0xbb: {  	s0 =	sadd.s32 $0x8F2B, s0  }
0xbc: {  	[sflag:s0] =	ssyncadd.remote.s32 $0x1  }
0xbd: {  	_ =	sfence.sel $0xFFFF  }
0xbe: {  	[dreg:$0x0] =	wrdreg $0xFFFFFFFF;
	(pc) =	sbr.abs _section_cstart, $3  }
0xbf: {  	[dreg:$0x1] =	wrdreg $0xFFFFFFFF  }
0xc0: {  	_ =	task.clear_ibuf [dreg:s6], $0x2FFFF;
	_ =	strace $0x9FFFFFFF  }
0xc1: {  	(tm) =	ssettm $0x7FFFFFFF  }
tec
execute0_lowered:
.L_overlay_start_1:
0x0: {  	(tag) =	ssettag $0x1  }
0x1: {  	s0 =	rddreg [dreg:$0x0]  }
0x2: {  	s1 =	srdreg.scid;
	s3 =	stileid.u32;
	s2 =	simm.s32 $0x0  }
0x3: {  	s13 =	simm.s32 $0x4000;
	s15 =	simm.s32 $0x80;
	s11 =	simm.s32 $0x4  }
0x4: {  	s12 =	simm.s32 $0x16900;
	s14 =	simm.s32 $0x6;
	s16 =	simm.s32 $0x1  }
0x5: {  	s17 =	simm.s32 $0x3;
	s1 =	sand.u32 $0x1, s1;
	s3 =	sshll.u32 s3, $0x1  }
0x6: {  	[smem:$0x7FF] =	sst s2;
	s4 =	sadd.s32 $0x1D8400, s0;
	s5 =	sadd.s32 $0x6E00, s0  }
0x7: {  	s6 =	sadd.s32 $0x1BD400, s0;
	s7 =	sadd.s32 $0x66E00, s0;
	s8 =	sor.u32 s1, s3  }
0x8: {  	_ =	strace $0x8000004A;
	s1 =	ssub.s32 $0x2, s1;
	s3 =	smul.u32 $0x480, s8  }
.Ltmp0:
0x9: {  	s9 =	sshrl.u32 s1, $0x1;
	s31 =	sshll.u32 s8, $0xA;
	(pc) =	sbr.rel .LBB2_1-.Ltmp0, $4  }
0xa: {  	s29 =	ssub.s32 s1, s9;
	s9 =	sshll.u32 s8, $0x7;
	s1 =	sadd.s32 s4, s31  }
0xb: {  	s10 =	sshrl.u32 s3, $0x3;
	[dreg:$0x3] =	wrdreg s1;
	s0 =	smax.u32 s29, $0x1  }
0xc: {  	s1 =	simm.s32 $0x0;
	s30 =	sadd.s32 s6, s10;
	[dreg:$0x4] =	wrdreg s0  }
0xd: {  	v0 =	vlaneseq.u32;
	s10 =	sshll.u32 s8, $0xD;
	s8 =	simm.s32 $0x2;
	[dreg:$0x2] =	wrdreg s30  }
.LBB2_14:
0xe: {  	s1 =	rddreg [dreg:$0x5]  }
0xf: {  	s0 =	rddreg [dreg:$0x4];
	s1 =	sadd.s32 $0x1, s1  }
0x10: {  	p0 =	sne.s32 s1, s0  }
.Ltmp1:
0x11: {  	_ = 	snop;
	(pc) =	sbr.rel @!p0 .LBB2_15-.Ltmp1, $1  }
0x12: {  	_ =	sdelay $0x3  }
.LBB2_1:
0x13: {  	[dreg:$0x5] =	wrdreg s1  }
0x14: {  	s0 =	rddreg [dreg:$0x2];
	s26 =	simm.s32 $0x5  }
0x15: {  	[tilespmem:s13], [sflag:$0x5] =	stream.linear.gather [hbm4b:s0+s2], $0x480, $0x38;
	[tilespmem:$0x16980] =	vst v63  }
0x16: {  	_ =	swait.ge [sflag:s26], $0x480  }
0x17: {  	[sflag:s26] =	ssyncset.done $0x0  }
0x18: {  	s28 =	rddreg [dreg:$0x3];
	[sflag:s26] =	ssyncadd.s32 $0xFFFFFB80  }
0x19: {  	[tilespmem:s2], [sflag:$0x1] =	stream.linear.gather [hbm4b:s28+s2], $0x2000, $0x38;
	[tilespmem:$0x16980] =	vst v63  }
0x1a: {  	s29 =	simm.s32 $0x4900  }
0x1b: {  	[tilespmem:s29], [sflag:$0x3] =	stream.indirect.gather [hbm4b:s5+s15], $0x20, s13, s15, $0xb8;
	[tilespmem:$0x16980] =	vst v63  }
0x1c: {  	s30 =	simm.s32 $0x4080;
	s31 =	simm.s32 $0x5900  }
0x1d: {  	[tilespmem:s31], [sflag:$0x3] =	stream.indirect.gather [hbm4b:s5+s15], $0x20, s30, s15, $0xb8;
	[tilespmem:$0x16980] =	vst v63  }
0x1e: {  	s1 =	simm.s32 $0x4100;
	s18 =	simm.s32 $0x6900  }
0x1f: {  	[tilespmem:s18], [sflag:$0x3] =	stream.indirect.gather [hbm4b:s5+s15], $0x20, s1, s15, $0xb8;
	[tilespmem:$0x16980] =	vst v63  }
0x20: {  	s19 =	simm.s32 $0x4180;
	s20 =	simm.s32 $0x7900  }
0x21: {  	[tilespmem:s20], [sflag:$0x3] =	stream.indirect.gather [hbm4b:s5+s15], $0x20, s19, s15, $0xb8;
	[tilespmem:$0x16980] =	vst v63  }
0x22: {  	s21 =	simm.s32 $0x4200;
	s22 =	simm.s32 $0x8900  }
0x23: {  	[tilespmem:s22], [sflag:$0x3] =	stream.indirect.gather [hbm4b:s5+s15], $0x20, s21, s15, $0xb8;
	[tilespmem:$0x16980] =	vst v63  }
0x24: {  	s23 =	simm.s32 $0x4280;
	s24 =	simm.s32 $0x9900  }
0x25: {  	[tilespmem:s24], [sflag:$0x3] =	stream.indirect.gather [hbm4b:s5+s15], $0x20, s23, s15, $0xb8;
	[tilespmem:$0x16980] =	vst v63  }
0x26: {  	s25 =	simm.s32 $0x4300;
	s26 =	simm.s32 $0xA900  }
0x27: {  	[tilespmem:s26], [sflag:$0x3] =	stream.indirect.gather [hbm4b:s5+s15], $0x20, s25, s15, $0xb8;
	[tilespmem:$0x16980] =	vst v63  }
.Ltmp2:
0x28: {  	_ = 	snop;
	(pc) =	sbr.rel .LBB2_2-.Ltmp2, $4  }
0x29: {  	s28 =	simm.s32 $0x4380;
	s29 =	simm.s32 $0xB900  }
0x2a: {  	[tilespmem:s29], [sflag:$0x3] =	stream.indirect.gather [hbm4b:s5+s15], $0x20, s28, s15, $0xb8;
	[tilespmem:$0x16980] =	vst v63  }
0x2b: {  	s30 =	simm.s32 $0x4400;
	s31 =	simm.s32 $0xC900;
	s20 =	simm.s32 $0x0  }
0x2c: {  	[tilespmem:s31], [sflag:$0x3] =	stream.indirect.gather [hbm4b:s5+s15], $0x20, s30, s15, $0xb8;
	[tilespmem:$0x16980] =	vst v63  }
.LBB2_13:
0x2d: {  	s0 =	sshll.u32 s20, $0xC  }
0x2e: {  	s0 =	sor.u32 s9, s0  }
0x2f: {  	p0 =	sne.s32 s21, $0x18;
	s0 =	sshrl.u32 s0, $0x3  }
.Ltmp3:
0x30: {  	s0 =	sadd.s32 s7, s0;
	(pc) =	sbr.rel @!p0 .LBB2_14-.Ltmp3, $4  }
0x31: {  	[hbm4b:s0+s2] =	stream.linear.scatter [tilespmem:s12], [sflag:s22], $0x80, $0x38;
	[tilespmem:$0x16980] =	vst v63  }
0x32: {  	_ =	swait.ge [sflag:s22], $0x80  }
0x33: {  	[sflag:s22] =	ssyncset.done $0x0  }
0x34: {  	s20 =	smov.u32 s21;
	[sflag:s22] =	ssyncadd.s32 $0xFFFFFF80  }
.LBB2_2:
0x35: {  	p0 =	seq.s32 s20, $0x17  }
.Ltmp4:
0x36: {  	_ = 	snop;
	(pc) =	sbr.rel @p0 .LBB2_10-.Ltmp4, $2  }
0x37: {  	_ =	sdelay $0x2  }
0x38: {  	s21 =	sadd.s32 $0x1, s20  }
0x39: {  	s22 =	sand.u32 $0x1, s20  }
0x3a: {  	p0 =	seq.s32 s22, $0x0  }
.Ltmp5:
0x3b: {  	_ = 	snop;
	(pc) =	sbr.rel @p0 .LBB2_5-.Ltmp5, $3  }
0x3c: {  	_ = 	snop  }
0x3d: {  	s23 =	smul.u32 $0x9000, s21;
	_ =	sdelay $0x1  }
0x3e: {  	s24 =	sshll.u32 s21, $0x12;
	s23 =	sadd.s32 s3, s23  }
.Ltmp6:
0x3f: {  	(pc) =	sbr.rel .LBB2_6-.Ltmp6, $4  }
0x40: {  	_ = 	snop  }
0x41: {  	s24 =	sor.u32 s10, s24  }
0x42: {  	s23 =	sshrl.u32 s23, $0x3;
	s24 =	sshrl.u32 s24, $0x3  }
0x43: {  	s23 =	sadd.s32 s6, s23;
	s24 =	sadd.s32 s4, s24  }
.LBB2_5:
0x44: {  	s23 =	sshrl.u32 s23, $0x3  }
0x45: {  	s0 =	simm.s32 $0x4480;
	s23 =	sadd.s32 s6, s23  }
0x46: {  	[tilespmem:s0], [sflag:$0x6] =	stream.linear.gather [hbm4b:s23+s2], $0x480, $0x38;
	[tilespmem:$0x16980] =	vst v63  }
0x47: {  	s24 =	sor.u32 s10, s24;
	_ =	swait.ge [sflag:s14], $0x480  }
0x48: {  	s24 =	sshrl.u32 s24, $0x3;
	[sflag:s14] =	ssyncset.done $0x0  }
0x49: {  	s1 =	simm.s32 $0x2000;
	s24 =	sadd.s32 s4, s24;
	[sflag:s14] =	ssyncadd.s32 $0xFFFFFB80  }
0x4a: {  	[tilespmem:s1], [sflag:$0x2] =	stream.linear.gather [hbm4b:s24+s2], $0x2000, $0x38;
	[tilespmem:$0x16980] =	vst v63  }
0x4b: {  	s31 =	simm.s32 $0xD900  }
0x4c: {  	[tilespmem:s31], [sflag:$0x4] =	stream.indirect.gather [hbm4b:s5+s15], $0x20, s0, s15, $0xb8;
	[tilespmem:$0x16980] =	vst v63  }
0x4d: {  	s18 =	simm.s32 $0x4500;
	s19 =	simm.s32 $0xE900  }
0x4e: {  	[tilespmem:s19], [sflag:$0x4] =	stream.indirect.gather [hbm4b:s5+s15], $0x20, s18, s15, $0xb8;
	[tilespmem:$0x16980] =	vst v63  }
0x4f: {  	s25 =	simm.s32 $0x4580;
	s26 =	simm.s32 $0xF900  }
0x50: {  	[tilespmem:s26], [sflag:$0x4] =	stream.indirect.gather [hbm4b:s5+s15], $0x20, s25, s15, $0xb8;
	[tilespmem:$0x16980] =	vst v63  }
0x51: {  	s28 =	simm.s32 $0x4600;
	s29 =	simm.s32 $0x10900  }
0x52: {  	[tilespmem:s29], [sflag:$0x4] =	stream.indirect.gather [hbm4b:s5+s15], $0x20, s28, s15, $0xb8;
	[tilespmem:$0x16980] =	vst v63  }
0x53: {  	s30 =	simm.s32 $0x4680;
	s31 =	simm.s32 $0x11900  }
0x54: {  	[tilespmem:s31], [sflag:$0x4] =	stream.indirect.gather [hbm4b:s5+s15], $0x20, s30, s15, $0xb8;
	[tilespmem:$0x16980] =	vst v63  }
0x55: {  	s18 =	simm.s32 $0x4700;
	s19 =	simm.s32 $0x12900  }
0x56: {  	[tilespmem:s19], [sflag:$0x4] =	stream.indirect.gather [hbm4b:s5+s15], $0x20, s18, s15, $0xb8;
	[tilespmem:$0x16980] =	vst v63  }
0x57: {  	s25 =	simm.s32 $0x4780;
	s26 =	simm.s32 $0x13900  }
0x58: {  	[tilespmem:s26], [sflag:$0x4] =	stream.indirect.gather [hbm4b:s5+s15], $0x20, s25, s15, $0xb8;
	[tilespmem:$0x16980] =	vst v63  }
.Ltmp7:
0x59: {  	_ = 	snop;
	(pc) =	sbr.rel @p0 .LBB2_7-.Ltmp7, $4  }
0x5a: {  	s28 =	simm.s32 $0x4800;
	s29 =	simm.s32 $0x14900  }
0x5b: {  	[tilespmem:s29], [sflag:$0x4] =	stream.indirect.gather [hbm4b:s5+s15], $0x20, s28, s15, $0xb8;
	[tilespmem:$0x16980] =	vst v63  }
0x5c: {  	s30 =	simm.s32 $0x4880;
	s31 =	simm.s32 $0x15900  }
0x5d: {  	[tilespmem:s31], [sflag:$0x4] =	stream.indirect.gather [hbm4b:s5+s15], $0x20, s30, s15, $0xb8;
	[tilespmem:$0x16980] =	vst v63  }
.LBB2_6:
0x5e: {  	[tilespmem:s13], [sflag:$0x6] =	stream.linear.gather [hbm4b:s23+s2], $0x480, $0x38;
	[tilespmem:$0x16980] =	vst v63  }
0x5f: {  	_ =	swait.ge [sflag:s14], $0x480  }
0x60: {  	[sflag:s14] =	ssyncset.done $0x0  }
0x61: {  	[sflag:s14] =	ssyncadd.s32 $0xFFFFFB80  }
0x62: {  	[tilespmem:s2], [sflag:$0x1] =	stream.linear.gather [hbm4b:s24+s2], $0x2000, $0x38;
	[tilespmem:$0x16980] =	vst v63  }
0x63: {  	s0 =	simm.s32 $0x4900  }
0x64: {  	[tilespmem:s0], [sflag:$0x3] =	stream.indirect.gather [hbm4b:s5+s15], $0x20, s13, s15, $0xb8;
	[tilespmem:$0x16980] =	vst v63  }
0x65: {  	s26 =	simm.s32 $0x4080;
	s1 =	simm.s32 $0x5900  }
0x66: {  	[tilespmem:s1], [sflag:$0x3] =	stream.indirect.gather [hbm4b:s5+s15], $0x20, s26, s15, $0xb8;
	[tilespmem:$0x16980] =	vst v63  }
0x67: {  	s28 =	simm.s32 $0x4100;
	s29 =	simm.s32 $0x6900  }
0x68: {  	[tilespmem:s29], [sflag:$0x3] =	stream.indirect.gather [hbm4b:s5+s15], $0x20, s28, s15, $0xb8;
	[tilespmem:$0x16980] =	vst v63  }
0x69: {  	s30 =	simm.s32 $0x4180;
	s31 =	simm.s32 $0x7900  }
0x6a: {  	[tilespmem:s31], [sflag:$0x3] =	stream.indirect.gather [hbm4b:s5+s15], $0x20, s30, s15, $0xb8;
	[tilespmem:$0x16980] =	vst v63  }
0x6b: {  	s18 =	simm.s32 $0x4200;
	s19 =	simm.s32 $0x8900  }
0x6c: {  	[tilespmem:s19], [sflag:$0x3] =	stream.indirect.gather [hbm4b:s5+s15], $0x20, s18, s15, $0xb8;
	[tilespmem:$0x16980] =	vst v63  }
0x6d: {  	s23 =	simm.s32 $0x4280;
	s24 =	simm.s32 $0x9900  }
0x6e: {  	[tilespmem:s24], [sflag:$0x3] =	stream.indirect.gather [hbm4b:s5+s15], $0x20, s23, s15, $0xb8;
	[tilespmem:$0x16980] =	vst v63  }
0x6f: {  	s25 =	simm.s32 $0x4300;
	p0 =	sne.s32 s22, $0x0;
	s26 =	simm.s32 $0xA900  }
0x70: {  	[tilespmem:s26], [sflag:$0x3] =	stream.indirect.gather [hbm4b:s5+s15], $0x20, s25, s15, $0xb8;
	[tilespmem:$0x16980] =	vst v63  }
.Ltmp8:
0x71: {  	_ = 	snop;
	(pc) =	sbr.rel @p0 .LBB2_10-.Ltmp8, $4  }
0x72: {  	s28 =	simm.s32 $0x4380;
	s29 =	simm.s32 $0xB900  }
0x73: {  	[tilespmem:s29], [sflag:$0x3] =	stream.indirect.gather [hbm4b:s5+s15], $0x20, s28, s15, $0xb8;
	[tilespmem:$0x16980] =	vst v63  }
0x74: {  	s30 =	simm.s32 $0x4400;
	s31 =	simm.s32 $0xC900  }
0x75: {  	[tilespmem:s31], [sflag:$0x3] =	stream.indirect.gather [hbm4b:s5+s15], $0x20, s30, s15, $0xb8;
	[tilespmem:$0x16980] =	vst v63  }
.LBB2_7:
0x76: {  	_ =	swait.ge [sflag:s16], $0x2000  }
0x77: {  	[sflag:s16] =	ssyncset.done $0x0  }
0x78: {  	[sflag:s16] =	ssyncadd.s32 $0xFFFFE000  }
0x79: {  	_ =	swait.ge [sflag:s17], $0x1000  }
0x7a: {  	[sflag:s17] =	ssyncset.done $0x0  }
0x7b: {  	[sflag:s17] =	ssyncadd.s32 $0xFFFFF000  }
0x7c: {  	_ =	swait.ge [sflag:s17], $0x1000  }
0x7d: {  	[sflag:s17] =	ssyncset.done $0x0  }
0x7e: {  	[sflag:s17] =	ssyncadd.s32 $0xFFFFF000  }
0x7f: {  	_ =	swait.ge [sflag:s17], $0x1000  }
0x80: {  	[sflag:s17] =	ssyncset.done $0x0  }
0x81: {  	[sflag:s17] =	ssyncadd.s32 $0xFFFFF000  }
0x82: {  	_ =	swait.ge [sflag:s17], $0x1000  }
0x83: {  	[sflag:s17] =	ssyncset.done $0x0  }
0x84: {  	[sflag:s17] =	ssyncadd.s32 $0xFFFFF000  }
0x85: {  	_ =	swait.ge [sflag:s17], $0x1000  }
0x86: {  	[sflag:s17] =	ssyncset.done $0x0  }
0x87: {  	[sflag:s17] =	ssyncadd.s32 $0xFFFFF000  }
0x88: {  	_ =	swait.ge [sflag:s17], $0x1000  }
0x89: {  	[sflag:s17] =	ssyncset.done $0x0  }
0x8a: {  	[sflag:s17] =	ssyncadd.s32 $0xFFFFF000  }
0x8b: {  	_ =	swait.ge [sflag:s17], $0x1000  }
0x8c: {  	[sflag:s17] =	ssyncset.done $0x0  }
0x8d: {  	[sflag:s17] =	ssyncadd.s32 $0xFFFFF000  }
0x8e: {  	_ =	swait.ge [sflag:s17], $0x1000  }
0x8f: {  	[sflag:s17] =	ssyncset.done $0x0  }
0x90: {  	[sflag:s17] =	ssyncadd.s32 $0xFFFFF000  }
0x91: {  	_ =	swait.ge [sflag:s17], $0x1000  }
0x92: {  	[sflag:s17] =	ssyncset.done $0x0  }
0x93: {  	s23 =	simm.s32 $0x4990;
	[sflag:s17] =	ssyncadd.s32 $0xFFFFF000  }
0x94: {  	v1 =	vld [tilespmem:s23+$0x80]  }
0x95: {  	v2 =	vld [tilespmem:s23+$0x70]  }
0x96: {  	v3 =	vld [tilespmem:s23+$0x40]  }
0x97: {  	v4 =	vld [tilespmem:s23+$0x30]  }
0x98: {  	v5 =	vld [tilespmem:s23+$0x0]  }
0x99: {  	s22 =	simm.s32 $0x20;
	v6 =	vld [tilespmem:s23+$0xFFFFFFF0]  }
0x9a: {  	v7 =	vld [tilespmem:s22+$0xFFFFFFF0]  }
0x9b: {  	v8 =	vld [tilespmem:s22+$0xFFFFFFE0]  }
0x9c: {  	v9 =	vld [tilespmem:s23+$0xFFFFFFE0]  }
0x9d: {  	v13 =	vld [tilespmem:s23+$0xFFFFFFC0]  }
0x9e: {  	v15 =	vld [tilespmem:s23+$0xFFFFFFB0]  }
0x9f: {  	v22 =	vld [tilespmem:s23+$0xFFFFFF90]  }
0xa0: {  	v27 =	vld [tilespmem:s23+$0xFFFFFF80];
	v11 =	vshll.u32 v1, $0x10;
	v12 =	vand.u32 $0xFFFF0000, v2  }
0xa1: {  	v28 =	vld [tilespmem:s23+$0xFFFFFF70];
	v1 =	vand.u32 $0xFFFF0000, v1;
	v14 =	vshll.u32 v3, $0x10;
	v3 =	vand.u32 $0xFFFF0000, v3  }
0xa2: {  	v10 =	vld [tilespmem:s22+$0x0];
	v2 =	vshll.u32 v2, $0x10;
	v16 =	vand.u32 $0xFFFF0000, v5;
	v17 =	vshll.u32 v4, $0x10  }
0xa3: {  	v18 =	vld [tilespmem:s22+$0x10];
	v4 =	vand.u32 $0xFFFF0000, v4;
	v5 =	vshll.u32 v5, $0x10;
	v19 =	vshll.u32 v9, $0x10  }
0xa4: {  	v21 =	vld [tilespmem:s23+$0xFFFFFFA0];
	v20 =	vshll.u32 v6, $0x10;
	v6 =	vand.u32 $0xFFFF0000, v6;
	v26 =	vand.u32 $0xFFFF0000, v13  }
0xa5: {  	v37 =	vld [tilespmem:s23+$0xFFFFFFD0];
	v13 =	vshll.u32 v13, $0x10;
	v23 =	vand.u32 $0xFFFF0000, v15;
	v15 =	vshll.u32 v15, $0x10  }
0xa6: {  	v29 =	vshll.u32 v22, $0x10;
	v30 =	vshll.u32 v27, $0x10;
	v32 =	vshll.u32 v28, $0x10  }
0xa7: {  	v36 =	vand.u32 $0xFFFF0000, v28;
	v2 =	vmul.f32 v2, v8;
	v11 =	vmul.f32 v11, v7  }
0xa8: {  	v41 =	vld [tilespmem:s23+$0x10];
	v38 =	vand.u32 $0xFFFF0000, v22;
	v25 =	vmul.f32 v12, v10;
	v17 =	vmul.f32 v17, v8  }
0xa9: {  	v40 =	vand.u32 $0xFFFF0000, v21;
	v14 =	vmul.f32 v14, v7;
	v1 =	vmul.f32 v1, v18  }
0xaa: {  	v43 =	vshll.u32 v37, $0x10;
	v4 =	vmul.f32 v4, v10;
	v20 =	vmul.f32 v20, v8  }
0xab: {  	v45 =	vand.u32 $0xFFFF0000, v37;
	v5 =	vmul.f32 v5, v7;
	v3 =	vmul.f32 v3, v18  }
0xac: {  	v46 =	vand.u32 $0xFFFF0000, v9;
	v6 =	vmul.f32 v6, v10;
	v15 =	vmul.f32 v15, v8  }
0xad: {  	v49 =	vshll.u32 v41, $0x10;
	v13 =	vmul.f32 v13, v7;
	v31 =	vmul.f32 v16, v18  }
0xae: {  	v33 =	vmul.f32 v23, v10;
	v34 =	vmul.f32 v32, v8;
	v2 =	vadd.f32 v11, v2  }
0xaf: {  	v35 =	vmul.f32 v30, v7;
	v14 =	vadd.f32 v14, v17;
	v5 =	vadd.f32 v5, v20  }
0xb0: {  	v12 =	vmul.f32 v26, v18;
	v13 =	vadd.f32 v13, v15;
	v2 =	vadd.f32 v2, v25  }
0xb1: {  	v4 =	vadd.f32 v14, v4;
	v5 =	vadd.f32 v5, v6;
	v6 =	vmul.f32 v36, v10  }
0xb2: {  	v14 =	vmul.f32 v29, v8;
	v1 =	vadd.f32 v2, v1;
	v2 =	vshll.u32 v21, $0x10  }
0xb3: {  	v3 =	vadd.f32 v4, v3;
	v4 =	vadd.f32 v35, v34;
	v2 =	vmul.f32 v2, v7  }
0xb4: {  	v39 =	vld [tilespmem:s23+$0x20];
	v44 =	vmul.f32 v19, v7;
	v11 =	vand.u32 $0xFFFF0000, v27;
	v13 =	vadd.f32 v13, v33  }
0xb5: {  	v4 =	vadd.f32 v4, v6;
	v6 =	vmul.f32 v38, v10;
	(xrf2) =	vadd.scan.msk.f32 $0xffff, v1;
	v2 =	vadd.f32 v2, v14  }
0xb6: {  	v5 =	vadd.f32 v5, v31;
	v1 =	vmul.f32 v11, v18;
	(xrf2) =	vadd.scan.msk.f32 $0xffff, v3;
	v3 =	vmul.f32 v43, v8  }
0xb7: {  	v42 =	vmul.f32 v40, v18;
	v12 =	vadd.f32 v13, v12;
	v2 =	vadd.f32 v2, v6  }
0xb8: {  	v48 =	vld [tilespmem:s23+$0x50];
	(xrf2) =	vadd.scan.msk.f32 $0xffff, v5;
	v1 =	vadd.f32 v4, v1;
	v4 =	vmul.f32 v45, v10;
	v3 =	vadd.f32 v44, v3  }
0xb9: {  	v47 =	vld [tilespmem:s23+$0x60];
	v50 =	vshll.u32 v39, $0x10;
	v51 =	vmul.f32 v49, v8;
	(xrf2) =	vadd.scan.msk.f32 $0xffff, v12;
	v2 =	vadd.f32 v2, v42  }
0xba: {  	v52 =	vmul.f32 v50, v7;
	(xrf2) =	vadd.scan.msk.f32 $0xffff, v1;
	v1 =	vmul.f32 v46, v18;
	v3 =	vadd.f32 v3, v4  }
0xbb: {  	(xrf2) =	vadd.scan.msk.f32 $0xffff, v2;
	v2 =	vand.u32 $0xFFFF0000, v41  }
0xbc: {  	v1 =	vadd.f32 v3, v1;
	v3 =	vadd.f32 v52, v51;
	v2 =	vmul.f32 v2, v10  }
0xbd: {  	v53 =	vand.u32 $0xFFFF0000, v39;
	v55 =	vshll.u32 v48, $0x10  }
0xbe: {  	v56 =	vshll.u32 v47, $0x10;
	v54 =	vmul.f32 v53, v18;
	v2 =	vadd.f32 v3, v2  }
0xbf: {  	v57 =	vmul.f32 v56, v7;
	(xrf2) =	vadd.scan.msk.f32 $0xffff, v1;
	v3 =	vmul.f32 v55, v8  }
0xc0: {  	v6 =	vand.u32 $0xFFFF0000, v48;
	v1, _, _ =	vpop (xrf2);
	v2 =	vadd.f32 v2, v54  }
0xc1: {  	v59 =	vmul.f32 v6, v10;
	v58, _, _ =	vpop (xrf2);
	v3 =	vadd.f32 v57, v3  }
0xc2: {  	v61 =	vand.u32 $0xFFFF0000, v47;
	v60, _, _ =	vpop (xrf2)  }
0xc3: {  	v63 =	vmul.f32 v61, v18;
	v62, _, _ =	vpop (xrf2);
	v3 =	vadd.f32 v3, v59;
	(xrf2) =	vadd.scan.msk.f32 $0xffff, v2  }
0xc4: {  	v2, _, _ =	vpop (xrf2)  }
0xc5: {  	v3 =	vadd.f32 v3, v63;
	(v2sf) =	vpush v2, $0xF;
	v2, _, _ =	vpop (xrf2)  }
0xc6: {  	(v2sf) =	vpush v2, $0xF  }
0xc7: {  	(xrf2) =	vadd.scan.msk.f32 $0xffff, v3  }
0xc8: {  	(v2sf) =	vpush v62, $0xF  }
0xc9: {  	v2, _, _ =	vpop (xrf2)  }
0xca: {  	(v2sf) =	vpush v2, $0xF;
	_ =	sdelay $0x1  }
0xcb: {  	(v2sf) =	vpush v60, $0xF  }
0xcc: {  	v2, _, _ =	vpop (xrf2)  }
0xcd: {  	(v2sf) =	vpush v2, $0xF;
	_ =	sdelay $0x1  }
0xce: {  	(v2sf) =	vpush v58, $0xF  }
0xcf: {  	v2, _, _ =	vpop (xrf2)  }
0xd0: {  	(v2sf) =	vpush v2, $0xF;
	_ =	sdelay $0x1  }
0xd1: {  	s19 =	spop (v2sf);
	(v2sf) =	vpush v1, $0xF  }
0xd2: {  	s24 =	spop (v2sf)  }
0xd3: {  	s25 =	sadd.f32 s24, s19  }
0xd4: {  	s26 =	spop (v2sf)  }
0xd5: {  	s25 =	sadd.f32 s26, s25  }
0xd6: {  	s28 =	spop (v2sf)  }
0xd7: {  	s25 =	sadd.f32 s28, s25  }
0xd8: {  	s29 =	spop (v2sf)  }
0xd9: {  	s25 =	sadd.f32 s29, s25  }
0xda: {  	s30 =	spop (v2sf)  }
0xdb: {  	s25 =	sadd.f32 s30, s25  }
0xdc: {  	s31 =	spop (v2sf)  }
0xdd: {  	s23 =	smax.f32 s19, s24;
	s25 =	sadd.f32 s31, s25  }
0xde: {  	s23 =	smax.f32 s23, s26;
	s26 =	spop (v2sf)  }
0xdf: {  	s23 =	smax.f32 s23, s28;
	s24 =	sadd.f32 s26, s25  }
0xe0: {  	s23 =	smax.f32 s23, s29;
	s29 =	spop (v2sf)  }
0xe1: {  	s23 =	smax.f32 s23, s30;
	s24 =	sadd.f32 s29, s24  }
0xe2: {  	s30 =	smax.f32 s23, s31  }
0xe3: {  	s23 =	simm.s32 $0x0;
	s25 =	smax.f32 s30, s26;
	s24 =	smul.f32 $-2.441406250e-04, s24  }
0xe4: {  	s31 =	sand.u32 $0xF, s23;
	s25 =	smax.f32 s25, s29  }
0xe5: {  	v1 =	vmov s31;
	p0 =	sne.s32 s31, $0xF;
	s24 =	sadd.f32 s24, s25  }
0xe6: {  	v2 =	vimm.f32 $0.0e+00;
	vm0 =	veq.s32 v1, v0;
	s25 =	sand.u32 @!p0 $0x1C0, s23  }
0xe7: {  	s25 =	sshrl.u32 @!p0 s25, $0x2;
	v1 =	vsel vm0, s24, v2  }
0xe8: {  	s24 =	simm.s32 $0x1;
	[tilespmem:s25+$0x16900] =	vst @!p0 v1;
	s25 =	simm.s32 $0x4AB0  }
.LBB2_8:
0xe9: {  	v4 =	vld [tilespmem:s25+$0x80];
	s26 =	smov.u32 s24  }
0xea: {  	v6 =	vld [tilespmem:s25+$0x70]  }
0xeb: {  	v7 =	vld [tilespmem:s25+$0x40]  }
0xec: {  	v8 =	vld [tilespmem:s25+$0x30]  }
0xed: {  	v9 =	vld [tilespmem:s25+$0x0]  }
0xee: {  	v10 =	vld [tilespmem:s25+$0xFFFFFFF0]  }
0xef: {  	s22 =	sadd.s32 $0x40, s22;
	v11 =	vld [tilespmem:s25+$0xFFFFFFE0]  }
0xf0: {  	v3 =	vld [tilespmem:s22+$0xFFFFFFF0]  }
0xf1: {  	v5 =	vld [tilespmem:s22+$0xFFFFFFE0]  }
0xf2: {  	v12 =	vld [tilespmem:s25+$0xFFFFFFC0]  }
0xf3: {  	v13 =	vshll.u32 v4, $0x10;
	v15 =	vand.u32 $0xFFFF0000, v4;
	v14 =	vand.u32 $0xFFFF0000, v6;
	v2 =	vld [tilespmem:s22+$0x0]  }
0xf4: {  	v6 =	vshll.u32 v6, $0x10;
	v17 =	vshll.u32 v7, $0x10;
	v7 =	vand.u32 $0xFFFF0000, v7;
	v16 =	vld [tilespmem:s25+$0xFFFFFFB0]  }
0xf5: {  	v19 =	vshll.u32 v8, $0x10;
	v8 =	vand.u32 $0xFFFF0000, v8;
	v18 =	vand.u32 $0xFFFF0000, v9;
	v4 =	vld [tilespmem:s22+$0x10]  }
0xf6: {  	v9 =	vshll.u32 v9, $0x10;
	v13 =	vmul.f32 v13, v3;
	v6 =	vmul.f32 v6, v5  }
0xf7: {  	v21 =	vshll.u32 v10, $0x10;
	v10 =	vand.u32 $0xFFFF0000, v10;
	v20 =	vshll.u32 v11, $0x10  }
0xf8: {  	v23 =	vand.u32 $0xFFFF0000, v12;
	v22 =	vld [tilespmem:s25+$0xFFFFFFA0];
	v6 =	vadd.f32 v13, v6;
	v13 =	vmul.f32 v14, v2  }
0xf9: {  	v17 =	vmul.f32 v17, v3;
	v19 =	vmul.f32 v19, v5;
	v12 =	vshll.u32 v12, $0x10;
	v14 =	vld [tilespmem:s25+$0xFFFFFF90]  }
0xfa: {  	v24 =	vand.u32 $0xFFFF0000, v16;
	v6 =	vadd.f32 v6, v13;
	v13 =	vmul.f32 v15, v4  }
0xfb: {  	v17 =	vadd.f32 v17, v19;
	v8 =	vmul.f32 v8, v2;
	v16 =	vshll.u32 v16, $0x10;
	v15 =	vld [tilespmem:s25+$0xFFFFFF80]  }
0xfc: {  	v9 =	vmul.f32 v9, v3;
	v21 =	vmul.f32 v21, v5;
	v19 =	vld [tilespmem:s25+$0xFFFFFF70];
	v6 =	vadd.f32 v6, v13  }
0xfd: {  	v8 =	vadd.f32 v17, v8;
	v7 =	vmul.f32 v7, v4;
	v13 =	vshll.u32 v22, $0x10  }
0xfe: {  	v9 =	vadd.f32 v9, v21;
	v10 =	vmul.f32 v10, v2;
	v17 =	vshll.u32 v14, $0x10;
	(xrf2) =	vadd.scan.msk.f32 $0xffff, v6  }
0xff: {  	s24 =	sadd.s32 $0x1, s24;
	v12 =	vmul.f32 v12, v3;
	v7 =	vadd.f32 v8, v7;
	v6 =	vmul.f32 v16, v5  }
0x100: {  	p0 =	sne.s32 s24, $0x80;
	v9 =	vadd.f32 v9, v10;
	v10 =	vmul.f32 v18, v4;
	v8 =	vshll.u32 v15, $0x10  }
0x101: {  	v6 =	vadd.f32 v12, v6;
	v12 =	vmul.f32 v24, v2;
	v16 =	vshll.u32 v19, $0x10;
	(xrf2) =	vadd.scan.msk.f32 $0xffff, v7  }
0x102: {  	v9 =	vadd.f32 v9, v10;
	v8 =	vmul.f32 v8, v3;
	v7 =	vmul.f32 v16, v5  }
0x103: {  	v10 =	vand.u32 $0xFFFF0000, v19;
	v6 =	vadd.f32 v6, v12;
	v12 =	vmul.f32 v23, v4;
	v16 =	vld [tilespmem:s25+$0xFFFFFFD0]  }
0x104: {  	v7 =	vadd.f32 v8, v7;
	v8 =	vmul.f32 v10, v2;
	v10 =	vand.u32 $0xFFFF0000, v15;
	(xrf2) =	vadd.scan.msk.f32 $0xffff, v9  }
0x105: {  	v9 =	vmul.f32 v17, v5;
	v17 =	vmul.f32 v13, v3;
	v6 =	vadd.f32 v6, v12  }
0x106: {  	v7 =	vadd.f32 v7, v8;
	v8 =	vmul.f32 v10, v4;
	v10 =	vand.u32 $0xFFFF0000, v14;
	v12 =	vld [tilespmem:s25+$0x20]  }
0x107: {  	v15 =	vand.u32 $0xFFFF0000, v22;
	v9 =	vadd.f32 v17, v9;
	v10 =	vmul.f32 v10, v2;
	v14 =	vld [tilespmem:s25+$0x10];
	(xrf2) =	vadd.scan.msk.f32 $0xffff, v6  }
0x108: {  	v6 =	vadd.f32 v7, v8;
	v7 =	vmul.f32 v15, v4;
	v8 =	vshll.u32 v16, $0x10;
	v13, _, _ =	vpop (xrf2)  }
0x109: {  	v17 =	vmul.f32 v20, v3;
	v9 =	vadd.f32 v9, v10;
	v8 =	vmul.f32 v8, v5  }
0x10a: {  	v11 =	vand.u32 $0xFFFF0000, v11;
	v15 =	vand.u32 $0xFFFF0000, v16;
	v16 =	vld [tilespmem:s25+$0x60];
	(xrf2) =	vadd.scan.msk.f32 $0xffff, v6  }
0x10b: {  	v6 =	vadd.f32 v9, v7;
	v7 =	vadd.f32 v17, v8;
	v8 =	vmul.f32 v15, v2;
	v9 =	vld [tilespmem:s25+$0x50];
	v10, _, _ =	vpop (xrf2)  }
0x10c: {  	v11 =	vmul.f32 v11, v4;
	v17 =	vshll.u32 v12, $0x10;
	v15 =	vshll.u32 v14, $0x10  }
0x10d: {  	v7 =	vadd.f32 v7, v8;
	v8 =	vmul.f32 v15, v5;
	v15 =	vmul.f32 v17, v3;
	(xrf2) =	vadd.scan.msk.f32 $0xffff, v6  }
0x10e: {  	v12 =	vand.u32 $0xFFFF0000, v12;
	v6 =	vand.u32 $0xFFFF0000, v14;
	v14, _, _ =	vpop (xrf2)  }
0x10f: {  	v6 =	vmul.f32 v6, v2;
	v7 =	vadd.f32 v7, v11;
	v17 =	vadd.f32 v15, v8  }
0x110: {  	v11 =	vmul.f32 v12, v4;
	v15 =	vshll.u32 v16, $0x10;
	v12 =	vshll.u32 v9, $0x10  }
0x111: {  	v3 =	vmul.f32 v15, v3;
	v6 =	vadd.f32 v17, v6;
	v5 =	vmul.f32 v12, v5;
	v8, _, _ =	vpop (xrf2);
	(xrf2) =	vadd.scan.msk.f32 $0xffff, v7  }
0x112: {  	v9 =	vand.u32 $0xFFFF0000, v9  }
0x113: {  	v2 =	vmul.f32 v9, v2;
	v6 =	vadd.f32 v6, v11;
	v3 =	vadd.f32 v3, v5  }
0x114: {  	v5 =	vand.u32 $0xFFFF0000, v16;
	v7, _, _ =	vpop (xrf2)  }
0x115: {  	v4 =	vmul.f32 v5, v4;
	v2 =	vadd.f32 v3, v2;
	(xrf2) =	vadd.scan.msk.f32 $0xffff, v6;
	_ =	sdelay $0x1  }
0x116: {  	v2 =	vadd.f32 v2, v4;
	(v2sf) =	vpush v7, $0xF;
	v3, _, _ =	vpop (xrf2)  }
0x117: {  	(v2sf) =	vpush v3, $0xF  }
0x118: {  	(xrf2) =	vadd.scan.msk.f32 $0xffff, v2  }
0x119: {  	(v2sf) =	vpush v8, $0xF  }
0x11a: {  	v2, _, _ =	vpop (xrf2)  }
0x11b: {  	(v2sf) =	vpush v2, $0xF;
	_ =	sdelay $0x1  }
0x11c: {  	(v2sf) =	vpush v14, $0xF  }
0x11d: {  	v2, _, _ =	vpop (xrf2)  }
0x11e: {  	(v2sf) =	vpush v2, $0xF;
	_ =	sdelay $0x1  }
0x11f: {  	(v2sf) =	vpush v10, $0xF  }
0x120: {  	v2, _, _ =	vpop (xrf2)  }
0x121: {  	(v2sf) =	vpush v2, $0xF;
	_ =	sdelay $0x1  }
0x122: {  	s28 =	spop (v2sf);
	(v2sf) =	vpush v13, $0xF  }
0x123: {  	s29 =	spop (v2sf)  }
0x124: {  	s30 =	sadd.f32 s29, s28  }
0x125: {  	s31 =	spop (v2sf)  }
0x126: {  	s30 =	sadd.f32 s31, s30  }
0x127: {  	s0 =	spop (v2sf)  }
0x128: {  	s30 =	sadd.f32 s0, s30  }
0x129: {  	s1 =	spop (v2sf)  }
0x12a: {  	s30 =	sadd.f32 s1, s30  }
0x12b: {  	s19 =	spop (v2sf)  }
0x12c: {  	s30 =	sadd.f32 s19, s30  }
0x12d: {  	s18 =	spop (v2sf)  }
0x12e: {  	s28 =	smax.f32 s28, s29;
	s29 =	sadd.f32 s18, s30  }
0x12f: {  	s28 =	smax.f32 s28, s31;
	s30 =	spop (v2sf)  }
0x130: {  	s0 =	smax.f32 s28, s0;
	s28 =	sadd.f32 s30, s29  }
0x131: {  	s0 =	smax.f32 s0, s1;
	s1 =	spop (v2sf)  }
0x132: {  	s0 =	smax.f32 s0, s19;
	s19 =	sadd.f32 s1, s28  }
0x133: {  	s0 =	smax.f32 s0, s18  }
0x134: {  	s0 =	smax.f32 s0, s30;
	s18 =	smul.f32 $-2.441406250e-04, s19  }
.Ltmp9:
0x135: {  	s0 =	smax.f32 s0, s1;
	s1 =	sand.u32 $0xF, s26;
	(pc) =	sbr.rel @p0 .LBB2_8-.Ltmp9, $4  }
0x136: {  	s23 =	sadd.s32 $0x4, s23;
	v2 =	vmov s1;
	p1 =	sne.s32 s1, $0xF;
	s0 =	sadd.f32 s18, s0  }
0x137: {  	vm0 =	veq.s32 v2, v0;
	s1 =	sand.u32 @!p1 $0x1C0, s23  }
0x138: {  	v1 =	vsel vm0, s0, v1;
	s0 =	sshrl.u32 @!p1 s1, $0x2  }
0x139: {  	s25 =	sadd.s32 $0x120, s25;
	[tilespmem:s0+$0x16900] =	vst @!p1 v1  }
.Ltmp10:
0x13a: {  	(pc) =	sbr.rel .LBB2_13-.Ltmp10, $2  }
0x13b: {  	_ =	sdelay $0x2  }
0x13c: {  	s22 =	simm.s32 $0x6  }
.LBB2_10:
0x13d: {  	_ =	swait.ge [sflag:s8], $0x2000  }
0x13e: {  	[sflag:s8] =	ssyncset.done $0x0  }
0x13f: {  	[sflag:s8] =	ssyncadd.s32 $0xFFFFE000  }
0x140: {  	_ =	swait.ge [sflag:s11], $0x1000  }
0x141: {  	[sflag:s11] =	ssyncset.done $0x0  }
0x142: {  	[sflag:s11] =	ssyncadd.s32 $0xFFFFF000  }
0x143: {  	_ =	swait.ge [sflag:s11], $0x1000  }
0x144: {  	[sflag:s11] =	ssyncset.done $0x0  }
0x145: {  	[sflag:s11] =	ssyncadd.s32 $0xFFFFF000  }
0x146: {  	_ =	swait.ge [sflag:s11], $0x1000  }
0x147: {  	[sflag:s11] =	ssyncset.done $0x0  }
0x148: {  	[sflag:s11] =	ssyncadd.s32 $0xFFFFF000  }
0x149: {  	_ =	swait.ge [sflag:s11], $0x1000  }
0x14a: {  	[sflag:s11] =	ssyncset.done $0x0  }
0x14b: {  	[sflag:s11] =	ssyncadd.s32 $0xFFFFF000  }
0x14c: {  	_ =	swait.ge [sflag:s11], $0x1000  }
0x14d: {  	[sflag:s11] =	ssyncset.done $0x0  }
0x14e: {  	[sflag:s11] =	ssyncadd.s32 $0xFFFFF000  }
0x14f: {  	_ =	swait.ge [sflag:s11], $0x1000  }
0x150: {  	[sflag:s11] =	ssyncset.done $0x0  }
0x151: {  	[sflag:s11] =	ssyncadd.s32 $0xFFFFF000  }
0x152: {  	_ =	swait.ge [sflag:s11], $0x1000  }
0x153: {  	[sflag:s11] =	ssyncset.done $0x0  }
0x154: {  	[sflag:s11] =	ssyncadd.s32 $0xFFFFF000  }
0x155: {  	_ =	swait.ge [sflag:s11], $0x1000  }
0x156: {  	[sflag:s11] =	ssyncset.done $0x0  }
0x157: {  	[sflag:s11] =	ssyncadd.s32 $0xFFFFF000  }
0x158: {  	_ =	swait.ge [sflag:s11], $0x1000  }
0x159: {  	[sflag:s11] =	ssyncset.done $0x0  }
0x15a: {  	s23 =	simm.s32 $0x0;
	[sflag:s11] =	ssyncadd.s32 $0xFFFFF000  }
0x15b: {  	v1 =	vld [tilespmem:s23+$0xDA10]  }
0x15c: {  	v2 =	vld [tilespmem:s23+$0xDA00]  }
0x15d: {  	v3 =	vld [tilespmem:s23+$0xD9D0]  }
0x15e: {  	v4 =	vld [tilespmem:s23+$0xD9C0]  }
0x15f: {  	v5 =	vld [tilespmem:s23+$0xD990]  }
0x160: {  	s22 =	simm.s32 $0x2030;
	v6 =	vld [tilespmem:s23+$0xD980]  }
0x161: {  	v7 =	vld [tilespmem:s22+$0xFFFFFFE0]  }
0x162: {  	v8 =	vld [tilespmem:s22+$0xFFFFFFD0]  }
0x163: {  	v9 =	vld [tilespmem:s23+$0xD970]  }
0x164: {  	v13 =	vld [tilespmem:s23+$0xD950]  }
0x165: {  	v15 =	vld [tilespmem:s23+$0xD940]  }
0x166: {  	v22 =	vld [tilespmem:s23+$0xD920]  }
0x167: {  	v27 =	vld [tilespmem:s23+$0xD910];
	v11 =	vshll.u32 v1, $0x10;
	v12 =	vand.u32 $0xFFFF0000, v2  }
0x168: {  	v28 =	vld [tilespmem:s23+$0xD900];
	v1 =	vand.u32 $0xFFFF0000, v1;
	v14 =	vshll.u32 v3, $0x10;
	v3 =	vand.u32 $0xFFFF0000, v3  }
0x169: {  	v10 =	vld [tilespmem:s22+$0xFFFFFFF0];
	v2 =	vshll.u32 v2, $0x10;
	v16 =	vand.u32 $0xFFFF0000, v5;
	v17 =	vshll.u32 v4, $0x10  }
0x16a: {  	v18 =	vld [tilespmem:s22+$0x0];
	v4 =	vand.u32 $0xFFFF0000, v4;
	v5 =	vshll.u32 v5, $0x10;
	v19 =	vshll.u32 v9, $0x10  }
0x16b: {  	v21 =	vld [tilespmem:s23+$0xD930];
	v20 =	vshll.u32 v6, $0x10;
	v6 =	vand.u32 $0xFFFF0000, v6;
	v26 =	vand.u32 $0xFFFF0000, v13  }
0x16c: {  	v37 =	vld [tilespmem:s23+$0xD960];
	v13 =	vshll.u32 v13, $0x10;
	v23 =	vand.u32 $0xFFFF0000, v15;
	v15 =	vshll.u32 v15, $0x10  }
0x16d: {  	v29 =	vshll.u32 v22, $0x10;
	v30 =	vshll.u32 v27, $0x10;
	v32 =	vshll.u32 v28, $0x10  }
0x16e: {  	v36 =	vand.u32 $0xFFFF0000, v28;
	v2 =	vmul.f32 v2, v8;
	v11 =	vmul.f32 v11, v7  }
0x16f: {  	v41 =	vld [tilespmem:s23+$0xD9A0];
	v38 =	vand.u32 $0xFFFF0000, v22;
	v25 =	vmul.f32 v12, v10;
	v17 =	vmul.f32 v17, v8  }
0x170: {  	v40 =	vand.u32 $0xFFFF0000, v21;
	v14 =	vmul.f32 v14, v7;
	v1 =	vmul.f32 v1, v18  }
0x171: {  	v43 =	vshll.u32 v37, $0x10;
	v4 =	vmul.f32 v4, v10;
	v20 =	vmul.f32 v20, v8  }
0x172: {  	v45 =	vand.u32 $0xFFFF0000, v37;
	v5 =	vmul.f32 v5, v7;
	v3 =	vmul.f32 v3, v18  }
0x173: {  	v46 =	vand.u32 $0xFFFF0000, v9;
	v6 =	vmul.f32 v6, v10;
	v15 =	vmul.f32 v15, v8  }
0x174: {  	v49 =	vshll.u32 v41, $0x10;
	v13 =	vmul.f32 v13, v7;
	v31 =	vmul.f32 v16, v18  }
0x175: {  	v33 =	vmul.f32 v23, v10;
	v34 =	vmul.f32 v32, v8;
	v2 =	vadd.f32 v11, v2  }
0x176: {  	v35 =	vmul.f32 v30, v7;
	v14 =	vadd.f32 v14, v17;
	v5 =	vadd.f32 v5, v20  }
0x177: {  	v12 =	vmul.f32 v26, v18;
	v13 =	vadd.f32 v13, v15;
	v2 =	vadd.f32 v2, v25  }
0x178: {  	v4 =	vadd.f32 v14, v4;
	v5 =	vadd.f32 v5, v6;
	v6 =	vmul.f32 v36, v10  }
0x179: {  	v14 =	vmul.f32 v29, v8;
	v1 =	vadd.f32 v2, v1;
	v2 =	vshll.u32 v21, $0x10  }
0x17a: {  	v3 =	vadd.f32 v4, v3;
	v4 =	vadd.f32 v35, v34;
	v2 =	vmul.f32 v2, v7  }
0x17b: {  	v39 =	vld [tilespmem:s23+$0xD9B0];
	v44 =	vmul.f32 v19, v7;
	v11 =	vand.u32 $0xFFFF0000, v27;
	v13 =	vadd.f32 v13, v33  }
0x17c: {  	v4 =	vadd.f32 v4, v6;
	v6 =	vmul.f32 v38, v10;
	(xrf2) =	vadd.scan.msk.f32 $0xffff, v1;
	v2 =	vadd.f32 v2, v14  }
0x17d: {  	v5 =	vadd.f32 v5, v31;
	v1 =	vmul.f32 v11, v18;
	(xrf2) =	vadd.scan.msk.f32 $0xffff, v3;
	v3 =	vmul.f32 v43, v8  }
0x17e: {  	v42 =	vmul.f32 v40, v18;
	v12 =	vadd.f32 v13, v12;
	v2 =	vadd.f32 v2, v6  }
0x17f: {  	v48 =	vld [tilespmem:s23+$0xD9E0];
	(xrf2) =	vadd.scan.msk.f32 $0xffff, v5;
	v1 =	vadd.f32 v4, v1;
	v4 =	vmul.f32 v45, v10;
	v3 =	vadd.f32 v44, v3  }
0x180: {  	v47 =	vld [tilespmem:s23+$0xD9F0];
	v50 =	vshll.u32 v39, $0x10;
	v51 =	vmul.f32 v49, v8;
	(xrf2) =	vadd.scan.msk.f32 $0xffff, v12;
	v2 =	vadd.f32 v2, v42  }
0x181: {  	v52 =	vmul.f32 v50, v7;
	(xrf2) =	vadd.scan.msk.f32 $0xffff, v1;
	v1 =	vmul.f32 v46, v18;
	v3 =	vadd.f32 v3, v4  }
0x182: {  	(xrf2) =	vadd.scan.msk.f32 $0xffff, v2;
	v2 =	vand.u32 $0xFFFF0000, v41  }
0x183: {  	v1 =	vadd.f32 v3, v1;
	v3 =	vadd.f32 v52, v51;
	v2 =	vmul.f32 v2, v10  }
0x184: {  	v53 =	vand.u32 $0xFFFF0000, v39;
	v55 =	vshll.u32 v48, $0x10  }
0x185: {  	v56 =	vshll.u32 v47, $0x10;
	v54 =	vmul.f32 v53, v18;
	v2 =	vadd.f32 v3, v2  }
0x186: {  	v57 =	vmul.f32 v56, v7;
	(xrf2) =	vadd.scan.msk.f32 $0xffff, v1;
	v3 =	vmul.f32 v55, v8  }
0x187: {  	v6 =	vand.u32 $0xFFFF0000, v48;
	v1, _, _ =	vpop (xrf2);
	v2 =	vadd.f32 v2, v54  }
0x188: {  	v59 =	vmul.f32 v6, v10;
	v58, _, _ =	vpop (xrf2);
	v3 =	vadd.f32 v57, v3  }
0x189: {  	v61 =	vand.u32 $0xFFFF0000, v47;
	v60, _, _ =	vpop (xrf2)  }
0x18a: {  	v63 =	vmul.f32 v61, v18;
	v62, _, _ =	vpop (xrf2);
	v3 =	vadd.f32 v3, v59;
	(xrf2) =	vadd.scan.msk.f32 $0xffff, v2  }
0x18b: {  	v2, _, _ =	vpop (xrf2)  }
0x18c: {  	v3 =	vadd.f32 v3, v63;
	(v2sf) =	vpush v2, $0xF;
	v2, _, _ =	vpop (xrf2)  }
0x18d: {  	(v2sf) =	vpush v2, $0xF  }
0x18e: {  	(xrf2) =	vadd.scan.msk.f32 $0xffff, v3  }
0x18f: {  	(v2sf) =	vpush v62, $0xF  }
0x190: {  	v2, _, _ =	vpop (xrf2)  }
0x191: {  	(v2sf) =	vpush v2, $0xF;
	_ =	sdelay $0x1  }
0x192: {  	(v2sf) =	vpush v60, $0xF  }
0x193: {  	v2, _, _ =	vpop (xrf2)  }
0x194: {  	(v2sf) =	vpush v2, $0xF;
	_ =	sdelay $0x1  }
0x195: {  	(v2sf) =	vpush v58, $0xF  }
0x196: {  	v2, _, _ =	vpop (xrf2)  }
0x197: {  	(v2sf) =	vpush v2, $0xF;
	_ =	sdelay $0x1  }
0x198: {  	s0 =	spop (v2sf);
	(v2sf) =	vpush v1, $0xF  }
0x199: {  	s1 =	spop (v2sf)  }
0x19a: {  	s18 =	sadd.f32 s1, s0  }
0x19b: {  	s19 =	spop (v2sf)  }
0x19c: {  	s18 =	sadd.f32 s19, s18  }
0x19d: {  	s31 =	spop (v2sf)  }
0x19e: {  	s18 =	sadd.f32 s31, s18  }
0x19f: {  	s24 =	spop (v2sf)  }
0x1a0: {  	s18 =	sadd.f32 s24, s18  }
0x1a1: {  	s25 =	spop (v2sf)  }
0x1a2: {  	s18 =	sadd.f32 s25, s18  }
0x1a3: {  	s26 =	spop (v2sf)  }
0x1a4: {  	s0 =	smax.f32 s0, s1;
	s18 =	sadd.f32 s26, s18  }
0x1a5: {  	s0 =	smax.f32 s0, s19;
	s29 =	spop (v2sf)  }
0x1a6: {  	s0 =	smax.f32 s0, s31;
	s1 =	sadd.f32 s29, s18  }
0x1a7: {  	s0 =	smax.f32 s0, s24;
	s30 =	spop (v2sf)  }
0x1a8: {  	s0 =	smax.f32 s0, s25;
	s1 =	sadd.f32 s30, s1  }
0x1a9: {  	s0 =	smax.f32 s0, s26  }
0x1aa: {  	s23 =	simm.s32 $0x0;
	s0 =	smax.f32 s0, s29;
	s1 =	smul.f32 $-2.441406250e-04, s1  }
0x1ab: {  	s31 =	sand.u32 $0xF, s23;
	s0 =	smax.f32 s0, s30  }
0x1ac: {  	v1 =	vmov s31;
	p1 =	sne.s32 s31, $0xF;
	s0 =	sadd.f32 s1, s0  }
0x1ad: {  	v2 =	vimm.f32 $0.0e+00;
	vm0 =	veq.s32 v1, v0;
	s1 =	sand.u32 @!p1 $0x1C0, s23  }
0x1ae: {  	s24 =	simm.s32 $0x480;
	s25 =	simm.s32 $0x0;
	s28 =	sshrl.u32 @!p1 s1, $0x2;
	v1 =	vsel vm0, s0, v2  }
.LBB2_11:
0x1af: {  	s26 =	sshra.s32 s24, $0x2;
	[tilespmem:s28+$0x16900] =	vst @!p1 v1  }
0x1b0: {  	v4 =	vld [tilespmem:s26+$0xDA10]  }
0x1b1: {  	v6 =	vld [tilespmem:s26+$0xDA00]  }
0x1b2: {  	v7 =	vld [tilespmem:s26+$0xD9D0]  }
0x1b3: {  	v8 =	vld [tilespmem:s26+$0xD9C0]  }
0x1b4: {  	v9 =	vld [tilespmem:s26+$0xD990]  }
0x1b5: {  	v10 =	vld [tilespmem:s26+$0xD980]  }
0x1b6: {  	s22 =	sadd.s32 $0x40, s22;
	v11 =	vld [tilespmem:s26+$0xD970]  }
0x1b7: {  	v3 =	vld [tilespmem:s22+$0xFFFFFFE0]  }
0x1b8: {  	v5 =	vld [tilespmem:s22+$0xFFFFFFD0]  }
0x1b9: {  	v12 =	vld [tilespmem:s26+$0xD950]  }
0x1ba: {  	v13 =	vshll.u32 v4, $0x10;
	v15 =	vand.u32 $0xFFFF0000, v4;
	v14 =	vand.u32 $0xFFFF0000, v6;
	v2 =	vld [tilespmem:s22+$0xFFFFFFF0]  }
0x1bb: {  	v6 =	vshll.u32 v6, $0x10;
	v17 =	vshll.u32 v7, $0x10;
	v7 =	vand.u32 $0xFFFF0000, v7;
	v16 =	vld [tilespmem:s26+$0xD940]  }
0x1bc: {  	v19 =	vshll.u32 v8, $0x10;
	v8 =	vand.u32 $0xFFFF0000, v8;
	v18 =	vand.u32 $0xFFFF0000, v9;
	v4 =	vld [tilespmem:s22+$0x0]  }
0x1bd: {  	v9 =	vshll.u32 v9, $0x10;
	v13 =	vmul.f32 v13, v3;
	v6 =	vmul.f32 v6, v5  }
0x1be: {  	v21 =	vshll.u32 v10, $0x10;
	v10 =	vand.u32 $0xFFFF0000, v10;
	v20 =	vshll.u32 v11, $0x10  }
0x1bf: {  	v23 =	vand.u32 $0xFFFF0000, v12;
	v22 =	vld [tilespmem:s26+$0xD930];
	v6 =	vadd.f32 v13, v6;
	v13 =	vmul.f32 v14, v2  }
0x1c0: {  	v17 =	vmul.f32 v17, v3;
	v19 =	vmul.f32 v19, v5;
	v12 =	vshll.u32 v12, $0x10;
	v14 =	vld [tilespmem:s26+$0xD920]  }
0x1c1: {  	v24 =	vand.u32 $0xFFFF0000, v16;
	v6 =	vadd.f32 v6, v13;
	v13 =	vmul.f32 v15, v4  }
0x1c2: {  	v17 =	vadd.f32 v17, v19;
	v8 =	vmul.f32 v8, v2;
	v16 =	vshll.u32 v16, $0x10;
	v15 =	vld [tilespmem:s26+$0xD910]  }
0x1c3: {  	v9 =	vmul.f32 v9, v3;
	v21 =	vmul.f32 v21, v5;
	v19 =	vld [tilespmem:s26+$0xD900];
	v6 =	vadd.f32 v6, v13  }
0x1c4: {  	v8 =	vadd.f32 v17, v8;
	v7 =	vmul.f32 v7, v4;
	v13 =	vshll.u32 v22, $0x10  }
0x1c5: {  	s24 =	sadd.s32 $0x480, s24;
	v9 =	vadd.f32 v9, v21;
	v10 =	vmul.f32 v10, v2;
	v17 =	vshll.u32 v14, $0x10;
	(xrf2) =	vadd.scan.msk.f32 $0xffff, v6  }
0x1c6: {  	p0 =	sne.s32 s24, $0x24000;
	v12 =	vmul.f32 v12, v3;
	v7 =	vadd.f32 v8, v7;
	v6 =	vmul.f32 v16, v5  }
0x1c7: {  	v9 =	vadd.f32 v9, v10;
	v10 =	vmul.f32 v18, v4;
	v8 =	vshll.u32 v15, $0x10  }
0x1c8: {  	v6 =	vadd.f32 v12, v6;
	v12 =	vmul.f32 v24, v2;
	v16 =	vshll.u32 v19, $0x10;
	(xrf2) =	vadd.scan.msk.f32 $0xffff, v7  }
0x1c9: {  	v9 =	vadd.f32 v9, v10;
	v8 =	vmul.f32 v8, v3;
	v7 =	vmul.f32 v16, v5  }
0x1ca: {  	v10 =	vand.u32 $0xFFFF0000, v19;
	v6 =	vadd.f32 v6, v12;
	v12 =	vmul.f32 v23, v4;
	v16 =	vld [tilespmem:s26+$0xD960]  }
0x1cb: {  	v7 =	vadd.f32 v8, v7;
	v8 =	vmul.f32 v10, v2;
	v10 =	vand.u32 $0xFFFF0000, v15;
	(xrf2) =	vadd.scan.msk.f32 $0xffff, v9  }
0x1cc: {  	v9 =	vmul.f32 v17, v5;
	v17 =	vmul.f32 v13, v3;
	v6 =	vadd.f32 v6, v12  }
0x1cd: {  	v7 =	vadd.f32 v7, v8;
	v8 =	vmul.f32 v10, v4;
	v10 =	vand.u32 $0xFFFF0000, v14;
	v12 =	vld [tilespmem:s26+$0xD9B0]  }
0x1ce: {  	v15 =	vand.u32 $0xFFFF0000, v22;
	v9 =	vadd.f32 v17, v9;
	v10 =	vmul.f32 v10, v2;
	v14 =	vld [tilespmem:s26+$0xD9A0];
	(xrf2) =	vadd.scan.msk.f32 $0xffff, v6  }
0x1cf: {  	v6 =	vadd.f32 v7, v8;
	v7 =	vmul.f32 v15, v4;
	v8 =	vshll.u32 v16, $0x10;
	v13, _, _ =	vpop (xrf2)  }
0x1d0: {  	v17 =	vmul.f32 v20, v3;
	v9 =	vadd.f32 v9, v10;
	v8 =	vmul.f32 v8, v5  }
0x1d1: {  	v11 =	vand.u32 $0xFFFF0000, v11;
	v15 =	vand.u32 $0xFFFF0000, v16;
	v16 =	vld [tilespmem:s26+$0xD9F0];
	(xrf2) =	vadd.scan.msk.f32 $0xffff, v6  }
0x1d2: {  	v6 =	vadd.f32 v9, v7;
	v7 =	vadd.f32 v17, v8;
	v8 =	vmul.f32 v15, v2;
	v9 =	vld [tilespmem:s26+$0xD9E0];
	v10, _, _ =	vpop (xrf2)  }
0x1d3: {  	v11 =	vmul.f32 v11, v4;
	v17 =	vshll.u32 v12, $0x10;
	v15 =	vshll.u32 v14, $0x10  }
0x1d4: {  	v7 =	vadd.f32 v7, v8;
	v8 =	vmul.f32 v15, v5;
	v15 =	vmul.f32 v17, v3;
	(xrf2) =	vadd.scan.msk.f32 $0xffff, v6  }
0x1d5: {  	v12 =	vand.u32 $0xFFFF0000, v12;
	v6 =	vand.u32 $0xFFFF0000, v14;
	v14, _, _ =	vpop (xrf2)  }
0x1d6: {  	v6 =	vmul.f32 v6, v2;
	v7 =	vadd.f32 v7, v11;
	v17 =	vadd.f32 v15, v8  }
0x1d7: {  	v11 =	vmul.f32 v12, v4;
	v15 =	vshll.u32 v16, $0x10;
	v12 =	vshll.u32 v9, $0x10  }
0x1d8: {  	v3 =	vmul.f32 v15, v3;
	v6 =	vadd.f32 v17, v6;
	v5 =	vmul.f32 v12, v5;
	v8, _, _ =	vpop (xrf2);
	(xrf2) =	vadd.scan.msk.f32 $0xffff, v7  }
0x1d9: {  	v9 =	vand.u32 $0xFFFF0000, v9  }
0x1da: {  	v2 =	vmul.f32 v9, v2;
	v6 =	vadd.f32 v6, v11;
	v3 =	vadd.f32 v3, v5  }
0x1db: {  	v5 =	vand.u32 $0xFFFF0000, v16;
	v7, _, _ =	vpop (xrf2)  }
0x1dc: {  	v4 =	vmul.f32 v5, v4;
	v2 =	vadd.f32 v3, v2;
	(xrf2) =	vadd.scan.msk.f32 $0xffff, v6;
	_ =	sdelay $0x1  }
0x1dd: {  	v2 =	vadd.f32 v2, v4;
	(v2sf) =	vpush v7, $0xF;
	v3, _, _ =	vpop (xrf2)  }
0x1de: {  	(v2sf) =	vpush v3, $0xF  }
0x1df: {  	(xrf2) =	vadd.scan.msk.f32 $0xffff, v2  }
0x1e0: {  	(v2sf) =	vpush v8, $0xF  }
0x1e1: {  	v2, _, _ =	vpop (xrf2)  }
0x1e2: {  	(v2sf) =	vpush v2, $0xF;
	_ =	sdelay $0x1  }
0x1e3: {  	(v2sf) =	vpush v14, $0xF  }
0x1e4: {  	v2, _, _ =	vpop (xrf2)  }
0x1e5: {  	(v2sf) =	vpush v2, $0xF;
	_ =	sdelay $0x1  }
0x1e6: {  	(v2sf) =	vpush v10, $0xF  }
0x1e7: {  	v2, _, _ =	vpop (xrf2)  }
0x1e8: {  	(v2sf) =	vpush v2, $0xF;
	_ =	sdelay $0x1  }
0x1e9: {  	s0 =	spop (v2sf);
	(v2sf) =	vpush v13, $0xF  }
0x1ea: {  	s1 =	spop (v2sf)  }
0x1eb: {  	s18 =	sadd.f32 s1, s0  }
0x1ec: {  	s19 =	spop (v2sf)  }
0x1ed: {  	s18 =	sadd.f32 s19, s18  }
0x1ee: {  	s26 =	spop (v2sf)  }
0x1ef: {  	s18 =	sadd.f32 s26, s18  }
0x1f0: {  	s28 =	spop (v2sf)  }
0x1f1: {  	s18 =	sadd.f32 s28, s18  }
0x1f2: {  	s29 =	spop (v2sf)  }
0x1f3: {  	s18 =	sadd.f32 s29, s18  }
0x1f4: {  	s30 =	spop (v2sf)  }
0x1f5: {  	s0 =	smax.f32 s0, s1;
	s1 =	sadd.f32 s30, s18  }
0x1f6: {  	s0 =	smax.f32 s0, s19;
	s18 =	spop (v2sf)  }
0x1f7: {  	s0 =	smax.f32 s0, s26;
	s1 =	sadd.f32 s18, s1  }
0x1f8: {  	s19 =	spop (v2sf)  }
0x1f9: {  	s0 =	smax.f32 s0, s28;
	s1 =	sadd.f32 s19, s1  }
0x1fa: {  	s0 =	smax.f32 s0, s29  }
0x1fb: {  	s0 =	smax.f32 s0, s30;
	s1 =	smul.f32 $-2.441406250e-04, s1  }
.Ltmp11:
0x1fc: {  	s23 =	sadd.s32 $0x1, s23;
	s0 =	smax.f32 s0, s18;
	(pc) =	sbr.rel @p0 .LBB2_11-.Ltmp11, $4  }
0x1fd: {  	s18 =	sand.u32 $0xF, s23;
	s0 =	smax.f32 s0, s19  }
0x1fe: {  	s25 =	sadd.s32 $0x4, s25;
	v2 =	vmov s18;
	p1 =	sne.s32 s18, $0xF;
	s0 =	sadd.f32 s1, s0  }
0x1ff: {  	vm0 =	veq.s32 v2, v0;
	s1 =	sand.u32 @!p1 $0x1C0, s25  }
0x200: {  	s28 =	sshrl.u32 @!p1 s1, $0x2;
	v1 =	vsel vm0, s0, v1  }
.Ltmp12:
0x201: {  	(pc) =	sbr.rel .LBB2_13-.Ltmp12, $2  }
0x202: {  	_ =	sdelay $0x2  }
0x203: {  	[tilespmem:s28+$0x16900] =	vst @!p1 v1;
	s22 =	simm.s32 $0x5  }
.LBB2_15:
0x204: {  	_ =	sfence.sel $0x180000  }
0x205: {  	[bflag:$0x0] =	sbarrier.arrive $0xFFFF  }
0x206: {  	_ =	strace $0x9000004A  }
0x207: {  	s0 =	stileid.u32;
	[bflag:$0x2] =	sbarrier.arrive $0xFFFF  }
0x208: {  	p0 =	sne.s32 s0, $0x0;
	s0 =	rddreg [dreg:$0x1]  }
0x209: {  	s0 =	sadd.s32 @!p0 $0x100000, s0  }
0x20a: {  	[sflag:s0] =	ssyncadd.tile.s32 @!p0 $0x1;
	_ =	shalt  }
.Lfunc_end2:
_tile_overlayer_lowered:
.L_overlay_start_2:
0x20b: {  	(tag) =	ssettag $0x2  }
0x20c: {  	s0 =	rddreg [dreg:$0x0];
	s2 =	stileid.u32  }
0x20d: {  	s1 =	rddreg [dreg:$0x1];
	p0 =	sne.s32 s2, $0x0  }
0x20e: {  	s3 =	rddreg [dreg:$0x2];
	[bflag:$0x3] =	sbarrier.arrive $0xFFFF;
	s2 =	simm.s32 @!p0 $0x1C05  }
0x20f: {  	[timem:s3], [sflag:s2] =	dma.local @!p0 [hbm:s0], s1  }
0x210: {  	s0 =	simm.s32 @!p0 $0x5  }
0x211: {  	_ =	swait.ge @!p0 [sflag:s0], s1  }
0x212: {  	s1 =	ssub.s32 @!p0 $0x0, s1;
	[sflag:s0] =	ssyncset.done @!p0 $0x0  }
0x213: {  	[sflag:s0] =	ssyncadd.s32 @!p0 s1  }
0x214: {  	[bflag:$0x3] =	sbarrier.arrive $0xFFFF  }
0x215: {  	_ =	shalt  }

</sc_bundles>
